<compile_context>
chip_gen: v7x
topology: tpu7x:2x2x1
jax: 0.10.2.dev20260603
libtpu: 0.0.44.dev20260713+nightly
codegen_flags: <defaults>
</compile_context>

<pallas_src>
import functools
import jax
import jax.numpy as jnp
from jax import lax
from jax.experimental import pallas as pl
from jax.experimental.pallas import tpu as pltpu
from jax.experimental.pallas import tpu_sc as plsc

_K = 256
_B = 8
_C = 256
_V = 32768
_NW_PER_B = 4
_VPW = _K // _NW_PER_B
_NSLAB = _VPW // 16


def _score_body(w_ref, f_ref, s_ref):
    f = f_ref[0]
    w = w_ref[...]
    s_ref[0] = jnp.dot(w, f, preferred_element_type=jnp.float32)


def _select_body(s_ref, il_ref, ils_ref):
    s = s_ref[...]
    B, V = s.shape
    _INT_MIN = jnp.int32(-2147483648)
    ki = lax.bitcast_convert_type(s, jnp.int32)
    key = jnp.where(ki >= 0, ki, ki ^ jnp.int32(0x7FFFFFFF))
    x = key ^ _INT_MIN

    prefix = jnp.zeros((B, 1), jnp.int32)
    need = jnp.full((B, 1), _K, jnp.int32)
    for bit in range(31, -1, -1):
        b = jnp.int32(1 << bit) if bit < 31 else _INT_MIN
        lowmask = jnp.int32((1 << (bit + 1)) - 1) if bit < 31 else jnp.int32(-1)
        himask = ~lowmask
        cand_hi = ((x & himask) == prefix) & ((x & b) != 0)
        c1 = jnp.sum(cand_hi.astype(jnp.int32), axis=1, keepdims=True)
        go_hi = c1 >= need
        prefix = jnp.where(go_hi, prefix | b, prefix)
        need = jnp.where(go_hi, need, need - c1)
    t_key = prefix ^ _INT_MIN
    eq = key == t_key

    idx = lax.broadcasted_iota(jnp.int32, (B, V), 1)
    prefix2 = jnp.zeros((B, 1), jnp.int32)
    need2 = need
    for bit in range(14, -1, -1):
        b = jnp.int32(1 << bit)
        himask2 = ~jnp.int32((1 << (bit + 1)) - 1)
        cand_lo = eq & ((idx & himask2) == prefix2) & ((idx & b) == 0)
        c0 = jnp.sum(cand_lo.astype(jnp.int32), axis=1, keepdims=True)
        stay_lo = c0 >= need2
        prefix2 = jnp.where(stay_lo, prefix2, prefix2 | b)
        need2 = jnp.where(stay_lo, need2, need2 - c0)

    m = (key > t_key) | (eq & (idx <= prefix2))
    mi = m.astype(jnp.int32)

    inc = mi
    for sh in [1, 2, 4, 8, 16, 32, 64, 128, 256, 512, 1024, 2048, 4096,
               8192, 16384]:
        inc = inc + jnp.concatenate(
            [jnp.zeros((B, sh), jnp.int32), inc[:, :V - sh]], axis=1)
    rank = inc - mi

    rhi = rank >> 4
    rlo = rank & 15
    mf = m.astype(jnp.float32)
    vh = (idx >> 7).astype(jnp.float32) * mf
    vl = (idx & 127).astype(jnp.float32) * mf
    jot = lax.broadcasted_iota(jnp.int32, (16, V), 0)

    for bb in range(B):
        mrow = m[bb][None, :]
        ahi = jnp.where((jot == rhi[bb][None, :]) & mrow,
                        jnp.float32(1), jnp.float32(0))
        alo = jnp.where((jot == rlo[bb][None, :]) & mrow,
                        jnp.float32(1), jnp.float32(0))
        dn = (((1,), (1,)), ((), ()))
        oh = lax.dot_general(ahi * vh[bb][None, :], alo, dn,
                             preferred_element_type=jnp.float32)
        ol = lax.dot_general(ahi * vl[bb][None, :], alo, dn,
                             preferred_element_type=jnp.float32)
        ids = oh.astype(jnp.int32) * 128 + ol.astype(jnp.int32)
        il_ref[bb] = ids
        k16 = (lax.broadcasted_iota(jnp.int32, (_K, 16), 0) // 16 ==
               lax.broadcasted_iota(jnp.int32, (_K, 16), 1)).astype(jnp.float32)
        t1h = lax.dot_general(k16, oh, (((1,), (0,)), ((), ())),
                              preferred_element_type=jnp.float32)
        t1l = lax.dot_general(k16, ol, (((1,), (0,)), ((), ())),
                              preferred_element_type=jnp.float32)
        selm = (lax.broadcasted_iota(jnp.int32, (_K, 16), 0) % 16 ==
                lax.broadcasted_iota(jnp.int32, (_K, 16), 1)).astype(jnp.float32)
        sph = jnp.sum(t1h * selm, axis=1, keepdims=True)
        spl = jnp.sum(t1l * selm, axis=1, keepdims=True)
        sp = sph.astype(jnp.int32) * 128 + spl.astype(jnp.int32)
        ils_ref[bb] = jnp.broadcast_to(sp, (_K, 16))


def _isplat(x):
    return jnp.full((16,), x, jnp.int32)


def _sc_gather_body(fmap_ref, ils_ref, out_ref,
                    idlsp_ref, cpat_ref, gidx_ref, gout_ref,
                    accb_ref, didx_ref, stage_ref, acc_ref, sem):
    cid = lax.axis_index("c")
    sid = lax.axis_index("s")
    b_local = sid // _NW_PER_B
    b = cid * 4 + b_local
    q = sid % _NW_PER_B

    @pl.when(sid == 0)
    def _():
        def zloop(i, _):
            stage_ref[pl.ds(i * 16, 16)] = jnp.zeros((16,), jnp.float32)
            return 0
        lax.fori_loop(0, (4 * _C) // 16, zloop, 0)
        pltpu.sync_copy(stage_ref, acc_ref)
    plsc.subcore_barrier()

    pltpu.sync_copy(
        ils_ref.at[pl.ds((b * _K + q * _VPW) * 16, _VPW * 16)], idlsp_ref)

    lanes = lax.iota(jnp.int32, 16)
    fbase = b * (_C * _V)
    acc_row = b_local * _C
    for t in range(16):
        cpat_ref[pl.ds(t * 16, 16)] = (
            (lanes + _isplat(16 * t)) * _isplat(_V) + _isplat(fbase))
        didx_ref[pl.ds(t * 16, 16)] = lanes + _isplat(acc_row + 16 * t)
        accb_ref[pl.ds(t * 16, 16)] = jnp.zeros((16,), jnp.float32)

    def jloop(j, _):
        vsp = idlsp_ref[pl.ds(j * 16, 16)]
        base = j * _C
        for t in range(16):
            cp = cpat_ref[pl.ds(t * 16, 16)]
            gidx_ref[pl.ds(base + t * 16, 16)] = vsp + cp
        return 0
    lax.fori_loop(0, _VPW, jloop, 0)

    pltpu.async_copy(fmap_ref.at[gidx_ref], gout_ref, sem).wait()

    def aloop(j, _):
        base = j * _C
        for t in range(16):
            accb_ref[pl.ds(t * 16, 16)] = (
                accb_ref[pl.ds(t * 16, 16)] +
                gout_ref[pl.ds(base + t * 16, 16)])
        return 0
    lax.fori_loop(0, _VPW, aloop, 0)

    pltpu.sync_copy(accb_ref, acc_ref.at[didx_ref], add=True)

    plsc.subcore_barrier()

    @pl.when(sid == 0)
    def _():
        pltpu.sync_copy(acc_ref, stage_ref)

        def scale(i, _):
            stage_ref[pl.ds(i * 16, 16)] = (
                stage_ref[pl.ds(i * 16, 16)] * jnp.float32(1.0 / _K))
            return 0
        lax.fori_loop(0, (4 * _C) // 16, scale, 0)
        pltpu.sync_copy(stage_ref, out_ref.at[pl.ds(cid * 4 * _C, 4 * _C)])


def kernel(Fmap, score_w, score_b):
    B, C, D, H, W = Fmap.shape
    V = D * H * W
    f = Fmap.reshape(B, C, V)
    w = score_w.reshape(1, C)

    BV = 2048
    nj = V // BV

    s = pl.pallas_call(
        _score_body,
        grid=(B, nj),
        in_specs=[
            pl.BlockSpec((1, C), lambda b, j: (0, 0)),
            pl.BlockSpec((1, C, BV), lambda b, j: (b, 0, j)),
        ],
        out_specs=pl.BlockSpec((1, 1, BV), lambda b, j: (b * nj + j, 0, 0)),
        out_shape=jax.ShapeDtypeStruct((B * nj, 1, BV), jnp.float32),
    )(w, f)
    s = s.reshape(B, V)

    ilist, ilsplat = pl.pallas_call(
        _select_body,
        out_shape=[
            jax.ShapeDtypeStruct((B, 16, 16), jnp.int32),
            jax.ShapeDtypeStruct((B, _K, 16), jnp.int32),
        ],
    )(s)

    mesh = plsc.VectorSubcoreMesh(core_axis_name="c", subcore_axis_name="s")
    sc = functools.partial(
        pl.kernel, mesh=mesh,
        out_type=jax.ShapeDtypeStruct((B * C,), jnp.float32),
        scratch_types=[
            pltpu.VMEM((_VPW * 16,), jnp.int32),
            pltpu.VMEM((_C,), jnp.int32),
            pltpu.VMEM((_VPW * _C,), jnp.int32),
            pltpu.VMEM((_VPW * _C,), jnp.float32),
            pltpu.VMEM((_C,), jnp.float32),
            pltpu.VMEM((_C,), jnp.int32),
            pltpu.VMEM((4 * _C,), jnp.float32),
            pltpu.VMEM_SHARED((4 * _C,), jnp.float32),
            pltpu.SemaphoreType.DMA,
        ],
    )(_sc_gather_body)

    out = sc(f.reshape(B * C * V), ilsplat.reshape(B * _K * 16))
    return out.reshape(B, C)

# --- scband reference (transcript-rebuilt; emitter-appended) ---
"""Pipeline reference for scband-top-kpool3-d-31482110280280 (READ-ONLY COPY).

The authoritative reference and input builder live on the scoring server;
editing this copy changes nothing except your own understanding.
"""

import jax, jax.numpy as jnp
import numpy as np

K_TOP = 256

def setup_inputs(seed: int = 0) -> dict:
    key = jax.random.key(seed)
    k1, k2, k3 = jax.random.split(key, 3)
    Fmap = jax.random.normal(k1, (8, 256, 32, 32, 32), dtype=jnp.float32)
    # Conv3d(c_in, 1, kernel_size=1) == per-voxel linear projection over channels
    score_w = jax.random.normal(k2, (256,), dtype=jnp.float32) * (1.0 / np.sqrt(256.0))
    score_b = jax.random.normal(k3, (1,), dtype=jnp.float32) * 0.05
    return {"Fmap": Fmap, "score_w": score_w, "score_b": score_b}

def reference(Fmap, score_w, score_b):
    B, C, D, H, W = Fmap.shape
    # 1x1x1 conv -> channel dot product per voxel
    s = jnp.einsum('bcdhw,c->bdhw', Fmap, score_w) + score_b[0]
    s = s.reshape(B, -1)
    k = min(K_TOP, s.shape[1])
    _, idx = jax.lax.top_k(s, k)  # idx: [B, k]
    flat = Fmap.reshape(B, C, -1)  # [B, C, DHW]
    idx_b = jnp.broadcast_to(idx[:, None, :], (B, C, k))
    gathered = jnp.take_along_axis(flat, idx_b, axis=2)  # [B, C, k]
    return gathered.mean(axis=2)  # [B, C]

if __name__ == "__main__":
    import jax
    _d = setup_inputs()
    print(jax.jit(kernel)(*tuple(_d.values())))

</pallas_src>

<mosaic_0001>
#map = affine_map<(d0, d1) -> (0)>
module attributes {stable_mosaic.version = 14 : i64} {
  func.func @_sc_gather_body(%arg0: i32, %arg1: i32, %arg2: memref<67108864xf32, #tpu.memory_space<hbm>>, %arg3: memref<32768xi32, #tpu.memory_space<hbm>>, %arg4: memref<2048xf32, #tpu.memory_space<hbm>>, %arg5: memref<1024xi32, #tpu.memory_space<vmem>>, %arg6: memref<256xi32, #tpu.memory_space<vmem>>, %arg7: memref<16384xi32, #tpu.memory_space<vmem>>, %arg8: memref<16384xf32, #tpu.memory_space<vmem>>, %arg9: memref<256xf32, #tpu.memory_space<vmem>>, %arg10: memref<256xi32, #tpu.memory_space<vmem>>, %arg11: memref<1024xf32, #tpu.memory_space<vmem>>, %arg12: memref<1024xf32, #tpu.memory_space<vmem_shared>>, %arg13: memref<!tpu.dma_semaphore, #tpu.memory_space<semaphore_mem>>) attributes {dimension_semantics = [#tpu.dimension_semantics<core_parallel>, #tpu.dimension_semantics<subcore_parallel>], iteration_bounds = array<i64: 2, 16>, scalar_prefetch = 0 : i64, scratch_operands = 9 : i64, tpu.core_type = #tpu.core_type<sc_vector_subcore>, window_params = [{transform_indices = #map}, {transform_indices = #map}, {transform_indices = #map}]} {
    %jit3A = arith.constant 4 : i32
    %div3A = arith.divsi %arg1, %jit3A : i32
    %sign3A = arith.constant 0 : i32
    %sign3A_0 = arith.cmpi sgt, %arg1, %sign3A : i32
    %sign3A_1 = arith.extui %sign3A_0 : i1 to i32
    %sign3A_2 = arith.constant 0 : i32
    %sign3A_3 = arith.cmpi slt, %arg1, %sign3A_2 : i32
    %sign3A_4 = arith.extui %sign3A_3 : i1 to i32
    %sign3A_5 = arith.subi %sign3A_1, %sign3A_4 : i32
    %sign3A_6 = arith.constant 0 : i32
    %sign3A_7 = arith.cmpi sgt, %jit3A, %sign3A_6 : i32
    %sign3A_8 = arith.extui %sign3A_7 : i1 to i32
    %sign3A_9 = arith.constant 0 : i32
    %sign3A_10 = arith.cmpi slt, %jit3A, %sign3A_9 : i32
    %sign3A_11 = arith.extui %sign3A_10 : i1 to i32
    %sign3A_12 = arith.subi %sign3A_8, %sign3A_11 : i32
    %ne3A = arith.cmpi ne, %sign3A_5, %sign3A_12 : i32
    %rem3A = arith.remsi %arg1, %jit3A : i32
    %ne3A_13 = arith.constant 0 : i32
    %ne3A_14 = arith.cmpi ne, %rem3A, %ne3A_13 : i32
    %and3A = arith.andi %ne3A, %ne3A_14 : i1
    %sub3A = arith.constant 1 : i32
    %sub3A_15 = arith.subi %div3A, %sub3A : i32
    %select_n3A = arith.select %and3A, %sub3A_15, %div3A : i32
    %mul3A = arith.constant 4 : i32
    %mul3A_16 = arith.muli %arg0, %mul3A : i32
    %add3A = arith.addi %mul3A_16, %select_n3A : i32
    %jit3A_17 = arith.constant 4 : i32
    %eq3A = arith.constant 0 : i32
    %eq3A_18 = arith.cmpi eq, %jit3A_17, %eq3A : i32
    %jit3A_19 = arith.constant 1 : i32
    %select_n3A_20 = arith.select %eq3A_18, %jit3A_19, %jit3A_17 : i32
    %rem3A_21 = arith.remsi %arg1, %select_n3A_20 : i32
    %ne3A_22 = arith.constant 0 : i32
    %ne3A_23 = arith.cmpi ne, %rem3A_21, %ne3A_22 : i32
    %lt3A = arith.constant 0 : i32
    %lt3A_24 = arith.cmpi slt, %rem3A_21, %lt3A : i32
    %lt3A_25 = arith.constant 0 : i32
    %lt3A_26 = arith.cmpi slt, %select_n3A_20, %lt3A_25 : i32
    %ne3A_27 = arith.xori %lt3A_24, %lt3A_26 : i1
    %and3A_28 = arith.andi %ne3A_27, %ne3A_23 : i1
    %add3A_29 = arith.addi %rem3A_21, %select_n3A_20 : i32
    %select_n3A_30 = arith.select %and3A_28, %add3A_29, %rem3A_21 : i32
    %eq3A_31 = arith.constant 0 : i32
    %eq3A_32 = arith.cmpi eq, %arg1, %eq3A_31 : i32
    %convert_element_type3A = arith.extui %eq3A_32 : i1 to i32
    %cond3A = arith.constant 0 : i32
    %cond3A_33 = arith.cmpi ne, %convert_element_type3A, %cond3A : i32
    scf.if %cond3A_33 {
      %scan3A_480 = arith.constant 0 : i32
      %scan3A_481 = arith.constant 0 : i32
      %scan3A_482 = arith.constant 64 : i32
      %scan3A_483 = arith.addi %scan3A_481, %scan3A_482 : i32
      %scan3A_484 = arith.constant 1 : i32
      %scan3A_485 = scf.for %scan3A_487 = %scan3A_481 to %scan3A_483 step %scan3A_484 iter_args(%scan3A_488 = %scan3A_480) -> (i32)  : i32 {
        %broadcast_in_dim3A_489 = arith.constant 0.000000e+00 : f32
        %broadcast_in_dim3A_490 = vector.broadcast %broadcast_in_dim3A_489 : f32 to vector<16xf32>
        %mul3A_491 = arith.constant 16 : i32
        %mul3A_492 = arith.muli %scan3A_487, %mul3A_491 : i32
        %swap3A_493 = arith.index_cast %mul3A_492 : i32 to index
        %swap3A_494 = tpu.vector_load %arg11[%swap3A_493] {strides = array<i32>} : memref<1024xf32, #tpu.memory_space<vmem>>, vector<16xf32>,
        %swap3A_495 = vector.shape_cast %swap3A_494 : vector<16xf32> to vector<16xf32>
        %swap3A_496 = vector.shape_cast %broadcast_in_dim3A_490 : vector<16xf32> to vector<16xf32>
        tpu.vector_store %arg11[%swap3A_493], %swap3A_496 {strides = array<i32>} : memref<1024xf32, #tpu.memory_space<vmem>>, vector<16xf32>,
        %scan3A_497 = arith.constant 0 : i32
        scf.yield %scan3A_497 : i32
      }
      %scan3A_486 = arith.constant 64 : i32
      "tpu.region"() ({
        %run_scoped3A = tpu.sem_alloc : memref<!tpu.dma_semaphore, #tpu.memory_space<semaphore_mem>>
        tpu.enqueue_dma source(%arg11 : memref<1024xf32, #tpu.memory_space<vmem>>) target(%arg12 : memref<1024xf32, #tpu.memory_space<vmem_shared>>) target_semaphore(%run_scoped3A : memref<!tpu.dma_semaphore, #tpu.memory_space<semaphore_mem>>)
        tpu.wait_dma2 semaphore(%run_scoped3A : memref<!tpu.dma_semaphore, #tpu.memory_space<semaphore_mem>>) src(%arg11 : memref<1024xf32, #tpu.memory_space<vmem>>) dst(%arg12 : memref<1024xf32, #tpu.memory_space<vmem_shared>>)
        tpu.yield
      }) : () -> ()
    } else {
    }
    %barrier3A = arith.constant 0 : index
    tpu.barrier barrier_id(%barrier3A)
    %mul3A_34 = arith.constant 256 : i32
    %mul3A_35 = arith.muli %add3A, %mul3A_34 : i32
    %mul3A_36 = arith.constant 64 : i32
    %mul3A_37 = arith.muli %select_n3A_30, %mul3A_36 : i32
    %add3A_38 = arith.addi %mul3A_35, %mul3A_37 : i32
    %mul3A_39 = arith.constant 16 : i32
    %mul3A_40 = arith.muli %add3A_38, %mul3A_39 : i32
    "tpu.region"() ({
      %run_scoped3A = tpu.sem_alloc : memref<!tpu.dma_semaphore, #tpu.memory_space<semaphore_mem>>
      %dma_start3A_480 = tpu.memref_slice %arg3[%mul3A_40] : memref<32768xi32, #tpu.memory_space<hbm>> -> memref<1024xi32, #tpu.memory_space<hbm>>
      %dma_start3A_481 = tpu.memref_slice %arg3[%mul3A_40] : memref<32768xi32, #tpu.memory_space<hbm>> -> memref<1024xi32, #tpu.memory_space<hbm>>
      tpu.enqueue_dma source(%dma_start3A_481 : memref<1024xi32, #tpu.memory_space<hbm>>) target(%arg5 : memref<1024xi32, #tpu.memory_space<vmem>>) target_semaphore(%run_scoped3A : memref<!tpu.dma_semaphore, #tpu.memory_space<semaphore_mem>>)
      %dma_wait3A_482 = tpu.memref_slice %arg3[%mul3A_40] : memref<32768xi32, #tpu.memory_space<hbm>> -> memref<1024xi32, #tpu.memory_space<hbm>>
      %dma_wait3A_483 = tpu.memref_slice %arg3[%mul3A_40] : memref<32768xi32, #tpu.memory_space<hbm>> -> memref<1024xi32, #tpu.memory_space<hbm>>
      tpu.wait_dma2 semaphore(%run_scoped3A : memref<!tpu.dma_semaphore, #tpu.memory_space<semaphore_mem>>) src(%dma_wait3A_483 : memref<1024xi32, #tpu.memory_space<hbm>>) dst(%arg5 : memref<1024xi32, #tpu.memory_space<vmem>>)
      tpu.yield
    }) : () -> ()
    %iota3A = tpu.iota {dimensions = array<i32: 0>} : vector<16xi32>
    %mul3A_41 = arith.constant 8388608 : i32
    %mul3A_42 = arith.muli %add3A, %mul3A_41 : i32
    %mul3A_43 = arith.constant 256 : i32
    %mul3A_44 = arith.muli %select_n3A, %mul3A_43 : i32
    %broadcast_in_dim3A = arith.constant 0 : i32
    %broadcast_in_dim3A_45 = vector.broadcast %broadcast_in_dim3A : i32 to vector<16xi32>
    %add3A_46 = arith.addi %iota3A, %broadcast_in_dim3A_45 : vector<16xi32>
    %broadcast_in_dim3A_47 = arith.constant 32768 : i32
    %broadcast_in_dim3A_48 = vector.broadcast %broadcast_in_dim3A_47 : i32 to vector<16xi32>
    %mul3A_49 = arith.muli %add3A_46, %broadcast_in_dim3A_48 : vector<16xi32>
    %broadcast_in_dim3A_50 = vector.broadcast %mul3A_42 : i32 to vector<16xi32>
    %add3A_51 = arith.addi %mul3A_49, %broadcast_in_dim3A_50 : vector<16xi32>
    %swap3A = arith.constant 0 : index
    %swap3A_52 = tpu.vector_load %arg6[%swap3A] {strides = array<i32>} : memref<256xi32, #tpu.memory_space<vmem>>, vector<16xi32>,
    %swap3A_53 = vector.shape_cast %swap3A_52 : vector<16xi32> to vector<16xi32>
    %swap3A_54 = vector.shape_cast %add3A_51 : vector<16xi32> to vector<16xi32>
    tpu.vector_store %arg6[%swap3A], %swap3A_54 {strides = array<i32>} : memref<256xi32, #tpu.memory_space<vmem>>, vector<16xi32>,
    %add3A_55 = arith.constant 0 : i32
    %add3A_56 = arith.addi %mul3A_44, %add3A_55 : i32
    %broadcast_in_dim3A_57 = vector.broadcast %add3A_56 : i32 to vector<16xi32>
    %add3A_58 = arith.addi %iota3A, %broadcast_in_dim3A_57 : vector<16xi32>
    %swap3A_59 = arith.constant 0 : index
    %swap3A_60 = tpu.vector_load %arg10[%swap3A_59] {strides = array<i32>} : memref<256xi32, #tpu.memory_space<vmem>>, vector<16xi32>,
    %swap3A_61 = vector.shape_cast %swap3A_60 : vector<16xi32> to vector<16xi32>
    %swap3A_62 = vector.shape_cast %add3A_58 : vector<16xi32> to vector<16xi32>
    tpu.vector_store %arg10[%swap3A_59], %swap3A_62 {strides = array<i32>} : memref<256xi32, #tpu.memory_space<vmem>>, vector<16xi32>,
    %broadcast_in_dim3A_63 = arith.constant 0.000000e+00 : f32
    %broadcast_in_dim3A_64 = vector.broadcast %broadcast_in_dim3A_63 : f32 to vector<16xf32>
    %swap3A_65 = arith.constant 0 : index
    %swap3A_66 = tpu.vector_load %arg9[%swap3A_65] {strides = array<i32>} : memref<256xf32, #tpu.memory_space<vmem>>, vector<16xf32>,
    %swap3A_67 = vector.shape_cast %swap3A_66 : vector<16xf32> to vector<16xf32>
    %swap3A_68 = vector.shape_cast %broadcast_in_dim3A_64 : vector<16xf32> to vector<16xf32>
    tpu.vector_store %arg9[%swap3A_65], %swap3A_68 {strides = array<i32>} : memref<256xf32, #tpu.memory_space<vmem>>, vector<16xf32>,
    %broadcast_in_dim3A_69 = arith.constant 16 : i32
    %broadcast_in_dim3A_70 = vector.broadcast %broadcast_in_dim3A_69 : i32 to vector<16xi32>
    %add3A_71 = arith.addi %iota3A, %broadcast_in_dim3A_70 : vector<16xi32>
    %broadcast_in_dim3A_72 = arith.constant 32768 : i32
    %broadcast_in_dim3A_73 = vector.broadcast %broadcast_in_dim3A_72 : i32 to vector<16xi32>
    %mul3A_74 = arith.muli %add3A_71, %broadcast_in_dim3A_73 : vector<16xi32>
    %broadcast_in_dim3A_75 = vector.broadcast %mul3A_42 : i32 to vector<16xi32>
    %add3A_76 = arith.addi %mul3A_74, %broadcast_in_dim3A_75 : vector<16xi32>
    %swap3A_77 = arith.constant 16 : index
    %swap3A_78 = tpu.vector_load %arg6[%swap3A_77] {strides = array<i32>} : memref<256xi32, #tpu.memory_space<vmem>>, vector<16xi32>,
    %swap3A_79 = vector.shape_cast %swap3A_78 : vector<16xi32> to vector<16xi32>
    %swap3A_80 = vector.shape_cast %add3A_76 : vector<16xi32> to vector<16xi32>
    tpu.vector_store %arg6[%swap3A_77], %swap3A_80 {strides = array<i32>} : memref<256xi32, #tpu.memory_space<vmem>>, vector<16xi32>,
    %add3A_81 = arith.constant 16 : i32
    %add3A_82 = arith.addi %mul3A_44, %add3A_81 : i32
    %broadcast_in_dim3A_83 = vector.broadcast %add3A_82 : i32 to vector<16xi32>
    %add3A_84 = arith.addi %iota3A, %broadcast_in_dim3A_83 : vector<16xi32>
    %swap3A_85 = arith.constant 16 : index
    %swap3A_86 = tpu.vector_load %arg10[%swap3A_85] {strides = array<i32>} : memref<256xi32, #tpu.memory_space<vmem>>, vector<16xi32>,
    %swap3A_87 = vector.shape_cast %swap3A_86 : vector<16xi32> to vector<16xi32>
    %swap3A_88 = vector.shape_cast %add3A_84 : vector<16xi32> to vector<16xi32>
    tpu.vector_store %arg10[%swap3A_85], %swap3A_88 {strides = array<i32>} : memref<256xi32, #tpu.memory_space<vmem>>, vector<16xi32>,
    %broadcast_in_dim3A_89 = arith.constant 0.000000e+00 : f32
    %broadcast_in_dim3A_90 = vector.broadcast %broadcast_in_dim3A_89 : f32 to vector<16xf32>
    %swap3A_91 = arith.constant 16 : index
    %swap3A_92 = tpu.vector_load %arg9[%swap3A_91] {strides = array<i32>} : memref<256xf32, #tpu.memory_space<vmem>>, vector<16xf32>,
    %swap3A_93 = vector.shape_cast %swap3A_92 : vector<16xf32> to vector<16xf32>
    %swap3A_94 = vector.shape_cast %broadcast_in_dim3A_90 : vector<16xf32> to vector<16xf32>
    tpu.vector_store %arg9[%swap3A_91], %swap3A_94 {strides = array<i32>} : memref<256xf32, #tpu.memory_space<vmem>>, vector<16xf32>,
    %broadcast_in_dim3A_95 = arith.constant 32 : i32
    %broadcast_in_dim3A_96 = vector.broadcast %broadcast_in_dim3A_95 : i32 to vector<16xi32>
    %add3A_97 = arith.addi %iota3A, %broadcast_in_dim3A_96 : vector<16xi32>
    %broadcast_in_dim3A_98 = arith.constant 32768 : i32
    %broadcast_in_dim3A_99 = vector.broadcast %broadcast_in_dim3A_98 : i32 to vector<16xi32>
    %mul3A_100 = arith.muli %add3A_97, %broadcast_in_dim3A_99 : vector<16xi32>
    %broadcast_in_dim3A_101 = vector.broadcast %mul3A_42 : i32 to vector<16xi32>
    %add3A_102 = arith.addi %mul3A_100, %broadcast_in_dim3A_101 : vector<16xi32>
    %swap3A_103 = arith.constant 32 : index
    %swap3A_104 = tpu.vector_load %arg6[%swap3A_103] {strides = array<i32>} : memref<256xi32, #tpu.memory_space<vmem>>, vector<16xi32>,
    %swap3A_105 = vector.shape_cast %swap3A_104 : vector<16xi32> to vector<16xi32>
    %swap3A_106 = vector.shape_cast %add3A_102 : vector<16xi32> to vector<16xi32>
    tpu.vector_store %arg6[%swap3A_103], %swap3A_106 {strides = array<i32>} : memref<256xi32, #tpu.memory_space<vmem>>, vector<16xi32>,
    %add3A_107 = arith.constant 32 : i32
    %add3A_108 = arith.addi %mul3A_44, %add3A_107 : i32
    %broadcast_in_dim3A_109 = vector.broadcast %add3A_108 : i32 to vector<16xi32>
    %add3A_110 = arith.addi %iota3A, %broadcast_in_dim3A_109 : vector<16xi32>
    %swap3A_111 = arith.constant 32 : index
    %swap3A_112 = tpu.vector_load %arg10[%swap3A_111] {strides = array<i32>} : memref<256xi32, #tpu.memory_space<vmem>>, vector<16xi32>,
    %swap3A_113 = vector.shape_cast %swap3A_112 : vector<16xi32> to vector<16xi32>
    %swap3A_114 = vector.shape_cast %add3A_110 : vector<16xi32> to vector<16xi32>
    tpu.vector_store %arg10[%swap3A_111], %swap3A_114 {strides = array<i32>} : memref<256xi32, #tpu.memory_space<vmem>>, vector<16xi32>,
    %broadcast_in_dim3A_115 = arith.constant 0.000000e+00 : f32
    %broadcast_in_dim3A_116 = vector.broadcast %broadcast_in_dim3A_115 : f32 to vector<16xf32>
    %swap3A_117 = arith.constant 32 : index
    %swap3A_118 = tpu.vector_load %arg9[%swap3A_117] {strides = array<i32>} : memref<256xf32, #tpu.memory_space<vmem>>, vector<16xf32>,
    %swap3A_119 = vector.shape_cast %swap3A_118 : vector<16xf32> to vector<16xf32>
    %swap3A_120 = vector.shape_cast %broadcast_in_dim3A_116 : vector<16xf32> to vector<16xf32>
    tpu.vector_store %arg9[%swap3A_117], %swap3A_120 {strides = array<i32>} : memref<256xf32, #tpu.memory_space<vmem>>, vector<16xf32>,
    %broadcast_in_dim3A_121 = arith.constant 48 : i32
    %broadcast_in_dim3A_122 = vector.broadcast %broadcast_in_dim3A_121 : i32 to vector<16xi32>
    %add3A_123 = arith.addi %iota3A, %broadcast_in_dim3A_122 : vector<16xi32>
    %broadcast_in_dim3A_124 = arith.constant 32768 : i32
    %broadcast_in_dim3A_125 = vector.broadcast %broadcast_in_dim3A_124 : i32 to vector<16xi32>
    %mul3A_126 = arith.muli %add3A_123, %broadcast_in_dim3A_125 : vector<16xi32>
    %broadcast_in_dim3A_127 = vector.broadcast %mul3A_42 : i32 to vector<16xi32>
    %add3A_128 = arith.addi %mul3A_126, %broadcast_in_dim3A_127 : vector<16xi32>
    %swap3A_129 = arith.constant 48 : index
    %swap3A_130 = tpu.vector_load %arg6[%swap3A_129] {strides = array<i32>} : memref<256xi32, #tpu.memory_space<vmem>>, vector<16xi32>,
    %swap3A_131 = vector.shape_cast %swap3A_130 : vector<16xi32> to vector<16xi32>
    %swap3A_132 = vector.shape_cast %add3A_128 : vector<16xi32> to vector<16xi32>
    tpu.vector_store %arg6[%swap3A_129], %swap3A_132 {strides = array<i32>} : memref<256xi32, #tpu.memory_space<vmem>>, vector<16xi32>,
    %add3A_133 = arith.constant 48 : i32
    %add3A_134 = arith.addi %mul3A_44, %add3A_133 : i32
    %broadcast_in_dim3A_135 = vector.broadcast %add3A_134 : i32 to vector<16xi32>
    %add3A_136 = arith.addi %iota3A, %broadcast_in_dim3A_135 : vector<16xi32>
    %swap3A_137 = arith.constant 48 : index
    %swap3A_138 = tpu.vector_load %arg10[%swap3A_137] {strides = array<i32>} : memref<256xi32, #tpu.memory_space<vmem>>, vector<16xi32>,
    %swap3A_139 = vector.shape_cast %swap3A_138 : vector<16xi32> to vector<16xi32>
    %swap3A_140 = vector.shape_cast %add3A_136 : vector<16xi32> to vector<16xi32>
    tpu.vector_store %arg10[%swap3A_137], %swap3A_140 {strides = array<i32>} : memref<256xi32, #tpu.memory_space<vmem>>, vector<16xi32>,
    %broadcast_in_dim3A_141 = arith.constant 0.000000e+00 : f32
    %broadcast_in_dim3A_142 = vector.broadcast %broadcast_in_dim3A_141 : f32 to vector<16xf32>
    %swap3A_143 = arith.constant 48 : index
    %swap3A_144 = tpu.vector_load %arg9[%swap3A_143] {strides = array<i32>} : memref<256xf32, #tpu.memory_space<vmem>>, vector<16xf32>,
    %swap3A_145 = vector.shape_cast %swap3A_144 : vector<16xf32> to vector<16xf32>
    %swap3A_146 = vector.shape_cast %broadcast_in_dim3A_142 : vector<16xf32> to vector<16xf32>
    tpu.vector_store %arg9[%swap3A_143], %swap3A_146 {strides = array<i32>} : memref<256xf32, #tpu.memory_space<vmem>>, vector<16xf32>,
    %broadcast_in_dim3A_147 = arith.constant 64 : i32
    %broadcast_in_dim3A_148 = vector.broadcast %broadcast_in_dim3A_147 : i32 to vector<16xi32>
    %add3A_149 = arith.addi %iota3A, %broadcast_in_dim3A_148 : vector<16xi32>
    %broadcast_in_dim3A_150 = arith.constant 32768 : i32
    %broadcast_in_dim3A_151 = vector.broadcast %broadcast_in_dim3A_150 : i32 to vector<16xi32>
    %mul3A_152 = arith.muli %add3A_149, %broadcast_in_dim3A_151 : vector<16xi32>
    %broadcast_in_dim3A_153 = vector.broadcast %mul3A_42 : i32 to vector<16xi32>
    %add3A_154 = arith.addi %mul3A_152, %broadcast_in_dim3A_153 : vector<16xi32>
    %swap3A_155 = arith.constant 64 : index
    %swap3A_156 = tpu.vector_load %arg6[%swap3A_155] {strides = array<i32>} : memref<256xi32, #tpu.memory_space<vmem>>, vector<16xi32>,
    %swap3A_157 = vector.shape_cast %swap3A_156 : vector<16xi32> to vector<16xi32>
    %swap3A_158 = vector.shape_cast %add3A_154 : vector<16xi32> to vector<16xi32>
    tpu.vector_store %arg6[%swap3A_155], %swap3A_158 {strides = array<i32>} : memref<256xi32, #tpu.memory_space<vmem>>, vector<16xi32>,
    %add3A_159 = arith.constant 64 : i32
    %add3A_160 = arith.addi %mul3A_44, %add3A_159 : i32
    %broadcast_in_dim3A_161 = vector.broadcast %add3A_160 : i32 to vector<16xi32>
    %add3A_162 = arith.addi %iota3A, %broadcast_in_dim3A_161 : vector<16xi32>
    %swap3A_163 = arith.constant 64 : index
    %swap3A_164 = tpu.vector_load %arg10[%swap3A_163] {strides = array<i32>} : memref<256xi32, #tpu.memory_space<vmem>>, vector<16xi32>,
    %swap3A_165 = vector.shape_cast %swap3A_164 : vector<16xi32> to vector<16xi32>
    %swap3A_166 = vector.shape_cast %add3A_162 : vector<16xi32> to vector<16xi32>
    tpu.vector_store %arg10[%swap3A_163], %swap3A_166 {strides = array<i32>} : memref<256xi32, #tpu.memory_space<vmem>>, vector<16xi32>,
    %broadcast_in_dim3A_167 = arith.constant 0.000000e+00 : f32
    %broadcast_in_dim3A_168 = vector.broadcast %broadcast_in_dim3A_167 : f32 to vector<16xf32>
    %swap3A_169 = arith.constant 64 : index
    %swap3A_170 = tpu.vector_load %arg9[%swap3A_169] {strides = array<i32>} : memref<256xf32, #tpu.memory_space<vmem>>, vector<16xf32>,
    %swap3A_171 = vector.shape_cast %swap3A_170 : vector<16xf32> to vector<16xf32>
    %swap3A_172 = vector.shape_cast %broadcast_in_dim3A_168 : vector<16xf32> to vector<16xf32>
    tpu.vector_store %arg9[%swap3A_169], %swap3A_172 {strides = array<i32>} : memref<256xf32, #tpu.memory_space<vmem>>, vector<16xf32>,
    %broadcast_in_dim3A_173 = arith.constant 80 : i32
    %broadcast_in_dim3A_174 = vector.broadcast %broadcast_in_dim3A_173 : i32 to vector<16xi32>
    %add3A_175 = arith.addi %iota3A, %broadcast_in_dim3A_174 : vector<16xi32>
    %broadcast_in_dim3A_176 = arith.constant 32768 : i32
    %broadcast_in_dim3A_177 = vector.broadcast %broadcast_in_dim3A_176 : i32 to vector<16xi32>
    %mul3A_178 = arith.muli %add3A_175, %broadcast_in_dim3A_177 : vector<16xi32>
    %broadcast_in_dim3A_179 = vector.broadcast %mul3A_42 : i32 to vector<16xi32>
    %add3A_180 = arith.addi %mul3A_178, %broadcast_in_dim3A_179 : vector<16xi32>
    %swap3A_181 = arith.constant 80 : index
    %swap3A_182 = tpu.vector_load %arg6[%swap3A_181] {strides = array<i32>} : memref<256xi32, #tpu.memory_space<vmem>>, vector<16xi32>,
    %swap3A_183 = vector.shape_cast %swap3A_182 : vector<16xi32> to vector<16xi32>
    %swap3A_184 = vector.shape_cast %add3A_180 : vector<16xi32> to vector<16xi32>
    tpu.vector_store %arg6[%swap3A_181], %swap3A_184 {strides = array<i32>} : memref<256xi32, #tpu.memory_space<vmem>>, vector<16xi32>,
    %add3A_185 = arith.constant 80 : i32
    %add3A_186 = arith.addi %mul3A_44, %add3A_185 : i32
    %broadcast_in_dim3A_187 = vector.broadcast %add3A_186 : i32 to vector<16xi32>
    %add3A_188 = arith.addi %iota3A, %broadcast_in_dim3A_187 : vector<16xi32>
    %swap3A_189 = arith.constant 80 : index
    %swap3A_190 = tpu.vector_load %arg10[%swap3A_189] {strides = array<i32>} : memref<256xi32, #tpu.memory_space<vmem>>, vector<16xi32>,
    %swap3A_191 = vector.shape_cast %swap3A_190 : vector<16xi32> to vector<16xi32>
    %swap3A_192 = vector.shape_cast %add3A_188 : vector<16xi32> to vector<16xi32>
    tpu.vector_store %arg10[%swap3A_189], %swap3A_192 {strides = array<i32>} : memref<256xi32, #tpu.memory_space<vmem>>, vector<16xi32>,
    %broadcast_in_dim3A_193 = arith.constant 0.000000e+00 : f32
    %broadcast_in_dim3A_194 = vector.broadcast %broadcast_in_dim3A_193 : f32 to vector<16xf32>
    %swap3A_195 = arith.constant 80 : index
    %swap3A_196 = tpu.vector_load %arg9[%swap3A_195] {strides = array<i32>} : memref<256xf32, #tpu.memory_space<vmem>>, vector<16xf32>,
    %swap3A_197 = vector.shape_cast %swap3A_196 : vector<16xf32> to vector<16xf32>
    %swap3A_198 = vector.shape_cast %broadcast_in_dim3A_194 : vector<16xf32> to vector<16xf32>
    tpu.vector_store %arg9[%swap3A_195], %swap3A_198 {strides = array<i32>} : memref<256xf32, #tpu.memory_space<vmem>>, vector<16xf32>,
    %broadcast_in_dim3A_199 = arith.constant 96 : i32
    %broadcast_in_dim3A_200 = vector.broadcast %broadcast_in_dim3A_199 : i32 to vector<16xi32>
    %add3A_201 = arith.addi %iota3A, %broadcast_in_dim3A_200 : vector<16xi32>
    %broadcast_in_dim3A_202 = arith.constant 32768 : i32
    %broadcast_in_dim3A_203 = vector.broadcast %broadcast_in_dim3A_202 : i32 to vector<16xi32>
    %mul3A_204 = arith.muli %add3A_201, %broadcast_in_dim3A_203 : vector<16xi32>
    %broadcast_in_dim3A_205 = vector.broadcast %mul3A_42 : i32 to vector<16xi32>
    %add3A_206 = arith.addi %mul3A_204, %broadcast_in_dim3A_205 : vector<16xi32>
    %swap3A_207 = arith.constant 96 : index
    %swap3A_208 = tpu.vector_load %arg6[%swap3A_207] {strides = array<i32>} : memref<256xi32, #tpu.memory_space<vmem>>, vector<16xi32>,
    %swap3A_209 = vector.shape_cast %swap3A_208 : vector<16xi32> to vector<16xi32>
    %swap3A_210 = vector.shape_cast %add3A_206 : vector<16xi32> to vector<16xi32>
    tpu.vector_store %arg6[%swap3A_207], %swap3A_210 {strides = array<i32>} : memref<256xi32, #tpu.memory_space<vmem>>, vector<16xi32>,
    %add3A_211 = arith.constant 96 : i32
    %add3A_212 = arith.addi %mul3A_44, %add3A_211 : i32
    %broadcast_in_dim3A_213 = vector.broadcast %add3A_212 : i32 to vector<16xi32>
    %add3A_214 = arith.addi %iota3A, %broadcast_in_dim3A_213 : vector<16xi32>
    %swap3A_215 = arith.constant 96 : index
    %swap3A_216 = tpu.vector_load %arg10[%swap3A_215] {strides = array<i32>} : memref<256xi32, #tpu.memory_space<vmem>>, vector<16xi32>,
    %swap3A_217 = vector.shape_cast %swap3A_216 : vector<16xi32> to vector<16xi32>
    %swap3A_218 = vector.shape_cast %add3A_214 : vector<16xi32> to vector<16xi32>
    tpu.vector_store %arg10[%swap3A_215], %swap3A_218 {strides = array<i32>} : memref<256xi32, #tpu.memory_space<vmem>>, vector<16xi32>,
    %broadcast_in_dim3A_219 = arith.constant 0.000000e+00 : f32
    %broadcast_in_dim3A_220 = vector.broadcast %broadcast_in_dim3A_219 : f32 to vector<16xf32>
    %swap3A_221 = arith.constant 96 : index
    %swap3A_222 = tpu.vector_load %arg9[%swap3A_221] {strides = array<i32>} : memref<256xf32, #tpu.memory_space<vmem>>, vector<16xf32>,
    %swap3A_223 = vector.shape_cast %swap3A_222 : vector<16xf32> to vector<16xf32>
    %swap3A_224 = vector.shape_cast %broadcast_in_dim3A_220 : vector<16xf32> to vector<16xf32>
    tpu.vector_store %arg9[%swap3A_221], %swap3A_224 {strides = array<i32>} : memref<256xf32, #tpu.memory_space<vmem>>, vector<16xf32>,
    %broadcast_in_dim3A_225 = arith.constant 112 : i32
    %broadcast_in_dim3A_226 = vector.broadcast %broadcast_in_dim3A_225 : i32 to vector<16xi32>
    %add3A_227 = arith.addi %iota3A, %broadcast_in_dim3A_226 : vector<16xi32>
    %broadcast_in_dim3A_228 = arith.constant 32768 : i32
    %broadcast_in_dim3A_229 = vector.broadcast %broadcast_in_dim3A_228 : i32 to vector<16xi32>
    %mul3A_230 = arith.muli %add3A_227, %broadcast_in_dim3A_229 : vector<16xi32>
    %broadcast_in_dim3A_231 = vector.broadcast %mul3A_42 : i32 to vector<16xi32>
    %add3A_232 = arith.addi %mul3A_230, %broadcast_in_dim3A_231 : vector<16xi32>
    %swap3A_233 = arith.constant 112 : index
    %swap3A_234 = tpu.vector_load %arg6[%swap3A_233] {strides = array<i32>} : memref<256xi32, #tpu.memory_space<vmem>>, vector<16xi32>,
    %swap3A_235 = vector.shape_cast %swap3A_234 : vector<16xi32> to vector<16xi32>
    %swap3A_236 = vector.shape_cast %add3A_232 : vector<16xi32> to vector<16xi32>
    tpu.vector_store %arg6[%swap3A_233], %swap3A_236 {strides = array<i32>} : memref<256xi32, #tpu.memory_space<vmem>>, vector<16xi32>,
    %add3A_237 = arith.constant 112 : i32
    %add3A_238 = arith.addi %mul3A_44, %add3A_237 : i32
    %broadcast_in_dim3A_239 = vector.broadcast %add3A_238 : i32 to vector<16xi32>
    %add3A_240 = arith.addi %iota3A, %broadcast_in_dim3A_239 : vector<16xi32>
    %swap3A_241 = arith.constant 112 : index
    %swap3A_242 = tpu.vector_load %arg10[%swap3A_241] {strides = array<i32>} : memref<256xi32, #tpu.memory_space<vmem>>, vector<16xi32>,
    %swap3A_243 = vector.shape_cast %swap3A_242 : vector<16xi32> to vector<16xi32>
    %swap3A_244 = vector.shape_cast %add3A_240 : vector<16xi32> to vector<16xi32>
    tpu.vector_store %arg10[%swap3A_241], %swap3A_244 {strides = array<i32>} : memref<256xi32, #tpu.memory_space<vmem>>, vector<16xi32>,
    %broadcast_in_dim3A_245 = arith.constant 0.000000e+00 : f32
    %broadcast_in_dim3A_246 = vector.broadcast %broadcast_in_dim3A_245 : f32 to vector<16xf32>
    %swap3A_247 = arith.constant 112 : index
    %swap3A_248 = tpu.vector_load %arg9[%swap3A_247] {strides = array<i32>} : memref<256xf32, #tpu.memory_space<vmem>>, vector<16xf32>,
    %swap3A_249 = vector.shape_cast %swap3A_248 : vector<16xf32> to vector<16xf32>
    %swap3A_250 = vector.shape_cast %broadcast_in_dim3A_246 : vector<16xf32> to vector<16xf32>
    tpu.vector_store %arg9[%swap3A_247], %swap3A_250 {strides = array<i32>} : memref<256xf32, #tpu.memory_space<vmem>>, vector<16xf32>,
    %broadcast_in_dim3A_251 = arith.constant 128 : i32
    %broadcast_in_dim3A_252 = vector.broadcast %broadcast_in_dim3A_251 : i32 to vector<16xi32>
    %add3A_253 = arith.addi %iota3A, %broadcast_in_dim3A_252 : vector<16xi32>
    %broadcast_in_dim3A_254 = arith.constant 32768 : i32
    %broadcast_in_dim3A_255 = vector.broadcast %broadcast_in_dim3A_254 : i32 to vector<16xi32>
    %mul3A_256 = arith.muli %add3A_253, %broadcast_in_dim3A_255 : vector<16xi32>
    %broadcast_in_dim3A_257 = vector.broadcast %mul3A_42 : i32 to vector<16xi32>
    %add3A_258 = arith.addi %mul3A_256, %broadcast_in_dim3A_257 : vector<16xi32>
    %swap3A_259 = arith.constant 128 : index
    %swap3A_260 = tpu.vector_load %arg6[%swap3A_259] {strides = array<i32>} : memref<256xi32, #tpu.memory_space<vmem>>, vector<16xi32>,
    %swap3A_261 = vector.shape_cast %swap3A_260 : vector<16xi32> to vector<16xi32>
    %swap3A_262 = vector.shape_cast %add3A_258 : vector<16xi32> to vector<16xi32>
    tpu.vector_store %arg6[%swap3A_259], %swap3A_262 {strides = array<i32>} : memref<256xi32, #tpu.memory_space<vmem>>, vector<16xi32>,
    %add3A_263 = arith.constant 128 : i32
    %add3A_264 = arith.addi %mul3A_44, %add3A_263 : i32
    %broadcast_in_dim3A_265 = vector.broadcast %add3A_264 : i32 to vector<16xi32>
    %add3A_266 = arith.addi %iota3A, %broadcast_in_dim3A_265 : vector<16xi32>
    %swap3A_267 = arith.constant 128 : index
    %swap3A_268 = tpu.vector_load %arg10[%swap3A_267] {strides = array<i32>} : memref<256xi32, #tpu.memory_space<vmem>>, vector<16xi32>,
    %swap3A_269 = vector.shape_cast %swap3A_268 : vector<16xi32> to vector<16xi32>
    %swap3A_270 = vector.shape_cast %add3A_266 : vector<16xi32> to vector<16xi32>
    tpu.vector_store %arg10[%swap3A_267], %swap3A_270 {strides = array<i32>} : memref<256xi32, #tpu.memory_space<vmem>>, vector<16xi32>,
    %broadcast_in_dim3A_271 = arith.constant 0.000000e+00 : f32
    %broadcast_in_dim3A_272 = vector.broadcast %broadcast_in_dim3A_271 : f32 to vector<16xf32>
    %swap3A_273 = arith.constant 128 : index
    %swap3A_274 = tpu.vector_load %arg9[%swap3A_273] {strides = array<i32>} : memref<256xf32, #tpu.memory_space<vmem>>, vector<16xf32>,
    %swap3A_275 = vector.shape_cast %swap3A_274 : vector<16xf32> to vector<16xf32>
    %swap3A_276 = vector.shape_cast %broadcast_in_dim3A_272 : vector<16xf32> to vector<16xf32>
    tpu.vector_store %arg9[%swap3A_273], %swap3A_276 {strides = array<i32>} : memref<256xf32, #tpu.memory_space<vmem>>, vector<16xf32>,
    %broadcast_in_dim3A_277 = arith.constant 144 : i32
    %broadcast_in_dim3A_278 = vector.broadcast %broadcast_in_dim3A_277 : i32 to vector<16xi32>
    %add3A_279 = arith.addi %iota3A, %broadcast_in_dim3A_278 : vector<16xi32>
    %broadcast_in_dim3A_280 = arith.constant 32768 : i32
    %broadcast_in_dim3A_281 = vector.broadcast %broadcast_in_dim3A_280 : i32 to vector<16xi32>
    %mul3A_282 = arith.muli %add3A_279, %broadcast_in_dim3A_281 : vector<16xi32>
    %broadcast_in_dim3A_283 = vector.broadcast %mul3A_42 : i32 to vector<16xi32>
    %add3A_284 = arith.addi %mul3A_282, %broadcast_in_dim3A_283 : vector<16xi32>
    %swap3A_285 = arith.constant 144 : index
    %swap3A_286 = tpu.vector_load %arg6[%swap3A_285] {strides = array<i32>} : memref<256xi32, #tpu.memory_space<vmem>>, vector<16xi32>,
    %swap3A_287 = vector.shape_cast %swap3A_286 : vector<16xi32> to vector<16xi32>
    %swap3A_288 = vector.shape_cast %add3A_284 : vector<16xi32> to vector<16xi32>
    tpu.vector_store %arg6[%swap3A_285], %swap3A_288 {strides = array<i32>} : memref<256xi32, #tpu.memory_space<vmem>>, vector<16xi32>,
    %add3A_289 = arith.constant 144 : i32
    %add3A_290 = arith.addi %mul3A_44, %add3A_289 : i32
    %broadcast_in_dim3A_291 = vector.broadcast %add3A_290 : i32 to vector<16xi32>
    %add3A_292 = arith.addi %iota3A, %broadcast_in_dim3A_291 : vector<16xi32>
    %swap3A_293 = arith.constant 144 : index
    %swap3A_294 = tpu.vector_load %arg10[%swap3A_293] {strides = array<i32>} : memref<256xi32, #tpu.memory_space<vmem>>, vector<16xi32>,
    %swap3A_295 = vector.shape_cast %swap3A_294 : vector<16xi32> to vector<16xi32>
    %swap3A_296 = vector.shape_cast %add3A_292 : vector<16xi32> to vector<16xi32>
    tpu.vector_store %arg10[%swap3A_293], %swap3A_296 {strides = array<i32>} : memref<256xi32, #tpu.memory_space<vmem>>, vector<16xi32>,
    %broadcast_in_dim3A_297 = arith.constant 0.000000e+00 : f32
    %broadcast_in_dim3A_298 = vector.broadcast %broadcast_in_dim3A_297 : f32 to vector<16xf32>
    %swap3A_299 = arith.constant 144 : index
    %swap3A_300 = tpu.vector_load %arg9[%swap3A_299] {strides = array<i32>} : memref<256xf32, #tpu.memory_space<vmem>>, vector<16xf32>,
    %swap3A_301 = vector.shape_cast %swap3A_300 : vector<16xf32> to vector<16xf32>
    %swap3A_302 = vector.shape_cast %broadcast_in_dim3A_298 : vector<16xf32> to vector<16xf32>
    tpu.vector_store %arg9[%swap3A_299], %swap3A_302 {strides = array<i32>} : memref<256xf32, #tpu.memory_space<vmem>>, vector<16xf32>,
    %broadcast_in_dim3A_303 = arith.constant 160 : i32
    %broadcast_in_dim3A_304 = vector.broadcast %broadcast_in_dim3A_303 : i32 to vector<16xi32>
    %add3A_305 = arith.addi %iota3A, %broadcast_in_dim3A_304 : vector<16xi32>
    %broadcast_in_dim3A_306 = arith.constant 32768 : i32
    %broadcast_in_dim3A_307 = vector.broadcast %broadcast_in_dim3A_306 : i32 to vector<16xi32>
    %mul3A_308 = arith.muli %add3A_305, %broadcast_in_dim3A_307 : vector<16xi32>
    %broadcast_in_dim3A_309 = vector.broadcast %mul3A_42 : i32 to vector<16xi32>
    %add3A_310 = arith.addi %mul3A_308, %broadcast_in_dim3A_309 : vector<16xi32>
    %swap3A_311 = arith.constant 160 : index
    %swap3A_312 = tpu.vector_load %arg6[%swap3A_311] {strides = array<i32>} : memref<256xi32, #tpu.memory_space<vmem>>, vector<16xi32>,
    %swap3A_313 = vector.shape_cast %swap3A_312 : vector<16xi32> to vector<16xi32>
    %swap3A_314 = vector.shape_cast %add3A_310 : vector<16xi32> to vector<16xi32>
    tpu.vector_store %arg6[%swap3A_311], %swap3A_314 {strides = array<i32>} : memref<256xi32, #tpu.memory_space<vmem>>, vector<16xi32>,
    %add3A_315 = arith.constant 160 : i32
    %add3A_316 = arith.addi %mul3A_44, %add3A_315 : i32
    %broadcast_in_dim3A_317 = vector.broadcast %add3A_316 : i32 to vector<16xi32>
    %add3A_318 = arith.addi %iota3A, %broadcast_in_dim3A_317 : vector<16xi32>
    %swap3A_319 = arith.constant 160 : index
    %swap3A_320 = tpu.vector_load %arg10[%swap3A_319] {strides = array<i32>} : memref<256xi32, #tpu.memory_space<vmem>>, vector<16xi32>,
    %swap3A_321 = vector.shape_cast %swap3A_320 : vector<16xi32> to vector<16xi32>
    %swap3A_322 = vector.shape_cast %add3A_318 : vector<16xi32> to vector<16xi32>
    tpu.vector_store %arg10[%swap3A_319], %swap3A_322 {strides = array<i32>} : memref<256xi32, #tpu.memory_space<vmem>>, vector<16xi32>,
    %broadcast_in_dim3A_323 = arith.constant 0.000000e+00 : f32
    %broadcast_in_dim3A_324 = vector.broadcast %broadcast_in_dim3A_323 : f32 to vector<16xf32>
    %swap3A_325 = arith.constant 160 : index
    %swap3A_326 = tpu.vector_load %arg9[%swap3A_325] {strides = array<i32>} : memref<256xf32, #tpu.memory_space<vmem>>, vector<16xf32>,
    %swap3A_327 = vector.shape_cast %swap3A_326 : vector<16xf32> to vector<16xf32>
    %swap3A_328 = vector.shape_cast %broadcast_in_dim3A_324 : vector<16xf32> to vector<16xf32>
    tpu.vector_store %arg9[%swap3A_325], %swap3A_328 {strides = array<i32>} : memref<256xf32, #tpu.memory_space<vmem>>, vector<16xf32>,
    %broadcast_in_dim3A_329 = arith.constant 176 : i32
    %broadcast_in_dim3A_330 = vector.broadcast %broadcast_in_dim3A_329 : i32 to vector<16xi32>
    %add3A_331 = arith.addi %iota3A, %broadcast_in_dim3A_330 : vector<16xi32>
    %broadcast_in_dim3A_332 = arith.constant 32768 : i32
    %broadcast_in_dim3A_333 = vector.broadcast %broadcast_in_dim3A_332 : i32 to vector<16xi32>
    %mul3A_334 = arith.muli %add3A_331, %broadcast_in_dim3A_333 : vector<16xi32>
    %broadcast_in_dim3A_335 = vector.broadcast %mul3A_42 : i32 to vector<16xi32>
    %add3A_336 = arith.addi %mul3A_334, %broadcast_in_dim3A_335 : vector<16xi32>
    %swap3A_337 = arith.constant 176 : index
    %swap3A_338 = tpu.vector_load %arg6[%swap3A_337] {strides = array<i32>} : memref<256xi32, #tpu.memory_space<vmem>>, vector<16xi32>,
    %swap3A_339 = vector.shape_cast %swap3A_338 : vector<16xi32> to vector<16xi32>
    %swap3A_340 = vector.shape_cast %add3A_336 : vector<16xi32> to vector<16xi32>
    tpu.vector_store %arg6[%swap3A_337], %swap3A_340 {strides = array<i32>} : memref<256xi32, #tpu.memory_space<vmem>>, vector<16xi32>,
    %add3A_341 = arith.constant 176 : i32
    %add3A_342 = arith.addi %mul3A_44, %add3A_341 : i32
    %broadcast_in_dim3A_343 = vector.broadcast %add3A_342 : i32 to vector<16xi32>
    %add3A_344 = arith.addi %iota3A, %broadcast_in_dim3A_343 : vector<16xi32>
    %swap3A_345 = arith.constant 176 : index
    %swap3A_346 = tpu.vector_load %arg10[%swap3A_345] {strides = array<i32>} : memref<256xi32, #tpu.memory_space<vmem>>, vector<16xi32>,
    %swap3A_347 = vector.shape_cast %swap3A_346 : vector<16xi32> to vector<16xi32>
    %swap3A_348 = vector.shape_cast %add3A_344 : vector<16xi32> to vector<16xi32>
    tpu.vector_store %arg10[%swap3A_345], %swap3A_348 {strides = array<i32>} : memref<256xi32, #tpu.memory_space<vmem>>, vector<16xi32>,
    %broadcast_in_dim3A_349 = arith.constant 0.000000e+00 : f32
    %broadcast_in_dim3A_350 = vector.broadcast %broadcast_in_dim3A_349 : f32 to vector<16xf32>
    %swap3A_351 = arith.constant 176 : index
    %swap3A_352 = tpu.vector_load %arg9[%swap3A_351] {strides = array<i32>} : memref<256xf32, #tpu.memory_space<vmem>>, vector<16xf32>,
    %swap3A_353 = vector.shape_cast %swap3A_352 : vector<16xf32> to vector<16xf32>
    %swap3A_354 = vector.shape_cast %broadcast_in_dim3A_350 : vector<16xf32> to vector<16xf32>
    tpu.vector_store %arg9[%swap3A_351], %swap3A_354 {strides = array<i32>} : memref<256xf32, #tpu.memory_space<vmem>>, vector<16xf32>,
    %broadcast_in_dim3A_355 = arith.constant 192 : i32
    %broadcast_in_dim3A_356 = vector.broadcast %broadcast_in_dim3A_355 : i32 to vector<16xi32>
    %add3A_357 = arith.addi %iota3A, %broadcast_in_dim3A_356 : vector<16xi32>
    %broadcast_in_dim3A_358 = arith.constant 32768 : i32
    %broadcast_in_dim3A_359 = vector.broadcast %broadcast_in_dim3A_358 : i32 to vector<16xi32>
    %mul3A_360 = arith.muli %add3A_357, %broadcast_in_dim3A_359 : vector<16xi32>
    %broadcast_in_dim3A_361 = vector.broadcast %mul3A_42 : i32 to vector<16xi32>
    %add3A_362 = arith.addi %mul3A_360, %broadcast_in_dim3A_361 : vector<16xi32>
    %swap3A_363 = arith.constant 192 : index
    %swap3A_364 = tpu.vector_load %arg6[%swap3A_363] {strides = array<i32>} : memref<256xi32, #tpu.memory_space<vmem>>, vector<16xi32>,
    %swap3A_365 = vector.shape_cast %swap3A_364 : vector<16xi32> to vector<16xi32>
    %swap3A_366 = vector.shape_cast %add3A_362 : vector<16xi32> to vector<16xi32>
    tpu.vector_store %arg6[%swap3A_363], %swap3A_366 {strides = array<i32>} : memref<256xi32, #tpu.memory_space<vmem>>, vector<16xi32>,
    %add3A_367 = arith.constant 192 : i32
    %add3A_368 = arith.addi %mul3A_44, %add3A_367 : i32
    %broadcast_in_dim3A_369 = vector.broadcast %add3A_368 : i32 to vector<16xi32>
    %add3A_370 = arith.addi %iota3A, %broadcast_in_dim3A_369 : vector<16xi32>
    %swap3A_371 = arith.constant 192 : index
    %swap3A_372 = tpu.vector_load %arg10[%swap3A_371] {strides = array<i32>} : memref<256xi32, #tpu.memory_space<vmem>>, vector<16xi32>,
    %swap3A_373 = vector.shape_cast %swap3A_372 : vector<16xi32> to vector<16xi32>
    %swap3A_374 = vector.shape_cast %add3A_370 : vector<16xi32> to vector<16xi32>
    tpu.vector_store %arg10[%swap3A_371], %swap3A_374 {strides = array<i32>} : memref<256xi32, #tpu.memory_space<vmem>>, vector<16xi32>,
    %broadcast_in_dim3A_375 = arith.constant 0.000000e+00 : f32
    %broadcast_in_dim3A_376 = vector.broadcast %broadcast_in_dim3A_375 : f32 to vector<16xf32>
    %swap3A_377 = arith.constant 192 : index
    %swap3A_378 = tpu.vector_load %arg9[%swap3A_377] {strides = array<i32>} : memref<256xf32, #tpu.memory_space<vmem>>, vector<16xf32>,
    %swap3A_379 = vector.shape_cast %swap3A_378 : vector<16xf32> to vector<16xf32>
    %swap3A_380 = vector.shape_cast %broadcast_in_dim3A_376 : vector<16xf32> to vector<16xf32>
    tpu.vector_store %arg9[%swap3A_377], %swap3A_380 {strides = array<i32>} : memref<256xf32, #tpu.memory_space<vmem>>, vector<16xf32>,
    %broadcast_in_dim3A_381 = arith.constant 208 : i32
    %broadcast_in_dim3A_382 = vector.broadcast %broadcast_in_dim3A_381 : i32 to vector<16xi32>
    %add3A_383 = arith.addi %iota3A, %broadcast_in_dim3A_382 : vector<16xi32>
    %broadcast_in_dim3A_384 = arith.constant 32768 : i32
    %broadcast_in_dim3A_385 = vector.broadcast %broadcast_in_dim3A_384 : i32 to vector<16xi32>
    %mul3A_386 = arith.muli %add3A_383, %broadcast_in_dim3A_385 : vector<16xi32>
    %broadcast_in_dim3A_387 = vector.broadcast %mul3A_42 : i32 to vector<16xi32>
    %add3A_388 = arith.addi %mul3A_386, %broadcast_in_dim3A_387 : vector<16xi32>
    %swap3A_389 = arith.constant 208 : index
    %swap3A_390 = tpu.vector_load %arg6[%swap3A_389] {strides = array<i32>} : memref<256xi32, #tpu.memory_space<vmem>>, vector<16xi32>,
    %swap3A_391 = vector.shape_cast %swap3A_390 : vector<16xi32> to vector<16xi32>
    %swap3A_392 = vector.shape_cast %add3A_388 : vector<16xi32> to vector<16xi32>
    tpu.vector_store %arg6[%swap3A_389], %swap3A_392 {strides = array<i32>} : memref<256xi32, #tpu.memory_space<vmem>>, vector<16xi32>,
    %add3A_393 = arith.constant 208 : i32
    %add3A_394 = arith.addi %mul3A_44, %add3A_393 : i32
    %broadcast_in_dim3A_395 = vector.broadcast %add3A_394 : i32 to vector<16xi32>
    %add3A_396 = arith.addi %iota3A, %broadcast_in_dim3A_395 : vector<16xi32>
    %swap3A_397 = arith.constant 208 : index
    %swap3A_398 = tpu.vector_load %arg10[%swap3A_397] {strides = array<i32>} : memref<256xi32, #tpu.memory_space<vmem>>, vector<16xi32>,
    %swap3A_399 = vector.shape_cast %swap3A_398 : vector<16xi32> to vector<16xi32>
    %swap3A_400 = vector.shape_cast %add3A_396 : vector<16xi32> to vector<16xi32>
    tpu.vector_store %arg10[%swap3A_397], %swap3A_400 {strides = array<i32>} : memref<256xi32, #tpu.memory_space<vmem>>, vector<16xi32>,
    %broadcast_in_dim3A_401 = arith.constant 0.000000e+00 : f32
    %broadcast_in_dim3A_402 = vector.broadcast %broadcast_in_dim3A_401 : f32 to vector<16xf32>
    %swap3A_403 = arith.constant 208 : index
    %swap3A_404 = tpu.vector_load %arg9[%swap3A_403] {strides = array<i32>} : memref<256xf32, #tpu.memory_space<vmem>>, vector<16xf32>,
    %swap3A_405 = vector.shape_cast %swap3A_404 : vector<16xf32> to vector<16xf32>
    %swap3A_406 = vector.shape_cast %broadcast_in_dim3A_402 : vector<16xf32> to vector<16xf32>
    tpu.vector_store %arg9[%swap3A_403], %swap3A_406 {strides = array<i32>} : memref<256xf32, #tpu.memory_space<vmem>>, vector<16xf32>,
    %broadcast_in_dim3A_407 = arith.constant 224 : i32
    %broadcast_in_dim3A_408 = vector.broadcast %broadcast_in_dim3A_407 : i32 to vector<16xi32>
    %add3A_409 = arith.addi %iota3A, %broadcast_in_dim3A_408 : vector<16xi32>
    %broadcast_in_dim3A_410 = arith.constant 32768 : i32
    %broadcast_in_dim3A_411 = vector.broadcast %broadcast_in_dim3A_410 : i32 to vector<16xi32>
    %mul3A_412 = arith.muli %add3A_409, %broadcast_in_dim3A_411 : vector<16xi32>
    %broadcast_in_dim3A_413 = vector.broadcast %mul3A_42 : i32 to vector<16xi32>
    %add3A_414 = arith.addi %mul3A_412, %broadcast_in_dim3A_413 : vector<16xi32>
    %swap3A_415 = arith.constant 224 : index
    %swap3A_416 = tpu.vector_load %arg6[%swap3A_415] {strides = array<i32>} : memref<256xi32, #tpu.memory_space<vmem>>, vector<16xi32>,
    %swap3A_417 = vector.shape_cast %swap3A_416 : vector<16xi32> to vector<16xi32>
    %swap3A_418 = vector.shape_cast %add3A_414 : vector<16xi32> to vector<16xi32>
    tpu.vector_store %arg6[%swap3A_415], %swap3A_418 {strides = array<i32>} : memref<256xi32, #tpu.memory_space<vmem>>, vector<16xi32>,
    %add3A_419 = arith.constant 224 : i32
    %add3A_420 = arith.addi %mul3A_44, %add3A_419 : i32
    %broadcast_in_dim3A_421 = vector.broadcast %add3A_420 : i32 to vector<16xi32>
    %add3A_422 = arith.addi %iota3A, %broadcast_in_dim3A_421 : vector<16xi32>
    %swap3A_423 = arith.constant 224 : index
    %swap3A_424 = tpu.vector_load %arg10[%swap3A_423] {strides = array<i32>} : memref<256xi32, #tpu.memory_space<vmem>>, vector<16xi32>,
    %swap3A_425 = vector.shape_cast %swap3A_424 : vector<16xi32> to vector<16xi32>
    %swap3A_426 = vector.shape_cast %add3A_422 : vector<16xi32> to vector<16xi32>
    tpu.vector_store %arg10[%swap3A_423], %swap3A_426 {strides = array<i32>} : memref<256xi32, #tpu.memory_space<vmem>>, vector<16xi32>,
    %broadcast_in_dim3A_427 = arith.constant 0.000000e+00 : f32
    %broadcast_in_dim3A_428 = vector.broadcast %broadcast_in_dim3A_427 : f32 to vector<16xf32>
    %swap3A_429 = arith.constant 224 : index
    %swap3A_430 = tpu.vector_load %arg9[%swap3A_429] {strides = array<i32>} : memref<256xf32, #tpu.memory_space<vmem>>, vector<16xf32>,
    %swap3A_431 = vector.shape_cast %swap3A_430 : vector<16xf32> to vector<16xf32>
    %swap3A_432 = vector.shape_cast %broadcast_in_dim3A_428 : vector<16xf32> to vector<16xf32>
    tpu.vector_store %arg9[%swap3A_429], %swap3A_432 {strides = array<i32>} : memref<256xf32, #tpu.memory_space<vmem>>, vector<16xf32>,
    %broadcast_in_dim3A_433 = arith.constant 240 : i32
    %broadcast_in_dim3A_434 = vector.broadcast %broadcast_in_dim3A_433 : i32 to vector<16xi32>
    %add3A_435 = arith.addi %iota3A, %broadcast_in_dim3A_434 : vector<16xi32>
    %broadcast_in_dim3A_436 = arith.constant 32768 : i32
    %broadcast_in_dim3A_437 = vector.broadcast %broadcast_in_dim3A_436 : i32 to vector<16xi32>
    %mul3A_438 = arith.muli %add3A_435, %broadcast_in_dim3A_437 : vector<16xi32>
    %broadcast_in_dim3A_439 = vector.broadcast %mul3A_42 : i32 to vector<16xi32>
    %add3A_440 = arith.addi %mul3A_438, %broadcast_in_dim3A_439 : vector<16xi32>
    %swap3A_441 = arith.constant 240 : index
    %swap3A_442 = tpu.vector_load %arg6[%swap3A_441] {strides = array<i32>} : memref<256xi32, #tpu.memory_space<vmem>>, vector<16xi32>,
    %swap3A_443 = vector.shape_cast %swap3A_442 : vector<16xi32> to vector<16xi32>
    %swap3A_444 = vector.shape_cast %add3A_440 : vector<16xi32> to vector<16xi32>
    tpu.vector_store %arg6[%swap3A_441], %swap3A_444 {strides = array<i32>} : memref<256xi32, #tpu.memory_space<vmem>>, vector<16xi32>,
    %add3A_445 = arith.constant 240 : i32
    %add3A_446 = arith.addi %mul3A_44, %add3A_445 : i32
    %broadcast_in_dim3A_447 = vector.broadcast %add3A_446 : i32 to vector<16xi32>
    %add3A_448 = arith.addi %iota3A, %broadcast_in_dim3A_447 : vector<16xi32>
    %swap3A_449 = arith.constant 240 : index
    %swap3A_450 = tpu.vector_load %arg10[%swap3A_449] {strides = array<i32>} : memref<256xi32, #tpu.memory_space<vmem>>, vector<16xi32>,
    %swap3A_451 = vector.shape_cast %swap3A_450 : vector<16xi32> to vector<16xi32>
    %swap3A_452 = vector.shape_cast %add3A_448 : vector<16xi32> to vector<16xi32>
    tpu.vector_store %arg10[%swap3A_449], %swap3A_452 {strides = array<i32>} : memref<256xi32, #tpu.memory_space<vmem>>, vector<16xi32>,
    %broadcast_in_dim3A_453 = arith.constant 0.000000e+00 : f32
    %broadcast_in_dim3A_454 = vector.broadcast %broadcast_in_dim3A_453 : f32 to vector<16xf32>
    %swap3A_455 = arith.constant 240 : index
    %swap3A_456 = tpu.vector_load %arg9[%swap3A_455] {strides = array<i32>} : memref<256xf32, #tpu.memory_space<vmem>>, vector<16xf32>,
    %swap3A_457 = vector.shape_cast %swap3A_456 : vector<16xf32> to vector<16xf32>
    %swap3A_458 = vector.shape_cast %broadcast_in_dim3A_454 : vector<16xf32> to vector<16xf32>
    tpu.vector_store %arg9[%swap3A_455], %swap3A_458 {strides = array<i32>} : memref<256xf32, #tpu.memory_space<vmem>>, vector<16xf32>,
    %scan3A = arith.constant 0 : i32
    %scan3A_459 = arith.constant 0 : i32
    %scan3A_460 = arith.constant 64 : i32
    %scan3A_461 = arith.addi %scan3A_459, %scan3A_460 : i32
    %scan3A_462 = arith.constant 1 : i32
    %scan3A_463 = scf.for %scan3A_480 = %scan3A_459 to %scan3A_461 step %scan3A_462 iter_args(%scan3A_481 = %scan3A) -> (i32)  : i32 {
      %mul3A_482 = arith.constant 16 : i32
      %mul3A_483 = arith.muli %scan3A_480, %mul3A_482 : i32
      %get3A = arith.index_cast %mul3A_483 : i32 to index
      %get3A_484 = tpu.vector_load %arg5[%get3A] {strides = array<i32>} : memref<1024xi32, #tpu.memory_space<vmem>>, vector<16xi32>,
      %get3A_485 = vector.shape_cast %get3A_484 : vector<16xi32> to vector<16xi32>
      %mul3A_486 = arith.constant 256 : i32
      %mul3A_487 = arith.muli %scan3A_480, %mul3A_486 : i32
      %get3A_488 = arith.constant 0 : index
      %get3A_489 = tpu.vector_load %arg6[%get3A_488] {strides = array<i32>} : memref<256xi32, #tpu.memory_space<vmem>>, vector<16xi32>,
      %get3A_490 = vector.shape_cast %get3A_489 : vector<16xi32> to vector<16xi32>
      %add3A_491 = arith.addi %get3A_485, %get3A_490 : vector<16xi32>
      %add3A_492 = arith.constant 0 : i32
      %add3A_493 = arith.addi %mul3A_487, %add3A_492 : i32
      %swap3A_494 = arith.index_cast %add3A_493 : i32 to index
      %swap3A_495 = tpu.vector_load %arg7[%swap3A_494] {strides = array<i32>} : memref<16384xi32, #tpu.memory_space<vmem>>, vector<16xi32>,
      %swap3A_496 = vector.shape_cast %swap3A_495 : vector<16xi32> to vector<16xi32>
      %swap3A_497 = vector.shape_cast %add3A_491 : vector<16xi32> to vector<16xi32>
      tpu.vector_store %arg7[%swap3A_494], %swap3A_497 {strides = array<i32>} : memref<16384xi32, #tpu.memory_space<vmem>>, vector<16xi32>,
      %get3A_498 = arith.constant 16 : index
      %get3A_499 = tpu.vector_load %arg6[%get3A_498] {strides = array<i32>} : memref<256xi32, #tpu.memory_space<vmem>>, vector<16xi32>,
      %get3A_500 = vector.shape_cast %get3A_499 : vector<16xi32> to vector<16xi32>
      %add3A_501 = arith.addi %get3A_485, %get3A_500 : vector<16xi32>
      %add3A_502 = arith.constant 16 : i32
      %add3A_503 = arith.addi %mul3A_487, %add3A_502 : i32
      %swap3A_504 = arith.index_cast %add3A_503 : i32 to index
      %swap3A_505 = tpu.vector_load %arg7[%swap3A_504] {strides = array<i32>} : memref<16384xi32, #tpu.memory_space<vmem>>, vector<16xi32>,
      %swap3A_506 = vector.shape_cast %swap3A_505 : vector<16xi32> to vector<16xi32>
      %swap3A_507 = vector.shape_cast %add3A_501 : vector<16xi32> to vector<16xi32>
      tpu.vector_store %arg7[%swap3A_504], %swap3A_507 {strides = array<i32>} : memref<16384xi32, #tpu.memory_space<vmem>>, vector<16xi32>,
      %get3A_508 = arith.constant 32 : index
      %get3A_509 = tpu.vector_load %arg6[%get3A_508] {strides = array<i32>} : memref<256xi32, #tpu.memory_space<vmem>>, vector<16xi32>,
      %get3A_510 = vector.shape_cast %get3A_509 : vector<16xi32> to vector<16xi32>
      %add3A_511 = arith.addi %get3A_485, %get3A_510 : vector<16xi32>
      %add3A_512 = arith.constant 32 : i32
      %add3A_513 = arith.addi %mul3A_487, %add3A_512 : i32
      %swap3A_514 = arith.index_cast %add3A_513 : i32 to index
      %swap3A_515 = tpu.vector_load %arg7[%swap3A_514] {strides = array<i32>} : memref<16384xi32, #tpu.memory_space<vmem>>, vector<16xi32>,
      %swap3A_516 = vector.shape_cast %swap3A_515 : vector<16xi32> to vector<16xi32>
      %swap3A_517 = vector.shape_cast %add3A_511 : vector<16xi32> to vector<16xi32>
      tpu.vector_store %arg7[%swap3A_514], %swap3A_517 {strides = array<i32>} : memref<16384xi32, #tpu.memory_space<vmem>>, vector<16xi32>,
      %get3A_518 = arith.constant 48 : index
      %get3A_519 = tpu.vector_load %arg6[%get3A_518] {strides = array<i32>} : memref<256xi32, #tpu.memory_space<vmem>>, vector<16xi32>,
      %get3A_520 = vector.shape_cast %get3A_519 : vector<16xi32> to vector<16xi32>
      %add3A_521 = arith.addi %get3A_485, %get3A_520 : vector<16xi32>
      %add3A_522 = arith.constant 48 : i32
      %add3A_523 = arith.addi %mul3A_487, %add3A_522 : i32
      %swap3A_524 = arith.index_cast %add3A_523 : i32 to index
      %swap3A_525 = tpu.vector_load %arg7[%swap3A_524] {strides = array<i32>} : memref<16384xi32, #tpu.memory_space<vmem>>, vector<16xi32>,
      %swap3A_526 = vector.shape_cast %swap3A_525 : vector<16xi32> to vector<16xi32>
      %swap3A_527 = vector.shape_cast %add3A_521 : vector<16xi32> to vector<16xi32>
      tpu.vector_store %arg7[%swap3A_524], %swap3A_527 {strides = array<i32>} : memref<16384xi32, #tpu.memory_space<vmem>>, vector<16xi32>,
      %get3A_528 = arith.constant 64 : index
      %get3A_529 = tpu.vector_load %arg6[%get3A_528] {strides = array<i32>} : memref<256xi32, #tpu.memory_space<vmem>>, vector<16xi32>,
      %get3A_530 = vector.shape_cast %get3A_529 : vector<16xi32> to vector<16xi32>
      %add3A_531 = arith.addi %get3A_485, %get3A_530 : vector<16xi32>
      %add3A_532 = arith.constant 64 : i32
      %add3A_533 = arith.addi %mul3A_487, %add3A_532 : i32
      %swap3A_534 = arith.index_cast %add3A_533 : i32 to index
      %swap3A_535 = tpu.vector_load %arg7[%swap3A_534] {strides = array<i32>} : memref<16384xi32, #tpu.memory_space<vmem>>, vector<16xi32>,
      %swap3A_536 = vector.shape_cast %swap3A_535 : vector<16xi32> to vector<16xi32>
      %swap3A_537 = vector.shape_cast %add3A_531 : vector<16xi32> to vector<16xi32>
      tpu.vector_store %arg7[%swap3A_534], %swap3A_537 {strides = array<i32>} : memref<16384xi32, #tpu.memory_space<vmem>>, vector<16xi32>,
      %get3A_538 = arith.constant 80 : index
      %get3A_539 = tpu.vector_load %arg6[%get3A_538] {strides = array<i32>} : memref<256xi32, #tpu.memory_space<vmem>>, vector<16xi32>,
      %get3A_540 = vector.shape_cast %get3A_539 : vector<16xi32> to vector<16xi32>
      %add3A_541 = arith.addi %get3A_485, %get3A_540 : vector<16xi32>
      %add3A_542 = arith.constant 80 : i32
      %add3A_543 = arith.addi %mul3A_487, %add3A_542 : i32
      %swap3A_544 = arith.index_cast %add3A_543 : i32 to index
      %swap3A_545 = tpu.vector_load %arg7[%swap3A_544] {strides = array<i32>} : memref<16384xi32, #tpu.memory_space<vmem>>, vector<16xi32>,
      %swap3A_546 = vector.shape_cast %swap3A_545 : vector<16xi32> to vector<16xi32>
      %swap3A_547 = vector.shape_cast %add3A_541 : vector<16xi32> to vector<16xi32>
      tpu.vector_store %arg7[%swap3A_544], %swap3A_547 {strides = array<i32>} : memref<16384xi32, #tpu.memory_space<vmem>>, vector<16xi32>,
      %get3A_548 = arith.constant 96 : index
      %get3A_549 = tpu.vector_load %arg6[%get3A_548] {strides = array<i32>} : memref<256xi32, #tpu.memory_space<vmem>>, vector<16xi32>,
      %get3A_550 = vector.shape_cast %get3A_549 : vector<16xi32> to vector<16xi32>
      %add3A_551 = arith.addi %get3A_485, %get3A_550 : vector<16xi32>
      %add3A_552 = arith.constant 96 : i32
      %add3A_553 = arith.addi %mul3A_487, %add3A_552 : i32
      %swap3A_554 = arith.index_cast %add3A_553 : i32 to index
      %swap3A_555 = tpu.vector_load %arg7[%swap3A_554] {strides = array<i32>} : memref<16384xi32, #tpu.memory_space<vmem>>, vector<16xi32>,
      %swap3A_556 = vector.shape_cast %swap3A_555 : vector<16xi32> to vector<16xi32>
      %swap3A_557 = vector.shape_cast %add3A_551 : vector<16xi32> to vector<16xi32>
      tpu.vector_store %arg7[%swap3A_554], %swap3A_557 {strides = array<i32>} : memref<16384xi32, #tpu.memory_space<vmem>>, vector<16xi32>,
      %get3A_558 = arith.constant 112 : index
      %get3A_559 = tpu.vector_load %arg6[%get3A_558] {strides = array<i32>} : memref<256xi32, #tpu.memory_space<vmem>>, vector<16xi32>,
      %get3A_560 = vector.shape_cast %get3A_559 : vector<16xi32> to vector<16xi32>
      %add3A_561 = arith.addi %get3A_485, %get3A_560 : vector<16xi32>
      %add3A_562 = arith.constant 112 : i32
      %add3A_563 = arith.addi %mul3A_487, %add3A_562 : i32
      %swap3A_564 = arith.index_cast %add3A_563 : i32 to index
      %swap3A_565 = tpu.vector_load %arg7[%swap3A_564] {strides = array<i32>} : memref<16384xi32, #tpu.memory_space<vmem>>, vector<16xi32>,
      %swap3A_566 = vector.shape_cast %swap3A_565 : vector<16xi32> to vector<16xi32>
      %swap3A_567 = vector.shape_cast %add3A_561 : vector<16xi32> to vector<16xi32>
      tpu.vector_store %arg7[%swap3A_564], %swap3A_567 {strides = array<i32>} : memref<16384xi32, #tpu.memory_space<vmem>>, vector<16xi32>,
      %get3A_568 = arith.constant 128 : index
      %get3A_569 = tpu.vector_load %arg6[%get3A_568] {strides = array<i32>} : memref<256xi32, #tpu.memory_space<vmem>>, vector<16xi32>,
      %get3A_570 = vector.shape_cast %get3A_569 : vector<16xi32> to vector<16xi32>
      %add3A_571 = arith.addi %get3A_485, %get3A_570 : vector<16xi32>
      %add3A_572 = arith.constant 128 : i32
      %add3A_573 = arith.addi %mul3A_487, %add3A_572 : i32
      %swap3A_574 = arith.index_cast %add3A_573 : i32 to index
      %swap3A_575 = tpu.vector_load %arg7[%swap3A_574] {strides = array<i32>} : memref<16384xi32, #tpu.memory_space<vmem>>, vector<16xi32>,
      %swap3A_576 = vector.shape_cast %swap3A_575 : vector<16xi32> to vector<16xi32>
      %swap3A_577 = vector.shape_cast %add3A_571 : vector<16xi32> to vector<16xi32>
      tpu.vector_store %arg7[%swap3A_574], %swap3A_577 {strides = array<i32>} : memref<16384xi32, #tpu.memory_space<vmem>>, vector<16xi32>,
      %get3A_578 = arith.constant 144 : index
      %get3A_579 = tpu.vector_load %arg6[%get3A_578] {strides = array<i32>} : memref<256xi32, #tpu.memory_space<vmem>>, vector<16xi32>,
      %get3A_580 = vector.shape_cast %get3A_579 : vector<16xi32> to vector<16xi32>
      %add3A_581 = arith.addi %get3A_485, %get3A_580 : vector<16xi32>
      %add3A_582 = arith.constant 144 : i32
      %add3A_583 = arith.addi %mul3A_487, %add3A_582 : i32
      %swap3A_584 = arith.index_cast %add3A_583 : i32 to index
      %swap3A_585 = tpu.vector_load %arg7[%swap3A_584] {strides = array<i32>} : memref<16384xi32, #tpu.memory_space<vmem>>, vector<16xi32>,
      %swap3A_586 = vector.shape_cast %swap3A_585 : vector<16xi32> to vector<16xi32>
      %swap3A_587 = vector.shape_cast %add3A_581 : vector<16xi32> to vector<16xi32>
      tpu.vector_store %arg7[%swap3A_584], %swap3A_587 {strides = array<i32>} : memref<16384xi32, #tpu.memory_space<vmem>>, vector<16xi32>,
      %get3A_588 = arith.constant 160 : index
      %get3A_589 = tpu.vector_load %arg6[%get3A_588] {strides = array<i32>} : memref<256xi32, #tpu.memory_space<vmem>>, vector<16xi32>,
      %get3A_590 = vector.shape_cast %get3A_589 : vector<16xi32> to vector<16xi32>
      %add3A_591 = arith.addi %get3A_485, %get3A_590 : vector<16xi32>
      %add3A_592 = arith.constant 160 : i32
      %add3A_593 = arith.addi %mul3A_487, %add3A_592 : i32
      %swap3A_594 = arith.index_cast %add3A_593 : i32 to index
      %swap3A_595 = tpu.vector_load %arg7[%swap3A_594] {strides = array<i32>} : memref<16384xi32, #tpu.memory_space<vmem>>, vector<16xi32>,
      %swap3A_596 = vector.shape_cast %swap3A_595 : vector<16xi32> to vector<16xi32>
      %swap3A_597 = vector.shape_cast %add3A_591 : vector<16xi32> to vector<16xi32>
      tpu.vector_store %arg7[%swap3A_594], %swap3A_597 {strides = array<i32>} : memref<16384xi32, #tpu.memory_space<vmem>>, vector<16xi32>,
      %get3A_598 = arith.constant 176 : index
      %get3A_599 = tpu.vector_load %arg6[%get3A_598] {strides = array<i32>} : memref<256xi32, #tpu.memory_space<vmem>>, vector<16xi32>,
      %get3A_600 = vector.shape_cast %get3A_599 : vector<16xi32> to vector<16xi32>
      %add3A_601 = arith.addi %get3A_485, %get3A_600 : vector<16xi32>
      %add3A_602 = arith.constant 176 : i32
      %add3A_603 = arith.addi %mul3A_487, %add3A_602 : i32
      %swap3A_604 = arith.index_cast %add3A_603 : i32 to index
      %swap3A_605 = tpu.vector_load %arg7[%swap3A_604] {strides = array<i32>} : memref<16384xi32, #tpu.memory_space<vmem>>, vector<16xi32>,
      %swap3A_606 = vector.shape_cast %swap3A_605 : vector<16xi32> to vector<16xi32>
      %swap3A_607 = vector.shape_cast %add3A_601 : vector<16xi32> to vector<16xi32>
      tpu.vector_store %arg7[%swap3A_604], %swap3A_607 {strides = array<i32>} : memref<16384xi32, #tpu.memory_space<vmem>>, vector<16xi32>,
      %get3A_608 = arith.constant 192 : index
      %get3A_609 = tpu.vector_load %arg6[%get3A_608] {strides = array<i32>} : memref<256xi32, #tpu.memory_space<vmem>>, vector<16xi32>,
      %get3A_610 = vector.shape_cast %get3A_609 : vector<16xi32> to vector<16xi32>
      %add3A_611 = arith.addi %get3A_485, %get3A_610 : vector<16xi32>
      %add3A_612 = arith.constant 192 : i32
      %add3A_613 = arith.addi %mul3A_487, %add3A_612 : i32
      %swap3A_614 = arith.index_cast %add3A_613 : i32 to index
      %swap3A_615 = tpu.vector_load %arg7[%swap3A_614] {strides = array<i32>} : memref<16384xi32, #tpu.memory_space<vmem>>, vector<16xi32>,
      %swap3A_616 = vector.shape_cast %swap3A_615 : vector<16xi32> to vector<16xi32>
      %swap3A_617 = vector.shape_cast %add3A_611 : vector<16xi32> to vector<16xi32>
      tpu.vector_store %arg7[%swap3A_614], %swap3A_617 {strides = array<i32>} : memref<16384xi32, #tpu.memory_space<vmem>>, vector<16xi32>,
      %get3A_618 = arith.constant 208 : index
      %get3A_619 = tpu.vector_load %arg6[%get3A_618] {strides = array<i32>} : memref<256xi32, #tpu.memory_space<vmem>>, vector<16xi32>,
      %get3A_620 = vector.shape_cast %get3A_619 : vector<16xi32> to vector<16xi32>
      %add3A_621 = arith.addi %get3A_485, %get3A_620 : vector<16xi32>
      %add3A_622 = arith.constant 208 : i32
      %add3A_623 = arith.addi %mul3A_487, %add3A_622 : i32
      %swap3A_624 = arith.index_cast %add3A_623 : i32 to index
      %swap3A_625 = tpu.vector_load %arg7[%swap3A_624] {strides = array<i32>} : memref<16384xi32, #tpu.memory_space<vmem>>, vector<16xi32>,
      %swap3A_626 = vector.shape_cast %swap3A_625 : vector<16xi32> to vector<16xi32>
      %swap3A_627 = vector.shape_cast %add3A_621 : vector<16xi32> to vector<16xi32>
      tpu.vector_store %arg7[%swap3A_624], %swap3A_627 {strides = array<i32>} : memref<16384xi32, #tpu.memory_space<vmem>>, vector<16xi32>,
      %get3A_628 = arith.constant 224 : index
      %get3A_629 = tpu.vector_load %arg6[%get3A_628] {strides = array<i32>} : memref<256xi32, #tpu.memory_space<vmem>>, vector<16xi32>,
      %get3A_630 = vector.shape_cast %get3A_629 : vector<16xi32> to vector<16xi32>
      %add3A_631 = arith.addi %get3A_485, %get3A_630 : vector<16xi32>
      %add3A_632 = arith.constant 224 : i32
      %add3A_633 = arith.addi %mul3A_487, %add3A_632 : i32
      %swap3A_634 = arith.index_cast %add3A_633 : i32 to index
      %swap3A_635 = tpu.vector_load %arg7[%swap3A_634] {strides = array<i32>} : memref<16384xi32, #tpu.memory_space<vmem>>, vector<16xi32>,
      %swap3A_636 = vector.shape_cast %swap3A_635 : vector<16xi32> to vector<16xi32>
      %swap3A_637 = vector.shape_cast %add3A_631 : vector<16xi32> to vector<16xi32>
      tpu.vector_store %arg7[%swap3A_634], %swap3A_637 {strides = array<i32>} : memref<16384xi32, #tpu.memory_space<vmem>>, vector<16xi32>,
      %get3A_638 = arith.constant 240 : index
      %get3A_639 = tpu.vector_load %arg6[%get3A_638] {strides = array<i32>} : memref<256xi32, #tpu.memory_space<vmem>>, vector<16xi32>,
      %get3A_640 = vector.shape_cast %get3A_639 : vector<16xi32> to vector<16xi32>
      %add3A_641 = arith.addi %get3A_485, %get3A_640 : vector<16xi32>
      %add3A_642 = arith.constant 240 : i32
      %add3A_643 = arith.addi %mul3A_487, %add3A_642 : i32
      %swap3A_644 = arith.index_cast %add3A_643 : i32 to index
      %swap3A_645 = tpu.vector_load %arg7[%swap3A_644] {strides = array<i32>} : memref<16384xi32, #tpu.memory_space<vmem>>, vector<16xi32>,
      %swap3A_646 = vector.shape_cast %swap3A_645 : vector<16xi32> to vector<16xi32>
      %swap3A_647 = vector.shape_cast %add3A_641 : vector<16xi32> to vector<16xi32>
      tpu.vector_store %arg7[%swap3A_644], %swap3A_647 {strides = array<i32>} : memref<16384xi32, #tpu.memory_space<vmem>>, vector<16xi32>,
      %scan3A_648 = arith.constant 0 : i32
      scf.yield %scan3A_648 : i32
    }
    %scan3A_464 = arith.constant 64 : i32
    %dma_start3A = arith.constant 0 : i32
    %dma_start3A_465 = tpu.memref_slice %arg2[%dma_start3A] : memref<67108864xf32, #tpu.memory_space<hbm>> -> memref<67108864xf32, #tpu.memory_space<hbm>>
    tpu.enqueue_indirect_dma source(%dma_start3A_465 : memref<67108864xf32, #tpu.memory_space<hbm>>) target(%arg8 : memref<16384xf32, #tpu.memory_space<vmem>>) offsets(%arg7 : memref<16384xi32, #tpu.memory_space<vmem>>) semaphore(%arg13 : memref<!tpu.dma_semaphore, #tpu.memory_space<semaphore_mem>>)
    %dma_wait3A = arith.constant 0 : i32
    %dma_wait3A_466 = tpu.memref_slice %arg2[%dma_wait3A] : memref<67108864xf32, #tpu.memory_space<hbm>> -> memref<67108864xf32, #tpu.memory_space<hbm>>
    tpu.wait_indirect_dma semaphore(%arg13 : memref<!tpu.dma_semaphore, #tpu.memory_space<semaphore_mem>>) src(%dma_wait3A_466 : memref<67108864xf32, #tpu.memory_space<hbm>>) dst(%arg8 : memref<16384xf32, #tpu.memory_space<vmem>>)
    %scan3A_467 = arith.constant 0 : i32
    %scan3A_468 = arith.constant 0 : i32
    %scan3A_469 = arith.constant 64 : i32
    %scan3A_470 = arith.addi %scan3A_468, %scan3A_469 : i32
    %scan3A_471 = arith.constant 1 : i32
    %scan3A_472 = scf.for %scan3A_480 = %scan3A_468 to %scan3A_470 step %scan3A_471 iter_args(%scan3A_481 = %scan3A_467) -> (i32)  : i32 {
      %mul3A_482 = arith.constant 256 : i32
      %mul3A_483 = arith.muli %scan3A_480, %mul3A_482 : i32
      %get3A = arith.constant 0 : index
      %get3A_484 = tpu.vector_load %arg9[%get3A] {strides = array<i32>} : memref<256xf32, #tpu.memory_space<vmem>>, vector<16xf32>,
      %get3A_485 = vector.shape_cast %get3A_484 : vector<16xf32> to vector<16xf32>
      %add3A_486 = arith.constant 0 : i32
      %add3A_487 = arith.addi %mul3A_483, %add3A_486 : i32
      %get3A_488 = arith.index_cast %add3A_487 : i32 to index
      %get3A_489 = tpu.vector_load %arg8[%get3A_488] {strides = array<i32>} : memref<16384xf32, #tpu.memory_space<vmem>>, vector<16xf32>,
      %get3A_490 = vector.shape_cast %get3A_489 : vector<16xf32> to vector<16xf32>
      %add3A_491 = arith.addf %get3A_485, %get3A_490 : vector<16xf32>
      %swap3A_492 = arith.constant 0 : index
      %swap3A_493 = tpu.vector_load %arg9[%swap3A_492] {strides = array<i32>} : memref<256xf32, #tpu.memory_space<vmem>>, vector<16xf32>,
      %swap3A_494 = vector.shape_cast %swap3A_493 : vector<16xf32> to vector<16xf32>
      %swap3A_495 = vector.shape_cast %add3A_491 : vector<16xf32> to vector<16xf32>
      tpu.vector_store %arg9[%swap3A_492], %swap3A_495 {strides = array<i32>} : memref<256xf32, #tpu.memory_space<vmem>>, vector<16xf32>,
      %get3A_496 = arith.constant 16 : index
      %get3A_497 = tpu.vector_load %arg9[%get3A_496] {strides = array<i32>} : memref<256xf32, #tpu.memory_space<vmem>>, vector<16xf32>,
      %get3A_498 = vector.shape_cast %get3A_497 : vector<16xf32> to vector<16xf32>
      %add3A_499 = arith.constant 16 : i32
      %add3A_500 = arith.addi %mul3A_483, %add3A_499 : i32
      %get3A_501 = arith.index_cast %add3A_500 : i32 to index
      %get3A_502 = tpu.vector_load %arg8[%get3A_501] {strides = array<i32>} : memref<16384xf32, #tpu.memory_space<vmem>>, vector<16xf32>,
      %get3A_503 = vector.shape_cast %get3A_502 : vector<16xf32> to vector<16xf32>
      %add3A_504 = arith.addf %get3A_498, %get3A_503 : vector<16xf32>
      %swap3A_505 = arith.constant 16 : index
      %swap3A_506 = tpu.vector_load %arg9[%swap3A_505] {strides = array<i32>} : memref<256xf32, #tpu.memory_space<vmem>>, vector<16xf32>,
      %swap3A_507 = vector.shape_cast %swap3A_506 : vector<16xf32> to vector<16xf32>
      %swap3A_508 = vector.shape_cast %add3A_504 : vector<16xf32> to vector<16xf32>
      tpu.vector_store %arg9[%swap3A_505], %swap3A_508 {strides = array<i32>} : memref<256xf32, #tpu.memory_space<vmem>>, vector<16xf32>,
      %get3A_509 = arith.constant 32 : index
      %get3A_510 = tpu.vector_load %arg9[%get3A_509] {strides = array<i32>} : memref<256xf32, #tpu.memory_space<vmem>>, vector<16xf32>,
      %get3A_511 = vector.shape_cast %get3A_510 : vector<16xf32> to vector<16xf32>
      %add3A_512 = arith.constant 32 : i32
      %add3A_513 = arith.addi %mul3A_483, %add3A_512 : i32
      %get3A_514 = arith.index_cast %add3A_513 : i32 to index
      %get3A_515 = tpu.vector_load %arg8[%get3A_514] {strides = array<i32>} : memref<16384xf32, #tpu.memory_space<vmem>>, vector<16xf32>,
      %get3A_516 = vector.shape_cast %get3A_515 : vector<16xf32> to vector<16xf32>
      %add3A_517 = arith.addf %get3A_511, %get3A_516 : vector<16xf32>
      %swap3A_518 = arith.constant 32 : index
      %swap3A_519 = tpu.vector_load %arg9[%swap3A_518] {strides = array<i32>} : memref<256xf32, #tpu.memory_space<vmem>>, vector<16xf32>,
      %swap3A_520 = vector.shape_cast %swap3A_519 : vector<16xf32> to vector<16xf32>
      %swap3A_521 = vector.shape_cast %add3A_517 : vector<16xf32> to vector<16xf32>
      tpu.vector_store %arg9[%swap3A_518], %swap3A_521 {strides = array<i32>} : memref<256xf32, #tpu.memory_space<vmem>>, vector<16xf32>,
      %get3A_522 = arith.constant 48 : index
      %get3A_523 = tpu.vector_load %arg9[%get3A_522] {strides = array<i32>} : memref<256xf32, #tpu.memory_space<vmem>>, vector<16xf32>,
      %get3A_524 = vector.shape_cast %get3A_523 : vector<16xf32> to vector<16xf32>
      %add3A_525 = arith.constant 48 : i32
      %add3A_526 = arith.addi %mul3A_483, %add3A_525 : i32
      %get3A_527 = arith.index_cast %add3A_526 : i32 to index
      %get3A_528 = tpu.vector_load %arg8[%get3A_527] {strides = array<i32>} : memref<16384xf32, #tpu.memory_space<vmem>>, vector<16xf32>,
      %get3A_529 = vector.shape_cast %get3A_528 : vector<16xf32> to vector<16xf32>
      %add3A_530 = arith.addf %get3A_524, %get3A_529 : vector<16xf32>
      %swap3A_531 = arith.constant 48 : index
      %swap3A_532 = tpu.vector_load %arg9[%swap3A_531] {strides = array<i32>} : memref<256xf32, #tpu.memory_space<vmem>>, vector<16xf32>,
      %swap3A_533 = vector.shape_cast %swap3A_532 : vector<16xf32> to vector<16xf32>
      %swap3A_534 = vector.shape_cast %add3A_530 : vector<16xf32> to vector<16xf32>
      tpu.vector_store %arg9[%swap3A_531], %swap3A_534 {strides = array<i32>} : memref<256xf32, #tpu.memory_space<vmem>>, vector<16xf32>,
      %get3A_535 = arith.constant 64 : index
      %get3A_536 = tpu.vector_load %arg9[%get3A_535] {strides = array<i32>} : memref<256xf32, #tpu.memory_space<vmem>>, vector<16xf32>,
      %get3A_537 = vector.shape_cast %get3A_536 : vector<16xf32> to vector<16xf32>
      %add3A_538 = arith.constant 64 : i32
      %add3A_539 = arith.addi %mul3A_483, %add3A_538 : i32
      %get3A_540 = arith.index_cast %add3A_539 : i32 to index
      %get3A_541 = tpu.vector_load %arg8[%get3A_540] {strides = array<i32>} : memref<16384xf32, #tpu.memory_space<vmem>>, vector<16xf32>,
      %get3A_542 = vector.shape_cast %get3A_541 : vector<16xf32> to vector<16xf32>
      %add3A_543 = arith.addf %get3A_537, %get3A_542 : vector<16xf32>
      %swap3A_544 = arith.constant 64 : index
      %swap3A_545 = tpu.vector_load %arg9[%swap3A_544] {strides = array<i32>} : memref<256xf32, #tpu.memory_space<vmem>>, vector<16xf32>,
      %swap3A_546 = vector.shape_cast %swap3A_545 : vector<16xf32> to vector<16xf32>
      %swap3A_547 = vector.shape_cast %add3A_543 : vector<16xf32> to vector<16xf32>
      tpu.vector_store %arg9[%swap3A_544], %swap3A_547 {strides = array<i32>} : memref<256xf32, #tpu.memory_space<vmem>>, vector<16xf32>,
      %get3A_548 = arith.constant 80 : index
      %get3A_549 = tpu.vector_load %arg9[%get3A_548] {strides = array<i32>} : memref<256xf32, #tpu.memory_space<vmem>>, vector<16xf32>,
      %get3A_550 = vector.shape_cast %get3A_549 : vector<16xf32> to vector<16xf32>
      %add3A_551 = arith.constant 80 : i32
      %add3A_552 = arith.addi %mul3A_483, %add3A_551 : i32
      %get3A_553 = arith.index_cast %add3A_552 : i32 to index
      %get3A_554 = tpu.vector_load %arg8[%get3A_553] {strides = array<i32>} : memref<16384xf32, #tpu.memory_space<vmem>>, vector<16xf32>,
      %get3A_555 = vector.shape_cast %get3A_554 : vector<16xf32> to vector<16xf32>
      %add3A_556 = arith.addf %get3A_550, %get3A_555 : vector<16xf32>
      %swap3A_557 = arith.constant 80 : index
      %swap3A_558 = tpu.vector_load %arg9[%swap3A_557] {strides = array<i32>} : memref<256xf32, #tpu.memory_space<vmem>>, vector<16xf32>,
      %swap3A_559 = vector.shape_cast %swap3A_558 : vector<16xf32> to vector<16xf32>
      %swap3A_560 = vector.shape_cast %add3A_556 : vector<16xf32> to vector<16xf32>
      tpu.vector_store %arg9[%swap3A_557], %swap3A_560 {strides = array<i32>} : memref<256xf32, #tpu.memory_space<vmem>>, vector<16xf32>,
      %get3A_561 = arith.constant 96 : index
      %get3A_562 = tpu.vector_load %arg9[%get3A_561] {strides = array<i32>} : memref<256xf32, #tpu.memory_space<vmem>>, vector<16xf32>,
      %get3A_563 = vector.shape_cast %get3A_562 : vector<16xf32> to vector<16xf32>
      %add3A_564 = arith.constant 96 : i32
      %add3A_565 = arith.addi %mul3A_483, %add3A_564 : i32
      %get3A_566 = arith.index_cast %add3A_565 : i32 to index
      %get3A_567 = tpu.vector_load %arg8[%get3A_566] {strides = array<i32>} : memref<16384xf32, #tpu.memory_space<vmem>>, vector<16xf32>,
      %get3A_568 = vector.shape_cast %get3A_567 : vector<16xf32> to vector<16xf32>
      %add3A_569 = arith.addf %get3A_563, %get3A_568 : vector<16xf32>
      %swap3A_570 = arith.constant 96 : index
      %swap3A_571 = tpu.vector_load %arg9[%swap3A_570] {strides = array<i32>} : memref<256xf32, #tpu.memory_space<vmem>>, vector<16xf32>,
      %swap3A_572 = vector.shape_cast %swap3A_571 : vector<16xf32> to vector<16xf32>
      %swap3A_573 = vector.shape_cast %add3A_569 : vector<16xf32> to vector<16xf32>
      tpu.vector_store %arg9[%swap3A_570], %swap3A_573 {strides = array<i32>} : memref<256xf32, #tpu.memory_space<vmem>>, vector<16xf32>,
      %get3A_574 = arith.constant 112 : index
      %get3A_575 = tpu.vector_load %arg9[%get3A_574] {strides = array<i32>} : memref<256xf32, #tpu.memory_space<vmem>>, vector<16xf32>,
      %get3A_576 = vector.shape_cast %get3A_575 : vector<16xf32> to vector<16xf32>
      %add3A_577 = arith.constant 112 : i32
      %add3A_578 = arith.addi %mul3A_483, %add3A_577 : i32
      %get3A_579 = arith.index_cast %add3A_578 : i32 to index
      %get3A_580 = tpu.vector_load %arg8[%get3A_579] {strides = array<i32>} : memref<16384xf32, #tpu.memory_space<vmem>>, vector<16xf32>,
      %get3A_581 = vector.shape_cast %get3A_580 : vector<16xf32> to vector<16xf32>
      %add3A_582 = arith.addf %get3A_576, %get3A_581 : vector<16xf32>
      %swap3A_583 = arith.constant 112 : index
      %swap3A_584 = tpu.vector_load %arg9[%swap3A_583] {strides = array<i32>} : memref<256xf32, #tpu.memory_space<vmem>>, vector<16xf32>,
      %swap3A_585 = vector.shape_cast %swap3A_584 : vector<16xf32> to vector<16xf32>
      %swap3A_586 = vector.shape_cast %add3A_582 : vector<16xf32> to vector<16xf32>
      tpu.vector_store %arg9[%swap3A_583], %swap3A_586 {strides = array<i32>} : memref<256xf32, #tpu.memory_space<vmem>>, vector<16xf32>,
      %get3A_587 = arith.constant 128 : index
      %get3A_588 = tpu.vector_load %arg9[%get3A_587] {strides = array<i32>} : memref<256xf32, #tpu.memory_space<vmem>>, vector<16xf32>,
      %get3A_589 = vector.shape_cast %get3A_588 : vector<16xf32> to vector<16xf32>
      %add3A_590 = arith.constant 128 : i32
      %add3A_591 = arith.addi %mul3A_483, %add3A_590 : i32
      %get3A_592 = arith.index_cast %add3A_591 : i32 to index
      %get3A_593 = tpu.vector_load %arg8[%get3A_592] {strides = array<i32>} : memref<16384xf32, #tpu.memory_space<vmem>>, vector<16xf32>,
      %get3A_594 = vector.shape_cast %get3A_593 : vector<16xf32> to vector<16xf32>
      %add3A_595 = arith.addf %get3A_589, %get3A_594 : vector<16xf32>
      %swap3A_596 = arith.constant 128 : index
      %swap3A_597 = tpu.vector_load %arg9[%swap3A_596] {strides = array<i32>} : memref<256xf32, #tpu.memory_space<vmem>>, vector<16xf32>,
      %swap3A_598 = vector.shape_cast %swap3A_597 : vector<16xf32> to vector<16xf32>
      %swap3A_599 = vector.shape_cast %add3A_595 : vector<16xf32> to vector<16xf32>
      tpu.vector_store %arg9[%swap3A_596], %swap3A_599 {strides = array<i32>} : memref<256xf32, #tpu.memory_space<vmem>>, vector<16xf32>,
      %get3A_600 = arith.constant 144 : index
      %get3A_601 = tpu.vector_load %arg9[%get3A_600] {strides = array<i32>} : memref<256xf32, #tpu.memory_space<vmem>>, vector<16xf32>,
      %get3A_602 = vector.shape_cast %get3A_601 : vector<16xf32> to vector<16xf32>
      %add3A_603 = arith.constant 144 : i32
      %add3A_604 = arith.addi %mul3A_483, %add3A_603 : i32
      %get3A_605 = arith.index_cast %add3A_604 : i32 to index
      %get3A_606 = tpu.vector_load %arg8[%get3A_605] {strides = array<i32>} : memref<16384xf32, #tpu.memory_space<vmem>>, vector<16xf32>,
      %get3A_607 = vector.shape_cast %get3A_606 : vector<16xf32> to vector<16xf32>
      %add3A_608 = arith.addf %get3A_602, %get3A_607 : vector<16xf32>
      %swap3A_609 = arith.constant 144 : index
      %swap3A_610 = tpu.vector_load %arg9[%swap3A_609] {strides = array<i32>} : memref<256xf32, #tpu.memory_space<vmem>>, vector<16xf32>,
      %swap3A_611 = vector.shape_cast %swap3A_610 : vector<16xf32> to vector<16xf32>
      %swap3A_612 = vector.shape_cast %add3A_608 : vector<16xf32> to vector<16xf32>
      tpu.vector_store %arg9[%swap3A_609], %swap3A_612 {strides = array<i32>} : memref<256xf32, #tpu.memory_space<vmem>>, vector<16xf32>,
      %get3A_613 = arith.constant 160 : index
      %get3A_614 = tpu.vector_load %arg9[%get3A_613] {strides = array<i32>} : memref<256xf32, #tpu.memory_space<vmem>>, vector<16xf32>,
      %get3A_615 = vector.shape_cast %get3A_614 : vector<16xf32> to vector<16xf32>
      %add3A_616 = arith.constant 160 : i32
      %add3A_617 = arith.addi %mul3A_483, %add3A_616 : i32
      %get3A_618 = arith.index_cast %add3A_617 : i32 to index
      %get3A_619 = tpu.vector_load %arg8[%get3A_618] {strides = array<i32>} : memref<16384xf32, #tpu.memory_space<vmem>>, vector<16xf32>,
      %get3A_620 = vector.shape_cast %get3A_619 : vector<16xf32> to vector<16xf32>
      %add3A_621 = arith.addf %get3A_615, %get3A_620 : vector<16xf32>
      %swap3A_622 = arith.constant 160 : index
      %swap3A_623 = tpu.vector_load %arg9[%swap3A_622] {strides = array<i32>} : memref<256xf32, #tpu.memory_space<vmem>>, vector<16xf32>,
      %swap3A_624 = vector.shape_cast %swap3A_623 : vector<16xf32> to vector<16xf32>
      %swap3A_625 = vector.shape_cast %add3A_621 : vector<16xf32> to vector<16xf32>
      tpu.vector_store %arg9[%swap3A_622], %swap3A_625 {strides = array<i32>} : memref<256xf32, #tpu.memory_space<vmem>>, vector<16xf32>,
      %get3A_626 = arith.constant 176 : index
      %get3A_627 = tpu.vector_load %arg9[%get3A_626] {strides = array<i32>} : memref<256xf32, #tpu.memory_space<vmem>>, vector<16xf32>,
      %get3A_628 = vector.shape_cast %get3A_627 : vector<16xf32> to vector<16xf32>
      %add3A_629 = arith.constant 176 : i32
      %add3A_630 = arith.addi %mul3A_483, %add3A_629 : i32
      %get3A_631 = arith.index_cast %add3A_630 : i32 to index
      %get3A_632 = tpu.vector_load %arg8[%get3A_631] {strides = array<i32>} : memref<16384xf32, #tpu.memory_space<vmem>>, vector<16xf32>,
      %get3A_633 = vector.shape_cast %get3A_632 : vector<16xf32> to vector<16xf32>
      %add3A_634 = arith.addf %get3A_628, %get3A_633 : vector<16xf32>
      %swap3A_635 = arith.constant 176 : index
      %swap3A_636 = tpu.vector_load %arg9[%swap3A_635] {strides = array<i32>} : memref<256xf32, #tpu.memory_space<vmem>>, vector<16xf32>,
      %swap3A_637 = vector.shape_cast %swap3A_636 : vector<16xf32> to vector<16xf32>
      %swap3A_638 = vector.shape_cast %add3A_634 : vector<16xf32> to vector<16xf32>
      tpu.vector_store %arg9[%swap3A_635], %swap3A_638 {strides = array<i32>} : memref<256xf32, #tpu.memory_space<vmem>>, vector<16xf32>,
      %get3A_639 = arith.constant 192 : index
      %get3A_640 = tpu.vector_load %arg9[%get3A_639] {strides = array<i32>} : memref<256xf32, #tpu.memory_space<vmem>>, vector<16xf32>,
      %get3A_641 = vector.shape_cast %get3A_640 : vector<16xf32> to vector<16xf32>
      %add3A_642 = arith.constant 192 : i32
      %add3A_643 = arith.addi %mul3A_483, %add3A_642 : i32
      %get3A_644 = arith.index_cast %add3A_643 : i32 to index
      %get3A_645 = tpu.vector_load %arg8[%get3A_644] {strides = array<i32>} : memref<16384xf32, #tpu.memory_space<vmem>>, vector<16xf32>,
      %get3A_646 = vector.shape_cast %get3A_645 : vector<16xf32> to vector<16xf32>
      %add3A_647 = arith.addf %get3A_641, %get3A_646 : vector<16xf32>
      %swap3A_648 = arith.constant 192 : index
      %swap3A_649 = tpu.vector_load %arg9[%swap3A_648] {strides = array<i32>} : memref<256xf32, #tpu.memory_space<vmem>>, vector<16xf32>,
      %swap3A_650 = vector.shape_cast %swap3A_649 : vector<16xf32> to vector<16xf32>
      %swap3A_651 = vector.shape_cast %add3A_647 : vector<16xf32> to vector<16xf32>
      tpu.vector_store %arg9[%swap3A_648], %swap3A_651 {strides = array<i32>} : memref<256xf32, #tpu.memory_space<vmem>>, vector<16xf32>,
      %get3A_652 = arith.constant 208 : index
      %get3A_653 = tpu.vector_load %arg9[%get3A_652] {strides = array<i32>} : memref<256xf32, #tpu.memory_space<vmem>>, vector<16xf32>,
      %get3A_654 = vector.shape_cast %get3A_653 : vector<16xf32> to vector<16xf32>
      %add3A_655 = arith.constant 208 : i32
      %add3A_656 = arith.addi %mul3A_483, %add3A_655 : i32
      %get3A_657 = arith.index_cast %add3A_656 : i32 to index
      %get3A_658 = tpu.vector_load %arg8[%get3A_657] {strides = array<i32>} : memref<16384xf32, #tpu.memory_space<vmem>>, vector<16xf32>,
      %get3A_659 = vector.shape_cast %get3A_658 : vector<16xf32> to vector<16xf32>
      %add3A_660 = arith.addf %get3A_654, %get3A_659 : vector<16xf32>
      %swap3A_661 = arith.constant 208 : index
      %swap3A_662 = tpu.vector_load %arg9[%swap3A_661] {strides = array<i32>} : memref<256xf32, #tpu.memory_space<vmem>>, vector<16xf32>,
      %swap3A_663 = vector.shape_cast %swap3A_662 : vector<16xf32> to vector<16xf32>
      %swap3A_664 = vector.shape_cast %add3A_660 : vector<16xf32> to vector<16xf32>
      tpu.vector_store %arg9[%swap3A_661], %swap3A_664 {strides = array<i32>} : memref<256xf32, #tpu.memory_space<vmem>>, vector<16xf32>,
      %get3A_665 = arith.constant 224 : index
      %get3A_666 = tpu.vector_load %arg9[%get3A_665] {strides = array<i32>} : memref<256xf32, #tpu.memory_space<vmem>>, vector<16xf32>,
      %get3A_667 = vector.shape_cast %get3A_666 : vector<16xf32> to vector<16xf32>
      %add3A_668 = arith.constant 224 : i32
      %add3A_669 = arith.addi %mul3A_483, %add3A_668 : i32
      %get3A_670 = arith.index_cast %add3A_669 : i32 to index
      %get3A_671 = tpu.vector_load %arg8[%get3A_670] {strides = array<i32>} : memref<16384xf32, #tpu.memory_space<vmem>>, vector<16xf32>,
      %get3A_672 = vector.shape_cast %get3A_671 : vector<16xf32> to vector<16xf32>
      %add3A_673 = arith.addf %get3A_667, %get3A_672 : vector<16xf32>
      %swap3A_674 = arith.constant 224 : index
      %swap3A_675 = tpu.vector_load %arg9[%swap3A_674] {strides = array<i32>} : memref<256xf32, #tpu.memory_space<vmem>>, vector<16xf32>,
      %swap3A_676 = vector.shape_cast %swap3A_675 : vector<16xf32> to vector<16xf32>
      %swap3A_677 = vector.shape_cast %add3A_673 : vector<16xf32> to vector<16xf32>
      tpu.vector_store %arg9[%swap3A_674], %swap3A_677 {strides = array<i32>} : memref<256xf32, #tpu.memory_space<vmem>>, vector<16xf32>,
      %get3A_678 = arith.constant 240 : index
      %get3A_679 = tpu.vector_load %arg9[%get3A_678] {strides = array<i32>} : memref<256xf32, #tpu.memory_space<vmem>>, vector<16xf32>,
      %get3A_680 = vector.shape_cast %get3A_679 : vector<16xf32> to vector<16xf32>
      %add3A_681 = arith.constant 240 : i32
      %add3A_682 = arith.addi %mul3A_483, %add3A_681 : i32
      %get3A_683 = arith.index_cast %add3A_682 : i32 to index
      %get3A_684 = tpu.vector_load %arg8[%get3A_683] {strides = array<i32>} : memref<16384xf32, #tpu.memory_space<vmem>>, vector<16xf32>,
      %get3A_685 = vector.shape_cast %get3A_684 : vector<16xf32> to vector<16xf32>
      %add3A_686 = arith.addf %get3A_680, %get3A_685 : vector<16xf32>
      %swap3A_687 = arith.constant 240 : index
      %swap3A_688 = tpu.vector_load %arg9[%swap3A_687] {strides = array<i32>} : memref<256xf32, #tpu.memory_space<vmem>>, vector<16xf32>,
      %swap3A_689 = vector.shape_cast %swap3A_688 : vector<16xf32> to vector<16xf32>
      %swap3A_690 = vector.shape_cast %add3A_686 : vector<16xf32> to vector<16xf32>
      tpu.vector_store %arg9[%swap3A_687], %swap3A_690 {strides = array<i32>} : memref<256xf32, #tpu.memory_space<vmem>>, vector<16xf32>,
      %scan3A_691 = arith.constant 0 : i32
      scf.yield %scan3A_691 : i32
    }
    %scan3A_473 = arith.constant 64 : i32
    "tpu.region"() ({
      %run_scoped3A = tpu.sem_alloc : memref<!tpu.dma_semaphore, #tpu.memory_space<semaphore_mem>>
      %dma_start3A_480 = arith.constant 0 : i32
      %dma_start3A_481 = tpu.memref_slice %arg12[%dma_start3A_480] : memref<1024xf32, #tpu.memory_space<vmem_shared>> -> memref<1024xf32, #tpu.memory_space<vmem_shared>>
      tpu.enqueue_indirect_dma source(%arg9 : memref<256xf32, #tpu.memory_space<vmem>>) target(%dma_start3A_481 : memref<1024xf32, #tpu.memory_space<vmem_shared>>) offsets(%arg10 : memref<256xi32, #tpu.memory_space<vmem>>) semaphore(%run_scoped3A : memref<!tpu.dma_semaphore, #tpu.memory_space<semaphore_mem>>) {add = true}
      %dma_wait3A_482 = arith.constant 0 : i32
      %dma_wait3A_483 = tpu.memref_slice %arg12[%dma_wait3A_482] : memref<1024xf32, #tpu.memory_space<vmem_shared>> -> memref<1024xf32, #tpu.memory_space<vmem_shared>>
      tpu.wait_indirect_dma semaphore(%run_scoped3A : memref<!tpu.dma_semaphore, #tpu.memory_space<semaphore_mem>>) src(%arg9 : memref<256xf32, #tpu.memory_space<vmem>>) dst(%dma_wait3A_483 : memref<1024xf32, #tpu.memory_space<vmem_shared>>)
      tpu.yield
    }) : () -> ()
    %barrier3A_474 = arith.constant 0 : index
    tpu.barrier barrier_id(%barrier3A_474)
    %eq3A_475 = arith.constant 0 : i32
    %eq3A_476 = arith.cmpi eq, %arg1, %eq3A_475 : i32
    %convert_element_type3A_477 = arith.extui %eq3A_476 : i1 to i32
    %cond3A_478 = arith.constant 0 : i32
    %cond3A_479 = arith.cmpi ne, %convert_element_type3A_477, %cond3A_478 : i32
    scf.if %cond3A_479 {
      "tpu.region"() ({
        %run_scoped3A = tpu.sem_alloc : memref<!tpu.dma_semaphore, #tpu.memory_space<semaphore_mem>>
        tpu.enqueue_dma source(%arg12 : memref<1024xf32, #tpu.memory_space<vmem_shared>>) target(%arg11 : memref<1024xf32, #tpu.memory_space<vmem>>) target_semaphore(%run_scoped3A : memref<!tpu.dma_semaphore, #tpu.memory_space<semaphore_mem>>)
        tpu.wait_dma2 semaphore(%run_scoped3A : memref<!tpu.dma_semaphore, #tpu.memory_space<semaphore_mem>>) src(%arg12 : memref<1024xf32, #tpu.memory_space<vmem_shared>>) dst(%arg11 : memref<1024xf32, #tpu.memory_space<vmem>>)
        tpu.yield
      }) : () -> ()
      %scan3A_480 = arith.constant 0 : i32
      %scan3A_481 = arith.constant 0 : i32
      %scan3A_482 = arith.constant 64 : i32
      %scan3A_483 = arith.addi %scan3A_481, %scan3A_482 : i32
      %scan3A_484 = arith.constant 1 : i32
      %scan3A_485 = scf.for %scan3A_491 = %scan3A_481 to %scan3A_483 step %scan3A_484 iter_args(%scan3A_492 = %scan3A_480) -> (i32)  : i32 {
        %mul3A_493 = arith.constant 16 : i32
        %mul3A_494 = arith.muli %scan3A_491, %mul3A_493 : i32
        %get3A = arith.index_cast %mul3A_494 : i32 to index
        %get3A_495 = tpu.vector_load %arg11[%get3A] {strides = array<i32>} : memref<1024xf32, #tpu.memory_space<vmem>>, vector<16xf32>,
        %get3A_496 = vector.shape_cast %get3A_495 : vector<16xf32> to vector<16xf32>
        %mul3A_497 = arith.constant 3.906250e-03 : f32
        %mul3A_498 = vector.broadcast %mul3A_497 : f32 to vector<16xf32>
        %mul3A_499 = arith.mulf %get3A_496, %mul3A_498 : vector<16xf32>
        %mul3A_500 = arith.constant 16 : i32
        %mul3A_501 = arith.muli %scan3A_491, %mul3A_500 : i32
        %swap3A_502 = arith.index_cast %mul3A_501 : i32 to index
        %swap3A_503 = tpu.vector_load %arg11[%swap3A_502] {strides = array<i32>} : memref<1024xf32, #tpu.memory_space<vmem>>, vector<16xf32>,
        %swap3A_504 = vector.shape_cast %swap3A_503 : vector<16xf32> to vector<16xf32>
        %swap3A_505 = vector.shape_cast %mul3A_499 : vector<16xf32> to vector<16xf32>
        tpu.vector_store %arg11[%swap3A_502], %swap3A_505 {strides = array<i32>} : memref<1024xf32, #tpu.memory_space<vmem>>, vector<16xf32>,
        %scan3A_506 = arith.constant 0 : i32
        scf.yield %scan3A_506 : i32
      }
      %scan3A_486 = arith.constant 64 : i32
      %mul3A_487 = arith.constant 4 : i32
      %mul3A_488 = arith.muli %arg0, %mul3A_487 : i32
      %mul3A_489 = arith.constant 256 : i32
      %mul3A_490 = arith.muli %mul3A_488, %mul3A_489 : i32
      "tpu.region"() ({
        %run_scoped3A = tpu.sem_alloc : memref<!tpu.dma_semaphore, #tpu.memory_space<semaphore_mem>>
        %dma_start3A_491 = tpu.memref_slice %arg4[%mul3A_490] : memref<2048xf32, #tpu.memory_space<hbm>> -> memref<1024xf32, #tpu.memory_space<hbm>>
        %dma_start3A_492 = tpu.memref_slice %arg4[%mul3A_490] : memref<2048xf32, #tpu.memory_space<hbm>> -> memref<1024xf32, #tpu.memory_space<hbm>>
        tpu.enqueue_dma source(%arg11 : memref<1024xf32, #tpu.memory_space<vmem>>) target(%dma_start3A_492 : memref<1024xf32, #tpu.memory_space<hbm>>) target_semaphore(%run_scoped3A : memref<!tpu.dma_semaphore, #tpu.memory_space<semaphore_mem>>)
        %dma_wait3A_493 = tpu.memref_slice %arg4[%mul3A_490] : memref<2048xf32, #tpu.memory_space<hbm>> -> memref<1024xf32, #tpu.memory_space<hbm>>
        %dma_wait3A_494 = tpu.memref_slice %arg4[%mul3A_490] : memref<2048xf32, #tpu.memory_space<hbm>> -> memref<1024xf32, #tpu.memory_space<hbm>>
        tpu.wait_dma2 semaphore(%run_scoped3A : memref<!tpu.dma_semaphore, #tpu.memory_space<semaphore_mem>>) src(%arg11 : memref<1024xf32, #tpu.memory_space<vmem>>) dst(%dma_wait3A_494 : memref<1024xf32, #tpu.memory_space<hbm>>)
        tpu.yield
      }) : () -> ()
    } else {
    }
    return
  }
}

module attributes {stable_mosaic.version = 14 : i64} {
  func.func @_score_body(%arg0: i32, %arg1: i32, %arg2: memref<1x256xf32, #tpu.memory_space<vmem>>, %arg3: memref<1x256x2048xf32, #tpu.memory_space<vmem>>, %arg4: memref<1x1x2048xf32, #tpu.memory_space<vmem>>) attributes {dimension_semantics = [#tpu.dimension_semantics<arbitrary>, #tpu.dimension_semantics<arbitrary>], iteration_bounds = array<i64: 8, 16>, scalar_prefetch = 0 : i64, scratch_operands = 0 : i64, tpu.core_type = #tpu.core_type<tc>, window_params = [{pipeline_mode = #tpu.pipeline_mode<synchronous>, transform_indices = @transform_0, window_bounds = array<i64: 1, 256>}, {transform_indices = @transform_1, window_bounds = array<i64: 1, 256, 2048>}, {transform_indices = @transform_2, window_bounds = array<i64: 1, 1, 2048>}]} {
    %get3A = arith.constant 0 : index
    %get3A_0 = arith.constant 0 : index
    %get3A_1 = arith.constant 0 : index
    %get3A_2 = vector.load %arg3[%get3A, %get3A_0, %get3A_1] : memref<1x256x2048xf32, #tpu.memory_space<vmem>>, vector<1x256x2048xf32>
    %get3A_3 = vector.shape_cast %get3A_2 : vector<1x256x2048xf32> to vector<256x2048xf32>
    %get3A_4 = arith.constant 0 : index
    %get3A_5 = arith.constant 0 : index
    %get3A_6 = vector.load %arg2[%get3A_4, %get3A_5] : memref<1x256xf32, #tpu.memory_space<vmem>>, vector<1x256xf32>
    %dot_general3A = arith.constant dense<0.000000e+00> : vector<1x2048xf32>
    %dot_general3A_7 = tpu.matmul %get3A_6, %get3A_3, %dot_general3A {dimension_numbers = #tpu.dot_dimension_numbers<[1], [0], [0], [1], [0, 0, 1, 1], [], []>, transpose_lhs_hint = false} : vector<1x256xf32>, vector<256x2048xf32>, vector<1x2048xf32> -> vector<1x2048xf32>
    %swap3A = arith.constant 0 : index
    %swap3A_8 = arith.constant 0 : index
    %swap3A_9 = arith.constant 0 : index
    %swap3A_10 = vector.load %arg4[%swap3A, %swap3A_8, %swap3A_9] : memref<1x1x2048xf32, #tpu.memory_space<vmem>>, vector<1x1x2048xf32>
    %swap3A_11 = vector.shape_cast %swap3A_10 : vector<1x1x2048xf32> to vector<1x2048xf32>
    %swap3A_12 = vector.shape_cast %dot_general3A_7 : vector<1x2048xf32> to vector<1x1x2048xf32>
    tpu.vector_store %arg4[%swap3A, %swap3A_8, %swap3A_9], %swap3A_12 {strides = array<i32>} : memref<1x1x2048xf32, #tpu.memory_space<vmem>>, vector<1x1x2048xf32>,
    return
  }
  func.func @transform_0(%arg0: i32, %arg1: i32) -> (i32, i32) {
    %c0_i32 = arith.constant 0 : i32
    %c0_i32_0 = arith.constant 0 : i32
    %c0_i32_1 = arith.constant 0 : i32
    return %c0_i32, %c0_i32_0 : i32, i32
  }
  func.func @transform_1(%arg0: i32, %arg1: i32) -> (i32, i32, i32) {
    %c0_i32 = arith.constant 0 : i32
    %c0_i32_0 = arith.constant 0 : i32
    return %arg0, %c0_i32, %arg1 : i32, i32, i32
  }
  func.func @transform_2(%arg0: i32, %arg1: i32) -> (i32, i32, i32) {
    %mul3A = arith.constant 16 : i32
    %mul3A_0 = arith.muli %arg0, %mul3A : i32
    %add3A = arith.addi %mul3A_0, %arg1 : i32
    %c0_i32 = arith.constant 0 : i32
    %c0_i32_1 = arith.constant 0 : i32
    %c0_i32_2 = arith.constant 0 : i32
    return %add3A, %c0_i32, %c0_i32_1 : i32, i32, i32
  }
}

module attributes {stable_mosaic.version = 14 : i64} {
  func.func @_select_body(%arg0: memref<8x32768xf32, #tpu.memory_space<vmem>>, %arg1: memref<8x16x16xi32, #tpu.memory_space<vmem>>, %arg2: memref<8x256x16xi32, #tpu.memory_space<vmem>>) attributes {dimension_semantics = [], scalar_prefetch = 0 : i64, scratch_operands = 0 : i64, tpu.core_type = #tpu.core_type<tc>} {
    %get3A = arith.constant 0 : index
    %get3A_0 = arith.constant 0 : index
    %get3A_1 = vector.load %arg0[%get3A, %get3A_0] : memref<8x32768xf32, #tpu.memory_space<vmem>>, vector<8x32768xf32>
    %bitcast_convert_type3A = tpu.bitcast %get3A_1 : vector<8x32768xf32> -> vector<8x32768xi32>
    %ge3A = arith.constant 0 : i32
    %ge3A_2 = vector.broadcast %ge3A : i32 to vector<8x32768xi32>
    %ge3A_3 = arith.cmpi sge, %bitcast_convert_type3A, %ge3A_2 : vector<8x32768xi32>
    %xor3A = arith.constant 2147483647 : i32
    %xor3A_4 = vector.broadcast %xor3A : i32 to vector<8x32768xi32>
    %xor3A_5 = arith.xori %bitcast_convert_type3A, %xor3A_4 : vector<8x32768xi32>
    %select_n3A = arith.select %ge3A_3, %bitcast_convert_type3A, %xor3A_5 : vector<8x32768xi1>, vector<8x32768xi32>
    %xor3A_6 = arith.constant -2147483648 : i32
    %xor3A_7 = vector.broadcast %xor3A_6 : i32 to vector<8x32768xi32>
    %xor3A_8 = arith.xori %select_n3A, %xor3A_7 : vector<8x32768xi32>
    %broadcast_in_dim3A = arith.constant 0 : i32
    %broadcast_in_dim3A_9 = vector.broadcast %broadcast_in_dim3A : i32 to vector<8x1xi32>
    %broadcast_in_dim3A_10 = arith.constant 256 : i32
    %broadcast_in_dim3A_11 = vector.broadcast %broadcast_in_dim3A_10 : i32 to vector<8x1xi32>
    %not3A = arith.constant -1 : i32
    %not3A_12 = arith.constant -1 : i32
    %not3A_13 = arith.xori %not3A, %not3A_12 : i32
    %and3A = vector.broadcast %not3A_13 : i32 to vector<8x32768xi32>
    %and3A_14 = arith.andi %xor3A_8, %and3A : vector<8x32768xi32>
    %eq3A = vector.broadcast %broadcast_in_dim3A_9 : vector<8x1xi32> to vector<8x32768xi32>
    %eq3A_15 = arith.cmpi eq, %and3A_14, %eq3A : vector<8x32768xi32>
    %and3A_16 = arith.constant -2147483648 : i32
    %and3A_17 = vector.broadcast %and3A_16 : i32 to vector<8x32768xi32>
    %and3A_18 = arith.andi %xor3A_8, %and3A_17 : vector<8x32768xi32>
    %ne3A = arith.constant 0 : i32
    %ne3A_19 = vector.broadcast %ne3A : i32 to vector<8x32768xi32>
    %ne3A_20 = arith.cmpi ne, %and3A_18, %ne3A_19 : vector<8x32768xi32>
    %and3A_21 = arith.andi %eq3A_15, %ne3A_20 : vector<8x32768xi1>
    %convert_element_type3A = arith.extui %and3A_21 : vector<8x32768xi1> to vector<8x32768xi32>
    %reduce_sum3A = arith.constant dense<0> : vector<8xi32>
    %reduce_sum3A_22 = vector.multi_reduction <add>, %convert_element_type3A, %reduce_sum3A [1] : vector<8x32768xi32> to vector<8xi32>
    %broadcast_in_dim3A_23 = vector.shape_cast %reduce_sum3A_22 : vector<8xi32> to vector<8x1xi32>
    %ge3A_24 = arith.cmpi sge, %broadcast_in_dim3A_23, %broadcast_in_dim3A_11 : vector<8x1xi32>
    %or3A = arith.constant -2147483648 : i32
    %or3A_25 = vector.broadcast %or3A : i32 to vector<8x1xi32>
    %or3A_26 = arith.ori %broadcast_in_dim3A_9, %or3A_25 : vector<8x1xi32>
    %select_n3A_27 = arith.select %ge3A_24, %or3A_26, %broadcast_in_dim3A_9 : vector<8x1xi1>, vector<8x1xi32>
    %sub3A = arith.subi %broadcast_in_dim3A_11, %broadcast_in_dim3A_23 : vector<8x1xi32>
    %select_n3A_28 = arith.select %ge3A_24, %broadcast_in_dim3A_11, %sub3A : vector<8x1xi1>, vector<8x1xi32>
    %not3A_29 = arith.constant 2147483647 : i32
    %not3A_30 = arith.constant -1 : i32
    %not3A_31 = arith.xori %not3A_29, %not3A_30 : i32
    %and3A_32 = vector.broadcast %not3A_31 : i32 to vector<8x32768xi32>
    %and3A_33 = arith.andi %xor3A_8, %and3A_32 : vector<8x32768xi32>
    %eq3A_34 = vector.broadcast %select_n3A_27 : vector<8x1xi32> to vector<8x32768xi32>
    %eq3A_35 = arith.cmpi eq, %and3A_33, %eq3A_34 : vector<8x32768xi32>
    %and3A_36 = arith.constant 1073741824 : i32
    %and3A_37 = vector.broadcast %and3A_36 : i32 to vector<8x32768xi32>
    %and3A_38 = arith.andi %xor3A_8, %and3A_37 : vector<8x32768xi32>
    %ne3A_39 = arith.constant 0 : i32
    %ne3A_40 = vector.broadcast %ne3A_39 : i32 to vector<8x32768xi32>
    %ne3A_41 = arith.cmpi ne, %and3A_38, %ne3A_40 : vector<8x32768xi32>
    %and3A_42 = arith.andi %eq3A_35, %ne3A_41 : vector<8x32768xi1>
    %convert_element_type3A_43 = arith.extui %and3A_42 : vector<8x32768xi1> to vector<8x32768xi32>
    %reduce_sum3A_44 = arith.constant dense<0> : vector<8xi32>
    %reduce_sum3A_45 = vector.multi_reduction <add>, %convert_element_type3A_43, %reduce_sum3A_44 [1] : vector<8x32768xi32> to vector<8xi32>
    %broadcast_in_dim3A_46 = vector.shape_cast %reduce_sum3A_45 : vector<8xi32> to vector<8x1xi32>
    %ge3A_47 = arith.cmpi sge, %broadcast_in_dim3A_46, %select_n3A_28 : vector<8x1xi32>
    %or3A_48 = arith.constant 1073741824 : i32
    %or3A_49 = vector.broadcast %or3A_48 : i32 to vector<8x1xi32>
    %or3A_50 = arith.ori %select_n3A_27, %or3A_49 : vector<8x1xi32>
    %select_n3A_51 = arith.select %ge3A_47, %or3A_50, %select_n3A_27 : vector<8x1xi1>, vector<8x1xi32>
    %sub3A_52 = arith.subi %select_n3A_28, %broadcast_in_dim3A_46 : vector<8x1xi32>
    %select_n3A_53 = arith.select %ge3A_47, %select_n3A_28, %sub3A_52 : vector<8x1xi1>, vector<8x1xi32>
    %not3A_54 = arith.constant 1073741823 : i32
    %not3A_55 = arith.constant -1 : i32
    %not3A_56 = arith.xori %not3A_54, %not3A_55 : i32
    %and3A_57 = vector.broadcast %not3A_56 : i32 to vector<8x32768xi32>
    %and3A_58 = arith.andi %xor3A_8, %and3A_57 : vector<8x32768xi32>
    %eq3A_59 = vector.broadcast %select_n3A_51 : vector<8x1xi32> to vector<8x32768xi32>
    %eq3A_60 = arith.cmpi eq, %and3A_58, %eq3A_59 : vector<8x32768xi32>
    %and3A_61 = arith.constant 536870912 : i32
    %and3A_62 = vector.broadcast %and3A_61 : i32 to vector<8x32768xi32>
    %and3A_63 = arith.andi %xor3A_8, %and3A_62 : vector<8x32768xi32>
    %ne3A_64 = arith.constant 0 : i32
    %ne3A_65 = vector.broadcast %ne3A_64 : i32 to vector<8x32768xi32>
    %ne3A_66 = arith.cmpi ne, %and3A_63, %ne3A_65 : vector<8x32768xi32>
    %and3A_67 = arith.andi %eq3A_60, %ne3A_66 : vector<8x32768xi1>
    %convert_element_type3A_68 = arith.extui %and3A_67 : vector<8x32768xi1> to vector<8x32768xi32>
    %reduce_sum3A_69 = arith.constant dense<0> : vector<8xi32>
    %reduce_sum3A_70 = vector.multi_reduction <add>, %convert_element_type3A_68, %reduce_sum3A_69 [1] : vector<8x32768xi32> to vector<8xi32>
    %broadcast_in_dim3A_71 = vector.shape_cast %reduce_sum3A_70 : vector<8xi32> to vector<8x1xi32>
    %ge3A_72 = arith.cmpi sge, %broadcast_in_dim3A_71, %select_n3A_53 : vector<8x1xi32>
    %or3A_73 = arith.constant 536870912 : i32
    %or3A_74 = vector.broadcast %or3A_73 : i32 to vector<8x1xi32>
    %or3A_75 = arith.ori %select_n3A_51, %or3A_74 : vector<8x1xi32>
    %select_n3A_76 = arith.select %ge3A_72, %or3A_75, %select_n3A_51 : vector<8x1xi1>, vector<8x1xi32>
    %sub3A_77 = arith.subi %select_n3A_53, %broadcast_in_dim3A_71 : vector<8x1xi32>
    %select_n3A_78 = arith.select %ge3A_72, %select_n3A_53, %sub3A_77 : vector<8x1xi1>, vector<8x1xi32>
    %not3A_79 = arith.constant 536870911 : i32
    %not3A_80 = arith.constant -1 : i32
    %not3A_81 = arith.xori %not3A_79, %not3A_80 : i32
    %and3A_82 = vector.broadcast %not3A_81 : i32 to vector<8x32768xi32>
    %and3A_83 = arith.andi %xor3A_8, %and3A_82 : vector<8x32768xi32>
    %eq3A_84 = vector.broadcast %select_n3A_76 : vector<8x1xi32> to vector<8x32768xi32>
    %eq3A_85 = arith.cmpi eq, %and3A_83, %eq3A_84 : vector<8x32768xi32>
    %and3A_86 = arith.constant 268435456 : i32
    %and3A_87 = vector.broadcast %and3A_86 : i32 to vector<8x32768xi32>
    %and3A_88 = arith.andi %xor3A_8, %and3A_87 : vector<8x32768xi32>
    %ne3A_89 = arith.constant 0 : i32
    %ne3A_90 = vector.broadcast %ne3A_89 : i32 to vector<8x32768xi32>
    %ne3A_91 = arith.cmpi ne, %and3A_88, %ne3A_90 : vector<8x32768xi32>
    %and3A_92 = arith.andi %eq3A_85, %ne3A_91 : vector<8x32768xi1>
    %convert_element_type3A_93 = arith.extui %and3A_92 : vector<8x32768xi1> to vector<8x32768xi32>
    %reduce_sum3A_94 = arith.constant dense<0> : vector<8xi32>
    %reduce_sum3A_95 = vector.multi_reduction <add>, %convert_element_type3A_93, %reduce_sum3A_94 [1] : vector<8x32768xi32> to vector<8xi32>
    %broadcast_in_dim3A_96 = vector.shape_cast %reduce_sum3A_95 : vector<8xi32> to vector<8x1xi32>
    %ge3A_97 = arith.cmpi sge, %broadcast_in_dim3A_96, %select_n3A_78 : vector<8x1xi32>
    %or3A_98 = arith.constant 268435456 : i32
    %or3A_99 = vector.broadcast %or3A_98 : i32 to vector<8x1xi32>
    %or3A_100 = arith.ori %select_n3A_76, %or3A_99 : vector<8x1xi32>
    %select_n3A_101 = arith.select %ge3A_97, %or3A_100, %select_n3A_76 : vector<8x1xi1>, vector<8x1xi32>
    %sub3A_102 = arith.subi %select_n3A_78, %broadcast_in_dim3A_96 : vector<8x1xi32>
    %select_n3A_103 = arith.select %ge3A_97, %select_n3A_78, %sub3A_102 : vector<8x1xi1>, vector<8x1xi32>
    %not3A_104 = arith.constant 268435455 : i32
    %not3A_105 = arith.constant -1 : i32
    %not3A_106 = arith.xori %not3A_104, %not3A_105 : i32
    %and3A_107 = vector.broadcast %not3A_106 : i32 to vector<8x32768xi32>
    %and3A_108 = arith.andi %xor3A_8, %and3A_107 : vector<8x32768xi32>
    %eq3A_109 = vector.broadcast %select_n3A_101 : vector<8x1xi32> to vector<8x32768xi32>
    %eq3A_110 = arith.cmpi eq, %and3A_108, %eq3A_109 : vector<8x32768xi32>
    %and3A_111 = arith.constant 134217728 : i32
    %and3A_112 = vector.broadcast %and3A_111 : i32 to vector<8x32768xi32>
    %and3A_113 = arith.andi %xor3A_8, %and3A_112 : vector<8x32768xi32>
    %ne3A_114 = arith.constant 0 : i32
    %ne3A_115 = vector.broadcast %ne3A_114 : i32 to vector<8x32768xi32>
    %ne3A_116 = arith.cmpi ne, %and3A_113, %ne3A_115 : vector<8x32768xi32>
    %and3A_117 = arith.andi %eq3A_110, %ne3A_116 : vector<8x32768xi1>
    %convert_element_type3A_118 = arith.extui %and3A_117 : vector<8x32768xi1> to vector<8x32768xi32>
    %reduce_sum3A_119 = arith.constant dense<0> : vector<8xi32>
    %reduce_sum3A_120 = vector.multi_reduction <add>, %convert_element_type3A_118, %reduce_sum3A_119 [1] : vector<8x32768xi32> to vector<8xi32>
    %broadcast_in_dim3A_121 = vector.shape_cast %reduce_sum3A_120 : vector<8xi32> to vector<8x1xi32>
    %ge3A_122 = arith.cmpi sge, %broadcast_in_dim3A_121, %select_n3A_103 : vector<8x1xi32>
    %or3A_123 = arith.constant 134217728 : i32
    %or3A_124 = vector.broadcast %or3A_123 : i32 to vector<8x1xi32>
    %or3A_125 = arith.ori %select_n3A_101, %or3A_124 : vector<8x1xi32>
    %select_n3A_126 = arith.select %ge3A_122, %or3A_125, %select_n3A_101 : vector<8x1xi1>, vector<8x1xi32>
    %sub3A_127 = arith.subi %select_n3A_103, %broadcast_in_dim3A_121 : vector<8x1xi32>
    %select_n3A_128 = arith.select %ge3A_122, %select_n3A_103, %sub3A_127 : vector<8x1xi1>, vector<8x1xi32>
    %not3A_129 = arith.constant 134217727 : i32
    %not3A_130 = arith.constant -1 : i32
    %not3A_131 = arith.xori %not3A_129, %not3A_130 : i32
    %and3A_132 = vector.broadcast %not3A_131 : i32 to vector<8x32768xi32>
    %and3A_133 = arith.andi %xor3A_8, %and3A_132 : vector<8x32768xi32>
    %eq3A_134 = vector.broadcast %select_n3A_126 : vector<8x1xi32> to vector<8x32768xi32>
    %eq3A_135 = arith.cmpi eq, %and3A_133, %eq3A_134 : vector<8x32768xi32>
    %and3A_136 = arith.constant 67108864 : i32
    %and3A_137 = vector.broadcast %and3A_136 : i32 to vector<8x32768xi32>
    %and3A_138 = arith.andi %xor3A_8, %and3A_137 : vector<8x32768xi32>
    %ne3A_139 = arith.constant 0 : i32
    %ne3A_140 = vector.broadcast %ne3A_139 : i32 to vector<8x32768xi32>
    %ne3A_141 = arith.cmpi ne, %and3A_138, %ne3A_140 : vector<8x32768xi32>
    %and3A_142 = arith.andi %eq3A_135, %ne3A_141 : vector<8x32768xi1>
    %convert_element_type3A_143 = arith.extui %and3A_142 : vector<8x32768xi1> to vector<8x32768xi32>
    %reduce_sum3A_144 = arith.constant dense<0> : vector<8xi32>
    %reduce_sum3A_145 = vector.multi_reduction <add>, %convert_element_type3A_143, %reduce_sum3A_144 [1] : vector<8x32768xi32> to vector<8xi32>
    %broadcast_in_dim3A_146 = vector.shape_cast %reduce_sum3A_145 : vector<8xi32> to vector<8x1xi32>
    %ge3A_147 = arith.cmpi sge, %broadcast_in_dim3A_146, %select_n3A_128 : vector<8x1xi32>
    %or3A_148 = arith.constant 67108864 : i32
    %or3A_149 = vector.broadcast %or3A_148 : i32 to vector<8x1xi32>
    %or3A_150 = arith.ori %select_n3A_126, %or3A_149 : vector<8x1xi32>
    %select_n3A_151 = arith.select %ge3A_147, %or3A_150, %select_n3A_126 : vector<8x1xi1>, vector<8x1xi32>
    %sub3A_152 = arith.subi %select_n3A_128, %broadcast_in_dim3A_146 : vector<8x1xi32>
    %select_n3A_153 = arith.select %ge3A_147, %select_n3A_128, %sub3A_152 : vector<8x1xi1>, vector<8x1xi32>
    %not3A_154 = arith.constant 67108863 : i32
    %not3A_155 = arith.constant -1 : i32
    %not3A_156 = arith.xori %not3A_154, %not3A_155 : i32
    %and3A_157 = vector.broadcast %not3A_156 : i32 to vector<8x32768xi32>
    %and3A_158 = arith.andi %xor3A_8, %and3A_157 : vector<8x32768xi32>
    %eq3A_159 = vector.broadcast %select_n3A_151 : vector<8x1xi32> to vector<8x32768xi32>
    %eq3A_160 = arith.cmpi eq, %and3A_158, %eq3A_159 : vector<8x32768xi32>
    %and3A_161 = arith.constant 33554432 : i32
    %and3A_162 = vector.broadcast %and3A_161 : i32 to vector<8x32768xi32>
    %and3A_163 = arith.andi %xor3A_8, %and3A_162 : vector<8x32768xi32>
    %ne3A_164 = arith.constant 0 : i32
    %ne3A_165 = vector.broadcast %ne3A_164 : i32 to vector<8x32768xi32>
    %ne3A_166 = arith.cmpi ne, %and3A_163, %ne3A_165 : vector<8x32768xi32>
    %and3A_167 = arith.andi %eq3A_160, %ne3A_166 : vector<8x32768xi1>
    %convert_element_type3A_168 = arith.extui %and3A_167 : vector<8x32768xi1> to vector<8x32768xi32>
    %reduce_sum3A_169 = arith.constant dense<0> : vector<8xi32>
    %reduce_sum3A_170 = vector.multi_reduction <add>, %convert_element_type3A_168, %reduce_sum3A_169 [1] : vector<8x32768xi32> to vector<8xi32>
    %broadcast_in_dim3A_171 = vector.shape_cast %reduce_sum3A_170 : vector<8xi32> to vector<8x1xi32>
    %ge3A_172 = arith.cmpi sge, %broadcast_in_dim3A_171, %select_n3A_153 : vector<8x1xi32>
    %or3A_173 = arith.constant 33554432 : i32
    %or3A_174 = vector.broadcast %or3A_173 : i32 to vector<8x1xi32>
    %or3A_175 = arith.ori %select_n3A_151, %or3A_174 : vector<8x1xi32>
    %select_n3A_176 = arith.select %ge3A_172, %or3A_175, %select_n3A_151 : vector<8x1xi1>, vector<8x1xi32>
    %sub3A_177 = arith.subi %select_n3A_153, %broadcast_in_dim3A_171 : vector<8x1xi32>
    %select_n3A_178 = arith.select %ge3A_172, %select_n3A_153, %sub3A_177 : vector<8x1xi1>, vector<8x1xi32>
    %not3A_179 = arith.constant 33554431 : i32
    %not3A_180 = arith.constant -1 : i32
    %not3A_181 = arith.xori %not3A_179, %not3A_180 : i32
    %and3A_182 = vector.broadcast %not3A_181 : i32 to vector<8x32768xi32>
    %and3A_183 = arith.andi %xor3A_8, %and3A_182 : vector<8x32768xi32>
    %eq3A_184 = vector.broadcast %select_n3A_176 : vector<8x1xi32> to vector<8x32768xi32>
    %eq3A_185 = arith.cmpi eq, %and3A_183, %eq3A_184 : vector<8x32768xi32>
    %and3A_186 = arith.constant 16777216 : i32
    %and3A_187 = vector.broadcast %and3A_186 : i32 to vector<8x32768xi32>
    %and3A_188 = arith.andi %xor3A_8, %and3A_187 : vector<8x32768xi32>
    %ne3A_189 = arith.constant 0 : i32
    %ne3A_190 = vector.broadcast %ne3A_189 : i32 to vector<8x32768xi32>
    %ne3A_191 = arith.cmpi ne, %and3A_188, %ne3A_190 : vector<8x32768xi32>
    %and3A_192 = arith.andi %eq3A_185, %ne3A_191 : vector<8x32768xi1>
    %convert_element_type3A_193 = arith.extui %and3A_192 : vector<8x32768xi1> to vector<8x32768xi32>
    %reduce_sum3A_194 = arith.constant dense<0> : vector<8xi32>
    %reduce_sum3A_195 = vector.multi_reduction <add>, %convert_element_type3A_193, %reduce_sum3A_194 [1] : vector<8x32768xi32> to vector<8xi32>
    %broadcast_in_dim3A_196 = vector.shape_cast %reduce_sum3A_195 : vector<8xi32> to vector<8x1xi32>
    %ge3A_197 = arith.cmpi sge, %broadcast_in_dim3A_196, %select_n3A_178 : vector<8x1xi32>
    %or3A_198 = arith.constant 16777216 : i32
    %or3A_199 = vector.broadcast %or3A_198 : i32 to vector<8x1xi32>
    %or3A_200 = arith.ori %select_n3A_176, %or3A_199 : vector<8x1xi32>
    %select_n3A_201 = arith.select %ge3A_197, %or3A_200, %select_n3A_176 : vector<8x1xi1>, vector<8x1xi32>
    %sub3A_202 = arith.subi %select_n3A_178, %broadcast_in_dim3A_196 : vector<8x1xi32>
    %select_n3A_203 = arith.select %ge3A_197, %select_n3A_178, %sub3A_202 : vector<8x1xi1>, vector<8x1xi32>
    %not3A_204 = arith.constant 16777215 : i32
    %not3A_205 = arith.constant -1 : i32
    %not3A_206 = arith.xori %not3A_204, %not3A_205 : i32
    %and3A_207 = vector.broadcast %not3A_206 : i32 to vector<8x32768xi32>
    %and3A_208 = arith.andi %xor3A_8, %and3A_207 : vector<8x32768xi32>
    %eq3A_209 = vector.broadcast %select_n3A_201 : vector<8x1xi32> to vector<8x32768xi32>
    %eq3A_210 = arith.cmpi eq, %and3A_208, %eq3A_209 : vector<8x32768xi32>
    %and3A_211 = arith.constant 8388608 : i32
    %and3A_212 = vector.broadcast %and3A_211 : i32 to vector<8x32768xi32>
    %and3A_213 = arith.andi %xor3A_8, %and3A_212 : vector<8x32768xi32>
    %ne3A_214 = arith.constant 0 : i32
    %ne3A_215 = vector.broadcast %ne3A_214 : i32 to vector<8x32768xi32>
    %ne3A_216 = arith.cmpi ne, %and3A_213, %ne3A_215 : vector<8x32768xi32>
    %and3A_217 = arith.andi %eq3A_210, %ne3A_216 : vector<8x32768xi1>
    %convert_element_type3A_218 = arith.extui %and3A_217 : vector<8x32768xi1> to vector<8x32768xi32>
    %reduce_sum3A_219 = arith.constant dense<0> : vector<8xi32>
    %reduce_sum3A_220 = vector.multi_reduction <add>, %convert_element_type3A_218, %reduce_sum3A_219 [1] : vector<8x32768xi32> to vector<8xi32>
    %broadcast_in_dim3A_221 = vector.shape_cast %reduce_sum3A_220 : vector<8xi32> to vector<8x1xi32>
    %ge3A_222 = arith.cmpi sge, %broadcast_in_dim3A_221, %select_n3A_203 : vector<8x1xi32>
    %or3A_223 = arith.constant 8388608 : i32
    %or3A_224 = vector.broadcast %or3A_223 : i32 to vector<8x1xi32>
    %or3A_225 = arith.ori %select_n3A_201, %or3A_224 : vector<8x1xi32>
    %select_n3A_226 = arith.select %ge3A_222, %or3A_225, %select_n3A_201 : vector<8x1xi1>, vector<8x1xi32>
    %sub3A_227 = arith.subi %select_n3A_203, %broadcast_in_dim3A_221 : vector<8x1xi32>
    %select_n3A_228 = arith.select %ge3A_222, %select_n3A_203, %sub3A_227 : vector<8x1xi1>, vector<8x1xi32>
    %not3A_229 = arith.constant 8388607 : i32
    %not3A_230 = arith.constant -1 : i32
    %not3A_231 = arith.xori %not3A_229, %not3A_230 : i32
    %and3A_232 = vector.broadcast %not3A_231 : i32 to vector<8x32768xi32>
    %and3A_233 = arith.andi %xor3A_8, %and3A_232 : vector<8x32768xi32>
    %eq3A_234 = vector.broadcast %select_n3A_226 : vector<8x1xi32> to vector<8x32768xi32>
    %eq3A_235 = arith.cmpi eq, %and3A_233, %eq3A_234 : vector<8x32768xi32>
    %and3A_236 = arith.constant 4194304 : i32
    %and3A_237 = vector.broadcast %and3A_236 : i32 to vector<8x32768xi32>
    %and3A_238 = arith.andi %xor3A_8, %and3A_237 : vector<8x32768xi32>
    %ne3A_239 = arith.constant 0 : i32
    %ne3A_240 = vector.broadcast %ne3A_239 : i32 to vector<8x32768xi32>
    %ne3A_241 = arith.cmpi ne, %and3A_238, %ne3A_240 : vector<8x32768xi32>
    %and3A_242 = arith.andi %eq3A_235, %ne3A_241 : vector<8x32768xi1>
    %convert_element_type3A_243 = arith.extui %and3A_242 : vector<8x32768xi1> to vector<8x32768xi32>
    %reduce_sum3A_244 = arith.constant dense<0> : vector<8xi32>
    %reduce_sum3A_245 = vector.multi_reduction <add>, %convert_element_type3A_243, %reduce_sum3A_244 [1] : vector<8x32768xi32> to vector<8xi32>
    %broadcast_in_dim3A_246 = vector.shape_cast %reduce_sum3A_245 : vector<8xi32> to vector<8x1xi32>
    %ge3A_247 = arith.cmpi sge, %broadcast_in_dim3A_246, %select_n3A_228 : vector<8x1xi32>
    %or3A_248 = arith.constant 4194304 : i32
    %or3A_249 = vector.broadcast %or3A_248 : i32 to vector<8x1xi32>
    %or3A_250 = arith.ori %select_n3A_226, %or3A_249 : vector<8x1xi32>
    %select_n3A_251 = arith.select %ge3A_247, %or3A_250, %select_n3A_226 : vector<8x1xi1>, vector<8x1xi32>
    %sub3A_252 = arith.subi %select_n3A_228, %broadcast_in_dim3A_246 : vector<8x1xi32>
    %select_n3A_253 = arith.select %ge3A_247, %select_n3A_228, %sub3A_252 : vector<8x1xi1>, vector<8x1xi32>
    %not3A_254 = arith.constant 4194303 : i32
    %not3A_255 = arith.constant -1 : i32
    %not3A_256 = arith.xori %not3A_254, %not3A_255 : i32
    %and3A_257 = vector.broadcast %not3A_256 : i32 to vector<8x32768xi32>
    %and3A_258 = arith.andi %xor3A_8, %and3A_257 : vector<8x32768xi32>
    %eq3A_259 = vector.broadcast %select_n3A_251 : vector<8x1xi32> to vector<8x32768xi32>
    %eq3A_260 = arith.cmpi eq, %and3A_258, %eq3A_259 : vector<8x32768xi32>
    %and3A_261 = arith.constant 2097152 : i32
    %and3A_262 = vector.broadcast %and3A_261 : i32 to vector<8x32768xi32>
    %and3A_263 = arith.andi %xor3A_8, %and3A_262 : vector<8x32768xi32>
    %ne3A_264 = arith.constant 0 : i32
    %ne3A_265 = vector.broadcast %ne3A_264 : i32 to vector<8x32768xi32>
    %ne3A_266 = arith.cmpi ne, %and3A_263, %ne3A_265 : vector<8x32768xi32>
    %and3A_267 = arith.andi %eq3A_260, %ne3A_266 : vector<8x32768xi1>
    %convert_element_type3A_268 = arith.extui %and3A_267 : vector<8x32768xi1> to vector<8x32768xi32>
    %reduce_sum3A_269 = arith.constant dense<0> : vector<8xi32>
    %reduce_sum3A_270 = vector.multi_reduction <add>, %convert_element_type3A_268, %reduce_sum3A_269 [1] : vector<8x32768xi32> to vector<8xi32>
    %broadcast_in_dim3A_271 = vector.shape_cast %reduce_sum3A_270 : vector<8xi32> to vector<8x1xi32>
    %ge3A_272 = arith.cmpi sge, %broadcast_in_dim3A_271, %select_n3A_253 : vector<8x1xi32>
    %or3A_273 = arith.constant 2097152 : i32
    %or3A_274 = vector.broadcast %or3A_273 : i32 to vector<8x1xi32>
    %or3A_275 = arith.ori %select_n3A_251, %or3A_274 : vector<8x1xi32>
    %select_n3A_276 = arith.select %ge3A_272, %or3A_275, %select_n3A_251 : vector<8x1xi1>, vector<8x1xi32>
    %sub3A_277 = arith.subi %select_n3A_253, %broadcast_in_dim3A_271 : vector<8x1xi32>
    %select_n3A_278 = arith.select %ge3A_272, %select_n3A_253, %sub3A_277 : vector<8x1xi1>, vector<8x1xi32>
    %not3A_279 = arith.constant 2097151 : i32
    %not3A_280 = arith.constant -1 : i32
    %not3A_281 = arith.xori %not3A_279, %not3A_280 : i32
    %and3A_282 = vector.broadcast %not3A_281 : i32 to vector<8x32768xi32>
    %and3A_283 = arith.andi %xor3A_8, %and3A_282 : vector<8x32768xi32>
    %eq3A_284 = vector.broadcast %select_n3A_276 : vector<8x1xi32> to vector<8x32768xi32>
    %eq3A_285 = arith.cmpi eq, %and3A_283, %eq3A_284 : vector<8x32768xi32>
    %and3A_286 = arith.constant 1048576 : i32
    %and3A_287 = vector.broadcast %and3A_286 : i32 to vector<8x32768xi32>
    %and3A_288 = arith.andi %xor3A_8, %and3A_287 : vector<8x32768xi32>
    %ne3A_289 = arith.constant 0 : i32
    %ne3A_290 = vector.broadcast %ne3A_289 : i32 to vector<8x32768xi32>
    %ne3A_291 = arith.cmpi ne, %and3A_288, %ne3A_290 : vector<8x32768xi32>
    %and3A_292 = arith.andi %eq3A_285, %ne3A_291 : vector<8x32768xi1>
    %convert_element_type3A_293 = arith.extui %and3A_292 : vector<8x32768xi1> to vector<8x32768xi32>
    %reduce_sum3A_294 = arith.constant dense<0> : vector<8xi32>
    %reduce_sum3A_295 = vector.multi_reduction <add>, %convert_element_type3A_293, %reduce_sum3A_294 [1] : vector<8x32768xi32> to vector<8xi32>
    %broadcast_in_dim3A_296 = vector.shape_cast %reduce_sum3A_295 : vector<8xi32> to vector<8x1xi32>
    %ge3A_297 = arith.cmpi sge, %broadcast_in_dim3A_296, %select_n3A_278 : vector<8x1xi32>
    %or3A_298 = arith.constant 1048576 : i32
    %or3A_299 = vector.broadcast %or3A_298 : i32 to vector<8x1xi32>
    %or3A_300 = arith.ori %select_n3A_276, %or3A_299 : vector<8x1xi32>
    %select_n3A_301 = arith.select %ge3A_297, %or3A_300, %select_n3A_276 : vector<8x1xi1>, vector<8x1xi32>
    %sub3A_302 = arith.subi %select_n3A_278, %broadcast_in_dim3A_296 : vector<8x1xi32>
    %select_n3A_303 = arith.select %ge3A_297, %select_n3A_278, %sub3A_302 : vector<8x1xi1>, vector<8x1xi32>
    %not3A_304 = arith.constant 1048575 : i32
    %not3A_305 = arith.constant -1 : i32
    %not3A_306 = arith.xori %not3A_304, %not3A_305 : i32
    %and3A_307 = vector.broadcast %not3A_306 : i32 to vector<8x32768xi32>
    %and3A_308 = arith.andi %xor3A_8, %and3A_307 : vector<8x32768xi32>
    %eq3A_309 = vector.broadcast %select_n3A_301 : vector<8x1xi32> to vector<8x32768xi32>
    %eq3A_310 = arith.cmpi eq, %and3A_308, %eq3A_309 : vector<8x32768xi32>
    %and3A_311 = arith.constant 524288 : i32
    %and3A_312 = vector.broadcast %and3A_311 : i32 to vector<8x32768xi32>
    %and3A_313 = arith.andi %xor3A_8, %and3A_312 : vector<8x32768xi32>
    %ne3A_314 = arith.constant 0 : i32
    %ne3A_315 = vector.broadcast %ne3A_314 : i32 to vector<8x32768xi32>
    %ne3A_316 = arith.cmpi ne, %and3A_313, %ne3A_315 : vector<8x32768xi32>
    %and3A_317 = arith.andi %eq3A_310, %ne3A_316 : vector<8x32768xi1>
    %convert_element_type3A_318 = arith.extui %and3A_317 : vector<8x32768xi1> to vector<8x32768xi32>
    %reduce_sum3A_319 = arith.constant dense<0> : vector<8xi32>
    %reduce_sum3A_320 = vector.multi_reduction <add>, %convert_element_type3A_318, %reduce_sum3A_319 [1] : vector<8x32768xi32> to vector<8xi32>
    %broadcast_in_dim3A_321 = vector.shape_cast %reduce_sum3A_320 : vector<8xi32> to vector<8x1xi32>
    %ge3A_322 = arith.cmpi sge, %broadcast_in_dim3A_321, %select_n3A_303 : vector<8x1xi32>
    %or3A_323 = arith.constant 524288 : i32
    %or3A_324 = vector.broadcast %or3A_323 : i32 to vector<8x1xi32>
    %or3A_325 = arith.ori %select_n3A_301, %or3A_324 : vector<8x1xi32>
    %select_n3A_326 = arith.select %ge3A_322, %or3A_325, %select_n3A_301 : vector<8x1xi1>, vector<8x1xi32>
    %sub3A_327 = arith.subi %select_n3A_303, %broadcast_in_dim3A_321 : vector<8x1xi32>
    %select_n3A_328 = arith.select %ge3A_322, %select_n3A_303, %sub3A_327 : vector<8x1xi1>, vector<8x1xi32>
    %not3A_329 = arith.constant 524287 : i32
    %not3A_330 = arith.constant -1 : i32
    %not3A_331 = arith.xori %not3A_329, %not3A_330 : i32
    %and3A_332 = vector.broadcast %not3A_331 : i32 to vector<8x32768xi32>
    %and3A_333 = arith.andi %xor3A_8, %and3A_332 : vector<8x32768xi32>
    %eq3A_334 = vector.broadcast %select_n3A_326 : vector<8x1xi32> to vector<8x32768xi32>
    %eq3A_335 = arith.cmpi eq, %and3A_333, %eq3A_334 : vector<8x32768xi32>
    %and3A_336 = arith.constant 262144 : i32
    %and3A_337 = vector.broadcast %and3A_336 : i32 to vector<8x32768xi32>
    %and3A_338 = arith.andi %xor3A_8, %and3A_337 : vector<8x32768xi32>
    %ne3A_339 = arith.constant 0 : i32
    %ne3A_340 = vector.broadcast %ne3A_339 : i32 to vector<8x32768xi32>
    %ne3A_341 = arith.cmpi ne, %and3A_338, %ne3A_340 : vector<8x32768xi32>
    %and3A_342 = arith.andi %eq3A_335, %ne3A_341 : vector<8x32768xi1>
    %convert_element_type3A_343 = arith.extui %and3A_342 : vector<8x32768xi1> to vector<8x32768xi32>
    %reduce_sum3A_344 = arith.constant dense<0> : vector<8xi32>
    %reduce_sum3A_345 = vector.multi_reduction <add>, %convert_element_type3A_343, %reduce_sum3A_344 [1] : vector<8x32768xi32> to vector<8xi32>
    %broadcast_in_dim3A_346 = vector.shape_cast %reduce_sum3A_345 : vector<8xi32> to vector<8x1xi32>
    %ge3A_347 = arith.cmpi sge, %broadcast_in_dim3A_346, %select_n3A_328 : vector<8x1xi32>
    %or3A_348 = arith.constant 262144 : i32
    %or3A_349 = vector.broadcast %or3A_348 : i32 to vector<8x1xi32>
    %or3A_350 = arith.ori %select_n3A_326, %or3A_349 : vector<8x1xi32>
    %select_n3A_351 = arith.select %ge3A_347, %or3A_350, %select_n3A_326 : vector<8x1xi1>, vector<8x1xi32>
    %sub3A_352 = arith.subi %select_n3A_328, %broadcast_in_dim3A_346 : vector<8x1xi32>
    %select_n3A_353 = arith.select %ge3A_347, %select_n3A_328, %sub3A_352 : vector<8x1xi1>, vector<8x1xi32>
    %not3A_354 = arith.constant 262143 : i32
    %not3A_355 = arith.constant -1 : i32
    %not3A_356 = arith.xori %not3A_354, %not3A_355 : i32
    %and3A_357 = vector.broadcast %not3A_356 : i32 to vector<8x32768xi32>
    %and3A_358 = arith.andi %xor3A_8, %and3A_357 : vector<8x32768xi32>
    %eq3A_359 = vector.broadcast %select_n3A_351 : vector<8x1xi32> to vector<8x32768xi32>
    %eq3A_360 = arith.cmpi eq, %and3A_358, %eq3A_359 : vector<8x32768xi32>
    %and3A_361 = arith.constant 131072 : i32
    %and3A_362 = vector.broadcast %and3A_361 : i32 to vector<8x32768xi32>
    %and3A_363 = arith.andi %xor3A_8, %and3A_362 : vector<8x32768xi32>
    %ne3A_364 = arith.constant 0 : i32
    %ne3A_365 = vector.broadcast %ne3A_364 : i32 to vector<8x32768xi32>
    %ne3A_366 = arith.cmpi ne, %and3A_363, %ne3A_365 : vector<8x32768xi32>
    %and3A_367 = arith.andi %eq3A_360, %ne3A_366 : vector<8x32768xi1>
    %convert_element_type3A_368 = arith.extui %and3A_367 : vector<8x32768xi1> to vector<8x32768xi32>
    %reduce_sum3A_369 = arith.constant dense<0> : vector<8xi32>
    %reduce_sum3A_370 = vector.multi_reduction <add>, %convert_element_type3A_368, %reduce_sum3A_369 [1] : vector<8x32768xi32> to vector<8xi32>
    %broadcast_in_dim3A_371 = vector.shape_cast %reduce_sum3A_370 : vector<8xi32> to vector<8x1xi32>
    %ge3A_372 = arith.cmpi sge, %broadcast_in_dim3A_371, %select_n3A_353 : vector<8x1xi32>
    %or3A_373 = arith.constant 131072 : i32
    %or3A_374 = vector.broadcast %or3A_373 : i32 to vector<8x1xi32>
    %or3A_375 = arith.ori %select_n3A_351, %or3A_374 : vector<8x1xi32>
    %select_n3A_376 = arith.select %ge3A_372, %or3A_375, %select_n3A_351 : vector<8x1xi1>, vector<8x1xi32>
    %sub3A_377 = arith.subi %select_n3A_353, %broadcast_in_dim3A_371 : vector<8x1xi32>
    %select_n3A_378 = arith.select %ge3A_372, %select_n3A_353, %sub3A_377 : vector<8x1xi1>, vector<8x1xi32>
    %not3A_379 = arith.constant 131071 : i32
    %not3A_380 = arith.constant -1 : i32
    %not3A_381 = arith.xori %not3A_379, %not3A_380 : i32
    %and3A_382 = vector.broadcast %not3A_381 : i32 to vector<8x32768xi32>
    %and3A_383 = arith.andi %xor3A_8, %and3A_382 : vector<8x32768xi32>
    %eq3A_384 = vector.broadcast %select_n3A_376 : vector<8x1xi32> to vector<8x32768xi32>
    %eq3A_385 = arith.cmpi eq, %and3A_383, %eq3A_384 : vector<8x32768xi32>
    %and3A_386 = arith.constant 65536 : i32
    %and3A_387 = vector.broadcast %and3A_386 : i32 to vector<8x32768xi32>
    %and3A_388 = arith.andi %xor3A_8, %and3A_387 : vector<8x32768xi32>
    %ne3A_389 = arith.constant 0 : i32
    %ne3A_390 = vector.broadcast %ne3A_389 : i32 to vector<8x32768xi32>
    %ne3A_391 = arith.cmpi ne, %and3A_388, %ne3A_390 : vector<8x32768xi32>
    %and3A_392 = arith.andi %eq3A_385, %ne3A_391 : vector<8x32768xi1>
    %convert_element_type3A_393 = arith.extui %and3A_392 : vector<8x32768xi1> to vector<8x32768xi32>
    %reduce_sum3A_394 = arith.constant dense<0> : vector<8xi32>
    %reduce_sum3A_395 = vector.multi_reduction <add>, %convert_element_type3A_393, %reduce_sum3A_394 [1] : vector<8x32768xi32> to vector<8xi32>
    %broadcast_in_dim3A_396 = vector.shape_cast %reduce_sum3A_395 : vector<8xi32> to vector<8x1xi32>
    %ge3A_397 = arith.cmpi sge, %broadcast_in_dim3A_396, %select_n3A_378 : vector<8x1xi32>
    %or3A_398 = arith.constant 65536 : i32
    %or3A_399 = vector.broadcast %or3A_398 : i32 to vector<8x1xi32>
    %or3A_400 = arith.ori %select_n3A_376, %or3A_399 : vector<8x1xi32>
    %select_n3A_401 = arith.select %ge3A_397, %or3A_400, %select_n3A_376 : vector<8x1xi1>, vector<8x1xi32>
    %sub3A_402 = arith.subi %select_n3A_378, %broadcast_in_dim3A_396 : vector<8x1xi32>
    %select_n3A_403 = arith.select %ge3A_397, %select_n3A_378, %sub3A_402 : vector<8x1xi1>, vector<8x1xi32>
    %not3A_404 = arith.constant 65535 : i32
    %not3A_405 = arith.constant -1 : i32
    %not3A_406 = arith.xori %not3A_404, %not3A_405 : i32
    %and3A_407 = vector.broadcast %not3A_406 : i32 to vector<8x32768xi32>
    %and3A_408 = arith.andi %xor3A_8, %and3A_407 : vector<8x32768xi32>
    %eq3A_409 = vector.broadcast %select_n3A_401 : vector<8x1xi32> to vector<8x32768xi32>
    %eq3A_410 = arith.cmpi eq, %and3A_408, %eq3A_409 : vector<8x32768xi32>
    %and3A_411 = arith.constant 32768 : i32
    %and3A_412 = vector.broadcast %and3A_411 : i32 to vector<8x32768xi32>
    %and3A_413 = arith.andi %xor3A_8, %and3A_412 : vector<8x32768xi32>
    %ne3A_414 = arith.constant 0 : i32
    %ne3A_415 = vector.broadcast %ne3A_414 : i32 to vector<8x32768xi32>
    %ne3A_416 = arith.cmpi ne, %and3A_413, %ne3A_415 : vector<8x32768xi32>
    %and3A_417 = arith.andi %eq3A_410, %ne3A_416 : vector<8x32768xi1>
    %convert_element_type3A_418 = arith.extui %and3A_417 : vector<8x32768xi1> to vector<8x32768xi32>
    %reduce_sum3A_419 = arith.constant dense<0> : vector<8xi32>
    %reduce_sum3A_420 = vector.multi_reduction <add>, %convert_element_type3A_418, %reduce_sum3A_419 [1] : vector<8x32768xi32> to vector<8xi32>
    %broadcast_in_dim3A_421 = vector.shape_cast %reduce_sum3A_420 : vector<8xi32> to vector<8x1xi32>
    %ge3A_422 = arith.cmpi sge, %broadcast_in_dim3A_421, %select_n3A_403 : vector<8x1xi32>
    %or3A_423 = arith.constant 32768 : i32
    %or3A_424 = vector.broadcast %or3A_423 : i32 to vector<8x1xi32>
    %or3A_425 = arith.ori %select_n3A_401, %or3A_424 : vector<8x1xi32>
    %select_n3A_426 = arith.select %ge3A_422, %or3A_425, %select_n3A_401 : vector<8x1xi1>, vector<8x1xi32>
    %sub3A_427 = arith.subi %select_n3A_403, %broadcast_in_dim3A_421 : vector<8x1xi32>
    %select_n3A_428 = arith.select %ge3A_422, %select_n3A_403, %sub3A_427 : vector<8x1xi1>, vector<8x1xi32>
    %not3A_429 = arith.constant 32767 : i32
    %not3A_430 = arith.constant -1 : i32
    %not3A_431 = arith.xori %not3A_429, %not3A_430 : i32
    %and3A_432 = vector.broadcast %not3A_431 : i32 to vector<8x32768xi32>
    %and3A_433 = arith.andi %xor3A_8, %and3A_432 : vector<8x32768xi32>
    %eq3A_434 = vector.broadcast %select_n3A_426 : vector<8x1xi32> to vector<8x32768xi32>
    %eq3A_435 = arith.cmpi eq, %and3A_433, %eq3A_434 : vector<8x32768xi32>
    %and3A_436 = arith.constant 16384 : i32
    %and3A_437 = vector.broadcast %and3A_436 : i32 to vector<8x32768xi32>
    %and3A_438 = arith.andi %xor3A_8, %and3A_437 : vector<8x32768xi32>
    %ne3A_439 = arith.constant 0 : i32
    %ne3A_440 = vector.broadcast %ne3A_439 : i32 to vector<8x32768xi32>
    %ne3A_441 = arith.cmpi ne, %and3A_438, %ne3A_440 : vector<8x32768xi32>
    %and3A_442 = arith.andi %eq3A_435, %ne3A_441 : vector<8x32768xi1>
    %convert_element_type3A_443 = arith.extui %and3A_442 : vector<8x32768xi1> to vector<8x32768xi32>
    %reduce_sum3A_444 = arith.constant dense<0> : vector<8xi32>
    %reduce_sum3A_445 = vector.multi_reduction <add>, %convert_element_type3A_443, %reduce_sum3A_444 [1] : vector<8x32768xi32> to vector<8xi32>
    %broadcast_in_dim3A_446 = vector.shape_cast %reduce_sum3A_445 : vector<8xi32> to vector<8x1xi32>
    %ge3A_447 = arith.cmpi sge, %broadcast_in_dim3A_446, %select_n3A_428 : vector<8x1xi32>
    %or3A_448 = arith.constant 16384 : i32
    %or3A_449 = vector.broadcast %or3A_448 : i32 to vector<8x1xi32>
    %or3A_450 = arith.ori %select_n3A_426, %or3A_449 : vector<8x1xi32>
    %select_n3A_451 = arith.select %ge3A_447, %or3A_450, %select_n3A_426 : vector<8x1xi1>, vector<8x1xi32>
    %sub3A_452 = arith.subi %select_n3A_428, %broadcast_in_dim3A_446 : vector<8x1xi32>
    %select_n3A_453 = arith.select %ge3A_447, %select_n3A_428, %sub3A_452 : vector<8x1xi1>, vector<8x1xi32>
    %not3A_454 = arith.constant 16383 : i32
    %not3A_455 = arith.constant -1 : i32
    %not3A_456 = arith.xori %not3A_454, %not3A_455 : i32
    %and3A_457 = vector.broadcast %not3A_456 : i32 to vector<8x32768xi32>
    %and3A_458 = arith.andi %xor3A_8, %and3A_457 : vector<8x32768xi32>
    %eq3A_459 = vector.broadcast %select_n3A_451 : vector<8x1xi32> to vector<8x32768xi32>
    %eq3A_460 = arith.cmpi eq, %and3A_458, %eq3A_459 : vector<8x32768xi32>
    %and3A_461 = arith.constant 8192 : i32
    %and3A_462 = vector.broadcast %and3A_461 : i32 to vector<8x32768xi32>
    %and3A_463 = arith.andi %xor3A_8, %and3A_462 : vector<8x32768xi32>
    %ne3A_464 = arith.constant 0 : i32
    %ne3A_465 = vector.broadcast %ne3A_464 : i32 to vector<8x32768xi32>
    %ne3A_466 = arith.cmpi ne, %and3A_463, %ne3A_465 : vector<8x32768xi32>
    %and3A_467 = arith.andi %eq3A_460, %ne3A_466 : vector<8x32768xi1>
    %convert_element_type3A_468 = arith.extui %and3A_467 : vector<8x32768xi1> to vector<8x32768xi32>
    %reduce_sum3A_469 = arith.constant dense<0> : vector<8xi32>
    %reduce_sum3A_470 = vector.multi_reduction <add>, %convert_element_type3A_468, %reduce_sum3A_469 [1] : vector<8x32768xi32> to vector<8xi32>
    %broadcast_in_dim3A_471 = vector.shape_cast %reduce_sum3A_470 : vector<8xi32> to vector<8x1xi32>
    %ge3A_472 = arith.cmpi sge, %broadcast_in_dim3A_471, %select_n3A_453 : vector<8x1xi32>
    %or3A_473 = arith.constant 8192 : i32
    %or3A_474 = vector.broadcast %or3A_473 : i32 to vector<8x1xi32>
    %or3A_475 = arith.ori %select_n3A_451, %or3A_474 : vector<8x1xi32>
    %select_n3A_476 = arith.select %ge3A_472, %or3A_475, %select_n3A_451 : vector<8x1xi1>, vector<8x1xi32>
    %sub3A_477 = arith.subi %select_n3A_453, %broadcast_in_dim3A_471 : vector<8x1xi32>
    %select_n3A_478 = arith.select %ge3A_472, %select_n3A_453, %sub3A_477 : vector<8x1xi1>, vector<8x1xi32>
    %not3A_479 = arith.constant 8191 : i32
    %not3A_480 = arith.constant -1 : i32
    %not3A_481 = arith.xori %not3A_479, %not3A_480 : i32
    %and3A_482 = vector.broadcast %not3A_481 : i32 to vector<8x32768xi32>
    %and3A_483 = arith.andi %xor3A_8, %and3A_482 : vector<8x32768xi32>
    %eq3A_484 = vector.broadcast %select_n3A_476 : vector<8x1xi32> to vector<8x32768xi32>
    %eq3A_485 = arith.cmpi eq, %and3A_483, %eq3A_484 : vector<8x32768xi32>
    %and3A_486 = arith.constant 4096 : i32
    %and3A_487 = vector.broadcast %and3A_486 : i32 to vector<8x32768xi32>
    %and3A_488 = arith.andi %xor3A_8, %and3A_487 : vector<8x32768xi32>
    %ne3A_489 = arith.constant 0 : i32
    %ne3A_490 = vector.broadcast %ne3A_489 : i32 to vector<8x32768xi32>
    %ne3A_491 = arith.cmpi ne, %and3A_488, %ne3A_490 : vector<8x32768xi32>
    %and3A_492 = arith.andi %eq3A_485, %ne3A_491 : vector<8x32768xi1>
    %convert_element_type3A_493 = arith.extui %and3A_492 : vector<8x32768xi1> to vector<8x32768xi32>
    %reduce_sum3A_494 = arith.constant dense<0> : vector<8xi32>
    %reduce_sum3A_495 = vector.multi_reduction <add>, %convert_element_type3A_493, %reduce_sum3A_494 [1] : vector<8x32768xi32> to vector<8xi32>
    %broadcast_in_dim3A_496 = vector.shape_cast %reduce_sum3A_495 : vector<8xi32> to vector<8x1xi32>
    %ge3A_497 = arith.cmpi sge, %broadcast_in_dim3A_496, %select_n3A_478 : vector<8x1xi32>
    %or3A_498 = arith.constant 4096 : i32
    %or3A_499 = vector.broadcast %or3A_498 : i32 to vector<8x1xi32>
    %or3A_500 = arith.ori %select_n3A_476, %or3A_499 : vector<8x1xi32>
    %select_n3A_501 = arith.select %ge3A_497, %or3A_500, %select_n3A_476 : vector<8x1xi1>, vector<8x1xi32>
    %sub3A_502 = arith.subi %select_n3A_478, %broadcast_in_dim3A_496 : vector<8x1xi32>
    %select_n3A_503 = arith.select %ge3A_497, %select_n3A_478, %sub3A_502 : vector<8x1xi1>, vector<8x1xi32>
    %not3A_504 = arith.constant 4095 : i32
    %not3A_505 = arith.constant -1 : i32
    %not3A_506 = arith.xori %not3A_504, %not3A_505 : i32
    %and3A_507 = vector.broadcast %not3A_506 : i32 to vector<8x32768xi32>
    %and3A_508 = arith.andi %xor3A_8, %and3A_507 : vector<8x32768xi32>
    %eq3A_509 = vector.broadcast %select_n3A_501 : vector<8x1xi32> to vector<8x32768xi32>
    %eq3A_510 = arith.cmpi eq, %and3A_508, %eq3A_509 : vector<8x32768xi32>
    %and3A_511 = arith.constant 2048 : i32
    %and3A_512 = vector.broadcast %and3A_511 : i32 to vector<8x32768xi32>
    %and3A_513 = arith.andi %xor3A_8, %and3A_512 : vector<8x32768xi32>
    %ne3A_514 = arith.constant 0 : i32
    %ne3A_515 = vector.broadcast %ne3A_514 : i32 to vector<8x32768xi32>
    %ne3A_516 = arith.cmpi ne, %and3A_513, %ne3A_515 : vector<8x32768xi32>
    %and3A_517 = arith.andi %eq3A_510, %ne3A_516 : vector<8x32768xi1>
    %convert_element_type3A_518 = arith.extui %and3A_517 : vector<8x32768xi1> to vector<8x32768xi32>
    %reduce_sum3A_519 = arith.constant dense<0> : vector<8xi32>
    %reduce_sum3A_520 = vector.multi_reduction <add>, %convert_element_type3A_518, %reduce_sum3A_519 [1] : vector<8x32768xi32> to vector<8xi32>
    %broadcast_in_dim3A_521 = vector.shape_cast %reduce_sum3A_520 : vector<8xi32> to vector<8x1xi32>
    %ge3A_522 = arith.cmpi sge, %broadcast_in_dim3A_521, %select_n3A_503 : vector<8x1xi32>
    %or3A_523 = arith.constant 2048 : i32
    %or3A_524 = vector.broadcast %or3A_523 : i32 to vector<8x1xi32>
    %or3A_525 = arith.ori %select_n3A_501, %or3A_524 : vector<8x1xi32>
    %select_n3A_526 = arith.select %ge3A_522, %or3A_525, %select_n3A_501 : vector<8x1xi1>, vector<8x1xi32>
    %sub3A_527 = arith.subi %select_n3A_503, %broadcast_in_dim3A_521 : vector<8x1xi32>
    %select_n3A_528 = arith.select %ge3A_522, %select_n3A_503, %sub3A_527 : vector<8x1xi1>, vector<8x1xi32>
    %not3A_529 = arith.constant 2047 : i32
    %not3A_530 = arith.constant -1 : i32
    %not3A_531 = arith.xori %not3A_529, %not3A_530 : i32
    %and3A_532 = vector.broadcast %not3A_531 : i32 to vector<8x32768xi32>
    %and3A_533 = arith.andi %xor3A_8, %and3A_532 : vector<8x32768xi32>
    %eq3A_534 = vector.broadcast %select_n3A_526 : vector<8x1xi32> to vector<8x32768xi32>
    %eq3A_535 = arith.cmpi eq, %and3A_533, %eq3A_534 : vector<8x32768xi32>
    %and3A_536 = arith.constant 1024 : i32
    %and3A_537 = vector.broadcast %and3A_536 : i32 to vector<8x32768xi32>
    %and3A_538 = arith.andi %xor3A_8, %and3A_537 : vector<8x32768xi32>
    %ne3A_539 = arith.constant 0 : i32
    %ne3A_540 = vector.broadcast %ne3A_539 : i32 to vector<8x32768xi32>
    %ne3A_541 = arith.cmpi ne, %and3A_538, %ne3A_540 : vector<8x32768xi32>
    %and3A_542 = arith.andi %eq3A_535, %ne3A_541 : vector<8x32768xi1>
    %convert_element_type3A_543 = arith.extui %and3A_542 : vector<8x32768xi1> to vector<8x32768xi32>
    %reduce_sum3A_544 = arith.constant dense<0> : vector<8xi32>
    %reduce_sum3A_545 = vector.multi_reduction <add>, %convert_element_type3A_543, %reduce_sum3A_544 [1] : vector<8x32768xi32> to vector<8xi32>
    %broadcast_in_dim3A_546 = vector.shape_cast %reduce_sum3A_545 : vector<8xi32> to vector<8x1xi32>
    %ge3A_547 = arith.cmpi sge, %broadcast_in_dim3A_546, %select_n3A_528 : vector<8x1xi32>
    %or3A_548 = arith.constant 1024 : i32
    %or3A_549 = vector.broadcast %or3A_548 : i32 to vector<8x1xi32>
    %or3A_550 = arith.ori %select_n3A_526, %or3A_549 : vector<8x1xi32>
    %select_n3A_551 = arith.select %ge3A_547, %or3A_550, %select_n3A_526 : vector<8x1xi1>, vector<8x1xi32>
    %sub3A_552 = arith.subi %select_n3A_528, %broadcast_in_dim3A_546 : vector<8x1xi32>
    %select_n3A_553 = arith.select %ge3A_547, %select_n3A_528, %sub3A_552 : vector<8x1xi1>, vector<8x1xi32>
    %not3A_554 = arith.constant 1023 : i32
    %not3A_555 = arith.constant -1 : i32
    %not3A_556 = arith.xori %not3A_554, %not3A_555 : i32
    %and3A_557 = vector.broadcast %not3A_556 : i32 to vector<8x32768xi32>
    %and3A_558 = arith.andi %xor3A_8, %and3A_557 : vector<8x32768xi32>
    %eq3A_559 = vector.broadcast %select_n3A_551 : vector<8x1xi32> to vector<8x32768xi32>
    %eq3A_560 = arith.cmpi eq, %and3A_558, %eq3A_559 : vector<8x32768xi32>
    %and3A_561 = arith.constant 512 : i32
    %and3A_562 = vector.broadcast %and3A_561 : i32 to vector<8x32768xi32>
    %and3A_563 = arith.andi %xor3A_8, %and3A_562 : vector<8x32768xi32>
    %ne3A_564 = arith.constant 0 : i32
    %ne3A_565 = vector.broadcast %ne3A_564 : i32 to vector<8x32768xi32>
    %ne3A_566 = arith.cmpi ne, %and3A_563, %ne3A_565 : vector<8x32768xi32>
    %and3A_567 = arith.andi %eq3A_560, %ne3A_566 : vector<8x32768xi1>
    %convert_element_type3A_568 = arith.extui %and3A_567 : vector<8x32768xi1> to vector<8x32768xi32>
    %reduce_sum3A_569 = arith.constant dense<0> : vector<8xi32>
    %reduce_sum3A_570 = vector.multi_reduction <add>, %convert_element_type3A_568, %reduce_sum3A_569 [1] : vector<8x32768xi32> to vector<8xi32>
    %broadcast_in_dim3A_571 = vector.shape_cast %reduce_sum3A_570 : vector<8xi32> to vector<8x1xi32>
    %ge3A_572 = arith.cmpi sge, %broadcast_in_dim3A_571, %select_n3A_553 : vector<8x1xi32>
    %or3A_573 = arith.constant 512 : i32
    %or3A_574 = vector.broadcast %or3A_573 : i32 to vector<8x1xi32>
    %or3A_575 = arith.ori %select_n3A_551, %or3A_574 : vector<8x1xi32>
    %select_n3A_576 = arith.select %ge3A_572, %or3A_575, %select_n3A_551 : vector<8x1xi1>, vector<8x1xi32>
    %sub3A_577 = arith.subi %select_n3A_553, %broadcast_in_dim3A_571 : vector<8x1xi32>
    %select_n3A_578 = arith.select %ge3A_572, %select_n3A_553, %sub3A_577 : vector<8x1xi1>, vector<8x1xi32>
    %not3A_579 = arith.constant 511 : i32
    %not3A_580 = arith.constant -1 : i32
    %not3A_581 = arith.xori %not3A_579, %not3A_580 : i32
    %and3A_582 = vector.broadcast %not3A_581 : i32 to vector<8x32768xi32>
    %and3A_583 = arith.andi %xor3A_8, %and3A_582 : vector<8x32768xi32>
    %eq3A_584 = vector.broadcast %select_n3A_576 : vector<8x1xi32> to vector<8x32768xi32>
    %eq3A_585 = arith.cmpi eq, %and3A_583, %eq3A_584 : vector<8x32768xi32>
    %and3A_586 = arith.constant 256 : i32
    %and3A_587 = vector.broadcast %and3A_586 : i32 to vector<8x32768xi32>
    %and3A_588 = arith.andi %xor3A_8, %and3A_587 : vector<8x32768xi32>
    %ne3A_589 = arith.constant 0 : i32
    %ne3A_590 = vector.broadcast %ne3A_589 : i32 to vector<8x32768xi32>
    %ne3A_591 = arith.cmpi ne, %and3A_588, %ne3A_590 : vector<8x32768xi32>
    %and3A_592 = arith.andi %eq3A_585, %ne3A_591 : vector<8x32768xi1>
    %convert_element_type3A_593 = arith.extui %and3A_592 : vector<8x32768xi1> to vector<8x32768xi32>
    %reduce_sum3A_594 = arith.constant dense<0> : vector<8xi32>
    %reduce_sum3A_595 = vector.multi_reduction <add>, %convert_element_type3A_593, %reduce_sum3A_594 [1] : vector<8x32768xi32> to vector<8xi32>
    %broadcast_in_dim3A_596 = vector.shape_cast %reduce_sum3A_595 : vector<8xi32> to vector<8x1xi32>
    %ge3A_597 = arith.cmpi sge, %broadcast_in_dim3A_596, %select_n3A_578 : vector<8x1xi32>
    %or3A_598 = arith.constant 256 : i32
    %or3A_599 = vector.broadcast %or3A_598 : i32 to vector<8x1xi32>
    %or3A_600 = arith.ori %select_n3A_576, %or3A_599 : vector<8x1xi32>
    %select_n3A_601 = arith.select %ge3A_597, %or3A_600, %select_n3A_576 : vector<8x1xi1>, vector<8x1xi32>
    %sub3A_602 = arith.subi %select_n3A_578, %broadcast_in_dim3A_596 : vector<8x1xi32>
    %select_n3A_603 = arith.select %ge3A_597, %select_n3A_578, %sub3A_602 : vector<8x1xi1>, vector<8x1xi32>
    %not3A_604 = arith.constant 255 : i32
    %not3A_605 = arith.constant -1 : i32
    %not3A_606 = arith.xori %not3A_604, %not3A_605 : i32
    %and3A_607 = vector.broadcast %not3A_606 : i32 to vector<8x32768xi32>
    %and3A_608 = arith.andi %xor3A_8, %and3A_607 : vector<8x32768xi32>
    %eq3A_609 = vector.broadcast %select_n3A_601 : vector<8x1xi32> to vector<8x32768xi32>
    %eq3A_610 = arith.cmpi eq, %and3A_608, %eq3A_609 : vector<8x32768xi32>
    %and3A_611 = arith.constant 128 : i32
    %and3A_612 = vector.broadcast %and3A_611 : i32 to vector<8x32768xi32>
    %and3A_613 = arith.andi %xor3A_8, %and3A_612 : vector<8x32768xi32>
    %ne3A_614 = arith.constant 0 : i32
    %ne3A_615 = vector.broadcast %ne3A_614 : i32 to vector<8x32768xi32>
    %ne3A_616 = arith.cmpi ne, %and3A_613, %ne3A_615 : vector<8x32768xi32>
    %and3A_617 = arith.andi %eq3A_610, %ne3A_616 : vector<8x32768xi1>
    %convert_element_type3A_618 = arith.extui %and3A_617 : vector<8x32768xi1> to vector<8x32768xi32>
    %reduce_sum3A_619 = arith.constant dense<0> : vector<8xi32>
    %reduce_sum3A_620 = vector.multi_reduction <add>, %convert_element_type3A_618, %reduce_sum3A_619 [1] : vector<8x32768xi32> to vector<8xi32>
    %broadcast_in_dim3A_621 = vector.shape_cast %reduce_sum3A_620 : vector<8xi32> to vector<8x1xi32>
    %ge3A_622 = arith.cmpi sge, %broadcast_in_dim3A_621, %select_n3A_603 : vector<8x1xi32>
    %or3A_623 = arith.constant 128 : i32
    %or3A_624 = vector.broadcast %or3A_623 : i32 to vector<8x1xi32>
    %or3A_625 = arith.ori %select_n3A_601, %or3A_624 : vector<8x1xi32>
    %select_n3A_626 = arith.select %ge3A_622, %or3A_625, %select_n3A_601 : vector<8x1xi1>, vector<8x1xi32>
    %sub3A_627 = arith.subi %select_n3A_603, %broadcast_in_dim3A_621 : vector<8x1xi32>
    %select_n3A_628 = arith.select %ge3A_622, %select_n3A_603, %sub3A_627 : vector<8x1xi1>, vector<8x1xi32>
    %not3A_629 = arith.constant 127 : i32
    %not3A_630 = arith.constant -1 : i32
    %not3A_631 = arith.xori %not3A_629, %not3A_630 : i32
    %and3A_632 = vector.broadcast %not3A_631 : i32 to vector<8x32768xi32>
    %and3A_633 = arith.andi %xor3A_8, %and3A_632 : vector<8x32768xi32>
    %eq3A_634 = vector.broadcast %select_n3A_626 : vector<8x1xi32> to vector<8x32768xi32>
    %eq3A_635 = arith.cmpi eq, %and3A_633, %eq3A_634 : vector<8x32768xi32>
    %and3A_636 = arith.constant 64 : i32
    %and3A_637 = vector.broadcast %and3A_636 : i32 to vector<8x32768xi32>
    %and3A_638 = arith.andi %xor3A_8, %and3A_637 : vector<8x32768xi32>
    %ne3A_639 = arith.constant 0 : i32
    %ne3A_640 = vector.broadcast %ne3A_639 : i32 to vector<8x32768xi32>
    %ne3A_641 = arith.cmpi ne, %and3A_638, %ne3A_640 : vector<8x32768xi32>
    %and3A_642 = arith.andi %eq3A_635, %ne3A_641 : vector<8x32768xi1>
    %convert_element_type3A_643 = arith.extui %and3A_642 : vector<8x32768xi1> to vector<8x32768xi32>
    %reduce_sum3A_644 = arith.constant dense<0> : vector<8xi32>
    %reduce_sum3A_645 = vector.multi_reduction <add>, %convert_element_type3A_643, %reduce_sum3A_644 [1] : vector<8x32768xi32> to vector<8xi32>
    %broadcast_in_dim3A_646 = vector.shape_cast %reduce_sum3A_645 : vector<8xi32> to vector<8x1xi32>
    %ge3A_647 = arith.cmpi sge, %broadcast_in_dim3A_646, %select_n3A_628 : vector<8x1xi32>
    %or3A_648 = arith.constant 64 : i32
    %or3A_649 = vector.broadcast %or3A_648 : i32 to vector<8x1xi32>
    %or3A_650 = arith.ori %select_n3A_626, %or3A_649 : vector<8x1xi32>
    %select_n3A_651 = arith.select %ge3A_647, %or3A_650, %select_n3A_626 : vector<8x1xi1>, vector<8x1xi32>
    %sub3A_652 = arith.subi %select_n3A_628, %broadcast_in_dim3A_646 : vector<8x1xi32>
    %select_n3A_653 = arith.select %ge3A_647, %select_n3A_628, %sub3A_652 : vector<8x1xi1>, vector<8x1xi32>
    %not3A_654 = arith.constant 63 : i32
    %not3A_655 = arith.constant -1 : i32
    %not3A_656 = arith.xori %not3A_654, %not3A_655 : i32
    %and3A_657 = vector.broadcast %not3A_656 : i32 to vector<8x32768xi32>
    %and3A_658 = arith.andi %xor3A_8, %and3A_657 : vector<8x32768xi32>
    %eq3A_659 = vector.broadcast %select_n3A_651 : vector<8x1xi32> to vector<8x32768xi32>
    %eq3A_660 = arith.cmpi eq, %and3A_658, %eq3A_659 : vector<8x32768xi32>
    %and3A_661 = arith.constant 32 : i32
    %and3A_662 = vector.broadcast %and3A_661 : i32 to vector<8x32768xi32>
    %and3A_663 = arith.andi %xor3A_8, %and3A_662 : vector<8x32768xi32>
    %ne3A_664 = arith.constant 0 : i32
    %ne3A_665 = vector.broadcast %ne3A_664 : i32 to vector<8x32768xi32>
    %ne3A_666 = arith.cmpi ne, %and3A_663, %ne3A_665 : vector<8x32768xi32>
    %and3A_667 = arith.andi %eq3A_660, %ne3A_666 : vector<8x32768xi1>
    %convert_element_type3A_668 = arith.extui %and3A_667 : vector<8x32768xi1> to vector<8x32768xi32>
    %reduce_sum3A_669 = arith.constant dense<0> : vector<8xi32>
    %reduce_sum3A_670 = vector.multi_reduction <add>, %convert_element_type3A_668, %reduce_sum3A_669 [1] : vector<8x32768xi32> to vector<8xi32>
    %broadcast_in_dim3A_671 = vector.shape_cast %reduce_sum3A_670 : vector<8xi32> to vector<8x1xi32>
    %ge3A_672 = arith.cmpi sge, %broadcast_in_dim3A_671, %select_n3A_653 : vector<8x1xi32>
    %or3A_673 = arith.constant 32 : i32
    %or3A_674 = vector.broadcast %or3A_673 : i32 to vector<8x1xi32>
    %or3A_675 = arith.ori %select_n3A_651, %or3A_674 : vector<8x1xi32>
    %select_n3A_676 = arith.select %ge3A_672, %or3A_675, %select_n3A_651 : vector<8x1xi1>, vector<8x1xi32>
    %sub3A_677 = arith.subi %select_n3A_653, %broadcast_in_dim3A_671 : vector<8x1xi32>
    %select_n3A_678 = arith.select %ge3A_672, %select_n3A_653, %sub3A_677 : vector<8x1xi1>, vector<8x1xi32>
    %not3A_679 = arith.constant 31 : i32
    %not3A_680 = arith.constant -1 : i32
    %not3A_681 = arith.xori %not3A_679, %not3A_680 : i32
    %and3A_682 = vector.broadcast %not3A_681 : i32 to vector<8x32768xi32>
    %and3A_683 = arith.andi %xor3A_8, %and3A_682 : vector<8x32768xi32>
    %eq3A_684 = vector.broadcast %select_n3A_676 : vector<8x1xi32> to vector<8x32768xi32>
    %eq3A_685 = arith.cmpi eq, %and3A_683, %eq3A_684 : vector<8x32768xi32>
    %and3A_686 = arith.constant 16 : i32
    %and3A_687 = vector.broadcast %and3A_686 : i32 to vector<8x32768xi32>
    %and3A_688 = arith.andi %xor3A_8, %and3A_687 : vector<8x32768xi32>
    %ne3A_689 = arith.constant 0 : i32
    %ne3A_690 = vector.broadcast %ne3A_689 : i32 to vector<8x32768xi32>
    %ne3A_691 = arith.cmpi ne, %and3A_688, %ne3A_690 : vector<8x32768xi32>
    %and3A_692 = arith.andi %eq3A_685, %ne3A_691 : vector<8x32768xi1>
    %convert_element_type3A_693 = arith.extui %and3A_692 : vector<8x32768xi1> to vector<8x32768xi32>
    %reduce_sum3A_694 = arith.constant dense<0> : vector<8xi32>
    %reduce_sum3A_695 = vector.multi_reduction <add>, %convert_element_type3A_693, %reduce_sum3A_694 [1] : vector<8x32768xi32> to vector<8xi32>
    %broadcast_in_dim3A_696 = vector.shape_cast %reduce_sum3A_695 : vector<8xi32> to vector<8x1xi32>
    %ge3A_697 = arith.cmpi sge, %broadcast_in_dim3A_696, %select_n3A_678 : vector<8x1xi32>
    %or3A_698 = arith.constant 16 : i32
    %or3A_699 = vector.broadcast %or3A_698 : i32 to vector<8x1xi32>
    %or3A_700 = arith.ori %select_n3A_676, %or3A_699 : vector<8x1xi32>
    %select_n3A_701 = arith.select %ge3A_697, %or3A_700, %select_n3A_676 : vector<8x1xi1>, vector<8x1xi32>
    %sub3A_702 = arith.subi %select_n3A_678, %broadcast_in_dim3A_696 : vector<8x1xi32>
    %select_n3A_703 = arith.select %ge3A_697, %select_n3A_678, %sub3A_702 : vector<8x1xi1>, vector<8x1xi32>
    %not3A_704 = arith.constant 15 : i32
    %not3A_705 = arith.constant -1 : i32
    %not3A_706 = arith.xori %not3A_704, %not3A_705 : i32
    %and3A_707 = vector.broadcast %not3A_706 : i32 to vector<8x32768xi32>
    %and3A_708 = arith.andi %xor3A_8, %and3A_707 : vector<8x32768xi32>
    %eq3A_709 = vector.broadcast %select_n3A_701 : vector<8x1xi32> to vector<8x32768xi32>
    %eq3A_710 = arith.cmpi eq, %and3A_708, %eq3A_709 : vector<8x32768xi32>
    %and3A_711 = arith.constant 8 : i32
    %and3A_712 = vector.broadcast %and3A_711 : i32 to vector<8x32768xi32>
    %and3A_713 = arith.andi %xor3A_8, %and3A_712 : vector<8x32768xi32>
    %ne3A_714 = arith.constant 0 : i32
    %ne3A_715 = vector.broadcast %ne3A_714 : i32 to vector<8x32768xi32>
    %ne3A_716 = arith.cmpi ne, %and3A_713, %ne3A_715 : vector<8x32768xi32>
    %and3A_717 = arith.andi %eq3A_710, %ne3A_716 : vector<8x32768xi1>
    %convert_element_type3A_718 = arith.extui %and3A_717 : vector<8x32768xi1> to vector<8x32768xi32>
    %reduce_sum3A_719 = arith.constant dense<0> : vector<8xi32>
    %reduce_sum3A_720 = vector.multi_reduction <add>, %convert_element_type3A_718, %reduce_sum3A_719 [1] : vector<8x32768xi32> to vector<8xi32>
    %broadcast_in_dim3A_721 = vector.shape_cast %reduce_sum3A_720 : vector<8xi32> to vector<8x1xi32>
    %ge3A_722 = arith.cmpi sge, %broadcast_in_dim3A_721, %select_n3A_703 : vector<8x1xi32>
    %or3A_723 = arith.constant 8 : i32
    %or3A_724 = vector.broadcast %or3A_723 : i32 to vector<8x1xi32>
    %or3A_725 = arith.ori %select_n3A_701, %or3A_724 : vector<8x1xi32>
    %select_n3A_726 = arith.select %ge3A_722, %or3A_725, %select_n3A_701 : vector<8x1xi1>, vector<8x1xi32>
    %sub3A_727 = arith.subi %select_n3A_703, %broadcast_in_dim3A_721 : vector<8x1xi32>
    %select_n3A_728 = arith.select %ge3A_722, %select_n3A_703, %sub3A_727 : vector<8x1xi1>, vector<8x1xi32>
    %not3A_729 = arith.constant 7 : i32
    %not3A_730 = arith.constant -1 : i32
    %not3A_731 = arith.xori %not3A_729, %not3A_730 : i32
    %and3A_732 = vector.broadcast %not3A_731 : i32 to vector<8x32768xi32>
    %and3A_733 = arith.andi %xor3A_8, %and3A_732 : vector<8x32768xi32>
    %eq3A_734 = vector.broadcast %select_n3A_726 : vector<8x1xi32> to vector<8x32768xi32>
    %eq3A_735 = arith.cmpi eq, %and3A_733, %eq3A_734 : vector<8x32768xi32>
    %and3A_736 = arith.constant 4 : i32
    %and3A_737 = vector.broadcast %and3A_736 : i32 to vector<8x32768xi32>
    %and3A_738 = arith.andi %xor3A_8, %and3A_737 : vector<8x32768xi32>
    %ne3A_739 = arith.constant 0 : i32
    %ne3A_740 = vector.broadcast %ne3A_739 : i32 to vector<8x32768xi32>
    %ne3A_741 = arith.cmpi ne, %and3A_738, %ne3A_740 : vector<8x32768xi32>
    %and3A_742 = arith.andi %eq3A_735, %ne3A_741 : vector<8x32768xi1>
    %convert_element_type3A_743 = arith.extui %and3A_742 : vector<8x32768xi1> to vector<8x32768xi32>
    %reduce_sum3A_744 = arith.constant dense<0> : vector<8xi32>
    %reduce_sum3A_745 = vector.multi_reduction <add>, %convert_element_type3A_743, %reduce_sum3A_744 [1] : vector<8x32768xi32> to vector<8xi32>
    %broadcast_in_dim3A_746 = vector.shape_cast %reduce_sum3A_745 : vector<8xi32> to vector<8x1xi32>
    %ge3A_747 = arith.cmpi sge, %broadcast_in_dim3A_746, %select_n3A_728 : vector<8x1xi32>
    %or3A_748 = arith.constant 4 : i32
    %or3A_749 = vector.broadcast %or3A_748 : i32 to vector<8x1xi32>
    %or3A_750 = arith.ori %select_n3A_726, %or3A_749 : vector<8x1xi32>
    %select_n3A_751 = arith.select %ge3A_747, %or3A_750, %select_n3A_726 : vector<8x1xi1>, vector<8x1xi32>
    %sub3A_752 = arith.subi %select_n3A_728, %broadcast_in_dim3A_746 : vector<8x1xi32>
    %select_n3A_753 = arith.select %ge3A_747, %select_n3A_728, %sub3A_752 : vector<8x1xi1>, vector<8x1xi32>
    %not3A_754 = arith.constant 3 : i32
    %not3A_755 = arith.constant -1 : i32
    %not3A_756 = arith.xori %not3A_754, %not3A_755 : i32
    %and3A_757 = vector.broadcast %not3A_756 : i32 to vector<8x32768xi32>
    %and3A_758 = arith.andi %xor3A_8, %and3A_757 : vector<8x32768xi32>
    %eq3A_759 = vector.broadcast %select_n3A_751 : vector<8x1xi32> to vector<8x32768xi32>
    %eq3A_760 = arith.cmpi eq, %and3A_758, %eq3A_759 : vector<8x32768xi32>
    %and3A_761 = arith.constant 2 : i32
    %and3A_762 = vector.broadcast %and3A_761 : i32 to vector<8x32768xi32>
    %and3A_763 = arith.andi %xor3A_8, %and3A_762 : vector<8x32768xi32>
    %ne3A_764 = arith.constant 0 : i32
    %ne3A_765 = vector.broadcast %ne3A_764 : i32 to vector<8x32768xi32>
    %ne3A_766 = arith.cmpi ne, %and3A_763, %ne3A_765 : vector<8x32768xi32>
    %and3A_767 = arith.andi %eq3A_760, %ne3A_766 : vector<8x32768xi1>
    %convert_element_type3A_768 = arith.extui %and3A_767 : vector<8x32768xi1> to vector<8x32768xi32>
    %reduce_sum3A_769 = arith.constant dense<0> : vector<8xi32>
    %reduce_sum3A_770 = vector.multi_reduction <add>, %convert_element_type3A_768, %reduce_sum3A_769 [1] : vector<8x32768xi32> to vector<8xi32>
    %broadcast_in_dim3A_771 = vector.shape_cast %reduce_sum3A_770 : vector<8xi32> to vector<8x1xi32>
    %ge3A_772 = arith.cmpi sge, %broadcast_in_dim3A_771, %select_n3A_753 : vector<8x1xi32>
    %or3A_773 = arith.constant 2 : i32
    %or3A_774 = vector.broadcast %or3A_773 : i32 to vector<8x1xi32>
    %or3A_775 = arith.ori %select_n3A_751, %or3A_774 : vector<8x1xi32>
    %select_n3A_776 = arith.select %ge3A_772, %or3A_775, %select_n3A_751 : vector<8x1xi1>, vector<8x1xi32>
    %sub3A_777 = arith.subi %select_n3A_753, %broadcast_in_dim3A_771 : vector<8x1xi32>
    %select_n3A_778 = arith.select %ge3A_772, %select_n3A_753, %sub3A_777 : vector<8x1xi1>, vector<8x1xi32>
    %not3A_779 = arith.constant 1 : i32
    %not3A_780 = arith.constant -1 : i32
    %not3A_781 = arith.xori %not3A_779, %not3A_780 : i32
    %and3A_782 = vector.broadcast %not3A_781 : i32 to vector<8x32768xi32>
    %and3A_783 = arith.andi %xor3A_8, %and3A_782 : vector<8x32768xi32>
    %eq3A_784 = vector.broadcast %select_n3A_776 : vector<8x1xi32> to vector<8x32768xi32>
    %eq3A_785 = arith.cmpi eq, %and3A_783, %eq3A_784 : vector<8x32768xi32>
    %and3A_786 = arith.constant 1 : i32
    %and3A_787 = vector.broadcast %and3A_786 : i32 to vector<8x32768xi32>
    %and3A_788 = arith.andi %xor3A_8, %and3A_787 : vector<8x32768xi32>
    %ne3A_789 = arith.constant 0 : i32
    %ne3A_790 = vector.broadcast %ne3A_789 : i32 to vector<8x32768xi32>
    %ne3A_791 = arith.cmpi ne, %and3A_788, %ne3A_790 : vector<8x32768xi32>
    %and3A_792 = arith.andi %eq3A_785, %ne3A_791 : vector<8x32768xi1>
    %convert_element_type3A_793 = arith.extui %and3A_792 : vector<8x32768xi1> to vector<8x32768xi32>
    %reduce_sum3A_794 = arith.constant dense<0> : vector<8xi32>
    %reduce_sum3A_795 = vector.multi_reduction <add>, %convert_element_type3A_793, %reduce_sum3A_794 [1] : vector<8x32768xi32> to vector<8xi32>
    %broadcast_in_dim3A_796 = vector.shape_cast %reduce_sum3A_795 : vector<8xi32> to vector<8x1xi32>
    %ge3A_797 = arith.cmpi sge, %broadcast_in_dim3A_796, %select_n3A_778 : vector<8x1xi32>
    %or3A_798 = arith.constant 1 : i32
    %or3A_799 = vector.broadcast %or3A_798 : i32 to vector<8x1xi32>
    %or3A_800 = arith.ori %select_n3A_776, %or3A_799 : vector<8x1xi32>
    %select_n3A_801 = arith.select %ge3A_797, %or3A_800, %select_n3A_776 : vector<8x1xi1>, vector<8x1xi32>
    %sub3A_802 = arith.subi %select_n3A_778, %broadcast_in_dim3A_796 : vector<8x1xi32>
    %select_n3A_803 = arith.select %ge3A_797, %select_n3A_778, %sub3A_802 : vector<8x1xi1>, vector<8x1xi32>
    %xor3A_804 = arith.constant -2147483648 : i32
    %xor3A_805 = vector.broadcast %xor3A_804 : i32 to vector<8x1xi32>
    %xor3A_806 = arith.xori %select_n3A_801, %xor3A_805 : vector<8x1xi32>
    %eq3A_807 = vector.broadcast %xor3A_806 : vector<8x1xi32> to vector<8x32768xi32>
    %eq3A_808 = arith.cmpi eq, %select_n3A, %eq3A_807 : vector<8x32768xi32>
    %iota3A = tpu.iota {dimensions = array<i32: 1>} : vector<8x32768xi32>
    %broadcast_in_dim3A_809 = arith.constant 0 : i32
    %broadcast_in_dim3A_810 = vector.broadcast %broadcast_in_dim3A_809 : i32 to vector<8x1xi32>
    %not3A_811 = arith.constant 32767 : i32
    %not3A_812 = arith.constant -1 : i32
    %not3A_813 = arith.xori %not3A_811, %not3A_812 : i32
    %and3A_814 = vector.broadcast %not3A_813 : i32 to vector<8x32768xi32>
    %and3A_815 = arith.andi %iota3A, %and3A_814 : vector<8x32768xi32>
    %eq3A_816 = vector.broadcast %broadcast_in_dim3A_810 : vector<8x1xi32> to vector<8x32768xi32>
    %eq3A_817 = arith.cmpi eq, %and3A_815, %eq3A_816 : vector<8x32768xi32>
    %and3A_818 = arith.andi %eq3A_808, %eq3A_817 : vector<8x32768xi1>
    %and3A_819 = arith.constant 16384 : i32
    %and3A_820 = vector.broadcast %and3A_819 : i32 to vector<8x32768xi32>
    %and3A_821 = arith.andi %iota3A, %and3A_820 : vector<8x32768xi32>
    %eq3A_822 = arith.constant 0 : i32
    %eq3A_823 = vector.broadcast %eq3A_822 : i32 to vector<8x32768xi32>
    %eq3A_824 = arith.cmpi eq, %and3A_821, %eq3A_823 : vector<8x32768xi32>
    %and3A_825 = arith.andi %and3A_818, %eq3A_824 : vector<8x32768xi1>
    %convert_element_type3A_826 = arith.extui %and3A_825 : vector<8x32768xi1> to vector<8x32768xi32>
    %reduce_sum3A_827 = arith.constant dense<0> : vector<8xi32>
    %reduce_sum3A_828 = vector.multi_reduction <add>, %convert_element_type3A_826, %reduce_sum3A_827 [1] : vector<8x32768xi32> to vector<8xi32>
    %broadcast_in_dim3A_829 = vector.shape_cast %reduce_sum3A_828 : vector<8xi32> to vector<8x1xi32>
    %ge3A_830 = arith.cmpi sge, %broadcast_in_dim3A_829, %select_n3A_803 : vector<8x1xi32>
    %or3A_831 = arith.constant 16384 : i32
    %or3A_832 = vector.broadcast %or3A_831 : i32 to vector<8x1xi32>
    %or3A_833 = arith.ori %broadcast_in_dim3A_810, %or3A_832 : vector<8x1xi32>
    %select_n3A_834 = arith.select %ge3A_830, %broadcast_in_dim3A_810, %or3A_833 : vector<8x1xi1>, vector<8x1xi32>
    %sub3A_835 = arith.subi %select_n3A_803, %broadcast_in_dim3A_829 : vector<8x1xi32>
    %select_n3A_836 = arith.select %ge3A_830, %select_n3A_803, %sub3A_835 : vector<8x1xi1>, vector<8x1xi32>
    %not3A_837 = arith.constant 16383 : i32
    %not3A_838 = arith.constant -1 : i32
    %not3A_839 = arith.xori %not3A_837, %not3A_838 : i32
    %and3A_840 = vector.broadcast %not3A_839 : i32 to vector<8x32768xi32>
    %and3A_841 = arith.andi %iota3A, %and3A_840 : vector<8x32768xi32>
    %eq3A_842 = vector.broadcast %select_n3A_834 : vector<8x1xi32> to vector<8x32768xi32>
    %eq3A_843 = arith.cmpi eq, %and3A_841, %eq3A_842 : vector<8x32768xi32>
    %and3A_844 = arith.andi %eq3A_808, %eq3A_843 : vector<8x32768xi1>
    %and3A_845 = arith.constant 8192 : i32
    %and3A_846 = vector.broadcast %and3A_845 : i32 to vector<8x32768xi32>
    %and3A_847 = arith.andi %iota3A, %and3A_846 : vector<8x32768xi32>
    %eq3A_848 = arith.constant 0 : i32
    %eq3A_849 = vector.broadcast %eq3A_848 : i32 to vector<8x32768xi32>
    %eq3A_850 = arith.cmpi eq, %and3A_847, %eq3A_849 : vector<8x32768xi32>
    %and3A_851 = arith.andi %and3A_844, %eq3A_850 : vector<8x32768xi1>
    %convert_element_type3A_852 = arith.extui %and3A_851 : vector<8x32768xi1> to vector<8x32768xi32>
    %reduce_sum3A_853 = arith.constant dense<0> : vector<8xi32>
    %reduce_sum3A_854 = vector.multi_reduction <add>, %convert_element_type3A_852, %reduce_sum3A_853 [1] : vector<8x32768xi32> to vector<8xi32>
    %broadcast_in_dim3A_855 = vector.shape_cast %reduce_sum3A_854 : vector<8xi32> to vector<8x1xi32>
    %ge3A_856 = arith.cmpi sge, %broadcast_in_dim3A_855, %select_n3A_836 : vector<8x1xi32>
    %or3A_857 = arith.constant 8192 : i32
    %or3A_858 = vector.broadcast %or3A_857 : i32 to vector<8x1xi32>
    %or3A_859 = arith.ori %select_n3A_834, %or3A_858 : vector<8x1xi32>
    %select_n3A_860 = arith.select %ge3A_856, %select_n3A_834, %or3A_859 : vector<8x1xi1>, vector<8x1xi32>
    %sub3A_861 = arith.subi %select_n3A_836, %broadcast_in_dim3A_855 : vector<8x1xi32>
    %select_n3A_862 = arith.select %ge3A_856, %select_n3A_836, %sub3A_861 : vector<8x1xi1>, vector<8x1xi32>
    %not3A_863 = arith.constant 8191 : i32
    %not3A_864 = arith.constant -1 : i32
    %not3A_865 = arith.xori %not3A_863, %not3A_864 : i32
    %and3A_866 = vector.broadcast %not3A_865 : i32 to vector<8x32768xi32>
    %and3A_867 = arith.andi %iota3A, %and3A_866 : vector<8x32768xi32>
    %eq3A_868 = vector.broadcast %select_n3A_860 : vector<8x1xi32> to vector<8x32768xi32>
    %eq3A_869 = arith.cmpi eq, %and3A_867, %eq3A_868 : vector<8x32768xi32>
    %and3A_870 = arith.andi %eq3A_808, %eq3A_869 : vector<8x32768xi1>
    %and3A_871 = arith.constant 4096 : i32
    %and3A_872 = vector.broadcast %and3A_871 : i32 to vector<8x32768xi32>
    %and3A_873 = arith.andi %iota3A, %and3A_872 : vector<8x32768xi32>
    %eq3A_874 = arith.constant 0 : i32
    %eq3A_875 = vector.broadcast %eq3A_874 : i32 to vector<8x32768xi32>
    %eq3A_876 = arith.cmpi eq, %and3A_873, %eq3A_875 : vector<8x32768xi32>
    %and3A_877 = arith.andi %and3A_870, %eq3A_876 : vector<8x32768xi1>
    %convert_element_type3A_878 = arith.extui %and3A_877 : vector<8x32768xi1> to vector<8x32768xi32>
    %reduce_sum3A_879 = arith.constant dense<0> : vector<8xi32>
    %reduce_sum3A_880 = vector.multi_reduction <add>, %convert_element_type3A_878, %reduce_sum3A_879 [1] : vector<8x32768xi32> to vector<8xi32>
    %broadcast_in_dim3A_881 = vector.shape_cast %reduce_sum3A_880 : vector<8xi32> to vector<8x1xi32>
    %ge3A_882 = arith.cmpi sge, %broadcast_in_dim3A_881, %select_n3A_862 : vector<8x1xi32>
    %or3A_883 = arith.constant 4096 : i32
    %or3A_884 = vector.broadcast %or3A_883 : i32 to vector<8x1xi32>
    %or3A_885 = arith.ori %select_n3A_860, %or3A_884 : vector<8x1xi32>
    %select_n3A_886 = arith.select %ge3A_882, %select_n3A_860, %or3A_885 : vector<8x1xi1>, vector<8x1xi32>
    %sub3A_887 = arith.subi %select_n3A_862, %broadcast_in_dim3A_881 : vector<8x1xi32>
    %select_n3A_888 = arith.select %ge3A_882, %select_n3A_862, %sub3A_887 : vector<8x1xi1>, vector<8x1xi32>
    %not3A_889 = arith.constant 4095 : i32
    %not3A_890 = arith.constant -1 : i32
    %not3A_891 = arith.xori %not3A_889, %not3A_890 : i32
    %and3A_892 = vector.broadcast %not3A_891 : i32 to vector<8x32768xi32>
    %and3A_893 = arith.andi %iota3A, %and3A_892 : vector<8x32768xi32>
    %eq3A_894 = vector.broadcast %select_n3A_886 : vector<8x1xi32> to vector<8x32768xi32>
    %eq3A_895 = arith.cmpi eq, %and3A_893, %eq3A_894 : vector<8x32768xi32>
    %and3A_896 = arith.andi %eq3A_808, %eq3A_895 : vector<8x32768xi1>
    %and3A_897 = arith.constant 2048 : i32
    %and3A_898 = vector.broadcast %and3A_897 : i32 to vector<8x32768xi32>
    %and3A_899 = arith.andi %iota3A, %and3A_898 : vector<8x32768xi32>
    %eq3A_900 = arith.constant 0 : i32
    %eq3A_901 = vector.broadcast %eq3A_900 : i32 to vector<8x32768xi32>
    %eq3A_902 = arith.cmpi eq, %and3A_899, %eq3A_901 : vector<8x32768xi32>
    %and3A_903 = arith.andi %and3A_896, %eq3A_902 : vector<8x32768xi1>
    %convert_element_type3A_904 = arith.extui %and3A_903 : vector<8x32768xi1> to vector<8x32768xi32>
    %reduce_sum3A_905 = arith.constant dense<0> : vector<8xi32>
    %reduce_sum3A_906 = vector.multi_reduction <add>, %convert_element_type3A_904, %reduce_sum3A_905 [1] : vector<8x32768xi32> to vector<8xi32>
    %broadcast_in_dim3A_907 = vector.shape_cast %reduce_sum3A_906 : vector<8xi32> to vector<8x1xi32>
    %ge3A_908 = arith.cmpi sge, %broadcast_in_dim3A_907, %select_n3A_888 : vector<8x1xi32>
    %or3A_909 = arith.constant 2048 : i32
    %or3A_910 = vector.broadcast %or3A_909 : i32 to vector<8x1xi32>
    %or3A_911 = arith.ori %select_n3A_886, %or3A_910 : vector<8x1xi32>
    %select_n3A_912 = arith.select %ge3A_908, %select_n3A_886, %or3A_911 : vector<8x1xi1>, vector<8x1xi32>
    %sub3A_913 = arith.subi %select_n3A_888, %broadcast_in_dim3A_907 : vector<8x1xi32>
    %select_n3A_914 = arith.select %ge3A_908, %select_n3A_888, %sub3A_913 : vector<8x1xi1>, vector<8x1xi32>
    %not3A_915 = arith.constant 2047 : i32
    %not3A_916 = arith.constant -1 : i32
    %not3A_917 = arith.xori %not3A_915, %not3A_916 : i32
    %and3A_918 = vector.broadcast %not3A_917 : i32 to vector<8x32768xi32>
    %and3A_919 = arith.andi %iota3A, %and3A_918 : vector<8x32768xi32>
    %eq3A_920 = vector.broadcast %select_n3A_912 : vector<8x1xi32> to vector<8x32768xi32>
    %eq3A_921 = arith.cmpi eq, %and3A_919, %eq3A_920 : vector<8x32768xi32>
    %and3A_922 = arith.andi %eq3A_808, %eq3A_921 : vector<8x32768xi1>
    %and3A_923 = arith.constant 1024 : i32
    %and3A_924 = vector.broadcast %and3A_923 : i32 to vector<8x32768xi32>
    %and3A_925 = arith.andi %iota3A, %and3A_924 : vector<8x32768xi32>
    %eq3A_926 = arith.constant 0 : i32
    %eq3A_927 = vector.broadcast %eq3A_926 : i32 to vector<8x32768xi32>
    %eq3A_928 = arith.cmpi eq, %and3A_925, %eq3A_927 : vector<8x32768xi32>
    %and3A_929 = arith.andi %and3A_922, %eq3A_928 : vector<8x32768xi1>
    %convert_element_type3A_930 = arith.extui %and3A_929 : vector<8x32768xi1> to vector<8x32768xi32>
    %reduce_sum3A_931 = arith.constant dense<0> : vector<8xi32>
    %reduce_sum3A_932 = vector.multi_reduction <add>, %convert_element_type3A_930, %reduce_sum3A_931 [1] : vector<8x32768xi32> to vector<8xi32>
    %broadcast_in_dim3A_933 = vector.shape_cast %reduce_sum3A_932 : vector<8xi32> to vector<8x1xi32>
    %ge3A_934 = arith.cmpi sge, %broadcast_in_dim3A_933, %select_n3A_914 : vector<8x1xi32>
    %or3A_935 = arith.constant 1024 : i32
    %or3A_936 = vector.broadcast %or3A_935 : i32 to vector<8x1xi32>
    %or3A_937 = arith.ori %select_n3A_912, %or3A_936 : vector<8x1xi32>
    %select_n3A_938 = arith.select %ge3A_934, %select_n3A_912, %or3A_937 : vector<8x1xi1>, vector<8x1xi32>
    %sub3A_939 = arith.subi %select_n3A_914, %broadcast_in_dim3A_933 : vector<8x1xi32>
    %select_n3A_940 = arith.select %ge3A_934, %select_n3A_914, %sub3A_939 : vector<8x1xi1>, vector<8x1xi32>
    %not3A_941 = arith.constant 1023 : i32
    %not3A_942 = arith.constant -1 : i32
    %not3A_943 = arith.xori %not3A_941, %not3A_942 : i32
    %and3A_944 = vector.broadcast %not3A_943 : i32 to vector<8x32768xi32>
    %and3A_945 = arith.andi %iota3A, %and3A_944 : vector<8x32768xi32>
    %eq3A_946 = vector.broadcast %select_n3A_938 : vector<8x1xi32> to vector<8x32768xi32>
    %eq3A_947 = arith.cmpi eq, %and3A_945, %eq3A_946 : vector<8x32768xi32>
    %and3A_948 = arith.andi %eq3A_808, %eq3A_947 : vector<8x32768xi1>
    %and3A_949 = arith.constant 512 : i32
    %and3A_950 = vector.broadcast %and3A_949 : i32 to vector<8x32768xi32>
    %and3A_951 = arith.andi %iota3A, %and3A_950 : vector<8x32768xi32>
    %eq3A_952 = arith.constant 0 : i32
    %eq3A_953 = vector.broadcast %eq3A_952 : i32 to vector<8x32768xi32>
    %eq3A_954 = arith.cmpi eq, %and3A_951, %eq3A_953 : vector<8x32768xi32>
    %and3A_955 = arith.andi %and3A_948, %eq3A_954 : vector<8x32768xi1>
    %convert_element_type3A_956 = arith.extui %and3A_955 : vector<8x32768xi1> to vector<8x32768xi32>
    %reduce_sum3A_957 = arith.constant dense<0> : vector<8xi32>
    %reduce_sum3A_958 = vector.multi_reduction <add>, %convert_element_type3A_956, %reduce_sum3A_957 [1] : vector<8x32768xi32> to vector<8xi32>
    %broadcast_in_dim3A_959 = vector.shape_cast %reduce_sum3A_958 : vector<8xi32> to vector<8x1xi32>
    %ge3A_960 = arith.cmpi sge, %broadcast_in_dim3A_959, %select_n3A_940 : vector<8x1xi32>
    %or3A_961 = arith.constant 512 : i32
    %or3A_962 = vector.broadcast %or3A_961 : i32 to vector<8x1xi32>
    %or3A_963 = arith.ori %select_n3A_938, %or3A_962 : vector<8x1xi32>
    %select_n3A_964 = arith.select %ge3A_960, %select_n3A_938, %or3A_963 : vector<8x1xi1>, vector<8x1xi32>
    %sub3A_965 = arith.subi %select_n3A_940, %broadcast_in_dim3A_959 : vector<8x1xi32>
    %select_n3A_966 = arith.select %ge3A_960, %select_n3A_940, %sub3A_965 : vector<8x1xi1>, vector<8x1xi32>
    %not3A_967 = arith.constant 511 : i32
    %not3A_968 = arith.constant -1 : i32
    %not3A_969 = arith.xori %not3A_967, %not3A_968 : i32
    %and3A_970 = vector.broadcast %not3A_969 : i32 to vector<8x32768xi32>
    %and3A_971 = arith.andi %iota3A, %and3A_970 : vector<8x32768xi32>
    %eq3A_972 = vector.broadcast %select_n3A_964 : vector<8x1xi32> to vector<8x32768xi32>
    %eq3A_973 = arith.cmpi eq, %and3A_971, %eq3A_972 : vector<8x32768xi32>
    %and3A_974 = arith.andi %eq3A_808, %eq3A_973 : vector<8x32768xi1>
    %and3A_975 = arith.constant 256 : i32
    %and3A_976 = vector.broadcast %and3A_975 : i32 to vector<8x32768xi32>
    %and3A_977 = arith.andi %iota3A, %and3A_976 : vector<8x32768xi32>
    %eq3A_978 = arith.constant 0 : i32
    %eq3A_979 = vector.broadcast %eq3A_978 : i32 to vector<8x32768xi32>
    %eq3A_980 = arith.cmpi eq, %and3A_977, %eq3A_979 : vector<8x32768xi32>
    %and3A_981 = arith.andi %and3A_974, %eq3A_980 : vector<8x32768xi1>
    %convert_element_type3A_982 = arith.extui %and3A_981 : vector<8x32768xi1> to vector<8x32768xi32>
    %reduce_sum3A_983 = arith.constant dense<0> : vector<8xi32>
    %reduce_sum3A_984 = vector.multi_reduction <add>, %convert_element_type3A_982, %reduce_sum3A_983 [1] : vector<8x32768xi32> to vector<8xi32>
    %broadcast_in_dim3A_985 = vector.shape_cast %reduce_sum3A_984 : vector<8xi32> to vector<8x1xi32>
    %ge3A_986 = arith.cmpi sge, %broadcast_in_dim3A_985, %select_n3A_966 : vector<8x1xi32>
    %or3A_987 = arith.constant 256 : i32
    %or3A_988 = vector.broadcast %or3A_987 : i32 to vector<8x1xi32>
    %or3A_989 = arith.ori %select_n3A_964, %or3A_988 : vector<8x1xi32>
    %select_n3A_990 = arith.select %ge3A_986, %select_n3A_964, %or3A_989 : vector<8x1xi1>, vector<8x1xi32>
    %sub3A_991 = arith.subi %select_n3A_966, %broadcast_in_dim3A_985 : vector<8x1xi32>
    %select_n3A_992 = arith.select %ge3A_986, %select_n3A_966, %sub3A_991 : vector<8x1xi1>, vector<8x1xi32>
    %not3A_993 = arith.constant 255 : i32
    %not3A_994 = arith.constant -1 : i32
    %not3A_995 = arith.xori %not3A_993, %not3A_994 : i32
    %and3A_996 = vector.broadcast %not3A_995 : i32 to vector<8x32768xi32>
    %and3A_997 = arith.andi %iota3A, %and3A_996 : vector<8x32768xi32>
    %eq3A_998 = vector.broadcast %select_n3A_990 : vector<8x1xi32> to vector<8x32768xi32>
    %eq3A_999 = arith.cmpi eq, %and3A_997, %eq3A_998 : vector<8x32768xi32>
    %and3A_1000 = arith.andi %eq3A_808, %eq3A_999 : vector<8x32768xi1>
    %and3A_1001 = arith.constant 128 : i32
    %and3A_1002 = vector.broadcast %and3A_1001 : i32 to vector<8x32768xi32>
    %and3A_1003 = arith.andi %iota3A, %and3A_1002 : vector<8x32768xi32>
    %eq3A_1004 = arith.constant 0 : i32
    %eq3A_1005 = vector.broadcast %eq3A_1004 : i32 to vector<8x32768xi32>
    %eq3A_1006 = arith.cmpi eq, %and3A_1003, %eq3A_1005 : vector<8x32768xi32>
    %and3A_1007 = arith.andi %and3A_1000, %eq3A_1006 : vector<8x32768xi1>
    %convert_element_type3A_1008 = arith.extui %and3A_1007 : vector<8x32768xi1> to vector<8x32768xi32>
    %reduce_sum3A_1009 = arith.constant dense<0> : vector<8xi32>
    %reduce_sum3A_1010 = vector.multi_reduction <add>, %convert_element_type3A_1008, %reduce_sum3A_1009 [1] : vector<8x32768xi32> to vector<8xi32>
    %broadcast_in_dim3A_1011 = vector.shape_cast %reduce_sum3A_1010 : vector<8xi32> to vector<8x1xi32>
    %ge3A_1012 = arith.cmpi sge, %broadcast_in_dim3A_1011, %select_n3A_992 : vector<8x1xi32>
    %or3A_1013 = arith.constant 128 : i32
    %or3A_1014 = vector.broadcast %or3A_1013 : i32 to vector<8x1xi32>
    %or3A_1015 = arith.ori %select_n3A_990, %or3A_1014 : vector<8x1xi32>
    %select_n3A_1016 = arith.select %ge3A_1012, %select_n3A_990, %or3A_1015 : vector<8x1xi1>, vector<8x1xi32>
    %sub3A_1017 = arith.subi %select_n3A_992, %broadcast_in_dim3A_1011 : vector<8x1xi32>
    %select_n3A_1018 = arith.select %ge3A_1012, %select_n3A_992, %sub3A_1017 : vector<8x1xi1>, vector<8x1xi32>
    %not3A_1019 = arith.constant 127 : i32
    %not3A_1020 = arith.constant -1 : i32
    %not3A_1021 = arith.xori %not3A_1019, %not3A_1020 : i32
    %and3A_1022 = vector.broadcast %not3A_1021 : i32 to vector<8x32768xi32>
    %and3A_1023 = arith.andi %iota3A, %and3A_1022 : vector<8x32768xi32>
    %eq3A_1024 = vector.broadcast %select_n3A_1016 : vector<8x1xi32> to vector<8x32768xi32>
    %eq3A_1025 = arith.cmpi eq, %and3A_1023, %eq3A_1024 : vector<8x32768xi32>
    %and3A_1026 = arith.andi %eq3A_808, %eq3A_1025 : vector<8x32768xi1>
    %and3A_1027 = arith.constant 64 : i32
    %and3A_1028 = vector.broadcast %and3A_1027 : i32 to vector<8x32768xi32>
    %and3A_1029 = arith.andi %iota3A, %and3A_1028 : vector<8x32768xi32>
    %eq3A_1030 = arith.constant 0 : i32
    %eq3A_1031 = vector.broadcast %eq3A_1030 : i32 to vector<8x32768xi32>
    %eq3A_1032 = arith.cmpi eq, %and3A_1029, %eq3A_1031 : vector<8x32768xi32>
    %and3A_1033 = arith.andi %and3A_1026, %eq3A_1032 : vector<8x32768xi1>
    %convert_element_type3A_1034 = arith.extui %and3A_1033 : vector<8x32768xi1> to vector<8x32768xi32>
    %reduce_sum3A_1035 = arith.constant dense<0> : vector<8xi32>
    %reduce_sum3A_1036 = vector.multi_reduction <add>, %convert_element_type3A_1034, %reduce_sum3A_1035 [1] : vector<8x32768xi32> to vector<8xi32>
    %broadcast_in_dim3A_1037 = vector.shape_cast %reduce_sum3A_1036 : vector<8xi32> to vector<8x1xi32>
    %ge3A_1038 = arith.cmpi sge, %broadcast_in_dim3A_1037, %select_n3A_1018 : vector<8x1xi32>
    %or3A_1039 = arith.constant 64 : i32
    %or3A_1040 = vector.broadcast %or3A_1039 : i32 to vector<8x1xi32>
    %or3A_1041 = arith.ori %select_n3A_1016, %or3A_1040 : vector<8x1xi32>
    %select_n3A_1042 = arith.select %ge3A_1038, %select_n3A_1016, %or3A_1041 : vector<8x1xi1>, vector<8x1xi32>
    %sub3A_1043 = arith.subi %select_n3A_1018, %broadcast_in_dim3A_1037 : vector<8x1xi32>
    %select_n3A_1044 = arith.select %ge3A_1038, %select_n3A_1018, %sub3A_1043 : vector<8x1xi1>, vector<8x1xi32>
    %not3A_1045 = arith.constant 63 : i32
    %not3A_1046 = arith.constant -1 : i32
    %not3A_1047 = arith.xori %not3A_1045, %not3A_1046 : i32
    %and3A_1048 = vector.broadcast %not3A_1047 : i32 to vector<8x32768xi32>
    %and3A_1049 = arith.andi %iota3A, %and3A_1048 : vector<8x32768xi32>
    %eq3A_1050 = vector.broadcast %select_n3A_1042 : vector<8x1xi32> to vector<8x32768xi32>
    %eq3A_1051 = arith.cmpi eq, %and3A_1049, %eq3A_1050 : vector<8x32768xi32>
    %and3A_1052 = arith.andi %eq3A_808, %eq3A_1051 : vector<8x32768xi1>
    %and3A_1053 = arith.constant 32 : i32
    %and3A_1054 = vector.broadcast %and3A_1053 : i32 to vector<8x32768xi32>
    %and3A_1055 = arith.andi %iota3A, %and3A_1054 : vector<8x32768xi32>
    %eq3A_1056 = arith.constant 0 : i32
    %eq3A_1057 = vector.broadcast %eq3A_1056 : i32 to vector<8x32768xi32>
    %eq3A_1058 = arith.cmpi eq, %and3A_1055, %eq3A_1057 : vector<8x32768xi32>
    %and3A_1059 = arith.andi %and3A_1052, %eq3A_1058 : vector<8x32768xi1>
    %convert_element_type3A_1060 = arith.extui %and3A_1059 : vector<8x32768xi1> to vector<8x32768xi32>
    %reduce_sum3A_1061 = arith.constant dense<0> : vector<8xi32>
    %reduce_sum3A_1062 = vector.multi_reduction <add>, %convert_element_type3A_1060, %reduce_sum3A_1061 [1] : vector<8x32768xi32> to vector<8xi32>
    %broadcast_in_dim3A_1063 = vector.shape_cast %reduce_sum3A_1062 : vector<8xi32> to vector<8x1xi32>
    %ge3A_1064 = arith.cmpi sge, %broadcast_in_dim3A_1063, %select_n3A_1044 : vector<8x1xi32>
    %or3A_1065 = arith.constant 32 : i32
    %or3A_1066 = vector.broadcast %or3A_1065 : i32 to vector<8x1xi32>
    %or3A_1067 = arith.ori %select_n3A_1042, %or3A_1066 : vector<8x1xi32>
    %select_n3A_1068 = arith.select %ge3A_1064, %select_n3A_1042, %or3A_1067 : vector<8x1xi1>, vector<8x1xi32>
    %sub3A_1069 = arith.subi %select_n3A_1044, %broadcast_in_dim3A_1063 : vector<8x1xi32>
    %select_n3A_1070 = arith.select %ge3A_1064, %select_n3A_1044, %sub3A_1069 : vector<8x1xi1>, vector<8x1xi32>
    %not3A_1071 = arith.constant 31 : i32
    %not3A_1072 = arith.constant -1 : i32
    %not3A_1073 = arith.xori %not3A_1071, %not3A_1072 : i32
    %and3A_1074 = vector.broadcast %not3A_1073 : i32 to vector<8x32768xi32>
    %and3A_1075 = arith.andi %iota3A, %and3A_1074 : vector<8x32768xi32>
    %eq3A_1076 = vector.broadcast %select_n3A_1068 : vector<8x1xi32> to vector<8x32768xi32>
    %eq3A_1077 = arith.cmpi eq, %and3A_1075, %eq3A_1076 : vector<8x32768xi32>
    %and3A_1078 = arith.andi %eq3A_808, %eq3A_1077 : vector<8x32768xi1>
    %and3A_1079 = arith.constant 16 : i32
    %and3A_1080 = vector.broadcast %and3A_1079 : i32 to vector<8x32768xi32>
    %and3A_1081 = arith.andi %iota3A, %and3A_1080 : vector<8x32768xi32>
    %eq3A_1082 = arith.constant 0 : i32
    %eq3A_1083 = vector.broadcast %eq3A_1082 : i32 to vector<8x32768xi32>
    %eq3A_1084 = arith.cmpi eq, %and3A_1081, %eq3A_1083 : vector<8x32768xi32>
    %and3A_1085 = arith.andi %and3A_1078, %eq3A_1084 : vector<8x32768xi1>
    %convert_element_type3A_1086 = arith.extui %and3A_1085 : vector<8x32768xi1> to vector<8x32768xi32>
    %reduce_sum3A_1087 = arith.constant dense<0> : vector<8xi32>
    %reduce_sum3A_1088 = vector.multi_reduction <add>, %convert_element_type3A_1086, %reduce_sum3A_1087 [1] : vector<8x32768xi32> to vector<8xi32>
    %broadcast_in_dim3A_1089 = vector.shape_cast %reduce_sum3A_1088 : vector<8xi32> to vector<8x1xi32>
    %ge3A_1090 = arith.cmpi sge, %broadcast_in_dim3A_1089, %select_n3A_1070 : vector<8x1xi32>
    %or3A_1091 = arith.constant 16 : i32
    %or3A_1092 = vector.broadcast %or3A_1091 : i32 to vector<8x1xi32>
    %or3A_1093 = arith.ori %select_n3A_1068, %or3A_1092 : vector<8x1xi32>
    %select_n3A_1094 = arith.select %ge3A_1090, %select_n3A_1068, %or3A_1093 : vector<8x1xi1>, vector<8x1xi32>
    %sub3A_1095 = arith.subi %select_n3A_1070, %broadcast_in_dim3A_1089 : vector<8x1xi32>
    %select_n3A_1096 = arith.select %ge3A_1090, %select_n3A_1070, %sub3A_1095 : vector<8x1xi1>, vector<8x1xi32>
    %not3A_1097 = arith.constant 15 : i32
    %not3A_1098 = arith.constant -1 : i32
    %not3A_1099 = arith.xori %not3A_1097, %not3A_1098 : i32
    %and3A_1100 = vector.broadcast %not3A_1099 : i32 to vector<8x32768xi32>
    %and3A_1101 = arith.andi %iota3A, %and3A_1100 : vector<8x32768xi32>
    %eq3A_1102 = vector.broadcast %select_n3A_1094 : vector<8x1xi32> to vector<8x32768xi32>
    %eq3A_1103 = arith.cmpi eq, %and3A_1101, %eq3A_1102 : vector<8x32768xi32>
    %and3A_1104 = arith.andi %eq3A_808, %eq3A_1103 : vector<8x32768xi1>
    %and3A_1105 = arith.constant 8 : i32
    %and3A_1106 = vector.broadcast %and3A_1105 : i32 to vector<8x32768xi32>
    %and3A_1107 = arith.andi %iota3A, %and3A_1106 : vector<8x32768xi32>
    %eq3A_1108 = arith.constant 0 : i32
    %eq3A_1109 = vector.broadcast %eq3A_1108 : i32 to vector<8x32768xi32>
    %eq3A_1110 = arith.cmpi eq, %and3A_1107, %eq3A_1109 : vector<8x32768xi32>
    %and3A_1111 = arith.andi %and3A_1104, %eq3A_1110 : vector<8x32768xi1>
    %convert_element_type3A_1112 = arith.extui %and3A_1111 : vector<8x32768xi1> to vector<8x32768xi32>
    %reduce_sum3A_1113 = arith.constant dense<0> : vector<8xi32>
    %reduce_sum3A_1114 = vector.multi_reduction <add>, %convert_element_type3A_1112, %reduce_sum3A_1113 [1] : vector<8x32768xi32> to vector<8xi32>
    %broadcast_in_dim3A_1115 = vector.shape_cast %reduce_sum3A_1114 : vector<8xi32> to vector<8x1xi32>
    %ge3A_1116 = arith.cmpi sge, %broadcast_in_dim3A_1115, %select_n3A_1096 : vector<8x1xi32>
    %or3A_1117 = arith.constant 8 : i32
    %or3A_1118 = vector.broadcast %or3A_1117 : i32 to vector<8x1xi32>
    %or3A_1119 = arith.ori %select_n3A_1094, %or3A_1118 : vector<8x1xi32>
    %select_n3A_1120 = arith.select %ge3A_1116, %select_n3A_1094, %or3A_1119 : vector<8x1xi1>, vector<8x1xi32>
    %sub3A_1121 = arith.subi %select_n3A_1096, %broadcast_in_dim3A_1115 : vector<8x1xi32>
    %select_n3A_1122 = arith.select %ge3A_1116, %select_n3A_1096, %sub3A_1121 : vector<8x1xi1>, vector<8x1xi32>
    %not3A_1123 = arith.constant 7 : i32
    %not3A_1124 = arith.constant -1 : i32
    %not3A_1125 = arith.xori %not3A_1123, %not3A_1124 : i32
    %and3A_1126 = vector.broadcast %not3A_1125 : i32 to vector<8x32768xi32>
    %and3A_1127 = arith.andi %iota3A, %and3A_1126 : vector<8x32768xi32>
    %eq3A_1128 = vector.broadcast %select_n3A_1120 : vector<8x1xi32> to vector<8x32768xi32>
    %eq3A_1129 = arith.cmpi eq, %and3A_1127, %eq3A_1128 : vector<8x32768xi32>
    %and3A_1130 = arith.andi %eq3A_808, %eq3A_1129 : vector<8x32768xi1>
    %and3A_1131 = arith.constant 4 : i32
    %and3A_1132 = vector.broadcast %and3A_1131 : i32 to vector<8x32768xi32>
    %and3A_1133 = arith.andi %iota3A, %and3A_1132 : vector<8x32768xi32>
    %eq3A_1134 = arith.constant 0 : i32
    %eq3A_1135 = vector.broadcast %eq3A_1134 : i32 to vector<8x32768xi32>
    %eq3A_1136 = arith.cmpi eq, %and3A_1133, %eq3A_1135 : vector<8x32768xi32>
    %and3A_1137 = arith.andi %and3A_1130, %eq3A_1136 : vector<8x32768xi1>
    %convert_element_type3A_1138 = arith.extui %and3A_1137 : vector<8x32768xi1> to vector<8x32768xi32>
    %reduce_sum3A_1139 = arith.constant dense<0> : vector<8xi32>
    %reduce_sum3A_1140 = vector.multi_reduction <add>, %convert_element_type3A_1138, %reduce_sum3A_1139 [1] : vector<8x32768xi32> to vector<8xi32>
    %broadcast_in_dim3A_1141 = vector.shape_cast %reduce_sum3A_1140 : vector<8xi32> to vector<8x1xi32>
    %ge3A_1142 = arith.cmpi sge, %broadcast_in_dim3A_1141, %select_n3A_1122 : vector<8x1xi32>
    %or3A_1143 = arith.constant 4 : i32
    %or3A_1144 = vector.broadcast %or3A_1143 : i32 to vector<8x1xi32>
    %or3A_1145 = arith.ori %select_n3A_1120, %or3A_1144 : vector<8x1xi32>
    %select_n3A_1146 = arith.select %ge3A_1142, %select_n3A_1120, %or3A_1145 : vector<8x1xi1>, vector<8x1xi32>
    %sub3A_1147 = arith.subi %select_n3A_1122, %broadcast_in_dim3A_1141 : vector<8x1xi32>
    %select_n3A_1148 = arith.select %ge3A_1142, %select_n3A_1122, %sub3A_1147 : vector<8x1xi1>, vector<8x1xi32>
    %not3A_1149 = arith.constant 3 : i32
    %not3A_1150 = arith.constant -1 : i32
    %not3A_1151 = arith.xori %not3A_1149, %not3A_1150 : i32
    %and3A_1152 = vector.broadcast %not3A_1151 : i32 to vector<8x32768xi32>
    %and3A_1153 = arith.andi %iota3A, %and3A_1152 : vector<8x32768xi32>
    %eq3A_1154 = vector.broadcast %select_n3A_1146 : vector<8x1xi32> to vector<8x32768xi32>
    %eq3A_1155 = arith.cmpi eq, %and3A_1153, %eq3A_1154 : vector<8x32768xi32>
    %and3A_1156 = arith.andi %eq3A_808, %eq3A_1155 : vector<8x32768xi1>
    %and3A_1157 = arith.constant 2 : i32
    %and3A_1158 = vector.broadcast %and3A_1157 : i32 to vector<8x32768xi32>
    %and3A_1159 = arith.andi %iota3A, %and3A_1158 : vector<8x32768xi32>
    %eq3A_1160 = arith.constant 0 : i32
    %eq3A_1161 = vector.broadcast %eq3A_1160 : i32 to vector<8x32768xi32>
    %eq3A_1162 = arith.cmpi eq, %and3A_1159, %eq3A_1161 : vector<8x32768xi32>
    %and3A_1163 = arith.andi %and3A_1156, %eq3A_1162 : vector<8x32768xi1>
    %convert_element_type3A_1164 = arith.extui %and3A_1163 : vector<8x32768xi1> to vector<8x32768xi32>
    %reduce_sum3A_1165 = arith.constant dense<0> : vector<8xi32>
    %reduce_sum3A_1166 = vector.multi_reduction <add>, %convert_element_type3A_1164, %reduce_sum3A_1165 [1] : vector<8x32768xi32> to vector<8xi32>
    %broadcast_in_dim3A_1167 = vector.shape_cast %reduce_sum3A_1166 : vector<8xi32> to vector<8x1xi32>
    %ge3A_1168 = arith.cmpi sge, %broadcast_in_dim3A_1167, %select_n3A_1148 : vector<8x1xi32>
    %or3A_1169 = arith.constant 2 : i32
    %or3A_1170 = vector.broadcast %or3A_1169 : i32 to vector<8x1xi32>
    %or3A_1171 = arith.ori %select_n3A_1146, %or3A_1170 : vector<8x1xi32>
    %select_n3A_1172 = arith.select %ge3A_1168, %select_n3A_1146, %or3A_1171 : vector<8x1xi1>, vector<8x1xi32>
    %sub3A_1173 = arith.subi %select_n3A_1148, %broadcast_in_dim3A_1167 : vector<8x1xi32>
    %select_n3A_1174 = arith.select %ge3A_1168, %select_n3A_1148, %sub3A_1173 : vector<8x1xi1>, vector<8x1xi32>
    %not3A_1175 = arith.constant 1 : i32
    %not3A_1176 = arith.constant -1 : i32
    %not3A_1177 = arith.xori %not3A_1175, %not3A_1176 : i32
    %and3A_1178 = vector.broadcast %not3A_1177 : i32 to vector<8x32768xi32>
    %and3A_1179 = arith.andi %iota3A, %and3A_1178 : vector<8x32768xi32>
    %eq3A_1180 = vector.broadcast %select_n3A_1172 : vector<8x1xi32> to vector<8x32768xi32>
    %eq3A_1181 = arith.cmpi eq, %and3A_1179, %eq3A_1180 : vector<8x32768xi32>
    %and3A_1182 = arith.andi %eq3A_808, %eq3A_1181 : vector<8x32768xi1>
    %and3A_1183 = arith.constant 1 : i32
    %and3A_1184 = vector.broadcast %and3A_1183 : i32 to vector<8x32768xi32>
    %and3A_1185 = arith.andi %iota3A, %and3A_1184 : vector<8x32768xi32>
    %eq3A_1186 = arith.constant 0 : i32
    %eq3A_1187 = vector.broadcast %eq3A_1186 : i32 to vector<8x32768xi32>
    %eq3A_1188 = arith.cmpi eq, %and3A_1185, %eq3A_1187 : vector<8x32768xi32>
    %and3A_1189 = arith.andi %and3A_1182, %eq3A_1188 : vector<8x32768xi1>
    %convert_element_type3A_1190 = arith.extui %and3A_1189 : vector<8x32768xi1> to vector<8x32768xi32>
    %reduce_sum3A_1191 = arith.constant dense<0> : vector<8xi32>
    %reduce_sum3A_1192 = vector.multi_reduction <add>, %convert_element_type3A_1190, %reduce_sum3A_1191 [1] : vector<8x32768xi32> to vector<8xi32>
    %broadcast_in_dim3A_1193 = vector.shape_cast %reduce_sum3A_1192 : vector<8xi32> to vector<8x1xi32>
    %ge3A_1194 = arith.cmpi sge, %broadcast_in_dim3A_1193, %select_n3A_1174 : vector<8x1xi32>
    %or3A_1195 = arith.constant 1 : i32
    %or3A_1196 = vector.broadcast %or3A_1195 : i32 to vector<8x1xi32>
    %or3A_1197 = arith.ori %select_n3A_1172, %or3A_1196 : vector<8x1xi32>
    %select_n3A_1198 = arith.select %ge3A_1194, %select_n3A_1172, %or3A_1197 : vector<8x1xi1>, vector<8x1xi32>
    %gt3A = vector.broadcast %xor3A_806 : vector<8x1xi32> to vector<8x32768xi32>
    %gt3A_1199 = arith.cmpi sgt, %select_n3A, %gt3A : vector<8x32768xi32>
    %le3A = vector.broadcast %select_n3A_1198 : vector<8x1xi32> to vector<8x32768xi32>
    %le3A_1200 = arith.cmpi sle, %iota3A, %le3A : vector<8x32768xi32>
    %and3A_1201 = arith.andi %eq3A_808, %le3A_1200 : vector<8x32768xi1>
    %or3A_1202 = arith.ori %gt3A_1199, %and3A_1201 : vector<8x32768xi1>
    %convert_element_type3A_1203 = arith.extui %or3A_1202 : vector<8x32768xi1> to vector<8x32768xi32>
    %broadcast_in_dim3A_1204 = arith.constant 0 : i32
    %broadcast_in_dim3A_1205 = vector.broadcast %broadcast_in_dim3A_1204 : i32 to vector<8x1xi32>
    %slice3A = vector.extract_strided_slice %convert_element_type3A_1203 {offsets = [0, 0], sizes = [8, 32767], strides = [1, 1]} : vector<8x32768xi32> to vector<8x32767xi32>
    %concatenate3A = tpu.concatenate %broadcast_in_dim3A_1205, %slice3A in 1 : vector<8x1xi32>, vector<8x32767xi32> -> vector<8x32768xi32>
    %add3A = arith.addi %convert_element_type3A_1203, %concatenate3A : vector<8x32768xi32>
    %broadcast_in_dim3A_1206 = arith.constant 0 : i32
    %broadcast_in_dim3A_1207 = vector.broadcast %broadcast_in_dim3A_1206 : i32 to vector<8x2xi32>
    %slice3A_1208 = vector.extract_strided_slice %add3A {offsets = [0, 0], sizes = [8, 32766], strides = [1, 1]} : vector<8x32768xi32> to vector<8x32766xi32>
    %concatenate3A_1209 = tpu.concatenate %broadcast_in_dim3A_1207, %slice3A_1208 in 1 : vector<8x2xi32>, vector<8x32766xi32> -> vector<8x32768xi32>
    %add3A_1210 = arith.addi %add3A, %concatenate3A_1209 : vector<8x32768xi32>
    %broadcast_in_dim3A_1211 = arith.constant 0 : i32
    %broadcast_in_dim3A_1212 = vector.broadcast %broadcast_in_dim3A_1211 : i32 to vector<8x4xi32>
    %slice3A_1213 = vector.extract_strided_slice %add3A_1210 {offsets = [0, 0], sizes = [8, 32764], strides = [1, 1]} : vector<8x32768xi32> to vector<8x32764xi32>
    %concatenate3A_1214 = tpu.concatenate %broadcast_in_dim3A_1212, %slice3A_1213 in 1 : vector<8x4xi32>, vector<8x32764xi32> -> vector<8x32768xi32>
    %add3A_1215 = arith.addi %add3A_1210, %concatenate3A_1214 : vector<8x32768xi32>
    %broadcast_in_dim3A_1216 = arith.constant 0 : i32
    %broadcast_in_dim3A_1217 = vector.broadcast %broadcast_in_dim3A_1216 : i32 to vector<8x8xi32>
    %slice3A_1218 = vector.extract_strided_slice %add3A_1215 {offsets = [0, 0], sizes = [8, 32760], strides = [1, 1]} : vector<8x32768xi32> to vector<8x32760xi32>
    %concatenate3A_1219 = tpu.concatenate %broadcast_in_dim3A_1217, %slice3A_1218 in 1 : vector<8x8xi32>, vector<8x32760xi32> -> vector<8x32768xi32>
    %add3A_1220 = arith.addi %add3A_1215, %concatenate3A_1219 : vector<8x32768xi32>
    %broadcast_in_dim3A_1221 = arith.constant 0 : i32
    %broadcast_in_dim3A_1222 = vector.broadcast %broadcast_in_dim3A_1221 : i32 to vector<8x16xi32>
    %slice3A_1223 = vector.extract_strided_slice %add3A_1220 {offsets = [0, 0], sizes = [8, 32752], strides = [1, 1]} : vector<8x32768xi32> to vector<8x32752xi32>
    %concatenate3A_1224 = tpu.concatenate %broadcast_in_dim3A_1222, %slice3A_1223 in 1 : vector<8x16xi32>, vector<8x32752xi32> -> vector<8x32768xi32>
    %add3A_1225 = arith.addi %add3A_1220, %concatenate3A_1224 : vector<8x32768xi32>
    %broadcast_in_dim3A_1226 = arith.constant 0 : i32
    %broadcast_in_dim3A_1227 = vector.broadcast %broadcast_in_dim3A_1226 : i32 to vector<8x32xi32>
    %slice3A_1228 = vector.extract_strided_slice %add3A_1225 {offsets = [0, 0], sizes = [8, 32736], strides = [1, 1]} : vector<8x32768xi32> to vector<8x32736xi32>
    %concatenate3A_1229 = tpu.concatenate %broadcast_in_dim3A_1227, %slice3A_1228 in 1 : vector<8x32xi32>, vector<8x32736xi32> -> vector<8x32768xi32>
    %add3A_1230 = arith.addi %add3A_1225, %concatenate3A_1229 : vector<8x32768xi32>
    %broadcast_in_dim3A_1231 = arith.constant 0 : i32
    %broadcast_in_dim3A_1232 = vector.broadcast %broadcast_in_dim3A_1231 : i32 to vector<8x64xi32>
    %slice3A_1233 = vector.extract_strided_slice %add3A_1230 {offsets = [0, 0], sizes = [8, 32704], strides = [1, 1]} : vector<8x32768xi32> to vector<8x32704xi32>
    %concatenate3A_1234 = tpu.concatenate %broadcast_in_dim3A_1232, %slice3A_1233 in 1 : vector<8x64xi32>, vector<8x32704xi32> -> vector<8x32768xi32>
    %add3A_1235 = arith.addi %add3A_1230, %concatenate3A_1234 : vector<8x32768xi32>
    %broadcast_in_dim3A_1236 = arith.constant 0 : i32
    %broadcast_in_dim3A_1237 = vector.broadcast %broadcast_in_dim3A_1236 : i32 to vector<8x128xi32>
    %slice3A_1238 = vector.extract_strided_slice %add3A_1235 {offsets = [0, 0], sizes = [8, 32640], strides = [1, 1]} : vector<8x32768xi32> to vector<8x32640xi32>
    %concatenate3A_1239 = tpu.concatenate %broadcast_in_dim3A_1237, %slice3A_1238 in 1 : vector<8x128xi32>, vector<8x32640xi32> -> vector<8x32768xi32>
    %add3A_1240 = arith.addi %add3A_1235, %concatenate3A_1239 : vector<8x32768xi32>
    %broadcast_in_dim3A_1241 = arith.constant 0 : i32
    %broadcast_in_dim3A_1242 = vector.broadcast %broadcast_in_dim3A_1241 : i32 to vector<8x256xi32>
    %slice3A_1243 = vector.extract_strided_slice %add3A_1240 {offsets = [0, 0], sizes = [8, 32512], strides = [1, 1]} : vector<8x32768xi32> to vector<8x32512xi32>
    %concatenate3A_1244 = tpu.concatenate %broadcast_in_dim3A_1242, %slice3A_1243 in 1 : vector<8x256xi32>, vector<8x32512xi32> -> vector<8x32768xi32>
    %add3A_1245 = arith.addi %add3A_1240, %concatenate3A_1244 : vector<8x32768xi32>
    %broadcast_in_dim3A_1246 = arith.constant 0 : i32
    %broadcast_in_dim3A_1247 = vector.broadcast %broadcast_in_dim3A_1246 : i32 to vector<8x512xi32>
    %slice3A_1248 = vector.extract_strided_slice %add3A_1245 {offsets = [0, 0], sizes = [8, 32256], strides = [1, 1]} : vector<8x32768xi32> to vector<8x32256xi32>
    %concatenate3A_1249 = tpu.concatenate %broadcast_in_dim3A_1247, %slice3A_1248 in 1 : vector<8x512xi32>, vector<8x32256xi32> -> vector<8x32768xi32>
    %add3A_1250 = arith.addi %add3A_1245, %concatenate3A_1249 : vector<8x32768xi32>
    %broadcast_in_dim3A_1251 = arith.constant 0 : i32
    %broadcast_in_dim3A_1252 = vector.broadcast %broadcast_in_dim3A_1251 : i32 to vector<8x1024xi32>
    %slice3A_1253 = vector.extract_strided_slice %add3A_1250 {offsets = [0, 0], sizes = [8, 31744], strides = [1, 1]} : vector<8x32768xi32> to vector<8x31744xi32>
    %concatenate3A_1254 = tpu.concatenate %broadcast_in_dim3A_1252, %slice3A_1253 in 1 : vector<8x1024xi32>, vector<8x31744xi32> -> vector<8x32768xi32>
    %add3A_1255 = arith.addi %add3A_1250, %concatenate3A_1254 : vector<8x32768xi32>
    %broadcast_in_dim3A_1256 = arith.constant 0 : i32
    %broadcast_in_dim3A_1257 = vector.broadcast %broadcast_in_dim3A_1256 : i32 to vector<8x2048xi32>
    %slice3A_1258 = vector.extract_strided_slice %add3A_1255 {offsets = [0, 0], sizes = [8, 30720], strides = [1, 1]} : vector<8x32768xi32> to vector<8x30720xi32>
    %concatenate3A_1259 = tpu.concatenate %broadcast_in_dim3A_1257, %slice3A_1258 in 1 : vector<8x2048xi32>, vector<8x30720xi32> -> vector<8x32768xi32>
    %add3A_1260 = arith.addi %add3A_1255, %concatenate3A_1259 : vector<8x32768xi32>
    %broadcast_in_dim3A_1261 = arith.constant 0 : i32
    %broadcast_in_dim3A_1262 = vector.broadcast %broadcast_in_dim3A_1261 : i32 to vector<8x4096xi32>
    %slice3A_1263 = vector.extract_strided_slice %add3A_1260 {offsets = [0, 0], sizes = [8, 28672], strides = [1, 1]} : vector<8x32768xi32> to vector<8x28672xi32>
    %concatenate3A_1264 = tpu.concatenate %broadcast_in_dim3A_1262, %slice3A_1263 in 1 : vector<8x4096xi32>, vector<8x28672xi32> -> vector<8x32768xi32>
    %add3A_1265 = arith.addi %add3A_1260, %concatenate3A_1264 : vector<8x32768xi32>
    %broadcast_in_dim3A_1266 = arith.constant 0 : i32
    %broadcast_in_dim3A_1267 = vector.broadcast %broadcast_in_dim3A_1266 : i32 to vector<8x8192xi32>
    %slice3A_1268 = vector.extract_strided_slice %add3A_1265 {offsets = [0, 0], sizes = [8, 24576], strides = [1, 1]} : vector<8x32768xi32> to vector<8x24576xi32>
    %concatenate3A_1269 = tpu.concatenate %broadcast_in_dim3A_1267, %slice3A_1268 in 1 : vector<8x8192xi32>, vector<8x24576xi32> -> vector<8x32768xi32>
    %add3A_1270 = arith.addi %add3A_1265, %concatenate3A_1269 : vector<8x32768xi32>
    %broadcast_in_dim3A_1271 = arith.constant 0 : i32
    %broadcast_in_dim3A_1272 = vector.broadcast %broadcast_in_dim3A_1271 : i32 to vector<8x16384xi32>
    %slice3A_1273 = vector.extract_strided_slice %add3A_1270 {offsets = [0, 0], sizes = [8, 16384], strides = [1, 1]} : vector<8x32768xi32> to vector<8x16384xi32>
    %concatenate3A_1274 = tpu.concatenate %broadcast_in_dim3A_1272, %slice3A_1273 in 1 : vector<8x16384xi32>, vector<8x16384xi32> -> vector<8x32768xi32>
    %add3A_1275 = arith.addi %add3A_1270, %concatenate3A_1274 : vector<8x32768xi32>
    %sub3A_1276 = arith.subi %add3A_1275, %convert_element_type3A_1203 : vector<8x32768xi32>
    %shift_right_arithmetic3A = arith.constant 4 : i32
    %shift_right_arithmetic3A_1277 = vector.broadcast %shift_right_arithmetic3A : i32 to vector<8x32768xi32>
    %shift_right_arithmetic3A_1278 = arith.shrsi %sub3A_1276, %shift_right_arithmetic3A_1277 : vector<8x32768xi32>
    %and3A_1279 = arith.constant 15 : i32
    %and3A_1280 = vector.broadcast %and3A_1279 : i32 to vector<8x32768xi32>
    %and3A_1281 = arith.andi %sub3A_1276, %and3A_1280 : vector<8x32768xi32>
    %convert_element_type3A_1282 = arith.extui %or3A_1202 : vector<8x32768xi1> to vector<8x32768xi32>
    %convert_element_type3A_1283 = arith.sitofp %convert_element_type3A_1282 : vector<8x32768xi32> to vector<8x32768xf32>
    %shift_right_arithmetic3A_1284 = arith.constant 7 : i32
    %shift_right_arithmetic3A_1285 = vector.broadcast %shift_right_arithmetic3A_1284 : i32 to vector<8x32768xi32>
    %shift_right_arithmetic3A_1286 = arith.shrsi %iota3A, %shift_right_arithmetic3A_1285 : vector<8x32768xi32>
    %convert_element_type3A_1287 = arith.sitofp %shift_right_arithmetic3A_1286 : vector<8x32768xi32> to vector<8x32768xf32>
    %mul3A = arith.mulf %convert_element_type3A_1287, %convert_element_type3A_1283 : vector<8x32768xf32>
    %and3A_1288 = arith.constant 127 : i32
    %and3A_1289 = vector.broadcast %and3A_1288 : i32 to vector<8x32768xi32>
    %and3A_1290 = arith.andi %iota3A, %and3A_1289 : vector<8x32768xi32>
    %convert_element_type3A_1291 = arith.sitofp %and3A_1290 : vector<8x32768xi32> to vector<8x32768xf32>
    %mul3A_1292 = arith.mulf %convert_element_type3A_1291, %convert_element_type3A_1283 : vector<8x32768xf32>
    %iota3A_1293 = tpu.iota {dimensions = array<i32: 0>} : vector<16x32768xi32>
    %slice3A_1294 = vector.extract_strided_slice %or3A_1202 {offsets = [0, 0], sizes = [1, 32768], strides = [1, 1]} : vector<8x32768xi1> to vector<1x32768xi1>
    %squeeze3A = vector.shape_cast %slice3A_1294 : vector<1x32768xi1> to vector<32768xi1>
    %broadcast_in_dim3A_1295 = vector.shape_cast %squeeze3A : vector<32768xi1> to vector<1x32768xi1>
    %slice3A_1296 = vector.extract_strided_slice %shift_right_arithmetic3A_1278 {offsets = [0, 0], sizes = [1, 32768], strides = [1, 1]} : vector<8x32768xi32> to vector<1x32768xi32>
    %squeeze3A_1297 = vector.shape_cast %slice3A_1296 : vector<1x32768xi32> to vector<32768xi32>
    %broadcast_in_dim3A_1298 = vector.shape_cast %squeeze3A_1297 : vector<32768xi32> to vector<1x32768xi32>
    %eq3A_1299 = vector.broadcast %broadcast_in_dim3A_1298 : vector<1x32768xi32> to vector<16x32768xi32>
    %eq3A_1300 = arith.cmpi eq, %iota3A_1293, %eq3A_1299 : vector<16x32768xi32>
    %and3A_1301 = vector.broadcast %broadcast_in_dim3A_1295 : vector<1x32768xi1> to vector<16x32768xi1>
    %and3A_1302 = arith.andi %eq3A_1300, %and3A_1301 : vector<16x32768xi1>
    %jit3A = arith.constant 1.000000e+00 : f32
    %jit3A_1303 = arith.constant 0.000000e+00 : f32
    %broadcast_in_dim3A_1304 = vector.broadcast %jit3A : f32 to vector<16x32768xf32>
    %broadcast_in_dim3A_1305 = vector.broadcast %jit3A_1303 : f32 to vector<16x32768xf32>
    %select_n3A_1306 = arith.select %and3A_1302, %broadcast_in_dim3A_1304, %broadcast_in_dim3A_1305 : vector<16x32768xi1>, vector<16x32768xf32>
    %slice3A_1307 = vector.extract_strided_slice %and3A_1281 {offsets = [0, 0], sizes = [1, 32768], strides = [1, 1]} : vector<8x32768xi32> to vector<1x32768xi32>
    %squeeze3A_1308 = vector.shape_cast %slice3A_1307 : vector<1x32768xi32> to vector<32768xi32>
    %broadcast_in_dim3A_1309 = vector.shape_cast %squeeze3A_1308 : vector<32768xi32> to vector<1x32768xi32>
    %eq3A_1310 = vector.broadcast %broadcast_in_dim3A_1309 : vector<1x32768xi32> to vector<16x32768xi32>
    %eq3A_1311 = arith.cmpi eq, %iota3A_1293, %eq3A_1310 : vector<16x32768xi32>
    %and3A_1312 = vector.broadcast %broadcast_in_dim3A_1295 : vector<1x32768xi1> to vector<16x32768xi1>
    %and3A_1313 = arith.andi %eq3A_1311, %and3A_1312 : vector<16x32768xi1>
    %jit3A_1314 = arith.constant 1.000000e+00 : f32
    %jit3A_1315 = arith.constant 0.000000e+00 : f32
    %broadcast_in_dim3A_1316 = vector.broadcast %jit3A_1314 : f32 to vector<16x32768xf32>
    %broadcast_in_dim3A_1317 = vector.broadcast %jit3A_1315 : f32 to vector<16x32768xf32>
    %select_n3A_1318 = arith.select %and3A_1313, %broadcast_in_dim3A_1316, %broadcast_in_dim3A_1317 : vector<16x32768xi1>, vector<16x32768xf32>
    %slice3A_1319 = vector.extract_strided_slice %mul3A {offsets = [0, 0], sizes = [1, 32768], strides = [1, 1]} : vector<8x32768xf32> to vector<1x32768xf32>
    %squeeze3A_1320 = vector.shape_cast %slice3A_1319 : vector<1x32768xf32> to vector<32768xf32>
    %broadcast_in_dim3A_1321 = vector.shape_cast %squeeze3A_1320 : vector<32768xf32> to vector<1x32768xf32>
    %mul3A_1322 = vector.broadcast %broadcast_in_dim3A_1321 : vector<1x32768xf32> to vector<16x32768xf32>
    %mul3A_1323 = arith.mulf %select_n3A_1306, %mul3A_1322 : vector<16x32768xf32>
    %dot_general3A = arith.constant dense<0.000000e+00> : vector<16x16xf32>
    %dot_general3A_1324 = tpu.matmul %mul3A_1323, %select_n3A_1318, %dot_general3A {dimension_numbers = #tpu.dot_dimension_numbers<[1], [1], [0], [0], [0, 0, 1, 0], [], []>, transpose_lhs_hint = false} : vector<16x32768xf32>, vector<16x32768xf32>, vector<16x16xf32> -> vector<16x16xf32>
    %slice3A_1325 = vector.extract_strided_slice %mul3A_1292 {offsets = [0, 0], sizes = [1, 32768], strides = [1, 1]} : vector<8x32768xf32> to vector<1x32768xf32>
    %squeeze3A_1326 = vector.shape_cast %slice3A_1325 : vector<1x32768xf32> to vector<32768xf32>
    %broadcast_in_dim3A_1327 = vector.shape_cast %squeeze3A_1326 : vector<32768xf32> to vector<1x32768xf32>
    %mul3A_1328 = vector.broadcast %broadcast_in_dim3A_1327 : vector<1x32768xf32> to vector<16x32768xf32>
    %mul3A_1329 = arith.mulf %select_n3A_1306, %mul3A_1328 : vector<16x32768xf32>
    %dot_general3A_1330 = arith.constant dense<0.000000e+00> : vector<16x16xf32>
    %dot_general3A_1331 = tpu.matmul %mul3A_1329, %select_n3A_1318, %dot_general3A_1330 {dimension_numbers = #tpu.dot_dimension_numbers<[1], [1], [0], [0], [0, 0, 1, 0], [], []>, transpose_lhs_hint = false} : vector<16x32768xf32>, vector<16x32768xf32>, vector<16x16xf32> -> vector<16x16xf32>
    %convert_element_type3A_1332 = arith.fptosi %dot_general3A_1324 : vector<16x16xf32> to vector<16x16xi32>
    %mul3A_1333 = arith.constant 128 : i32
    %mul3A_1334 = vector.broadcast %mul3A_1333 : i32 to vector<16x16xi32>
    %mul3A_1335 = arith.muli %convert_element_type3A_1332, %mul3A_1334 : vector<16x16xi32>
    %convert_element_type3A_1336 = arith.fptosi %dot_general3A_1331 : vector<16x16xf32> to vector<16x16xi32>
    %add3A_1337 = arith.addi %mul3A_1335, %convert_element_type3A_1336 : vector<16x16xi32>
    %swap3A = arith.constant 0 : index
    %swap3A_1338 = arith.constant 0 : index
    %swap3A_1339 = arith.constant 0 : index
    %swap3A_1340 = vector.load %arg1[%swap3A, %swap3A_1338, %swap3A_1339] : memref<8x16x16xi32, #tpu.memory_space<vmem>>, vector<1x16x16xi32>
    %swap3A_1341 = vector.shape_cast %swap3A_1340 : vector<1x16x16xi32> to vector<16x16xi32>
    %swap3A_1342 = vector.shape_cast %add3A_1337 : vector<16x16xi32> to vector<1x16x16xi32>
    tpu.vector_store %arg1[%swap3A, %swap3A_1338, %swap3A_1339], %swap3A_1342 {strides = array<i32>} : memref<8x16x16xi32, #tpu.memory_space<vmem>>, vector<1x16x16xi32>,
    %iota3A_1343 = tpu.iota {dimensions = array<i32: 0>} : vector<256x16xi32>
    %jit3A_1344 = arith.constant 16 : i32
    %div3A = vector.broadcast %jit3A_1344 : i32 to vector<256x16xi32>
    %div3A_1345 = arith.divsi %iota3A_1343, %div3A : vector<256x16xi32>
    %sign3A = arith.constant 0 : i32
    %sign3A_1346 = vector.broadcast %sign3A : i32 to vector<256x16xi32>
    %sign3A_1347 = arith.cmpi sgt, %iota3A_1343, %sign3A_1346 : vector<256x16xi32>
    %sign3A_1348 = arith.extui %sign3A_1347 : vector<256x16xi1> to vector<256x16xi32>
    %sign3A_1349 = arith.constant 0 : i32
    %sign3A_1350 = vector.broadcast %sign3A_1349 : i32 to vector<256x16xi32>
    %sign3A_1351 = arith.cmpi slt, %iota3A_1343, %sign3A_1350 : vector<256x16xi32>
    %sign3A_1352 = arith.extui %sign3A_1351 : vector<256x16xi1> to vector<256x16xi32>
    %sign3A_1353 = arith.subi %sign3A_1348, %sign3A_1352 : vector<256x16xi32>
    %sign3A_1354 = arith.constant 0 : i32
    %sign3A_1355 = arith.cmpi sgt, %jit3A_1344, %sign3A_1354 : i32
    %sign3A_1356 = arith.extui %sign3A_1355 : i1 to i32
    %sign3A_1357 = arith.constant 0 : i32
    %sign3A_1358 = arith.cmpi slt, %jit3A_1344, %sign3A_1357 : i32
    %sign3A_1359 = arith.extui %sign3A_1358 : i1 to i32
    %sign3A_1360 = arith.subi %sign3A_1356, %sign3A_1359 : i32
    %ne3A_1361 = vector.broadcast %sign3A_1360 : i32 to vector<256x16xi32>
    %ne3A_1362 = arith.cmpi ne, %sign3A_1353, %ne3A_1361 : vector<256x16xi32>
    %rem3A = vector.broadcast %jit3A_1344 : i32 to vector<256x16xi32>
    %rem3A_1363 = arith.remsi %iota3A_1343, %rem3A : vector<256x16xi32>
    %ne3A_1364 = arith.constant 0 : i32
    %ne3A_1365 = vector.broadcast %ne3A_1364 : i32 to vector<256x16xi32>
    %ne3A_1366 = arith.cmpi ne, %rem3A_1363, %ne3A_1365 : vector<256x16xi32>
    %and3A_1367 = arith.andi %ne3A_1362, %ne3A_1366 : vector<256x16xi1>
    %sub3A_1368 = arith.constant 1 : i32
    %sub3A_1369 = vector.broadcast %sub3A_1368 : i32 to vector<256x16xi32>
    %sub3A_1370 = arith.subi %div3A_1345, %sub3A_1369 : vector<256x16xi32>
    %select_n3A_1371 = arith.select %and3A_1367, %sub3A_1370, %div3A_1345 : vector<256x16xi1>, vector<256x16xi32>
    %iota3A_1372 = tpu.iota {dimensions = array<i32: 1>} : vector<256x16xi32>
    %eq3A_1373 = arith.cmpi eq, %select_n3A_1371, %iota3A_1372 : vector<256x16xi32>
    %convert_element_type3A_1374 = arith.extui %eq3A_1373 : vector<256x16xi1> to vector<256x16xi32>
    %convert_element_type3A_1375 = arith.sitofp %convert_element_type3A_1374 : vector<256x16xi32> to vector<256x16xf32>
    %dot_general3A_1376 = arith.constant dense<0.000000e+00> : vector<256x16xf32>
    %dot_general3A_1377 = tpu.matmul %convert_element_type3A_1375, %dot_general3A_1324, %dot_general3A_1376 {dimension_numbers = #tpu.dot_dimension_numbers<[1], [0], [0], [1], [0, 0, 1, 1], [], []>, transpose_lhs_hint = false} : vector<256x16xf32>, vector<16x16xf32>, vector<256x16xf32> -> vector<256x16xf32>
    %dot_general3A_1378 = arith.constant dense<0.000000e+00> : vector<256x16xf32>
    %dot_general3A_1379 = tpu.matmul %convert_element_type3A_1375, %dot_general3A_1331, %dot_general3A_1378 {dimension_numbers = #tpu.dot_dimension_numbers<[1], [0], [0], [1], [0, 0, 1, 1], [], []>, transpose_lhs_hint = false} : vector<256x16xf32>, vector<16x16xf32>, vector<256x16xf32> -> vector<256x16xf32>
    %iota3A_1380 = tpu.iota {dimensions = array<i32: 0>} : vector<256x16xi32>
    %jit3A_1381 = arith.constant 16 : i32
    %eq3A_1382 = arith.constant 0 : i32
    %eq3A_1383 = arith.cmpi eq, %jit3A_1381, %eq3A_1382 : i32
    %jit3A_1384 = arith.constant 1 : i32
    %select_n3A_1385 = arith.select %eq3A_1383, %jit3A_1384, %jit3A_1381 : i32
    %rem3A_1386 = vector.broadcast %select_n3A_1385 : i32 to vector<256x16xi32>
    %rem3A_1387 = arith.remsi %iota3A_1380, %rem3A_1386 : vector<256x16xi32>
    %ne3A_1388 = arith.constant 0 : i32
    %ne3A_1389 = vector.broadcast %ne3A_1388 : i32 to vector<256x16xi32>
    %ne3A_1390 = arith.cmpi ne, %rem3A_1387, %ne3A_1389 : vector<256x16xi32>
    %lt3A = arith.constant 0 : i32
    %lt3A_1391 = vector.broadcast %lt3A : i32 to vector<256x16xi32>
    %lt3A_1392 = arith.cmpi slt, %rem3A_1387, %lt3A_1391 : vector<256x16xi32>
    %lt3A_1393 = arith.constant 0 : i32
    %lt3A_1394 = arith.cmpi slt, %select_n3A_1385, %lt3A_1393 : i32
    %ne3A_1395 = vector.broadcast %lt3A_1394 : i1 to vector<256x16xi1>
    %ne3A_1396 = vector.broadcast %ne3A_1395 : vector<256x16xi1> to vector<256x16xi1>
    %ne3A_1397 = arith.xori %lt3A_1392, %ne3A_1396 : vector<256x16xi1>
    %and3A_1398 = arith.andi %ne3A_1397, %ne3A_1390 : vector<256x16xi1>
    %add3A_1399 = vector.broadcast %select_n3A_1385 : i32 to vector<256x16xi32>
    %add3A_1400 = arith.addi %rem3A_1387, %add3A_1399 : vector<256x16xi32>
    %select_n3A_1401 = arith.select %and3A_1398, %add3A_1400, %rem3A_1387 : vector<256x16xi1>, vector<256x16xi32>
    %iota3A_1402 = tpu.iota {dimensions = array<i32: 1>} : vector<256x16xi32>
    %eq3A_1403 = arith.cmpi eq, %select_n3A_1401, %iota3A_1402 : vector<256x16xi32>
    %convert_element_type3A_1404 = arith.extui %eq3A_1403 : vector<256x16xi1> to vector<256x16xi32>
    %convert_element_type3A_1405 = arith.sitofp %convert_element_type3A_1404 : vector<256x16xi32> to vector<256x16xf32>
    %mul3A_1406 = arith.mulf %dot_general3A_1377, %convert_element_type3A_1405 : vector<256x16xf32>
    %reduce_sum3A_1407 = arith.constant dense<0.000000e+00> : vector<256xf32>
    %reduce_sum3A_1408 = vector.multi_reduction <add>, %mul3A_1406, %reduce_sum3A_1407 [1] : vector<256x16xf32> to vector<256xf32>
    %broadcast_in_dim3A_1409 = vector.shape_cast %reduce_sum3A_1408 : vector<256xf32> to vector<256x1xf32>
    %mul3A_1410 = arith.mulf %dot_general3A_1379, %convert_element_type3A_1405 : vector<256x16xf32>
    %reduce_sum3A_1411 = arith.constant dense<0.000000e+00> : vector<256xf32>
    %reduce_sum3A_1412 = vector.multi_reduction <add>, %mul3A_1410, %reduce_sum3A_1411 [1] : vector<256x16xf32> to vector<256xf32>
    %broadcast_in_dim3A_1413 = vector.shape_cast %reduce_sum3A_1412 : vector<256xf32> to vector<256x1xf32>
    %convert_element_type3A_1414 = arith.fptosi %broadcast_in_dim3A_1409 : vector<256x1xf32> to vector<256x1xi32>
    %mul3A_1415 = arith.constant 128 : i32
    %mul3A_1416 = vector.broadcast %mul3A_1415 : i32 to vector<256x1xi32>
    %mul3A_1417 = arith.muli %convert_element_type3A_1414, %mul3A_1416 : vector<256x1xi32>
    %convert_element_type3A_1418 = arith.fptosi %broadcast_in_dim3A_1413 : vector<256x1xf32> to vector<256x1xi32>
    %add3A_1419 = arith.addi %mul3A_1417, %convert_element_type3A_1418 : vector<256x1xi32>
    %broadcast_in_dim3A_1420 = vector.shape_cast %add3A_1419 : vector<256x1xi32> to vector<256x1xi32>
    %broadcast_in_dim3A_1421 = vector.broadcast %broadcast_in_dim3A_1420 : vector<256x1xi32> to vector<256x16xi32>
    %swap3A_1422 = arith.constant 0 : index
    %swap3A_1423 = arith.constant 0 : index
    %swap3A_1424 = arith.constant 0 : index
    %swap3A_1425 = vector.load %arg2[%swap3A_1422, %swap3A_1423, %swap3A_1424] : memref<8x256x16xi32, #tpu.memory_space<vmem>>, vector<1x256x16xi32>
    %swap3A_1426 = vector.shape_cast %swap3A_1425 : vector<1x256x16xi32> to vector<256x16xi32>
    %swap3A_1427 = vector.shape_cast %broadcast_in_dim3A_1421 : vector<256x16xi32> to vector<1x256x16xi32>
    tpu.vector_store %arg2[%swap3A_1422, %swap3A_1423, %swap3A_1424], %swap3A_1427 {strides = array<i32>} : memref<8x256x16xi32, #tpu.memory_space<vmem>>, vector<1x256x16xi32>,
    %slice3A_1428 = vector.extract_strided_slice %or3A_1202 {offsets = [1, 0], sizes = [1, 32768], strides = [1, 1]} : vector<8x32768xi1> to vector<1x32768xi1>
    %squeeze3A_1429 = vector.shape_cast %slice3A_1428 : vector<1x32768xi1> to vector<32768xi1>
    %broadcast_in_dim3A_1430 = vector.shape_cast %squeeze3A_1429 : vector<32768xi1> to vector<1x32768xi1>
    %slice3A_1431 = vector.extract_strided_slice %shift_right_arithmetic3A_1278 {offsets = [1, 0], sizes = [1, 32768], strides = [1, 1]} : vector<8x32768xi32> to vector<1x32768xi32>
    %squeeze3A_1432 = vector.shape_cast %slice3A_1431 : vector<1x32768xi32> to vector<32768xi32>
    %broadcast_in_dim3A_1433 = vector.shape_cast %squeeze3A_1432 : vector<32768xi32> to vector<1x32768xi32>
    %eq3A_1434 = vector.broadcast %broadcast_in_dim3A_1433 : vector<1x32768xi32> to vector<16x32768xi32>
    %eq3A_1435 = arith.cmpi eq, %iota3A_1293, %eq3A_1434 : vector<16x32768xi32>
    %and3A_1436 = vector.broadcast %broadcast_in_dim3A_1430 : vector<1x32768xi1> to vector<16x32768xi1>
    %and3A_1437 = arith.andi %eq3A_1435, %and3A_1436 : vector<16x32768xi1>
    %jit3A_1438 = arith.constant 1.000000e+00 : f32
    %jit3A_1439 = arith.constant 0.000000e+00 : f32
    %broadcast_in_dim3A_1440 = vector.broadcast %jit3A_1438 : f32 to vector<16x32768xf32>
    %broadcast_in_dim3A_1441 = vector.broadcast %jit3A_1439 : f32 to vector<16x32768xf32>
    %select_n3A_1442 = arith.select %and3A_1437, %broadcast_in_dim3A_1440, %broadcast_in_dim3A_1441 : vector<16x32768xi1>, vector<16x32768xf32>
    %slice3A_1443 = vector.extract_strided_slice %and3A_1281 {offsets = [1, 0], sizes = [1, 32768], strides = [1, 1]} : vector<8x32768xi32> to vector<1x32768xi32>
    %squeeze3A_1444 = vector.shape_cast %slice3A_1443 : vector<1x32768xi32> to vector<32768xi32>
    %broadcast_in_dim3A_1445 = vector.shape_cast %squeeze3A_1444 : vector<32768xi32> to vector<1x32768xi32>
    %eq3A_1446 = vector.broadcast %broadcast_in_dim3A_1445 : vector<1x32768xi32> to vector<16x32768xi32>
    %eq3A_1447 = arith.cmpi eq, %iota3A_1293, %eq3A_1446 : vector<16x32768xi32>
    %and3A_1448 = vector.broadcast %broadcast_in_dim3A_1430 : vector<1x32768xi1> to vector<16x32768xi1>
    %and3A_1449 = arith.andi %eq3A_1447, %and3A_1448 : vector<16x32768xi1>
    %jit3A_1450 = arith.constant 1.000000e+00 : f32
    %jit3A_1451 = arith.constant 0.000000e+00 : f32
    %broadcast_in_dim3A_1452 = vector.broadcast %jit3A_1450 : f32 to vector<16x32768xf32>
    %broadcast_in_dim3A_1453 = vector.broadcast %jit3A_1451 : f32 to vector<16x32768xf32>
    %select_n3A_1454 = arith.select %and3A_1449, %broadcast_in_dim3A_1452, %broadcast_in_dim3A_1453 : vector<16x32768xi1>, vector<16x32768xf32>
    %slice3A_1455 = vector.extract_strided_slice %mul3A {offsets = [1, 0], sizes = [1, 32768], strides = [1, 1]} : vector<8x32768xf32> to vector<1x32768xf32>
    %squeeze3A_1456 = vector.shape_cast %slice3A_1455 : vector<1x32768xf32> to vector<32768xf32>
    %broadcast_in_dim3A_1457 = vector.shape_cast %squeeze3A_1456 : vector<32768xf32> to vector<1x32768xf32>
    %mul3A_1458 = vector.broadcast %broadcast_in_dim3A_1457 : vector<1x32768xf32> to vector<16x32768xf32>
    %mul3A_1459 = arith.mulf %select_n3A_1442, %mul3A_1458 : vector<16x32768xf32>
    %dot_general3A_1460 = arith.constant dense<0.000000e+00> : vector<16x16xf32>
    %dot_general3A_1461 = tpu.matmul %mul3A_1459, %select_n3A_1454, %dot_general3A_1460 {dimension_numbers = #tpu.dot_dimension_numbers<[1], [1], [0], [0], [0, 0, 1, 0], [], []>, transpose_lhs_hint = false} : vector<16x32768xf32>, vector<16x32768xf32>, vector<16x16xf32> -> vector<16x16xf32>
    %slice3A_1462 = vector.extract_strided_slice %mul3A_1292 {offsets = [1, 0], sizes = [1, 32768], strides = [1, 1]} : vector<8x32768xf32> to vector<1x32768xf32>
    %squeeze3A_1463 = vector.shape_cast %slice3A_1462 : vector<1x32768xf32> to vector<32768xf32>
    %broadcast_in_dim3A_1464 = vector.shape_cast %squeeze3A_1463 : vector<32768xf32> to vector<1x32768xf32>
    %mul3A_1465 = vector.broadcast %broadcast_in_dim3A_1464 : vector<1x32768xf32> to vector<16x32768xf32>
    %mul3A_1466 = arith.mulf %select_n3A_1442, %mul3A_1465 : vector<16x32768xf32>
    %dot_general3A_1467 = arith.constant dense<0.000000e+00> : vector<16x16xf32>
    %dot_general3A_1468 = tpu.matmul %mul3A_1466, %select_n3A_1454, %dot_general3A_1467 {dimension_numbers = #tpu.dot_dimension_numbers<[1], [1], [0], [0], [0, 0, 1, 0], [], []>, transpose_lhs_hint = false} : vector<16x32768xf32>, vector<16x32768xf32>, vector<16x16xf32> -> vector<16x16xf32>
    %convert_element_type3A_1469 = arith.fptosi %dot_general3A_1461 : vector<16x16xf32> to vector<16x16xi32>
    %mul3A_1470 = arith.constant 128 : i32
    %mul3A_1471 = vector.broadcast %mul3A_1470 : i32 to vector<16x16xi32>
    %mul3A_1472 = arith.muli %convert_element_type3A_1469, %mul3A_1471 : vector<16x16xi32>
    %convert_element_type3A_1473 = arith.fptosi %dot_general3A_1468 : vector<16x16xf32> to vector<16x16xi32>
    %add3A_1474 = arith.addi %mul3A_1472, %convert_element_type3A_1473 : vector<16x16xi32>
    %swap3A_1475 = arith.constant 1 : index
    %swap3A_1476 = arith.constant 0 : index
    %swap3A_1477 = arith.constant 0 : index
    %swap3A_1478 = vector.load %arg1[%swap3A_1475, %swap3A_1476, %swap3A_1477] : memref<8x16x16xi32, #tpu.memory_space<vmem>>, vector<1x16x16xi32>
    %swap3A_1479 = vector.shape_cast %swap3A_1478 : vector<1x16x16xi32> to vector<16x16xi32>
    %swap3A_1480 = vector.shape_cast %add3A_1474 : vector<16x16xi32> to vector<1x16x16xi32>
    tpu.vector_store %arg1[%swap3A_1475, %swap3A_1476, %swap3A_1477], %swap3A_1480 {strides = array<i32>} : memref<8x16x16xi32, #tpu.memory_space<vmem>>, vector<1x16x16xi32>,
    %iota3A_1481 = tpu.iota {dimensions = array<i32: 0>} : vector<256x16xi32>
    %jit3A_1482 = arith.constant 16 : i32
    %div3A_1483 = vector.broadcast %jit3A_1482 : i32 to vector<256x16xi32>
    %div3A_1484 = arith.divsi %iota3A_1481, %div3A_1483 : vector<256x16xi32>
    %sign3A_1485 = arith.constant 0 : i32
    %sign3A_1486 = vector.broadcast %sign3A_1485 : i32 to vector<256x16xi32>
    %sign3A_1487 = arith.cmpi sgt, %iota3A_1481, %sign3A_1486 : vector<256x16xi32>
    %sign3A_1488 = arith.extui %sign3A_1487 : vector<256x16xi1> to vector<256x16xi32>
    %sign3A_1489 = arith.constant 0 : i32
    %sign3A_1490 = vector.broadcast %sign3A_1489 : i32 to vector<256x16xi32>
    %sign3A_1491 = arith.cmpi slt, %iota3A_1481, %sign3A_1490 : vector<256x16xi32>
    %sign3A_1492 = arith.extui %sign3A_1491 : vector<256x16xi1> to vector<256x16xi32>
    %sign3A_1493 = arith.subi %sign3A_1488, %sign3A_1492 : vector<256x16xi32>
    %sign3A_1494 = arith.constant 0 : i32
    %sign3A_1495 = arith.cmpi sgt, %jit3A_1482, %sign3A_1494 : i32
    %sign3A_1496 = arith.extui %sign3A_1495 : i1 to i32
    %sign3A_1497 = arith.constant 0 : i32
    %sign3A_1498 = arith.cmpi slt, %jit3A_1482, %sign3A_1497 : i32
    %sign3A_1499 = arith.extui %sign3A_1498 : i1 to i32
    %sign3A_1500 = arith.subi %sign3A_1496, %sign3A_1499 : i32
    %ne3A_1501 = vector.broadcast %sign3A_1500 : i32 to vector<256x16xi32>
    %ne3A_1502 = arith.cmpi ne, %sign3A_1493, %ne3A_1501 : vector<256x16xi32>
    %rem3A_1503 = vector.broadcast %jit3A_1482 : i32 to vector<256x16xi32>
    %rem3A_1504 = arith.remsi %iota3A_1481, %rem3A_1503 : vector<256x16xi32>
    %ne3A_1505 = arith.constant 0 : i32
    %ne3A_1506 = vector.broadcast %ne3A_1505 : i32 to vector<256x16xi32>
    %ne3A_1507 = arith.cmpi ne, %rem3A_1504, %ne3A_1506 : vector<256x16xi32>
    %and3A_1508 = arith.andi %ne3A_1502, %ne3A_1507 : vector<256x16xi1>
    %sub3A_1509 = arith.constant 1 : i32
    %sub3A_1510 = vector.broadcast %sub3A_1509 : i32 to vector<256x16xi32>
    %sub3A_1511 = arith.subi %div3A_1484, %sub3A_1510 : vector<256x16xi32>
    %select_n3A_1512 = arith.select %and3A_1508, %sub3A_1511, %div3A_1484 : vector<256x16xi1>, vector<256x16xi32>
    %iota3A_1513 = tpu.iota {dimensions = array<i32: 1>} : vector<256x16xi32>
    %eq3A_1514 = arith.cmpi eq, %select_n3A_1512, %iota3A_1513 : vector<256x16xi32>
    %convert_element_type3A_1515 = arith.extui %eq3A_1514 : vector<256x16xi1> to vector<256x16xi32>
    %convert_element_type3A_1516 = arith.sitofp %convert_element_type3A_1515 : vector<256x16xi32> to vector<256x16xf32>
    %dot_general3A_1517 = arith.constant dense<0.000000e+00> : vector<256x16xf32>
    %dot_general3A_1518 = tpu.matmul %convert_element_type3A_1516, %dot_general3A_1461, %dot_general3A_1517 {dimension_numbers = #tpu.dot_dimension_numbers<[1], [0], [0], [1], [0, 0, 1, 1], [], []>, transpose_lhs_hint = false} : vector<256x16xf32>, vector<16x16xf32>, vector<256x16xf32> -> vector<256x16xf32>
    %dot_general3A_1519 = arith.constant dense<0.000000e+00> : vector<256x16xf32>
    %dot_general3A_1520 = tpu.matmul %convert_element_type3A_1516, %dot_general3A_1468, %dot_general3A_1519 {dimension_numbers = #tpu.dot_dimension_numbers<[1], [0], [0], [1], [0, 0, 1, 1], [], []>, transpose_lhs_hint = false} : vector<256x16xf32>, vector<16x16xf32>, vector<256x16xf32> -> vector<256x16xf32>
    %iota3A_1521 = tpu.iota {dimensions = array<i32: 0>} : vector<256x16xi32>
    %jit3A_1522 = arith.constant 16 : i32
    %eq3A_1523 = arith.constant 0 : i32
    %eq3A_1524 = arith.cmpi eq, %jit3A_1522, %eq3A_1523 : i32
    %jit3A_1525 = arith.constant 1 : i32
    %select_n3A_1526 = arith.select %eq3A_1524, %jit3A_1525, %jit3A_1522 : i32
    %rem3A_1527 = vector.broadcast %select_n3A_1526 : i32 to vector<256x16xi32>
    %rem3A_1528 = arith.remsi %iota3A_1521, %rem3A_1527 : vector<256x16xi32>
    %ne3A_1529 = arith.constant 0 : i32
    %ne3A_1530 = vector.broadcast %ne3A_1529 : i32 to vector<256x16xi32>
    %ne3A_1531 = arith.cmpi ne, %rem3A_1528, %ne3A_1530 : vector<256x16xi32>
    %lt3A_1532 = arith.constant 0 : i32
    %lt3A_1533 = vector.broadcast %lt3A_1532 : i32 to vector<256x16xi32>
    %lt3A_1534 = arith.cmpi slt, %rem3A_1528, %lt3A_1533 : vector<256x16xi32>
    %lt3A_1535 = arith.constant 0 : i32
    %lt3A_1536 = arith.cmpi slt, %select_n3A_1526, %lt3A_1535 : i32
    %ne3A_1537 = vector.broadcast %lt3A_1536 : i1 to vector<256x16xi1>
    %ne3A_1538 = vector.broadcast %ne3A_1537 : vector<256x16xi1> to vector<256x16xi1>
    %ne3A_1539 = arith.xori %lt3A_1534, %ne3A_1538 : vector<256x16xi1>
    %and3A_1540 = arith.andi %ne3A_1539, %ne3A_1531 : vector<256x16xi1>
    %add3A_1541 = vector.broadcast %select_n3A_1526 : i32 to vector<256x16xi32>
    %add3A_1542 = arith.addi %rem3A_1528, %add3A_1541 : vector<256x16xi32>
    %select_n3A_1543 = arith.select %and3A_1540, %add3A_1542, %rem3A_1528 : vector<256x16xi1>, vector<256x16xi32>
    %iota3A_1544 = tpu.iota {dimensions = array<i32: 1>} : vector<256x16xi32>
    %eq3A_1545 = arith.cmpi eq, %select_n3A_1543, %iota3A_1544 : vector<256x16xi32>
    %convert_element_type3A_1546 = arith.extui %eq3A_1545 : vector<256x16xi1> to vector<256x16xi32>
    %convert_element_type3A_1547 = arith.sitofp %convert_element_type3A_1546 : vector<256x16xi32> to vector<256x16xf32>
    %mul3A_1548 = arith.mulf %dot_general3A_1518, %convert_element_type3A_1547 : vector<256x16xf32>
    %reduce_sum3A_1549 = arith.constant dense<0.000000e+00> : vector<256xf32>
    %reduce_sum3A_1550 = vector.multi_reduction <add>, %mul3A_1548, %reduce_sum3A_1549 [1] : vector<256x16xf32> to vector<256xf32>
    %broadcast_in_dim3A_1551 = vector.shape_cast %reduce_sum3A_1550 : vector<256xf32> to vector<256x1xf32>
    %mul3A_1552 = arith.mulf %dot_general3A_1520, %convert_element_type3A_1547 : vector<256x16xf32>
    %reduce_sum3A_1553 = arith.constant dense<0.000000e+00> : vector<256xf32>
    %reduce_sum3A_1554 = vector.multi_reduction <add>, %mul3A_1552, %reduce_sum3A_1553 [1] : vector<256x16xf32> to vector<256xf32>
    %broadcast_in_dim3A_1555 = vector.shape_cast %reduce_sum3A_1554 : vector<256xf32> to vector<256x1xf32>
    %convert_element_type3A_1556 = arith.fptosi %broadcast_in_dim3A_1551 : vector<256x1xf32> to vector<256x1xi32>
    %mul3A_1557 = arith.constant 128 : i32
    %mul3A_1558 = vector.broadcast %mul3A_1557 : i32 to vector<256x1xi32>
    %mul3A_1559 = arith.muli %convert_element_type3A_1556, %mul3A_1558 : vector<256x1xi32>
    %convert_element_type3A_1560 = arith.fptosi %broadcast_in_dim3A_1555 : vector<256x1xf32> to vector<256x1xi32>
    %add3A_1561 = arith.addi %mul3A_1559, %convert_element_type3A_1560 : vector<256x1xi32>
    %broadcast_in_dim3A_1562 = vector.shape_cast %add3A_1561 : vector<256x1xi32> to vector<256x1xi32>
    %broadcast_in_dim3A_1563 = vector.broadcast %broadcast_in_dim3A_1562 : vector<256x1xi32> to vector<256x16xi32>
    %swap3A_1564 = arith.constant 1 : index
    %swap3A_1565 = arith.constant 0 : index
    %swap3A_1566 = arith.constant 0 : index
    %swap3A_1567 = vector.load %arg2[%swap3A_1564, %swap3A_1565, %swap3A_1566] : memref<8x256x16xi32, #tpu.memory_space<vmem>>, vector<1x256x16xi32>
    %swap3A_1568 = vector.shape_cast %swap3A_1567 : vector<1x256x16xi32> to vector<256x16xi32>
    %swap3A_1569 = vector.shape_cast %broadcast_in_dim3A_1563 : vector<256x16xi32> to vector<1x256x16xi32>
    tpu.vector_store %arg2[%swap3A_1564, %swap3A_1565, %swap3A_1566], %swap3A_1569 {strides = array<i32>} : memref<8x256x16xi32, #tpu.memory_space<vmem>>, vector<1x256x16xi32>,
    %slice3A_1570 = vector.extract_strided_slice %or3A_1202 {offsets = [2, 0], sizes = [1, 32768], strides = [1, 1]} : vector<8x32768xi1> to vector<1x32768xi1>
    %squeeze3A_1571 = vector.shape_cast %slice3A_1570 : vector<1x32768xi1> to vector<32768xi1>
    %broadcast_in_dim3A_1572 = vector.shape_cast %squeeze3A_1571 : vector<32768xi1> to vector<1x32768xi1>
    %slice3A_1573 = vector.extract_strided_slice %shift_right_arithmetic3A_1278 {offsets = [2, 0], sizes = [1, 32768], strides = [1, 1]} : vector<8x32768xi32> to vector<1x32768xi32>
    %squeeze3A_1574 = vector.shape_cast %slice3A_1573 : vector<1x32768xi32> to vector<32768xi32>
    %broadcast_in_dim3A_1575 = vector.shape_cast %squeeze3A_1574 : vector<32768xi32> to vector<1x32768xi32>
    %eq3A_1576 = vector.broadcast %broadcast_in_dim3A_1575 : vector<1x32768xi32> to vector<16x32768xi32>
    %eq3A_1577 = arith.cmpi eq, %iota3A_1293, %eq3A_1576 : vector<16x32768xi32>
    %and3A_1578 = vector.broadcast %broadcast_in_dim3A_1572 : vector<1x32768xi1> to vector<16x32768xi1>
    %and3A_1579 = arith.andi %eq3A_1577, %and3A_1578 : vector<16x32768xi1>
    %jit3A_1580 = arith.constant 1.000000e+00 : f32
    %jit3A_1581 = arith.constant 0.000000e+00 : f32
    %broadcast_in_dim3A_1582 = vector.broadcast %jit3A_1580 : f32 to vector<16x32768xf32>
    %broadcast_in_dim3A_1583 = vector.broadcast %jit3A_1581 : f32 to vector<16x32768xf32>
    %select_n3A_1584 = arith.select %and3A_1579, %broadcast_in_dim3A_1582, %broadcast_in_dim3A_1583 : vector<16x32768xi1>, vector<16x32768xf32>
    %slice3A_1585 = vector.extract_strided_slice %and3A_1281 {offsets = [2, 0], sizes = [1, 32768], strides = [1, 1]} : vector<8x32768xi32> to vector<1x32768xi32>
    %squeeze3A_1586 = vector.shape_cast %slice3A_1585 : vector<1x32768xi32> to vector<32768xi32>
    %broadcast_in_dim3A_1587 = vector.shape_cast %squeeze3A_1586 : vector<32768xi32> to vector<1x32768xi32>
    %eq3A_1588 = vector.broadcast %broadcast_in_dim3A_1587 : vector<1x32768xi32> to vector<16x32768xi32>
    %eq3A_1589 = arith.cmpi eq, %iota3A_1293, %eq3A_1588 : vector<16x32768xi32>
    %and3A_1590 = vector.broadcast %broadcast_in_dim3A_1572 : vector<1x32768xi1> to vector<16x32768xi1>
    %and3A_1591 = arith.andi %eq3A_1589, %and3A_1590 : vector<16x32768xi1>
    %jit3A_1592 = arith.constant 1.000000e+00 : f32
    %jit3A_1593 = arith.constant 0.000000e+00 : f32
    %broadcast_in_dim3A_1594 = vector.broadcast %jit3A_1592 : f32 to vector<16x32768xf32>
    %broadcast_in_dim3A_1595 = vector.broadcast %jit3A_1593 : f32 to vector<16x32768xf32>
    %select_n3A_1596 = arith.select %and3A_1591, %broadcast_in_dim3A_1594, %broadcast_in_dim3A_1595 : vector<16x32768xi1>, vector<16x32768xf32>
    %slice3A_1597 = vector.extract_strided_slice %mul3A {offsets = [2, 0], sizes = [1, 32768], strides = [1, 1]} : vector<8x32768xf32> to vector<1x32768xf32>
    %squeeze3A_1598 = vector.shape_cast %slice3A_1597 : vector<1x32768xf32> to vector<32768xf32>
    %broadcast_in_dim3A_1599 = vector.shape_cast %squeeze3A_1598 : vector<32768xf32> to vector<1x32768xf32>
    %mul3A_1600 = vector.broadcast %broadcast_in_dim3A_1599 : vector<1x32768xf32> to vector<16x32768xf32>
    %mul3A_1601 = arith.mulf %select_n3A_1584, %mul3A_1600 : vector<16x32768xf32>
    %dot_general3A_1602 = arith.constant dense<0.000000e+00> : vector<16x16xf32>
    %dot_general3A_1603 = tpu.matmul %mul3A_1601, %select_n3A_1596, %dot_general3A_1602 {dimension_numbers = #tpu.dot_dimension_numbers<[1], [1], [0], [0], [0, 0, 1, 0], [], []>, transpose_lhs_hint = false} : vector<16x32768xf32>, vector<16x32768xf32>, vector<16x16xf32> -> vector<16x16xf32>
    %slice3A_1604 = vector.extract_strided_slice %mul3A_1292 {offsets = [2, 0], sizes = [1, 32768], strides = [1, 1]} : vector<8x32768xf32> to vector<1x32768xf32>
    %squeeze3A_1605 = vector.shape_cast %slice3A_1604 : vector<1x32768xf32> to vector<32768xf32>
    %broadcast_in_dim3A_1606 = vector.shape_cast %squeeze3A_1605 : vector<32768xf32> to vector<1x32768xf32>
    %mul3A_1607 = vector.broadcast %broadcast_in_dim3A_1606 : vector<1x32768xf32> to vector<16x32768xf32>
    %mul3A_1608 = arith.mulf %select_n3A_1584, %mul3A_1607 : vector<16x32768xf32>
    %dot_general3A_1609 = arith.constant dense<0.000000e+00> : vector<16x16xf32>
    %dot_general3A_1610 = tpu.matmul %mul3A_1608, %select_n3A_1596, %dot_general3A_1609 {dimension_numbers = #tpu.dot_dimension_numbers<[1], [1], [0], [0], [0, 0, 1, 0], [], []>, transpose_lhs_hint = false} : vector<16x32768xf32>, vector<16x32768xf32>, vector<16x16xf32> -> vector<16x16xf32>
    %convert_element_type3A_1611 = arith.fptosi %dot_general3A_1603 : vector<16x16xf32> to vector<16x16xi32>
    %mul3A_1612 = arith.constant 128 : i32
    %mul3A_1613 = vector.broadcast %mul3A_1612 : i32 to vector<16x16xi32>
    %mul3A_1614 = arith.muli %convert_element_type3A_1611, %mul3A_1613 : vector<16x16xi32>
    %convert_element_type3A_1615 = arith.fptosi %dot_general3A_1610 : vector<16x16xf32> to vector<16x16xi32>
    %add3A_1616 = arith.addi %mul3A_1614, %convert_element_type3A_1615 : vector<16x16xi32>
    %swap3A_1617 = arith.constant 2 : index
    %swap3A_1618 = arith.constant 0 : index
    %swap3A_1619 = arith.constant 0 : index
    %swap3A_1620 = vector.load %arg1[%swap3A_1617, %swap3A_1618, %swap3A_1619] : memref<8x16x16xi32, #tpu.memory_space<vmem>>, vector<1x16x16xi32>
    %swap3A_1621 = vector.shape_cast %swap3A_1620 : vector<1x16x16xi32> to vector<16x16xi32>
    %swap3A_1622 = vector.shape_cast %add3A_1616 : vector<16x16xi32> to vector<1x16x16xi32>
    tpu.vector_store %arg1[%swap3A_1617, %swap3A_1618, %swap3A_1619], %swap3A_1622 {strides = array<i32>} : memref<8x16x16xi32, #tpu.memory_space<vmem>>, vector<1x16x16xi32>,
    %iota3A_1623 = tpu.iota {dimensions = array<i32: 0>} : vector<256x16xi32>
    %jit3A_1624 = arith.constant 16 : i32
    %div3A_1625 = vector.broadcast %jit3A_1624 : i32 to vector<256x16xi32>
    %div3A_1626 = arith.divsi %iota3A_1623, %div3A_1625 : vector<256x16xi32>
    %sign3A_1627 = arith.constant 0 : i32
    %sign3A_1628 = vector.broadcast %sign3A_1627 : i32 to vector<256x16xi32>
    %sign3A_1629 = arith.cmpi sgt, %iota3A_1623, %sign3A_1628 : vector<256x16xi32>
    %sign3A_1630 = arith.extui %sign3A_1629 : vector<256x16xi1> to vector<256x16xi32>
    %sign3A_1631 = arith.constant 0 : i32
    %sign3A_1632 = vector.broadcast %sign3A_1631 : i32 to vector<256x16xi32>
    %sign3A_1633 = arith.cmpi slt, %iota3A_1623, %sign3A_1632 : vector<256x16xi32>
    %sign3A_1634 = arith.extui %sign3A_1633 : vector<256x16xi1> to vector<256x16xi32>
    %sign3A_1635 = arith.subi %sign3A_1630, %sign3A_1634 : vector<256x16xi32>
    %sign3A_1636 = arith.constant 0 : i32
    %sign3A_1637 = arith.cmpi sgt, %jit3A_1624, %sign3A_1636 : i32
    %sign3A_1638 = arith.extui %sign3A_1637 : i1 to i32
    %sign3A_1639 = arith.constant 0 : i32
    %sign3A_1640 = arith.cmpi slt, %jit3A_1624, %sign3A_1639 : i32
    %sign3A_1641 = arith.extui %sign3A_1640 : i1 to i32
    %sign3A_1642 = arith.subi %sign3A_1638, %sign3A_1641 : i32
    %ne3A_1643 = vector.broadcast %sign3A_1642 : i32 to vector<256x16xi32>
    %ne3A_1644 = arith.cmpi ne, %sign3A_1635, %ne3A_1643 : vector<256x16xi32>
    %rem3A_1645 = vector.broadcast %jit3A_1624 : i32 to vector<256x16xi32>
    %rem3A_1646 = arith.remsi %iota3A_1623, %rem3A_1645 : vector<256x16xi32>
    %ne3A_1647 = arith.constant 0 : i32
    %ne3A_1648 = vector.broadcast %ne3A_1647 : i32 to vector<256x16xi32>
    %ne3A_1649 = arith.cmpi ne, %rem3A_1646, %ne3A_1648 : vector<256x16xi32>
    %and3A_1650 = arith.andi %ne3A_1644, %ne3A_1649 : vector<256x16xi1>
    %sub3A_1651 = arith.constant 1 : i32
    %sub3A_1652 = vector.broadcast %sub3A_1651 : i32 to vector<256x16xi32>
    %sub3A_1653 = arith.subi %div3A_1626, %sub3A_1652 : vector<256x16xi32>
    %select_n3A_1654 = arith.select %and3A_1650, %sub3A_1653, %div3A_1626 : vector<256x16xi1>, vector<256x16xi32>
    %iota3A_1655 = tpu.iota {dimensions = array<i32: 1>} : vector<256x16xi32>
    %eq3A_1656 = arith.cmpi eq, %select_n3A_1654, %iota3A_1655 : vector<256x16xi32>
    %convert_element_type3A_1657 = arith.extui %eq3A_1656 : vector<256x16xi1> to vector<256x16xi32>
    %convert_element_type3A_1658 = arith.sitofp %convert_element_type3A_1657 : vector<256x16xi32> to vector<256x16xf32>
    %dot_general3A_1659 = arith.constant dense<0.000000e+00> : vector<256x16xf32>
    %dot_general3A_1660 = tpu.matmul %convert_element_type3A_1658, %dot_general3A_1603, %dot_general3A_1659 {dimension_numbers = #tpu.dot_dimension_numbers<[1], [0], [0], [1], [0, 0, 1, 1], [], []>, transpose_lhs_hint = false} : vector<256x16xf32>, vector<16x16xf32>, vector<256x16xf32> -> vector<256x16xf32>
    %dot_general3A_1661 = arith.constant dense<0.000000e+00> : vector<256x16xf32>
    %dot_general3A_1662 = tpu.matmul %convert_element_type3A_1658, %dot_general3A_1610, %dot_general3A_1661 {dimension_numbers = #tpu.dot_dimension_numbers<[1], [0], [0], [1], [0, 0, 1, 1], [], []>, transpose_lhs_hint = false} : vector<256x16xf32>, vector<16x16xf32>, vector<256x16xf32> -> vector<256x16xf32>
    %iota3A_1663 = tpu.iota {dimensions = array<i32: 0>} : vector<256x16xi32>
    %jit3A_1664 = arith.constant 16 : i32
    %eq3A_1665 = arith.constant 0 : i32
    %eq3A_1666 = arith.cmpi eq, %jit3A_1664, %eq3A_1665 : i32
    %jit3A_1667 = arith.constant 1 : i32
    %select_n3A_1668 = arith.select %eq3A_1666, %jit3A_1667, %jit3A_1664 : i32
    %rem3A_1669 = vector.broadcast %select_n3A_1668 : i32 to vector<256x16xi32>
    %rem3A_1670 = arith.remsi %iota3A_1663, %rem3A_1669 : vector<256x16xi32>
    %ne3A_1671 = arith.constant 0 : i32
    %ne3A_1672 = vector.broadcast %ne3A_1671 : i32 to vector<256x16xi32>
    %ne3A_1673 = arith.cmpi ne, %rem3A_1670, %ne3A_1672 : vector<256x16xi32>
    %lt3A_1674 = arith.constant 0 : i32
    %lt3A_1675 = vector.broadcast %lt3A_1674 : i32 to vector<256x16xi32>
    %lt3A_1676 = arith.cmpi slt, %rem3A_1670, %lt3A_1675 : vector<256x16xi32>
    %lt3A_1677 = arith.constant 0 : i32
    %lt3A_1678 = arith.cmpi slt, %select_n3A_1668, %lt3A_1677 : i32
    %ne3A_1679 = vector.broadcast %lt3A_1678 : i1 to vector<256x16xi1>
    %ne3A_1680 = vector.broadcast %ne3A_1679 : vector<256x16xi1> to vector<256x16xi1>
    %ne3A_1681 = arith.xori %lt3A_1676, %ne3A_1680 : vector<256x16xi1>
    %and3A_1682 = arith.andi %ne3A_1681, %ne3A_1673 : vector<256x16xi1>
    %add3A_1683 = vector.broadcast %select_n3A_1668 : i32 to vector<256x16xi32>
    %add3A_1684 = arith.addi %rem3A_1670, %add3A_1683 : vector<256x16xi32>
    %select_n3A_1685 = arith.select %and3A_1682, %add3A_1684, %rem3A_1670 : vector<256x16xi1>, vector<256x16xi32>
    %iota3A_1686 = tpu.iota {dimensions = array<i32: 1>} : vector<256x16xi32>
    %eq3A_1687 = arith.cmpi eq, %select_n3A_1685, %iota3A_1686 : vector<256x16xi32>
    %convert_element_type3A_1688 = arith.extui %eq3A_1687 : vector<256x16xi1> to vector<256x16xi32>
    %convert_element_type3A_1689 = arith.sitofp %convert_element_type3A_1688 : vector<256x16xi32> to vector<256x16xf32>
    %mul3A_1690 = arith.mulf %dot_general3A_1660, %convert_element_type3A_1689 : vector<256x16xf32>
    %reduce_sum3A_1691 = arith.constant dense<0.000000e+00> : vector<256xf32>
    %reduce_sum3A_1692 = vector.multi_reduction <add>, %mul3A_1690, %reduce_sum3A_1691 [1] : vector<256x16xf32> to vector<256xf32>
    %broadcast_in_dim3A_1693 = vector.shape_cast %reduce_sum3A_1692 : vector<256xf32> to vector<256x1xf32>
    %mul3A_1694 = arith.mulf %dot_general3A_1662, %convert_element_type3A_1689 : vector<256x16xf32>
    %reduce_sum3A_1695 = arith.constant dense<0.000000e+00> : vector<256xf32>
    %reduce_sum3A_1696 = vector.multi_reduction <add>, %mul3A_1694, %reduce_sum3A_1695 [1] : vector<256x16xf32> to vector<256xf32>
    %broadcast_in_dim3A_1697 = vector.shape_cast %reduce_sum3A_1696 : vector<256xf32> to vector<256x1xf32>
    %convert_element_type3A_1698 = arith.fptosi %broadcast_in_dim3A_1693 : vector<256x1xf32> to vector<256x1xi32>
    %mul3A_1699 = arith.constant 128 : i32
    %mul3A_1700 = vector.broadcast %mul3A_1699 : i32 to vector<256x1xi32>
    %mul3A_1701 = arith.muli %convert_element_type3A_1698, %mul3A_1700 : vector<256x1xi32>
    %convert_element_type3A_1702 = arith.fptosi %broadcast_in_dim3A_1697 : vector<256x1xf32> to vector<256x1xi32>
    %add3A_1703 = arith.addi %mul3A_1701, %convert_element_type3A_1702 : vector<256x1xi32>
    %broadcast_in_dim3A_1704 = vector.shape_cast %add3A_1703 : vector<256x1xi32> to vector<256x1xi32>
    %broadcast_in_dim3A_1705 = vector.broadcast %broadcast_in_dim3A_1704 : vector<256x1xi32> to vector<256x16xi32>
    %swap3A_1706 = arith.constant 2 : index
    %swap3A_1707 = arith.constant 0 : index
    %swap3A_1708 = arith.constant 0 : index
    %swap3A_1709 = vector.load %arg2[%swap3A_1706, %swap3A_1707, %swap3A_1708] : memref<8x256x16xi32, #tpu.memory_space<vmem>>, vector<1x256x16xi32>
    %swap3A_1710 = vector.shape_cast %swap3A_1709 : vector<1x256x16xi32> to vector<256x16xi32>
    %swap3A_1711 = vector.shape_cast %broadcast_in_dim3A_1705 : vector<256x16xi32> to vector<1x256x16xi32>
    tpu.vector_store %arg2[%swap3A_1706, %swap3A_1707, %swap3A_1708], %swap3A_1711 {strides = array<i32>} : memref<8x256x16xi32, #tpu.memory_space<vmem>>, vector<1x256x16xi32>,
    %slice3A_1712 = vector.extract_strided_slice %or3A_1202 {offsets = [3, 0], sizes = [1, 32768], strides = [1, 1]} : vector<8x32768xi1> to vector<1x32768xi1>
    %squeeze3A_1713 = vector.shape_cast %slice3A_1712 : vector<1x32768xi1> to vector<32768xi1>
    %broadcast_in_dim3A_1714 = vector.shape_cast %squeeze3A_1713 : vector<32768xi1> to vector<1x32768xi1>
    %slice3A_1715 = vector.extract_strided_slice %shift_right_arithmetic3A_1278 {offsets = [3, 0], sizes = [1, 32768], strides = [1, 1]} : vector<8x32768xi32> to vector<1x32768xi32>
    %squeeze3A_1716 = vector.shape_cast %slice3A_1715 : vector<1x32768xi32> to vector<32768xi32>
    %broadcast_in_dim3A_1717 = vector.shape_cast %squeeze3A_1716 : vector<32768xi32> to vector<1x32768xi32>
    %eq3A_1718 = vector.broadcast %broadcast_in_dim3A_1717 : vector<1x32768xi32> to vector<16x32768xi32>
    %eq3A_1719 = arith.cmpi eq, %iota3A_1293, %eq3A_1718 : vector<16x32768xi32>
    %and3A_1720 = vector.broadcast %broadcast_in_dim3A_1714 : vector<1x32768xi1> to vector<16x32768xi1>
    %and3A_1721 = arith.andi %eq3A_1719, %and3A_1720 : vector<16x32768xi1>
    %jit3A_1722 = arith.constant 1.000000e+00 : f32
    %jit3A_1723 = arith.constant 0.000000e+00 : f32
    %broadcast_in_dim3A_1724 = vector.broadcast %jit3A_1722 : f32 to vector<16x32768xf32>
    %broadcast_in_dim3A_1725 = vector.broadcast %jit3A_1723 : f32 to vector<16x32768xf32>
    %select_n3A_1726 = arith.select %and3A_1721, %broadcast_in_dim3A_1724, %broadcast_in_dim3A_1725 : vector<16x32768xi1>, vector<16x32768xf32>
    %slice3A_1727 = vector.extract_strided_slice %and3A_1281 {offsets = [3, 0], sizes = [1, 32768], strides = [1, 1]} : vector<8x32768xi32> to vector<1x32768xi32>
    %squeeze3A_1728 = vector.shape_cast %slice3A_1727 : vector<1x32768xi32> to vector<32768xi32>
    %broadcast_in_dim3A_1729 = vector.shape_cast %squeeze3A_1728 : vector<32768xi32> to vector<1x32768xi32>
    %eq3A_1730 = vector.broadcast %broadcast_in_dim3A_1729 : vector<1x32768xi32> to vector<16x32768xi32>
    %eq3A_1731 = arith.cmpi eq, %iota3A_1293, %eq3A_1730 : vector<16x32768xi32>
    %and3A_1732 = vector.broadcast %broadcast_in_dim3A_1714 : vector<1x32768xi1> to vector<16x32768xi1>
    %and3A_1733 = arith.andi %eq3A_1731, %and3A_1732 : vector<16x32768xi1>
    %jit3A_1734 = arith.constant 1.000000e+00 : f32
    %jit3A_1735 = arith.constant 0.000000e+00 : f32
    %broadcast_in_dim3A_1736 = vector.broadcast %jit3A_1734 : f32 to vector<16x32768xf32>
    %broadcast_in_dim3A_1737 = vector.broadcast %jit3A_1735 : f32 to vector<16x32768xf32>
    %select_n3A_1738 = arith.select %and3A_1733, %broadcast_in_dim3A_1736, %broadcast_in_dim3A_1737 : vector<16x32768xi1>, vector<16x32768xf32>
    %slice3A_1739 = vector.extract_strided_slice %mul3A {offsets = [3, 0], sizes = [1, 32768], strides = [1, 1]} : vector<8x32768xf32> to vector<1x32768xf32>
    %squeeze3A_1740 = vector.shape_cast %slice3A_1739 : vector<1x32768xf32> to vector<32768xf32>
    %broadcast_in_dim3A_1741 = vector.shape_cast %squeeze3A_1740 : vector<32768xf32> to vector<1x32768xf32>
    %mul3A_1742 = vector.broadcast %broadcast_in_dim3A_1741 : vector<1x32768xf32> to vector<16x32768xf32>
    %mul3A_1743 = arith.mulf %select_n3A_1726, %mul3A_1742 : vector<16x32768xf32>
    %dot_general3A_1744 = arith.constant dense<0.000000e+00> : vector<16x16xf32>
    %dot_general3A_1745 = tpu.matmul %mul3A_1743, %select_n3A_1738, %dot_general3A_1744 {dimension_numbers = #tpu.dot_dimension_numbers<[1], [1], [0], [0], [0, 0, 1, 0], [], []>, transpose_lhs_hint = false} : vector<16x32768xf32>, vector<16x32768xf32>, vector<16x16xf32> -> vector<16x16xf32>
    %slice3A_1746 = vector.extract_strided_slice %mul3A_1292 {offsets = [3, 0], sizes = [1, 32768], strides = [1, 1]} : vector<8x32768xf32> to vector<1x32768xf32>
    %squeeze3A_1747 = vector.shape_cast %slice3A_1746 : vector<1x32768xf32> to vector<32768xf32>
    %broadcast_in_dim3A_1748 = vector.shape_cast %squeeze3A_1747 : vector<32768xf32> to vector<1x32768xf32>
    %mul3A_1749 = vector.broadcast %broadcast_in_dim3A_1748 : vector<1x32768xf32> to vector<16x32768xf32>
    %mul3A_1750 = arith.mulf %select_n3A_1726, %mul3A_1749 : vector<16x32768xf32>
    %dot_general3A_1751 = arith.constant dense<0.000000e+00> : vector<16x16xf32>
    %dot_general3A_1752 = tpu.matmul %mul3A_1750, %select_n3A_1738, %dot_general3A_1751 {dimension_numbers = #tpu.dot_dimension_numbers<[1], [1], [0], [0], [0, 0, 1, 0], [], []>, transpose_lhs_hint = false} : vector<16x32768xf32>, vector<16x32768xf32>, vector<16x16xf32> -> vector<16x16xf32>
    %convert_element_type3A_1753 = arith.fptosi %dot_general3A_1745 : vector<16x16xf32> to vector<16x16xi32>
    %mul3A_1754 = arith.constant 128 : i32
    %mul3A_1755 = vector.broadcast %mul3A_1754 : i32 to vector<16x16xi32>
    %mul3A_1756 = arith.muli %convert_element_type3A_1753, %mul3A_1755 : vector<16x16xi32>
    %convert_element_type3A_1757 = arith.fptosi %dot_general3A_1752 : vector<16x16xf32> to vector<16x16xi32>
    %add3A_1758 = arith.addi %mul3A_1756, %convert_element_type3A_1757 : vector<16x16xi32>
    %swap3A_1759 = arith.constant 3 : index
    %swap3A_1760 = arith.constant 0 : index
    %swap3A_1761 = arith.constant 0 : index
    %swap3A_1762 = vector.load %arg1[%swap3A_1759, %swap3A_1760, %swap3A_1761] : memref<8x16x16xi32, #tpu.memory_space<vmem>>, vector<1x16x16xi32>
    %swap3A_1763 = vector.shape_cast %swap3A_1762 : vector<1x16x16xi32> to vector<16x16xi32>
    %swap3A_1764 = vector.shape_cast %add3A_1758 : vector<16x16xi32> to vector<1x16x16xi32>
    tpu.vector_store %arg1[%swap3A_1759, %swap3A_1760, %swap3A_1761], %swap3A_1764 {strides = array<i32>} : memref<8x16x16xi32, #tpu.memory_space<vmem>>, vector<1x16x16xi32>,
    %iota3A_1765 = tpu.iota {dimensions = array<i32: 0>} : vector<256x16xi32>
    %jit3A_1766 = arith.constant 16 : i32
    %div3A_1767 = vector.broadcast %jit3A_1766 : i32 to vector<256x16xi32>
    %div3A_1768 = arith.divsi %iota3A_1765, %div3A_1767 : vector<256x16xi32>
    %sign3A_1769 = arith.constant 0 : i32
    %sign3A_1770 = vector.broadcast %sign3A_1769 : i32 to vector<256x16xi32>
    %sign3A_1771 = arith.cmpi sgt, %iota3A_1765, %sign3A_1770 : vector<256x16xi32>
    %sign3A_1772 = arith.extui %sign3A_1771 : vector<256x16xi1> to vector<256x16xi32>
    %sign3A_1773 = arith.constant 0 : i32
    %sign3A_1774 = vector.broadcast %sign3A_1773 : i32 to vector<256x16xi32>
    %sign3A_1775 = arith.cmpi slt, %iota3A_1765, %sign3A_1774 : vector<256x16xi32>
    %sign3A_1776 = arith.extui %sign3A_1775 : vector<256x16xi1> to vector<256x16xi32>
    %sign3A_1777 = arith.subi %sign3A_1772, %sign3A_1776 : vector<256x16xi32>
    %sign3A_1778 = arith.constant 0 : i32
    %sign3A_1779 = arith.cmpi sgt, %jit3A_1766, %sign3A_1778 : i32
    %sign3A_1780 = arith.extui %sign3A_1779 : i1 to i32
    %sign3A_1781 = arith.constant 0 : i32
    %sign3A_1782 = arith.cmpi slt, %jit3A_1766, %sign3A_1781 : i32
    %sign3A_1783 = arith.extui %sign3A_1782 : i1 to i32
    %sign3A_1784 = arith.subi %sign3A_1780, %sign3A_1783 : i32
    %ne3A_1785 = vector.broadcast %sign3A_1784 : i32 to vector<256x16xi32>
    %ne3A_1786 = arith.cmpi ne, %sign3A_1777, %ne3A_1785 : vector<256x16xi32>
    %rem3A_1787 = vector.broadcast %jit3A_1766 : i32 to vector<256x16xi32>
    %rem3A_1788 = arith.remsi %iota3A_1765, %rem3A_1787 : vector<256x16xi32>
    %ne3A_1789 = arith.constant 0 : i32
    %ne3A_1790 = vector.broadcast %ne3A_1789 : i32 to vector<256x16xi32>
    %ne3A_1791 = arith.cmpi ne, %rem3A_1788, %ne3A_1790 : vector<256x16xi32>
    %and3A_1792 = arith.andi %ne3A_1786, %ne3A_1791 : vector<256x16xi1>
    %sub3A_1793 = arith.constant 1 : i32
    %sub3A_1794 = vector.broadcast %sub3A_1793 : i32 to vector<256x16xi32>
    %sub3A_1795 = arith.subi %div3A_1768, %sub3A_1794 : vector<256x16xi32>
    %select_n3A_1796 = arith.select %and3A_1792, %sub3A_1795, %div3A_1768 : vector<256x16xi1>, vector<256x16xi32>
    %iota3A_1797 = tpu.iota {dimensions = array<i32: 1>} : vector<256x16xi32>
    %eq3A_1798 = arith.cmpi eq, %select_n3A_1796, %iota3A_1797 : vector<256x16xi32>
    %convert_element_type3A_1799 = arith.extui %eq3A_1798 : vector<256x16xi1> to vector<256x16xi32>
    %convert_element_type3A_1800 = arith.sitofp %convert_element_type3A_1799 : vector<256x16xi32> to vector<256x16xf32>
    %dot_general3A_1801 = arith.constant dense<0.000000e+00> : vector<256x16xf32>
    %dot_general3A_1802 = tpu.matmul %convert_element_type3A_1800, %dot_general3A_1745, %dot_general3A_1801 {dimension_numbers = #tpu.dot_dimension_numbers<[1], [0], [0], [1], [0, 0, 1, 1], [], []>, transpose_lhs_hint = false} : vector<256x16xf32>, vector<16x16xf32>, vector<256x16xf32> -> vector<256x16xf32>
    %dot_general3A_1803 = arith.constant dense<0.000000e+00> : vector<256x16xf32>
    %dot_general3A_1804 = tpu.matmul %convert_element_type3A_1800, %dot_general3A_1752, %dot_general3A_1803 {dimension_numbers = #tpu.dot_dimension_numbers<[1], [0], [0], [1], [0, 0, 1, 1], [], []>, transpose_lhs_hint = false} : vector<256x16xf32>, vector<16x16xf32>, vector<256x16xf32> -> vector<256x16xf32>
    %iota3A_1805 = tpu.iota {dimensions = array<i32: 0>} : vector<256x16xi32>
    %jit3A_1806 = arith.constant 16 : i32
    %eq3A_1807 = arith.constant 0 : i32
    %eq3A_1808 = arith.cmpi eq, %jit3A_1806, %eq3A_1807 : i32
    %jit3A_1809 = arith.constant 1 : i32
    %select_n3A_1810 = arith.select %eq3A_1808, %jit3A_1809, %jit3A_1806 : i32
    %rem3A_1811 = vector.broadcast %select_n3A_1810 : i32 to vector<256x16xi32>
    %rem3A_1812 = arith.remsi %iota3A_1805, %rem3A_1811 : vector<256x16xi32>
    %ne3A_1813 = arith.constant 0 : i32
    %ne3A_1814 = vector.broadcast %ne3A_1813 : i32 to vector<256x16xi32>
    %ne3A_1815 = arith.cmpi ne, %rem3A_1812, %ne3A_1814 : vector<256x16xi32>
    %lt3A_1816 = arith.constant 0 : i32
    %lt3A_1817 = vector.broadcast %lt3A_1816 : i32 to vector<256x16xi32>
    %lt3A_1818 = arith.cmpi slt, %rem3A_1812, %lt3A_1817 : vector<256x16xi32>
    %lt3A_1819 = arith.constant 0 : i32
    %lt3A_1820 = arith.cmpi slt, %select_n3A_1810, %lt3A_1819 : i32
    %ne3A_1821 = vector.broadcast %lt3A_1820 : i1 to vector<256x16xi1>
    %ne3A_1822 = vector.broadcast %ne3A_1821 : vector<256x16xi1> to vector<256x16xi1>
    %ne3A_1823 = arith.xori %lt3A_1818, %ne3A_1822 : vector<256x16xi1>
    %and3A_1824 = arith.andi %ne3A_1823, %ne3A_1815 : vector<256x16xi1>
    %add3A_1825 = vector.broadcast %select_n3A_1810 : i32 to vector<256x16xi32>
    %add3A_1826 = arith.addi %rem3A_1812, %add3A_1825 : vector<256x16xi32>
    %select_n3A_1827 = arith.select %and3A_1824, %add3A_1826, %rem3A_1812 : vector<256x16xi1>, vector<256x16xi32>
    %iota3A_1828 = tpu.iota {dimensions = array<i32: 1>} : vector<256x16xi32>
    %eq3A_1829 = arith.cmpi eq, %select_n3A_1827, %iota3A_1828 : vector<256x16xi32>
    %convert_element_type3A_1830 = arith.extui %eq3A_1829 : vector<256x16xi1> to vector<256x16xi32>
    %convert_element_type3A_1831 = arith.sitofp %convert_element_type3A_1830 : vector<256x16xi32> to vector<256x16xf32>
    %mul3A_1832 = arith.mulf %dot_general3A_1802, %convert_element_type3A_1831 : vector<256x16xf32>
    %reduce_sum3A_1833 = arith.constant dense<0.000000e+00> : vector<256xf32>
    %reduce_sum3A_1834 = vector.multi_reduction <add>, %mul3A_1832, %reduce_sum3A_1833 [1] : vector<256x16xf32> to vector<256xf32>
    %broadcast_in_dim3A_1835 = vector.shape_cast %reduce_sum3A_1834 : vector<256xf32> to vector<256x1xf32>
    %mul3A_1836 = arith.mulf %dot_general3A_1804, %convert_element_type3A_1831 : vector<256x16xf32>
    %reduce_sum3A_1837 = arith.constant dense<0.000000e+00> : vector<256xf32>
    %reduce_sum3A_1838 = vector.multi_reduction <add>, %mul3A_1836, %reduce_sum3A_1837 [1] : vector<256x16xf32> to vector<256xf32>
    %broadcast_in_dim3A_1839 = vector.shape_cast %reduce_sum3A_1838 : vector<256xf32> to vector<256x1xf32>
    %convert_element_type3A_1840 = arith.fptosi %broadcast_in_dim3A_1835 : vector<256x1xf32> to vector<256x1xi32>
    %mul3A_1841 = arith.constant 128 : i32
    %mul3A_1842 = vector.broadcast %mul3A_1841 : i32 to vector<256x1xi32>
    %mul3A_1843 = arith.muli %convert_element_type3A_1840, %mul3A_1842 : vector<256x1xi32>
    %convert_element_type3A_1844 = arith.fptosi %broadcast_in_dim3A_1839 : vector<256x1xf32> to vector<256x1xi32>
    %add3A_1845 = arith.addi %mul3A_1843, %convert_element_type3A_1844 : vector<256x1xi32>
    %broadcast_in_dim3A_1846 = vector.shape_cast %add3A_1845 : vector<256x1xi32> to vector<256x1xi32>
    %broadcast_in_dim3A_1847 = vector.broadcast %broadcast_in_dim3A_1846 : vector<256x1xi32> to vector<256x16xi32>
    %swap3A_1848 = arith.constant 3 : index
    %swap3A_1849 = arith.constant 0 : index
    %swap3A_1850 = arith.constant 0 : index
    %swap3A_1851 = vector.load %arg2[%swap3A_1848, %swap3A_1849, %swap3A_1850] : memref<8x256x16xi32, #tpu.memory_space<vmem>>, vector<1x256x16xi32>
    %swap3A_1852 = vector.shape_cast %swap3A_1851 : vector<1x256x16xi32> to vector<256x16xi32>
    %swap3A_1853 = vector.shape_cast %broadcast_in_dim3A_1847 : vector<256x16xi32> to vector<1x256x16xi32>
    tpu.vector_store %arg2[%swap3A_1848, %swap3A_1849, %swap3A_1850], %swap3A_1853 {strides = array<i32>} : memref<8x256x16xi32, #tpu.memory_space<vmem>>, vector<1x256x16xi32>,
    %slice3A_1854 = vector.extract_strided_slice %or3A_1202 {offsets = [4, 0], sizes = [1, 32768], strides = [1, 1]} : vector<8x32768xi1> to vector<1x32768xi1>
    %squeeze3A_1855 = vector.shape_cast %slice3A_1854 : vector<1x32768xi1> to vector<32768xi1>
    %broadcast_in_dim3A_1856 = vector.shape_cast %squeeze3A_1855 : vector<32768xi1> to vector<1x32768xi1>
    %slice3A_1857 = vector.extract_strided_slice %shift_right_arithmetic3A_1278 {offsets = [4, 0], sizes = [1, 32768], strides = [1, 1]} : vector<8x32768xi32> to vector<1x32768xi32>
    %squeeze3A_1858 = vector.shape_cast %slice3A_1857 : vector<1x32768xi32> to vector<32768xi32>
    %broadcast_in_dim3A_1859 = vector.shape_cast %squeeze3A_1858 : vector<32768xi32> to vector<1x32768xi32>
    %eq3A_1860 = vector.broadcast %broadcast_in_dim3A_1859 : vector<1x32768xi32> to vector<16x32768xi32>
    %eq3A_1861 = arith.cmpi eq, %iota3A_1293, %eq3A_1860 : vector<16x32768xi32>
    %and3A_1862 = vector.broadcast %broadcast_in_dim3A_1856 : vector<1x32768xi1> to vector<16x32768xi1>
    %and3A_1863 = arith.andi %eq3A_1861, %and3A_1862 : vector<16x32768xi1>
    %jit3A_1864 = arith.constant 1.000000e+00 : f32
    %jit3A_1865 = arith.constant 0.000000e+00 : f32
    %broadcast_in_dim3A_1866 = vector.broadcast %jit3A_1864 : f32 to vector<16x32768xf32>
    %broadcast_in_dim3A_1867 = vector.broadcast %jit3A_1865 : f32 to vector<16x32768xf32>
    %select_n3A_1868 = arith.select %and3A_1863, %broadcast_in_dim3A_1866, %broadcast_in_dim3A_1867 : vector<16x32768xi1>, vector<16x32768xf32>
    %slice3A_1869 = vector.extract_strided_slice %and3A_1281 {offsets = [4, 0], sizes = [1, 32768], strides = [1, 1]} : vector<8x32768xi32> to vector<1x32768xi32>
    %squeeze3A_1870 = vector.shape_cast %slice3A_1869 : vector<1x32768xi32> to vector<32768xi32>
    %broadcast_in_dim3A_1871 = vector.shape_cast %squeeze3A_1870 : vector<32768xi32> to vector<1x32768xi32>
    %eq3A_1872 = vector.broadcast %broadcast_in_dim3A_1871 : vector<1x32768xi32> to vector<16x32768xi32>
    %eq3A_1873 = arith.cmpi eq, %iota3A_1293, %eq3A_1872 : vector<16x32768xi32>
    %and3A_1874 = vector.broadcast %broadcast_in_dim3A_1856 : vector<1x32768xi1> to vector<16x32768xi1>
    %and3A_1875 = arith.andi %eq3A_1873, %and3A_1874 : vector<16x32768xi1>
    %jit3A_1876 = arith.constant 1.000000e+00 : f32
    %jit3A_1877 = arith.constant 0.000000e+00 : f32
    %broadcast_in_dim3A_1878 = vector.broadcast %jit3A_1876 : f32 to vector<16x32768xf32>
    %broadcast_in_dim3A_1879 = vector.broadcast %jit3A_1877 : f32 to vector<16x32768xf32>
    %select_n3A_1880 = arith.select %and3A_1875, %broadcast_in_dim3A_1878, %broadcast_in_dim3A_1879 : vector<16x32768xi1>, vector<16x32768xf32>
    %slice3A_1881 = vector.extract_strided_slice %mul3A {offsets = [4, 0], sizes = [1, 32768], strides = [1, 1]} : vector<8x32768xf32> to vector<1x32768xf32>
    %squeeze3A_1882 = vector.shape_cast %slice3A_1881 : vector<1x32768xf32> to vector<32768xf32>
    %broadcast_in_dim3A_1883 = vector.shape_cast %squeeze3A_1882 : vector<32768xf32> to vector<1x32768xf32>
    %mul3A_1884 = vector.broadcast %broadcast_in_dim3A_1883 : vector<1x32768xf32> to vector<16x32768xf32>
    %mul3A_1885 = arith.mulf %select_n3A_1868, %mul3A_1884 : vector<16x32768xf32>
    %dot_general3A_1886 = arith.constant dense<0.000000e+00> : vector<16x16xf32>
    %dot_general3A_1887 = tpu.matmul %mul3A_1885, %select_n3A_1880, %dot_general3A_1886 {dimension_numbers = #tpu.dot_dimension_numbers<[1], [1], [0], [0], [0, 0, 1, 0], [], []>, transpose_lhs_hint = false} : vector<16x32768xf32>, vector<16x32768xf32>, vector<16x16xf32> -> vector<16x16xf32>
    %slice3A_1888 = vector.extract_strided_slice %mul3A_1292 {offsets = [4, 0], sizes = [1, 32768], strides = [1, 1]} : vector<8x32768xf32> to vector<1x32768xf32>
    %squeeze3A_1889 = vector.shape_cast %slice3A_1888 : vector<1x32768xf32> to vector<32768xf32>
    %broadcast_in_dim3A_1890 = vector.shape_cast %squeeze3A_1889 : vector<32768xf32> to vector<1x32768xf32>
    %mul3A_1891 = vector.broadcast %broadcast_in_dim3A_1890 : vector<1x32768xf32> to vector<16x32768xf32>
    %mul3A_1892 = arith.mulf %select_n3A_1868, %mul3A_1891 : vector<16x32768xf32>
    %dot_general3A_1893 = arith.constant dense<0.000000e+00> : vector<16x16xf32>
    %dot_general3A_1894 = tpu.matmul %mul3A_1892, %select_n3A_1880, %dot_general3A_1893 {dimension_numbers = #tpu.dot_dimension_numbers<[1], [1], [0], [0], [0, 0, 1, 0], [], []>, transpose_lhs_hint = false} : vector<16x32768xf32>, vector<16x32768xf32>, vector<16x16xf32> -> vector<16x16xf32>
    %convert_element_type3A_1895 = arith.fptosi %dot_general3A_1887 : vector<16x16xf32> to vector<16x16xi32>
    %mul3A_1896 = arith.constant 128 : i32
    %mul3A_1897 = vector.broadcast %mul3A_1896 : i32 to vector<16x16xi32>
    %mul3A_1898 = arith.muli %convert_element_type3A_1895, %mul3A_1897 : vector<16x16xi32>
    %convert_element_type3A_1899 = arith.fptosi %dot_general3A_1894 : vector<16x16xf32> to vector<16x16xi32>
    %add3A_1900 = arith.addi %mul3A_1898, %convert_element_type3A_1899 : vector<16x16xi32>
    %swap3A_1901 = arith.constant 4 : index
    %swap3A_1902 = arith.constant 0 : index
    %swap3A_1903 = arith.constant 0 : index
    %swap3A_1904 = vector.load %arg1[%swap3A_1901, %swap3A_1902, %swap3A_1903] : memref<8x16x16xi32, #tpu.memory_space<vmem>>, vector<1x16x16xi32>
    %swap3A_1905 = vector.shape_cast %swap3A_1904 : vector<1x16x16xi32> to vector<16x16xi32>
    %swap3A_1906 = vector.shape_cast %add3A_1900 : vector<16x16xi32> to vector<1x16x16xi32>
    tpu.vector_store %arg1[%swap3A_1901, %swap3A_1902, %swap3A_1903], %swap3A_1906 {strides = array<i32>} : memref<8x16x16xi32, #tpu.memory_space<vmem>>, vector<1x16x16xi32>,
    %iota3A_1907 = tpu.iota {dimensions = array<i32: 0>} : vector<256x16xi32>
    %jit3A_1908 = arith.constant 16 : i32
    %div3A_1909 = vector.broadcast %jit3A_1908 : i32 to vector<256x16xi32>
    %div3A_1910 = arith.divsi %iota3A_1907, %div3A_1909 : vector<256x16xi32>
    %sign3A_1911 = arith.constant 0 : i32
    %sign3A_1912 = vector.broadcast %sign3A_1911 : i32 to vector<256x16xi32>
    %sign3A_1913 = arith.cmpi sgt, %iota3A_1907, %sign3A_1912 : vector<256x16xi32>
    %sign3A_1914 = arith.extui %sign3A_1913 : vector<256x16xi1> to vector<256x16xi32>
    %sign3A_1915 = arith.constant 0 : i32
    %sign3A_1916 = vector.broadcast %sign3A_1915 : i32 to vector<256x16xi32>
    %sign3A_1917 = arith.cmpi slt, %iota3A_1907, %sign3A_1916 : vector<256x16xi32>
    %sign3A_1918 = arith.extui %sign3A_1917 : vector<256x16xi1> to vector<256x16xi32>
    %sign3A_1919 = arith.subi %sign3A_1914, %sign3A_1918 : vector<256x16xi32>
    %sign3A_1920 = arith.constant 0 : i32
    %sign3A_1921 = arith.cmpi sgt, %jit3A_1908, %sign3A_1920 : i32
    %sign3A_1922 = arith.extui %sign3A_1921 : i1 to i32
    %sign3A_1923 = arith.constant 0 : i32
    %sign3A_1924 = arith.cmpi slt, %jit3A_1908, %sign3A_1923 : i32
    %sign3A_1925 = arith.extui %sign3A_1924 : i1 to i32
    %sign3A_1926 = arith.subi %sign3A_1922, %sign3A_1925 : i32
    %ne3A_1927 = vector.broadcast %sign3A_1926 : i32 to vector<256x16xi32>
    %ne3A_1928 = arith.cmpi ne, %sign3A_1919, %ne3A_1927 : vector<256x16xi32>
    %rem3A_1929 = vector.broadcast %jit3A_1908 : i32 to vector<256x16xi32>
    %rem3A_1930 = arith.remsi %iota3A_1907, %rem3A_1929 : vector<256x16xi32>
    %ne3A_1931 = arith.constant 0 : i32
    %ne3A_1932 = vector.broadcast %ne3A_1931 : i32 to vector<256x16xi32>
    %ne3A_1933 = arith.cmpi ne, %rem3A_1930, %ne3A_1932 : vector<256x16xi32>
    %and3A_1934 = arith.andi %ne3A_1928, %ne3A_1933 : vector<256x16xi1>
    %sub3A_1935 = arith.constant 1 : i32
    %sub3A_1936 = vector.broadcast %sub3A_1935 : i32 to vector<256x16xi32>
    %sub3A_1937 = arith.subi %div3A_1910, %sub3A_1936 : vector<256x16xi32>
    %select_n3A_1938 = arith.select %and3A_1934, %sub3A_1937, %div3A_1910 : vector<256x16xi1>, vector<256x16xi32>
    %iota3A_1939 = tpu.iota {dimensions = array<i32: 1>} : vector<256x16xi32>
    %eq3A_1940 = arith.cmpi eq, %select_n3A_1938, %iota3A_1939 : vector<256x16xi32>
    %convert_element_type3A_1941 = arith.extui %eq3A_1940 : vector<256x16xi1> to vector<256x16xi32>
    %convert_element_type3A_1942 = arith.sitofp %convert_element_type3A_1941 : vector<256x16xi32> to vector<256x16xf32>
    %dot_general3A_1943 = arith.constant dense<0.000000e+00> : vector<256x16xf32>
    %dot_general3A_1944 = tpu.matmul %convert_element_type3A_1942, %dot_general3A_1887, %dot_general3A_1943 {dimension_numbers = #tpu.dot_dimension_numbers<[1], [0], [0], [1], [0, 0, 1, 1], [], []>, transpose_lhs_hint = false} : vector<256x16xf32>, vector<16x16xf32>, vector<256x16xf32> -> vector<256x16xf32>
    %dot_general3A_1945 = arith.constant dense<0.000000e+00> : vector<256x16xf32>
    %dot_general3A_1946 = tpu.matmul %convert_element_type3A_1942, %dot_general3A_1894, %dot_general3A_1945 {dimension_numbers = #tpu.dot_dimension_numbers<[1], [0], [0], [1], [0, 0, 1, 1], [], []>, transpose_lhs_hint = false} : vector<256x16xf32>, vector<16x16xf32>, vector<256x16xf32> -> vector<256x16xf32>
    %iota3A_1947 = tpu.iota {dimensions = array<i32: 0>} : vector<256x16xi32>
    %jit3A_1948 = arith.constant 16 : i32
    %eq3A_1949 = arith.constant 0 : i32
    %eq3A_1950 = arith.cmpi eq, %jit3A_1948, %eq3A_1949 : i32
    %jit3A_1951 = arith.constant 1 : i32
    %select_n3A_1952 = arith.select %eq3A_1950, %jit3A_1951, %jit3A_1948 : i32
    %rem3A_1953 = vector.broadcast %select_n3A_1952 : i32 to vector<256x16xi32>
    %rem3A_1954 = arith.remsi %iota3A_1947, %rem3A_1953 : vector<256x16xi32>
    %ne3A_1955 = arith.constant 0 : i32
    %ne3A_1956 = vector.broadcast %ne3A_1955 : i32 to vector<256x16xi32>
    %ne3A_1957 = arith.cmpi ne, %rem3A_1954, %ne3A_1956 : vector<256x16xi32>
    %lt3A_1958 = arith.constant 0 : i32
    %lt3A_1959 = vector.broadcast %lt3A_1958 : i32 to vector<256x16xi32>
    %lt3A_1960 = arith.cmpi slt, %rem3A_1954, %lt3A_1959 : vector<256x16xi32>
    %lt3A_1961 = arith.constant 0 : i32
    %lt3A_1962 = arith.cmpi slt, %select_n3A_1952, %lt3A_1961 : i32
    %ne3A_1963 = vector.broadcast %lt3A_1962 : i1 to vector<256x16xi1>
    %ne3A_1964 = vector.broadcast %ne3A_1963 : vector<256x16xi1> to vector<256x16xi1>
    %ne3A_1965 = arith.xori %lt3A_1960, %ne3A_1964 : vector<256x16xi1>
    %and3A_1966 = arith.andi %ne3A_1965, %ne3A_1957 : vector<256x16xi1>
    %add3A_1967 = vector.broadcast %select_n3A_1952 : i32 to vector<256x16xi32>
    %add3A_1968 = arith.addi %rem3A_1954, %add3A_1967 : vector<256x16xi32>
    %select_n3A_1969 = arith.select %and3A_1966, %add3A_1968, %rem3A_1954 : vector<256x16xi1>, vector<256x16xi32>
    %iota3A_1970 = tpu.iota {dimensions = array<i32: 1>} : vector<256x16xi32>
    %eq3A_1971 = arith.cmpi eq, %select_n3A_1969, %iota3A_1970 : vector<256x16xi32>
    %convert_element_type3A_1972 = arith.extui %eq3A_1971 : vector<256x16xi1> to vector<256x16xi32>
    %convert_element_type3A_1973 = arith.sitofp %convert_element_type3A_1972 : vector<256x16xi32> to vector<256x16xf32>
    %mul3A_1974 = arith.mulf %dot_general3A_1944, %convert_element_type3A_1973 : vector<256x16xf32>
    %reduce_sum3A_1975 = arith.constant dense<0.000000e+00> : vector<256xf32>
    %reduce_sum3A_1976 = vector.multi_reduction <add>, %mul3A_1974, %reduce_sum3A_1975 [1] : vector<256x16xf32> to vector<256xf32>
    %broadcast_in_dim3A_1977 = vector.shape_cast %reduce_sum3A_1976 : vector<256xf32> to vector<256x1xf32>
    %mul3A_1978 = arith.mulf %dot_general3A_1946, %convert_element_type3A_1973 : vector<256x16xf32>
    %reduce_sum3A_1979 = arith.constant dense<0.000000e+00> : vector<256xf32>
    %reduce_sum3A_1980 = vector.multi_reduction <add>, %mul3A_1978, %reduce_sum3A_1979 [1] : vector<256x16xf32> to vector<256xf32>
    %broadcast_in_dim3A_1981 = vector.shape_cast %reduce_sum3A_1980 : vector<256xf32> to vector<256x1xf32>
    %convert_element_type3A_1982 = arith.fptosi %broadcast_in_dim3A_1977 : vector<256x1xf32> to vector<256x1xi32>
    %mul3A_1983 = arith.constant 128 : i32
    %mul3A_1984 = vector.broadcast %mul3A_1983 : i32 to vector<256x1xi32>
    %mul3A_1985 = arith.muli %convert_element_type3A_1982, %mul3A_1984 : vector<256x1xi32>
    %convert_element_type3A_1986 = arith.fptosi %broadcast_in_dim3A_1981 : vector<256x1xf32> to vector<256x1xi32>
    %add3A_1987 = arith.addi %mul3A_1985, %convert_element_type3A_1986 : vector<256x1xi32>
    %broadcast_in_dim3A_1988 = vector.shape_cast %add3A_1987 : vector<256x1xi32> to vector<256x1xi32>
    %broadcast_in_dim3A_1989 = vector.broadcast %broadcast_in_dim3A_1988 : vector<256x1xi32> to vector<256x16xi32>
    %swap3A_1990 = arith.constant 4 : index
    %swap3A_1991 = arith.constant 0 : index
    %swap3A_1992 = arith.constant 0 : index
    %swap3A_1993 = vector.load %arg2[%swap3A_1990, %swap3A_1991, %swap3A_1992] : memref<8x256x16xi32, #tpu.memory_space<vmem>>, vector<1x256x16xi32>
    %swap3A_1994 = vector.shape_cast %swap3A_1993 : vector<1x256x16xi32> to vector<256x16xi32>
    %swap3A_1995 = vector.shape_cast %broadcast_in_dim3A_1989 : vector<256x16xi32> to vector<1x256x16xi32>
    tpu.vector_store %arg2[%swap3A_1990, %swap3A_1991, %swap3A_1992], %swap3A_1995 {strides = array<i32>} : memref<8x256x16xi32, #tpu.memory_space<vmem>>, vector<1x256x16xi32>,
    %slice3A_1996 = vector.extract_strided_slice %or3A_1202 {offsets = [5, 0], sizes = [1, 32768], strides = [1, 1]} : vector<8x32768xi1> to vector<1x32768xi1>
    %squeeze3A_1997 = vector.shape_cast %slice3A_1996 : vector<1x32768xi1> to vector<32768xi1>
    %broadcast_in_dim3A_1998 = vector.shape_cast %squeeze3A_1997 : vector<32768xi1> to vector<1x32768xi1>
    %slice3A_1999 = vector.extract_strided_slice %shift_right_arithmetic3A_1278 {offsets = [5, 0], sizes = [1, 32768], strides = [1, 1]} : vector<8x32768xi32> to vector<1x32768xi32>
    %squeeze3A_2000 = vector.shape_cast %slice3A_1999 : vector<1x32768xi32> to vector<32768xi32>
    %broadcast_in_dim3A_2001 = vector.shape_cast %squeeze3A_2000 : vector<32768xi32> to vector<1x32768xi32>
    %eq3A_2002 = vector.broadcast %broadcast_in_dim3A_2001 : vector<1x32768xi32> to vector<16x32768xi32>
    %eq3A_2003 = arith.cmpi eq, %iota3A_1293, %eq3A_2002 : vector<16x32768xi32>
    %and3A_2004 = vector.broadcast %broadcast_in_dim3A_1998 : vector<1x32768xi1> to vector<16x32768xi1>
    %and3A_2005 = arith.andi %eq3A_2003, %and3A_2004 : vector<16x32768xi1>
    %jit3A_2006 = arith.constant 1.000000e+00 : f32
    %jit3A_2007 = arith.constant 0.000000e+00 : f32
    %broadcast_in_dim3A_2008 = vector.broadcast %jit3A_2006 : f32 to vector<16x32768xf32>
    %broadcast_in_dim3A_2009 = vector.broadcast %jit3A_2007 : f32 to vector<16x32768xf32>
    %select_n3A_2010 = arith.select %and3A_2005, %broadcast_in_dim3A_2008, %broadcast_in_dim3A_2009 : vector<16x32768xi1>, vector<16x32768xf32>
    %slice3A_2011 = vector.extract_strided_slice %and3A_1281 {offsets = [5, 0], sizes = [1, 32768], strides = [1, 1]} : vector<8x32768xi32> to vector<1x32768xi32>
    %squeeze3A_2012 = vector.shape_cast %slice3A_2011 : vector<1x32768xi32> to vector<32768xi32>
    %broadcast_in_dim3A_2013 = vector.shape_cast %squeeze3A_2012 : vector<32768xi32> to vector<1x32768xi32>
    %eq3A_2014 = vector.broadcast %broadcast_in_dim3A_2013 : vector<1x32768xi32> to vector<16x32768xi32>
    %eq3A_2015 = arith.cmpi eq, %iota3A_1293, %eq3A_2014 : vector<16x32768xi32>
    %and3A_2016 = vector.broadcast %broadcast_in_dim3A_1998 : vector<1x32768xi1> to vector<16x32768xi1>
    %and3A_2017 = arith.andi %eq3A_2015, %and3A_2016 : vector<16x32768xi1>
    %jit3A_2018 = arith.constant 1.000000e+00 : f32
    %jit3A_2019 = arith.constant 0.000000e+00 : f32
    %broadcast_in_dim3A_2020 = vector.broadcast %jit3A_2018 : f32 to vector<16x32768xf32>
    %broadcast_in_dim3A_2021 = vector.broadcast %jit3A_2019 : f32 to vector<16x32768xf32>
    %select_n3A_2022 = arith.select %and3A_2017, %broadcast_in_dim3A_2020, %broadcast_in_dim3A_2021 : vector<16x32768xi1>, vector<16x32768xf32>
    %slice3A_2023 = vector.extract_strided_slice %mul3A {offsets = [5, 0], sizes = [1, 32768], strides = [1, 1]} : vector<8x32768xf32> to vector<1x32768xf32>
    %squeeze3A_2024 = vector.shape_cast %slice3A_2023 : vector<1x32768xf32> to vector<32768xf32>
    %broadcast_in_dim3A_2025 = vector.shape_cast %squeeze3A_2024 : vector<32768xf32> to vector<1x32768xf32>
    %mul3A_2026 = vector.broadcast %broadcast_in_dim3A_2025 : vector<1x32768xf32> to vector<16x32768xf32>
    %mul3A_2027 = arith.mulf %select_n3A_2010, %mul3A_2026 : vector<16x32768xf32>
    %dot_general3A_2028 = arith.constant dense<0.000000e+00> : vector<16x16xf32>
    %dot_general3A_2029 = tpu.matmul %mul3A_2027, %select_n3A_2022, %dot_general3A_2028 {dimension_numbers = #tpu.dot_dimension_numbers<[1], [1], [0], [0], [0, 0, 1, 0], [], []>, transpose_lhs_hint = false} : vector<16x32768xf32>, vector<16x32768xf32>, vector<16x16xf32> -> vector<16x16xf32>
    %slice3A_2030 = vector.extract_strided_slice %mul3A_1292 {offsets = [5, 0], sizes = [1, 32768], strides = [1, 1]} : vector<8x32768xf32> to vector<1x32768xf32>
    %squeeze3A_2031 = vector.shape_cast %slice3A_2030 : vector<1x32768xf32> to vector<32768xf32>
    %broadcast_in_dim3A_2032 = vector.shape_cast %squeeze3A_2031 : vector<32768xf32> to vector<1x32768xf32>
    %mul3A_2033 = vector.broadcast %broadcast_in_dim3A_2032 : vector<1x32768xf32> to vector<16x32768xf32>
    %mul3A_2034 = arith.mulf %select_n3A_2010, %mul3A_2033 : vector<16x32768xf32>
    %dot_general3A_2035 = arith.constant dense<0.000000e+00> : vector<16x16xf32>
    %dot_general3A_2036 = tpu.matmul %mul3A_2034, %select_n3A_2022, %dot_general3A_2035 {dimension_numbers = #tpu.dot_dimension_numbers<[1], [1], [0], [0], [0, 0, 1, 0], [], []>, transpose_lhs_hint = false} : vector<16x32768xf32>, vector<16x32768xf32>, vector<16x16xf32> -> vector<16x16xf32>
    %convert_element_type3A_2037 = arith.fptosi %dot_general3A_2029 : vector<16x16xf32> to vector<16x16xi32>
    %mul3A_2038 = arith.constant 128 : i32
    %mul3A_2039 = vector.broadcast %mul3A_2038 : i32 to vector<16x16xi32>
    %mul3A_2040 = arith.muli %convert_element_type3A_2037, %mul3A_2039 : vector<16x16xi32>
    %convert_element_type3A_2041 = arith.fptosi %dot_general3A_2036 : vector<16x16xf32> to vector<16x16xi32>
    %add3A_2042 = arith.addi %mul3A_2040, %convert_element_type3A_2041 : vector<16x16xi32>
    %swap3A_2043 = arith.constant 5 : index
    %swap3A_2044 = arith.constant 0 : index
    %swap3A_2045 = arith.constant 0 : index
    %swap3A_2046 = vector.load %arg1[%swap3A_2043, %swap3A_2044, %swap3A_2045] : memref<8x16x16xi32, #tpu.memory_space<vmem>>, vector<1x16x16xi32>
    %swap3A_2047 = vector.shape_cast %swap3A_2046 : vector<1x16x16xi32> to vector<16x16xi32>
    %swap3A_2048 = vector.shape_cast %add3A_2042 : vector<16x16xi32> to vector<1x16x16xi32>
    tpu.vector_store %arg1[%swap3A_2043, %swap3A_2044, %swap3A_2045], %swap3A_2048 {strides = array<i32>} : memref<8x16x16xi32, #tpu.memory_space<vmem>>, vector<1x16x16xi32>,
    %iota3A_2049 = tpu.iota {dimensions = array<i32: 0>} : vector<256x16xi32>
    %jit3A_2050 = arith.constant 16 : i32
    %div3A_2051 = vector.broadcast %jit3A_2050 : i32 to vector<256x16xi32>
    %div3A_2052 = arith.divsi %iota3A_2049, %div3A_2051 : vector<256x16xi32>
    %sign3A_2053 = arith.constant 0 : i32
    %sign3A_2054 = vector.broadcast %sign3A_2053 : i32 to vector<256x16xi32>
    %sign3A_2055 = arith.cmpi sgt, %iota3A_2049, %sign3A_2054 : vector<256x16xi32>
    %sign3A_2056 = arith.extui %sign3A_2055 : vector<256x16xi1> to vector<256x16xi32>
    %sign3A_2057 = arith.constant 0 : i32
    %sign3A_2058 = vector.broadcast %sign3A_2057 : i32 to vector<256x16xi32>
    %sign3A_2059 = arith.cmpi slt, %iota3A_2049, %sign3A_2058 : vector<256x16xi32>
    %sign3A_2060 = arith.extui %sign3A_2059 : vector<256x16xi1> to vector<256x16xi32>
    %sign3A_2061 = arith.subi %sign3A_2056, %sign3A_2060 : vector<256x16xi32>
    %sign3A_2062 = arith.constant 0 : i32
    %sign3A_2063 = arith.cmpi sgt, %jit3A_2050, %sign3A_2062 : i32
    %sign3A_2064 = arith.extui %sign3A_2063 : i1 to i32
    %sign3A_2065 = arith.constant 0 : i32
    %sign3A_2066 = arith.cmpi slt, %jit3A_2050, %sign3A_2065 : i32
    %sign3A_2067 = arith.extui %sign3A_2066 : i1 to i32
    %sign3A_2068 = arith.subi %sign3A_2064, %sign3A_2067 : i32
    %ne3A_2069 = vector.broadcast %sign3A_2068 : i32 to vector<256x16xi32>
    %ne3A_2070 = arith.cmpi ne, %sign3A_2061, %ne3A_2069 : vector<256x16xi32>
    %rem3A_2071 = vector.broadcast %jit3A_2050 : i32 to vector<256x16xi32>
    %rem3A_2072 = arith.remsi %iota3A_2049, %rem3A_2071 : vector<256x16xi32>
    %ne3A_2073 = arith.constant 0 : i32
    %ne3A_2074 = vector.broadcast %ne3A_2073 : i32 to vector<256x16xi32>
    %ne3A_2075 = arith.cmpi ne, %rem3A_2072, %ne3A_2074 : vector<256x16xi32>
    %and3A_2076 = arith.andi %ne3A_2070, %ne3A_2075 : vector<256x16xi1>
    %sub3A_2077 = arith.constant 1 : i32
    %sub3A_2078 = vector.broadcast %sub3A_2077 : i32 to vector<256x16xi32>
    %sub3A_2079 = arith.subi %div3A_2052, %sub3A_2078 : vector<256x16xi32>
    %select_n3A_2080 = arith.select %and3A_2076, %sub3A_2079, %div3A_2052 : vector<256x16xi1>, vector<256x16xi32>
    %iota3A_2081 = tpu.iota {dimensions = array<i32: 1>} : vector<256x16xi32>
    %eq3A_2082 = arith.cmpi eq, %select_n3A_2080, %iota3A_2081 : vector<256x16xi32>
    %convert_element_type3A_2083 = arith.extui %eq3A_2082 : vector<256x16xi1> to vector<256x16xi32>
    %convert_element_type3A_2084 = arith.sitofp %convert_element_type3A_2083 : vector<256x16xi32> to vector<256x16xf32>
    %dot_general3A_2085 = arith.constant dense<0.000000e+00> : vector<256x16xf32>
    %dot_general3A_2086 = tpu.matmul %convert_element_type3A_2084, %dot_general3A_2029, %dot_general3A_2085 {dimension_numbers = #tpu.dot_dimension_numbers<[1], [0], [0], [1], [0, 0, 1, 1], [], []>, transpose_lhs_hint = false} : vector<256x16xf32>, vector<16x16xf32>, vector<256x16xf32> -> vector<256x16xf32>
    %dot_general3A_2087 = arith.constant dense<0.000000e+00> : vector<256x16xf32>
    %dot_general3A_2088 = tpu.matmul %convert_element_type3A_2084, %dot_general3A_2036, %dot_general3A_2087 {dimension_numbers = #tpu.dot_dimension_numbers<[1], [0], [0], [1], [0, 0, 1, 1], [], []>, transpose_lhs_hint = false} : vector<256x16xf32>, vector<16x16xf32>, vector<256x16xf32> -> vector<256x16xf32>
    %iota3A_2089 = tpu.iota {dimensions = array<i32: 0>} : vector<256x16xi32>
    %jit3A_2090 = arith.constant 16 : i32
    %eq3A_2091 = arith.constant 0 : i32
    %eq3A_2092 = arith.cmpi eq, %jit3A_2090, %eq3A_2091 : i32
    %jit3A_2093 = arith.constant 1 : i32
    %select_n3A_2094 = arith.select %eq3A_2092, %jit3A_2093, %jit3A_2090 : i32
    %rem3A_2095 = vector.broadcast %select_n3A_2094 : i32 to vector<256x16xi32>
    %rem3A_2096 = arith.remsi %iota3A_2089, %rem3A_2095 : vector<256x16xi32>
    %ne3A_2097 = arith.constant 0 : i32
    %ne3A_2098 = vector.broadcast %ne3A_2097 : i32 to vector<256x16xi32>
    %ne3A_2099 = arith.cmpi ne, %rem3A_2096, %ne3A_2098 : vector<256x16xi32>
    %lt3A_2100 = arith.constant 0 : i32
    %lt3A_2101 = vector.broadcast %lt3A_2100 : i32 to vector<256x16xi32>
    %lt3A_2102 = arith.cmpi slt, %rem3A_2096, %lt3A_2101 : vector<256x16xi32>
    %lt3A_2103 = arith.constant 0 : i32
    %lt3A_2104 = arith.cmpi slt, %select_n3A_2094, %lt3A_2103 : i32
    %ne3A_2105 = vector.broadcast %lt3A_2104 : i1 to vector<256x16xi1>
    %ne3A_2106 = vector.broadcast %ne3A_2105 : vector<256x16xi1> to vector<256x16xi1>
    %ne3A_2107 = arith.xori %lt3A_2102, %ne3A_2106 : vector<256x16xi1>
    %and3A_2108 = arith.andi %ne3A_2107, %ne3A_2099 : vector<256x16xi1>
    %add3A_2109 = vector.broadcast %select_n3A_2094 : i32 to vector<256x16xi32>
    %add3A_2110 = arith.addi %rem3A_2096, %add3A_2109 : vector<256x16xi32>
    %select_n3A_2111 = arith.select %and3A_2108, %add3A_2110, %rem3A_2096 : vector<256x16xi1>, vector<256x16xi32>
    %iota3A_2112 = tpu.iota {dimensions = array<i32: 1>} : vector<256x16xi32>
    %eq3A_2113 = arith.cmpi eq, %select_n3A_2111, %iota3A_2112 : vector<256x16xi32>
    %convert_element_type3A_2114 = arith.extui %eq3A_2113 : vector<256x16xi1> to vector<256x16xi32>
    %convert_element_type3A_2115 = arith.sitofp %convert_element_type3A_2114 : vector<256x16xi32> to vector<256x16xf32>
    %mul3A_2116 = arith.mulf %dot_general3A_2086, %convert_element_type3A_2115 : vector<256x16xf32>
    %reduce_sum3A_2117 = arith.constant dense<0.000000e+00> : vector<256xf32>
    %reduce_sum3A_2118 = vector.multi_reduction <add>, %mul3A_2116, %reduce_sum3A_2117 [1] : vector<256x16xf32> to vector<256xf32>
    %broadcast_in_dim3A_2119 = vector.shape_cast %reduce_sum3A_2118 : vector<256xf32> to vector<256x1xf32>
    %mul3A_2120 = arith.mulf %dot_general3A_2088, %convert_element_type3A_2115 : vector<256x16xf32>
    %reduce_sum3A_2121 = arith.constant dense<0.000000e+00> : vector<256xf32>
    %reduce_sum3A_2122 = vector.multi_reduction <add>, %mul3A_2120, %reduce_sum3A_2121 [1] : vector<256x16xf32> to vector<256xf32>
    %broadcast_in_dim3A_2123 = vector.shape_cast %reduce_sum3A_2122 : vector<256xf32> to vector<256x1xf32>
    %convert_element_type3A_2124 = arith.fptosi %broadcast_in_dim3A_2119 : vector<256x1xf32> to vector<256x1xi32>
    %mul3A_2125 = arith.constant 128 : i32
    %mul3A_2126 = vector.broadcast %mul3A_2125 : i32 to vector<256x1xi32>
    %mul3A_2127 = arith.muli %convert_element_type3A_2124, %mul3A_2126 : vector<256x1xi32>
    %convert_element_type3A_2128 = arith.fptosi %broadcast_in_dim3A_2123 : vector<256x1xf32> to vector<256x1xi32>
    %add3A_2129 = arith.addi %mul3A_2127, %convert_element_type3A_2128 : vector<256x1xi32>
    %broadcast_in_dim3A_2130 = vector.shape_cast %add3A_2129 : vector<256x1xi32> to vector<256x1xi32>
    %broadcast_in_dim3A_2131 = vector.broadcast %broadcast_in_dim3A_2130 : vector<256x1xi32> to vector<256x16xi32>
    %swap3A_2132 = arith.constant 5 : index
    %swap3A_2133 = arith.constant 0 : index
    %swap3A_2134 = arith.constant 0 : index
    %swap3A_2135 = vector.load %arg2[%swap3A_2132, %swap3A_2133, %swap3A_2134] : memref<8x256x16xi32, #tpu.memory_space<vmem>>, vector<1x256x16xi32>
    %swap3A_2136 = vector.shape_cast %swap3A_2135 : vector<1x256x16xi32> to vector<256x16xi32>
    %swap3A_2137 = vector.shape_cast %broadcast_in_dim3A_2131 : vector<256x16xi32> to vector<1x256x16xi32>
    tpu.vector_store %arg2[%swap3A_2132, %swap3A_2133, %swap3A_2134], %swap3A_2137 {strides = array<i32>} : memref<8x256x16xi32, #tpu.memory_space<vmem>>, vector<1x256x16xi32>,
    %slice3A_2138 = vector.extract_strided_slice %or3A_1202 {offsets = [6, 0], sizes = [1, 32768], strides = [1, 1]} : vector<8x32768xi1> to vector<1x32768xi1>
    %squeeze3A_2139 = vector.shape_cast %slice3A_2138 : vector<1x32768xi1> to vector<32768xi1>
    %broadcast_in_dim3A_2140 = vector.shape_cast %squeeze3A_2139 : vector<32768xi1> to vector<1x32768xi1>
    %slice3A_2141 = vector.extract_strided_slice %shift_right_arithmetic3A_1278 {offsets = [6, 0], sizes = [1, 32768], strides = [1, 1]} : vector<8x32768xi32> to vector<1x32768xi32>
    %squeeze3A_2142 = vector.shape_cast %slice3A_2141 : vector<1x32768xi32> to vector<32768xi32>
    %broadcast_in_dim3A_2143 = vector.shape_cast %squeeze3A_2142 : vector<32768xi32> to vector<1x32768xi32>
    %eq3A_2144 = vector.broadcast %broadcast_in_dim3A_2143 : vector<1x32768xi32> to vector<16x32768xi32>
    %eq3A_2145 = arith.cmpi eq, %iota3A_1293, %eq3A_2144 : vector<16x32768xi32>
    %and3A_2146 = vector.broadcast %broadcast_in_dim3A_2140 : vector<1x32768xi1> to vector<16x32768xi1>
    %and3A_2147 = arith.andi %eq3A_2145, %and3A_2146 : vector<16x32768xi1>
    %jit3A_2148 = arith.constant 1.000000e+00 : f32
    %jit3A_2149 = arith.constant 0.000000e+00 : f32
    %broadcast_in_dim3A_2150 = vector.broadcast %jit3A_2148 : f32 to vector<16x32768xf32>
    %broadcast_in_dim3A_2151 = vector.broadcast %jit3A_2149 : f32 to vector<16x32768xf32>
    %select_n3A_2152 = arith.select %and3A_2147, %broadcast_in_dim3A_2150, %broadcast_in_dim3A_2151 : vector<16x32768xi1>, vector<16x32768xf32>
    %slice3A_2153 = vector.extract_strided_slice %and3A_1281 {offsets = [6, 0], sizes = [1, 32768], strides = [1, 1]} : vector<8x32768xi32> to vector<1x32768xi32>
    %squeeze3A_2154 = vector.shape_cast %slice3A_2153 : vector<1x32768xi32> to vector<32768xi32>
    %broadcast_in_dim3A_2155 = vector.shape_cast %squeeze3A_2154 : vector<32768xi32> to vector<1x32768xi32>
    %eq3A_2156 = vector.broadcast %broadcast_in_dim3A_2155 : vector<1x32768xi32> to vector<16x32768xi32>
    %eq3A_2157 = arith.cmpi eq, %iota3A_1293, %eq3A_2156 : vector<16x32768xi32>
    %and3A_2158 = vector.broadcast %broadcast_in_dim3A_2140 : vector<1x32768xi1> to vector<16x32768xi1>
    %and3A_2159 = arith.andi %eq3A_2157, %and3A_2158 : vector<16x32768xi1>
    %jit3A_2160 = arith.constant 1.000000e+00 : f32
    %jit3A_2161 = arith.constant 0.000000e+00 : f32
    %broadcast_in_dim3A_2162 = vector.broadcast %jit3A_2160 : f32 to vector<16x32768xf32>
    %broadcast_in_dim3A_2163 = vector.broadcast %jit3A_2161 : f32 to vector<16x32768xf32>
    %select_n3A_2164 = arith.select %and3A_2159, %broadcast_in_dim3A_2162, %broadcast_in_dim3A_2163 : vector<16x32768xi1>, vector<16x32768xf32>
    %slice3A_2165 = vector.extract_strided_slice %mul3A {offsets = [6, 0], sizes = [1, 32768], strides = [1, 1]} : vector<8x32768xf32> to vector<1x32768xf32>
    %squeeze3A_2166 = vector.shape_cast %slice3A_2165 : vector<1x32768xf32> to vector<32768xf32>
    %broadcast_in_dim3A_2167 = vector.shape_cast %squeeze3A_2166 : vector<32768xf32> to vector<1x32768xf32>
    %mul3A_2168 = vector.broadcast %broadcast_in_dim3A_2167 : vector<1x32768xf32> to vector<16x32768xf32>
    %mul3A_2169 = arith.mulf %select_n3A_2152, %mul3A_2168 : vector<16x32768xf32>
    %dot_general3A_2170 = arith.constant dense<0.000000e+00> : vector<16x16xf32>
    %dot_general3A_2171 = tpu.matmul %mul3A_2169, %select_n3A_2164, %dot_general3A_2170 {dimension_numbers = #tpu.dot_dimension_numbers<[1], [1], [0], [0], [0, 0, 1, 0], [], []>, transpose_lhs_hint = false} : vector<16x32768xf32>, vector<16x32768xf32>, vector<16x16xf32> -> vector<16x16xf32>
    %slice3A_2172 = vector.extract_strided_slice %mul3A_1292 {offsets = [6, 0], sizes = [1, 32768], strides = [1, 1]} : vector<8x32768xf32> to vector<1x32768xf32>
    %squeeze3A_2173 = vector.shape_cast %slice3A_2172 : vector<1x32768xf32> to vector<32768xf32>
    %broadcast_in_dim3A_2174 = vector.shape_cast %squeeze3A_2173 : vector<32768xf32> to vector<1x32768xf32>
    %mul3A_2175 = vector.broadcast %broadcast_in_dim3A_2174 : vector<1x32768xf32> to vector<16x32768xf32>
    %mul3A_2176 = arith.mulf %select_n3A_2152, %mul3A_2175 : vector<16x32768xf32>
    %dot_general3A_2177 = arith.constant dense<0.000000e+00> : vector<16x16xf32>
    %dot_general3A_2178 = tpu.matmul %mul3A_2176, %select_n3A_2164, %dot_general3A_2177 {dimension_numbers = #tpu.dot_dimension_numbers<[1], [1], [0], [0], [0, 0, 1, 0], [], []>, transpose_lhs_hint = false} : vector<16x32768xf32>, vector<16x32768xf32>, vector<16x16xf32> -> vector<16x16xf32>
    %convert_element_type3A_2179 = arith.fptosi %dot_general3A_2171 : vector<16x16xf32> to vector<16x16xi32>
    %mul3A_2180 = arith.constant 128 : i32
    %mul3A_2181 = vector.broadcast %mul3A_2180 : i32 to vector<16x16xi32>
    %mul3A_2182 = arith.muli %convert_element_type3A_2179, %mul3A_2181 : vector<16x16xi32>
    %convert_element_type3A_2183 = arith.fptosi %dot_general3A_2178 : vector<16x16xf32> to vector<16x16xi32>
    %add3A_2184 = arith.addi %mul3A_2182, %convert_element_type3A_2183 : vector<16x16xi32>
    %swap3A_2185 = arith.constant 6 : index
    %swap3A_2186 = arith.constant 0 : index
    %swap3A_2187 = arith.constant 0 : index
    %swap3A_2188 = vector.load %arg1[%swap3A_2185, %swap3A_2186, %swap3A_2187] : memref<8x16x16xi32, #tpu.memory_space<vmem>>, vector<1x16x16xi32>
    %swap3A_2189 = vector.shape_cast %swap3A_2188 : vector<1x16x16xi32> to vector<16x16xi32>
    %swap3A_2190 = vector.shape_cast %add3A_2184 : vector<16x16xi32> to vector<1x16x16xi32>
    tpu.vector_store %arg1[%swap3A_2185, %swap3A_2186, %swap3A_2187], %swap3A_2190 {strides = array<i32>} : memref<8x16x16xi32, #tpu.memory_space<vmem>>, vector<1x16x16xi32>,
    %iota3A_2191 = tpu.iota {dimensions = array<i32: 0>} : vector<256x16xi32>
    %jit3A_2192 = arith.constant 16 : i32
    %div3A_2193 = vector.broadcast %jit3A_2192 : i32 to vector<256x16xi32>
    %div3A_2194 = arith.divsi %iota3A_2191, %div3A_2193 : vector<256x16xi32>
    %sign3A_2195 = arith.constant 0 : i32
    %sign3A_2196 = vector.broadcast %sign3A_2195 : i32 to vector<256x16xi32>
    %sign3A_2197 = arith.cmpi sgt, %iota3A_2191, %sign3A_2196 : vector<256x16xi32>
    %sign3A_2198 = arith.extui %sign3A_2197 : vector<256x16xi1> to vector<256x16xi32>
    %sign3A_2199 = arith.constant 0 : i32
    %sign3A_2200 = vector.broadcast %sign3A_2199 : i32 to vector<256x16xi32>
    %sign3A_2201 = arith.cmpi slt, %iota3A_2191, %sign3A_2200 : vector<256x16xi32>
    %sign3A_2202 = arith.extui %sign3A_2201 : vector<256x16xi1> to vector<256x16xi32>
    %sign3A_2203 = arith.subi %sign3A_2198, %sign3A_2202 : vector<256x16xi32>
    %sign3A_2204 = arith.constant 0 : i32
    %sign3A_2205 = arith.cmpi sgt, %jit3A_2192, %sign3A_2204 : i32
    %sign3A_2206 = arith.extui %sign3A_2205 : i1 to i32
    %sign3A_2207 = arith.constant 0 : i32
    %sign3A_2208 = arith.cmpi slt, %jit3A_2192, %sign3A_2207 : i32
    %sign3A_2209 = arith.extui %sign3A_2208 : i1 to i32
    %sign3A_2210 = arith.subi %sign3A_2206, %sign3A_2209 : i32
    %ne3A_2211 = vector.broadcast %sign3A_2210 : i32 to vector<256x16xi32>
    %ne3A_2212 = arith.cmpi ne, %sign3A_2203, %ne3A_2211 : vector<256x16xi32>
    %rem3A_2213 = vector.broadcast %jit3A_2192 : i32 to vector<256x16xi32>
    %rem3A_2214 = arith.remsi %iota3A_2191, %rem3A_2213 : vector<256x16xi32>
    %ne3A_2215 = arith.constant 0 : i32
    %ne3A_2216 = vector.broadcast %ne3A_2215 : i32 to vector<256x16xi32>
    %ne3A_2217 = arith.cmpi ne, %rem3A_2214, %ne3A_2216 : vector<256x16xi32>
    %and3A_2218 = arith.andi %ne3A_2212, %ne3A_2217 : vector<256x16xi1>
    %sub3A_2219 = arith.constant 1 : i32
    %sub3A_2220 = vector.broadcast %sub3A_2219 : i32 to vector<256x16xi32>
    %sub3A_2221 = arith.subi %div3A_2194, %sub3A_2220 : vector<256x16xi32>
    %select_n3A_2222 = arith.select %and3A_2218, %sub3A_2221, %div3A_2194 : vector<256x16xi1>, vector<256x16xi32>
    %iota3A_2223 = tpu.iota {dimensions = array<i32: 1>} : vector<256x16xi32>
    %eq3A_2224 = arith.cmpi eq, %select_n3A_2222, %iota3A_2223 : vector<256x16xi32>
    %convert_element_type3A_2225 = arith.extui %eq3A_2224 : vector<256x16xi1> to vector<256x16xi32>
    %convert_element_type3A_2226 = arith.sitofp %convert_element_type3A_2225 : vector<256x16xi32> to vector<256x16xf32>
    %dot_general3A_2227 = arith.constant dense<0.000000e+00> : vector<256x16xf32>
    %dot_general3A_2228 = tpu.matmul %convert_element_type3A_2226, %dot_general3A_2171, %dot_general3A_2227 {dimension_numbers = #tpu.dot_dimension_numbers<[1], [0], [0], [1], [0, 0, 1, 1], [], []>, transpose_lhs_hint = false} : vector<256x16xf32>, vector<16x16xf32>, vector<256x16xf32> -> vector<256x16xf32>
    %dot_general3A_2229 = arith.constant dense<0.000000e+00> : vector<256x16xf32>
    %dot_general3A_2230 = tpu.matmul %convert_element_type3A_2226, %dot_general3A_2178, %dot_general3A_2229 {dimension_numbers = #tpu.dot_dimension_numbers<[1], [0], [0], [1], [0, 0, 1, 1], [], []>, transpose_lhs_hint = false} : vector<256x16xf32>, vector<16x16xf32>, vector<256x16xf32> -> vector<256x16xf32>
    %iota3A_2231 = tpu.iota {dimensions = array<i32: 0>} : vector<256x16xi32>
    %jit3A_2232 = arith.constant 16 : i32
    %eq3A_2233 = arith.constant 0 : i32
    %eq3A_2234 = arith.cmpi eq, %jit3A_2232, %eq3A_2233 : i32
    %jit3A_2235 = arith.constant 1 : i32
    %select_n3A_2236 = arith.select %eq3A_2234, %jit3A_2235, %jit3A_2232 : i32
    %rem3A_2237 = vector.broadcast %select_n3A_2236 : i32 to vector<256x16xi32>
    %rem3A_2238 = arith.remsi %iota3A_2231, %rem3A_2237 : vector<256x16xi32>
    %ne3A_2239 = arith.constant 0 : i32
    %ne3A_2240 = vector.broadcast %ne3A_2239 : i32 to vector<256x16xi32>
    %ne3A_2241 = arith.cmpi ne, %rem3A_2238, %ne3A_2240 : vector<256x16xi32>
    %lt3A_2242 = arith.constant 0 : i32
    %lt3A_2243 = vector.broadcast %lt3A_2242 : i32 to vector<256x16xi32>
    %lt3A_2244 = arith.cmpi slt, %rem3A_2238, %lt3A_2243 : vector<256x16xi32>
    %lt3A_2245 = arith.constant 0 : i32
    %lt3A_2246 = arith.cmpi slt, %select_n3A_2236, %lt3A_2245 : i32
    %ne3A_2247 = vector.broadcast %lt3A_2246 : i1 to vector<256x16xi1>
    %ne3A_2248 = vector.broadcast %ne3A_2247 : vector<256x16xi1> to vector<256x16xi1>
    %ne3A_2249 = arith.xori %lt3A_2244, %ne3A_2248 : vector<256x16xi1>
    %and3A_2250 = arith.andi %ne3A_2249, %ne3A_2241 : vector<256x16xi1>
    %add3A_2251 = vector.broadcast %select_n3A_2236 : i32 to vector<256x16xi32>
    %add3A_2252 = arith.addi %rem3A_2238, %add3A_2251 : vector<256x16xi32>
    %select_n3A_2253 = arith.select %and3A_2250, %add3A_2252, %rem3A_2238 : vector<256x16xi1>, vector<256x16xi32>
    %iota3A_2254 = tpu.iota {dimensions = array<i32: 1>} : vector<256x16xi32>
    %eq3A_2255 = arith.cmpi eq, %select_n3A_2253, %iota3A_2254 : vector<256x16xi32>
    %convert_element_type3A_2256 = arith.extui %eq3A_2255 : vector<256x16xi1> to vector<256x16xi32>
    %convert_element_type3A_2257 = arith.sitofp %convert_element_type3A_2256 : vector<256x16xi32> to vector<256x16xf32>
    %mul3A_2258 = arith.mulf %dot_general3A_2228, %convert_element_type3A_2257 : vector<256x16xf32>
    %reduce_sum3A_2259 = arith.constant dense<0.000000e+00> : vector<256xf32>
    %reduce_sum3A_2260 = vector.multi_reduction <add>, %mul3A_2258, %reduce_sum3A_2259 [1] : vector<256x16xf32> to vector<256xf32>
    %broadcast_in_dim3A_2261 = vector.shape_cast %reduce_sum3A_2260 : vector<256xf32> to vector<256x1xf32>
    %mul3A_2262 = arith.mulf %dot_general3A_2230, %convert_element_type3A_2257 : vector<256x16xf32>
    %reduce_sum3A_2263 = arith.constant dense<0.000000e+00> : vector<256xf32>
    %reduce_sum3A_2264 = vector.multi_reduction <add>, %mul3A_2262, %reduce_sum3A_2263 [1] : vector<256x16xf32> to vector<256xf32>
    %broadcast_in_dim3A_2265 = vector.shape_cast %reduce_sum3A_2264 : vector<256xf32> to vector<256x1xf32>
    %convert_element_type3A_2266 = arith.fptosi %broadcast_in_dim3A_2261 : vector<256x1xf32> to vector<256x1xi32>
    %mul3A_2267 = arith.constant 128 : i32
    %mul3A_2268 = vector.broadcast %mul3A_2267 : i32 to vector<256x1xi32>
    %mul3A_2269 = arith.muli %convert_element_type3A_2266, %mul3A_2268 : vector<256x1xi32>
    %convert_element_type3A_2270 = arith.fptosi %broadcast_in_dim3A_2265 : vector<256x1xf32> to vector<256x1xi32>
    %add3A_2271 = arith.addi %mul3A_2269, %convert_element_type3A_2270 : vector<256x1xi32>
    %broadcast_in_dim3A_2272 = vector.shape_cast %add3A_2271 : vector<256x1xi32> to vector<256x1xi32>
    %broadcast_in_dim3A_2273 = vector.broadcast %broadcast_in_dim3A_2272 : vector<256x1xi32> to vector<256x16xi32>
    %swap3A_2274 = arith.constant 6 : index
    %swap3A_2275 = arith.constant 0 : index
    %swap3A_2276 = arith.constant 0 : index
    %swap3A_2277 = vector.load %arg2[%swap3A_2274, %swap3A_2275, %swap3A_2276] : memref<8x256x16xi32, #tpu.memory_space<vmem>>, vector<1x256x16xi32>
    %swap3A_2278 = vector.shape_cast %swap3A_2277 : vector<1x256x16xi32> to vector<256x16xi32>
    %swap3A_2279 = vector.shape_cast %broadcast_in_dim3A_2273 : vector<256x16xi32> to vector<1x256x16xi32>
    tpu.vector_store %arg2[%swap3A_2274, %swap3A_2275, %swap3A_2276], %swap3A_2279 {strides = array<i32>} : memref<8x256x16xi32, #tpu.memory_space<vmem>>, vector<1x256x16xi32>,
    %slice3A_2280 = vector.extract_strided_slice %or3A_1202 {offsets = [7, 0], sizes = [1, 32768], strides = [1, 1]} : vector<8x32768xi1> to vector<1x32768xi1>
    %squeeze3A_2281 = vector.shape_cast %slice3A_2280 : vector<1x32768xi1> to vector<32768xi1>
    %broadcast_in_dim3A_2282 = vector.shape_cast %squeeze3A_2281 : vector<32768xi1> to vector<1x32768xi1>
    %slice3A_2283 = vector.extract_strided_slice %shift_right_arithmetic3A_1278 {offsets = [7, 0], sizes = [1, 32768], strides = [1, 1]} : vector<8x32768xi32> to vector<1x32768xi32>
    %squeeze3A_2284 = vector.shape_cast %slice3A_2283 : vector<1x32768xi32> to vector<32768xi32>
    %broadcast_in_dim3A_2285 = vector.shape_cast %squeeze3A_2284 : vector<32768xi32> to vector<1x32768xi32>
    %eq3A_2286 = vector.broadcast %broadcast_in_dim3A_2285 : vector<1x32768xi32> to vector<16x32768xi32>
    %eq3A_2287 = arith.cmpi eq, %iota3A_1293, %eq3A_2286 : vector<16x32768xi32>
    %and3A_2288 = vector.broadcast %broadcast_in_dim3A_2282 : vector<1x32768xi1> to vector<16x32768xi1>
    %and3A_2289 = arith.andi %eq3A_2287, %and3A_2288 : vector<16x32768xi1>
    %jit3A_2290 = arith.constant 1.000000e+00 : f32
    %jit3A_2291 = arith.constant 0.000000e+00 : f32
    %broadcast_in_dim3A_2292 = vector.broadcast %jit3A_2290 : f32 to vector<16x32768xf32>
    %broadcast_in_dim3A_2293 = vector.broadcast %jit3A_2291 : f32 to vector<16x32768xf32>
    %select_n3A_2294 = arith.select %and3A_2289, %broadcast_in_dim3A_2292, %broadcast_in_dim3A_2293 : vector<16x32768xi1>, vector<16x32768xf32>
    %slice3A_2295 = vector.extract_strided_slice %and3A_1281 {offsets = [7, 0], sizes = [1, 32768], strides = [1, 1]} : vector<8x32768xi32> to vector<1x32768xi32>
    %squeeze3A_2296 = vector.shape_cast %slice3A_2295 : vector<1x32768xi32> to vector<32768xi32>
    %broadcast_in_dim3A_2297 = vector.shape_cast %squeeze3A_2296 : vector<32768xi32> to vector<1x32768xi32>
    %eq3A_2298 = vector.broadcast %broadcast_in_dim3A_2297 : vector<1x32768xi32> to vector<16x32768xi32>
    %eq3A_2299 = arith.cmpi eq, %iota3A_1293, %eq3A_2298 : vector<16x32768xi32>
    %and3A_2300 = vector.broadcast %broadcast_in_dim3A_2282 : vector<1x32768xi1> to vector<16x32768xi1>
    %and3A_2301 = arith.andi %eq3A_2299, %and3A_2300 : vector<16x32768xi1>
    %jit3A_2302 = arith.constant 1.000000e+00 : f32
    %jit3A_2303 = arith.constant 0.000000e+00 : f32
    %broadcast_in_dim3A_2304 = vector.broadcast %jit3A_2302 : f32 to vector<16x32768xf32>
    %broadcast_in_dim3A_2305 = vector.broadcast %jit3A_2303 : f32 to vector<16x32768xf32>
    %select_n3A_2306 = arith.select %and3A_2301, %broadcast_in_dim3A_2304, %broadcast_in_dim3A_2305 : vector<16x32768xi1>, vector<16x32768xf32>
    %slice3A_2307 = vector.extract_strided_slice %mul3A {offsets = [7, 0], sizes = [1, 32768], strides = [1, 1]} : vector<8x32768xf32> to vector<1x32768xf32>
    %squeeze3A_2308 = vector.shape_cast %slice3A_2307 : vector<1x32768xf32> to vector<32768xf32>
    %broadcast_in_dim3A_2309 = vector.shape_cast %squeeze3A_2308 : vector<32768xf32> to vector<1x32768xf32>
    %mul3A_2310 = vector.broadcast %broadcast_in_dim3A_2309 : vector<1x32768xf32> to vector<16x32768xf32>
    %mul3A_2311 = arith.mulf %select_n3A_2294, %mul3A_2310 : vector<16x32768xf32>
    %dot_general3A_2312 = arith.constant dense<0.000000e+00> : vector<16x16xf32>
    %dot_general3A_2313 = tpu.matmul %mul3A_2311, %select_n3A_2306, %dot_general3A_2312 {dimension_numbers = #tpu.dot_dimension_numbers<[1], [1], [0], [0], [0, 0, 1, 0], [], []>, transpose_lhs_hint = false} : vector<16x32768xf32>, vector<16x32768xf32>, vector<16x16xf32> -> vector<16x16xf32>
    %slice3A_2314 = vector.extract_strided_slice %mul3A_1292 {offsets = [7, 0], sizes = [1, 32768], strides = [1, 1]} : vector<8x32768xf32> to vector<1x32768xf32>
    %squeeze3A_2315 = vector.shape_cast %slice3A_2314 : vector<1x32768xf32> to vector<32768xf32>
    %broadcast_in_dim3A_2316 = vector.shape_cast %squeeze3A_2315 : vector<32768xf32> to vector<1x32768xf32>
    %mul3A_2317 = vector.broadcast %broadcast_in_dim3A_2316 : vector<1x32768xf32> to vector<16x32768xf32>
    %mul3A_2318 = arith.mulf %select_n3A_2294, %mul3A_2317 : vector<16x32768xf32>
    %dot_general3A_2319 = arith.constant dense<0.000000e+00> : vector<16x16xf32>
    %dot_general3A_2320 = tpu.matmul %mul3A_2318, %select_n3A_2306, %dot_general3A_2319 {dimension_numbers = #tpu.dot_dimension_numbers<[1], [1], [0], [0], [0, 0, 1, 0], [], []>, transpose_lhs_hint = false} : vector<16x32768xf32>, vector<16x32768xf32>, vector<16x16xf32> -> vector<16x16xf32>
    %convert_element_type3A_2321 = arith.fptosi %dot_general3A_2313 : vector<16x16xf32> to vector<16x16xi32>
    %mul3A_2322 = arith.constant 128 : i32
    %mul3A_2323 = vector.broadcast %mul3A_2322 : i32 to vector<16x16xi32>
    %mul3A_2324 = arith.muli %convert_element_type3A_2321, %mul3A_2323 : vector<16x16xi32>
    %convert_element_type3A_2325 = arith.fptosi %dot_general3A_2320 : vector<16x16xf32> to vector<16x16xi32>
    %add3A_2326 = arith.addi %mul3A_2324, %convert_element_type3A_2325 : vector<16x16xi32>
    %swap3A_2327 = arith.constant 7 : index
    %swap3A_2328 = arith.constant 0 : index
    %swap3A_2329 = arith.constant 0 : index
    %swap3A_2330 = vector.load %arg1[%swap3A_2327, %swap3A_2328, %swap3A_2329] : memref<8x16x16xi32, #tpu.memory_space<vmem>>, vector<1x16x16xi32>
    %swap3A_2331 = vector.shape_cast %swap3A_2330 : vector<1x16x16xi32> to vector<16x16xi32>
    %swap3A_2332 = vector.shape_cast %add3A_2326 : vector<16x16xi32> to vector<1x16x16xi32>
    tpu.vector_store %arg1[%swap3A_2327, %swap3A_2328, %swap3A_2329], %swap3A_2332 {strides = array<i32>} : memref<8x16x16xi32, #tpu.memory_space<vmem>>, vector<1x16x16xi32>,
    %iota3A_2333 = tpu.iota {dimensions = array<i32: 0>} : vector<256x16xi32>
    %jit3A_2334 = arith.constant 16 : i32
    %div3A_2335 = vector.broadcast %jit3A_2334 : i32 to vector<256x16xi32>
    %div3A_2336 = arith.divsi %iota3A_2333, %div3A_2335 : vector<256x16xi32>
    %sign3A_2337 = arith.constant 0 : i32
    %sign3A_2338 = vector.broadcast %sign3A_2337 : i32 to vector<256x16xi32>
    %sign3A_2339 = arith.cmpi sgt, %iota3A_2333, %sign3A_2338 : vector<256x16xi32>
    %sign3A_2340 = arith.extui %sign3A_2339 : vector<256x16xi1> to vector<256x16xi32>
    %sign3A_2341 = arith.constant 0 : i32
    %sign3A_2342 = vector.broadcast %sign3A_2341 : i32 to vector<256x16xi32>
    %sign3A_2343 = arith.cmpi slt, %iota3A_2333, %sign3A_2342 : vector<256x16xi32>
    %sign3A_2344 = arith.extui %sign3A_2343 : vector<256x16xi1> to vector<256x16xi32>
    %sign3A_2345 = arith.subi %sign3A_2340, %sign3A_2344 : vector<256x16xi32>
    %sign3A_2346 = arith.constant 0 : i32
    %sign3A_2347 = arith.cmpi sgt, %jit3A_2334, %sign3A_2346 : i32
    %sign3A_2348 = arith.extui %sign3A_2347 : i1 to i32
    %sign3A_2349 = arith.constant 0 : i32
    %sign3A_2350 = arith.cmpi slt, %jit3A_2334, %sign3A_2349 : i32
    %sign3A_2351 = arith.extui %sign3A_2350 : i1 to i32
    %sign3A_2352 = arith.subi %sign3A_2348, %sign3A_2351 : i32
    %ne3A_2353 = vector.broadcast %sign3A_2352 : i32 to vector<256x16xi32>
    %ne3A_2354 = arith.cmpi ne, %sign3A_2345, %ne3A_2353 : vector<256x16xi32>
    %rem3A_2355 = vector.broadcast %jit3A_2334 : i32 to vector<256x16xi32>
    %rem3A_2356 = arith.remsi %iota3A_2333, %rem3A_2355 : vector<256x16xi32>
    %ne3A_2357 = arith.constant 0 : i32
    %ne3A_2358 = vector.broadcast %ne3A_2357 : i32 to vector<256x16xi32>
    %ne3A_2359 = arith.cmpi ne, %rem3A_2356, %ne3A_2358 : vector<256x16xi32>
    %and3A_2360 = arith.andi %ne3A_2354, %ne3A_2359 : vector<256x16xi1>
    %sub3A_2361 = arith.constant 1 : i32
    %sub3A_2362 = vector.broadcast %sub3A_2361 : i32 to vector<256x16xi32>
    %sub3A_2363 = arith.subi %div3A_2336, %sub3A_2362 : vector<256x16xi32>
    %select_n3A_2364 = arith.select %and3A_2360, %sub3A_2363, %div3A_2336 : vector<256x16xi1>, vector<256x16xi32>
    %iota3A_2365 = tpu.iota {dimensions = array<i32: 1>} : vector<256x16xi32>
    %eq3A_2366 = arith.cmpi eq, %select_n3A_2364, %iota3A_2365 : vector<256x16xi32>
    %convert_element_type3A_2367 = arith.extui %eq3A_2366 : vector<256x16xi1> to vector<256x16xi32>
    %convert_element_type3A_2368 = arith.sitofp %convert_element_type3A_2367 : vector<256x16xi32> to vector<256x16xf32>
    %dot_general3A_2369 = arith.constant dense<0.000000e+00> : vector<256x16xf32>
    %dot_general3A_2370 = tpu.matmul %convert_element_type3A_2368, %dot_general3A_2313, %dot_general3A_2369 {dimension_numbers = #tpu.dot_dimension_numbers<[1], [0], [0], [1], [0, 0, 1, 1], [], []>, transpose_lhs_hint = false} : vector<256x16xf32>, vector<16x16xf32>, vector<256x16xf32> -> vector<256x16xf32>
    %dot_general3A_2371 = arith.constant dense<0.000000e+00> : vector<256x16xf32>
    %dot_general3A_2372 = tpu.matmul %convert_element_type3A_2368, %dot_general3A_2320, %dot_general3A_2371 {dimension_numbers = #tpu.dot_dimension_numbers<[1], [0], [0], [1], [0, 0, 1, 1], [], []>, transpose_lhs_hint = false} : vector<256x16xf32>, vector<16x16xf32>, vector<256x16xf32> -> vector<256x16xf32>
    %iota3A_2373 = tpu.iota {dimensions = array<i32: 0>} : vector<256x16xi32>
    %jit3A_2374 = arith.constant 16 : i32
    %eq3A_2375 = arith.constant 0 : i32
    %eq3A_2376 = arith.cmpi eq, %jit3A_2374, %eq3A_2375 : i32
    %jit3A_2377 = arith.constant 1 : i32
    %select_n3A_2378 = arith.select %eq3A_2376, %jit3A_2377, %jit3A_2374 : i32
    %rem3A_2379 = vector.broadcast %select_n3A_2378 : i32 to vector<256x16xi32>
    %rem3A_2380 = arith.remsi %iota3A_2373, %rem3A_2379 : vector<256x16xi32>
    %ne3A_2381 = arith.constant 0 : i32
    %ne3A_2382 = vector.broadcast %ne3A_2381 : i32 to vector<256x16xi32>
    %ne3A_2383 = arith.cmpi ne, %rem3A_2380, %ne3A_2382 : vector<256x16xi32>
    %lt3A_2384 = arith.constant 0 : i32
    %lt3A_2385 = vector.broadcast %lt3A_2384 : i32 to vector<256x16xi32>
    %lt3A_2386 = arith.cmpi slt, %rem3A_2380, %lt3A_2385 : vector<256x16xi32>
    %lt3A_2387 = arith.constant 0 : i32
    %lt3A_2388 = arith.cmpi slt, %select_n3A_2378, %lt3A_2387 : i32
    %ne3A_2389 = vector.broadcast %lt3A_2388 : i1 to vector<256x16xi1>
    %ne3A_2390 = vector.broadcast %ne3A_2389 : vector<256x16xi1> to vector<256x16xi1>
    %ne3A_2391 = arith.xori %lt3A_2386, %ne3A_2390 : vector<256x16xi1>
    %and3A_2392 = arith.andi %ne3A_2391, %ne3A_2383 : vector<256x16xi1>
    %add3A_2393 = vector.broadcast %select_n3A_2378 : i32 to vector<256x16xi32>
    %add3A_2394 = arith.addi %rem3A_2380, %add3A_2393 : vector<256x16xi32>
    %select_n3A_2395 = arith.select %and3A_2392, %add3A_2394, %rem3A_2380 : vector<256x16xi1>, vector<256x16xi32>
    %iota3A_2396 = tpu.iota {dimensions = array<i32: 1>} : vector<256x16xi32>
    %eq3A_2397 = arith.cmpi eq, %select_n3A_2395, %iota3A_2396 : vector<256x16xi32>
    %convert_element_type3A_2398 = arith.extui %eq3A_2397 : vector<256x16xi1> to vector<256x16xi32>
    %convert_element_type3A_2399 = arith.sitofp %convert_element_type3A_2398 : vector<256x16xi32> to vector<256x16xf32>
    %mul3A_2400 = arith.mulf %dot_general3A_2370, %convert_element_type3A_2399 : vector<256x16xf32>
    %reduce_sum3A_2401 = arith.constant dense<0.000000e+00> : vector<256xf32>
    %reduce_sum3A_2402 = vector.multi_reduction <add>, %mul3A_2400, %reduce_sum3A_2401 [1] : vector<256x16xf32> to vector<256xf32>
    %broadcast_in_dim3A_2403 = vector.shape_cast %reduce_sum3A_2402 : vector<256xf32> to vector<256x1xf32>
    %mul3A_2404 = arith.mulf %dot_general3A_2372, %convert_element_type3A_2399 : vector<256x16xf32>
    %reduce_sum3A_2405 = arith.constant dense<0.000000e+00> : vector<256xf32>
    %reduce_sum3A_2406 = vector.multi_reduction <add>, %mul3A_2404, %reduce_sum3A_2405 [1] : vector<256x16xf32> to vector<256xf32>
    %broadcast_in_dim3A_2407 = vector.shape_cast %reduce_sum3A_2406 : vector<256xf32> to vector<256x1xf32>
    %convert_element_type3A_2408 = arith.fptosi %broadcast_in_dim3A_2403 : vector<256x1xf32> to vector<256x1xi32>
    %mul3A_2409 = arith.constant 128 : i32
    %mul3A_2410 = vector.broadcast %mul3A_2409 : i32 to vector<256x1xi32>
    %mul3A_2411 = arith.muli %convert_element_type3A_2408, %mul3A_2410 : vector<256x1xi32>
    %convert_element_type3A_2412 = arith.fptosi %broadcast_in_dim3A_2407 : vector<256x1xf32> to vector<256x1xi32>
    %add3A_2413 = arith.addi %mul3A_2411, %convert_element_type3A_2412 : vector<256x1xi32>
    %broadcast_in_dim3A_2414 = vector.shape_cast %add3A_2413 : vector<256x1xi32> to vector<256x1xi32>
    %broadcast_in_dim3A_2415 = vector.broadcast %broadcast_in_dim3A_2414 : vector<256x1xi32> to vector<256x16xi32>
    %swap3A_2416 = arith.constant 7 : index
    %swap3A_2417 = arith.constant 0 : index
    %swap3A_2418 = arith.constant 0 : index
    %swap3A_2419 = vector.load %arg2[%swap3A_2416, %swap3A_2417, %swap3A_2418] : memref<8x256x16xi32, #tpu.memory_space<vmem>>, vector<1x256x16xi32>
    %swap3A_2420 = vector.shape_cast %swap3A_2419 : vector<1x256x16xi32> to vector<256x16xi32>
    %swap3A_2421 = vector.shape_cast %broadcast_in_dim3A_2415 : vector<256x16xi32> to vector<1x256x16xi32>
    tpu.vector_store %arg2[%swap3A_2416, %swap3A_2417, %swap3A_2418], %swap3A_2421 {strides = array<i32>} : memref<8x256x16xi32, #tpu.memory_space<vmem>>, vector<1x256x16xi32>,
    return
  }
}

</mosaic_0001>

<sc_bundles>
// kernel: kernel.5.cloned.1.call-start
scs
__scs_entry_jumppad:
0x0: {  	(pc) =	sbr.rel $0x88, $3  }
0x1: {  	(tag) =	ssettag $0x0;
	lr =	simm.s32 $0x1  }
0x2: {  	[smem:$0x3F9F] =	sst lr;
	_ =	strace $0xD0000000  }
0x3: {  	_ = 	snop  }
0x4: {  	_ = 	snop  }
0x5: {  	_ = 	snop  }
0x6: {  	_ = 	snop  }
0x7: {  	_ = 	snop  }
__scs_overlays_trampoline_lowered:
0x8: {  	[smem:$0x3FAE] =	sst s0  }
0x9: {  	[smem:$0x3FAF] =	sst s1  }
0xa: {  	[smem:$0x3FB0] =	sst s2  }
0xb: {  	[smem:$0x3FB1] =	sst s3  }
0xc: {  	[smem:$0x3FB2] =	sst s4  }
0xd: {  	[smem:$0x3FB3] =	sst s5  }
0xe: {  	[smem:$0x3FB4] =	sst s6  }
0xf: {  	[smem:$0x3FB5] =	sst s7  }
0x10: {  	[smem:$0x3FB6] =	sst s8  }
0x11: {  	[smem:$0x3FB7] =	sst s9;
	s0 =	simm.s32 @!p0 $0x0  }
0x12: {  	s1 =	sld [smem:$0x3F9D];
	s0 =	simm.s32 @p0 $0x1  }
0x13: {  	[smem:$0x3FB8] =	sst s0;
	s0 =	simm.s32 @!p1 $0x0  }
0x14: {  	s2 =	sld [smem:$0x3F9C];
	s0 =	simm.s32 @p1 $0x1  }
0x15: {  	[smem:$0x3FB9] =	sst s0;
	s0 =	simm.s32 @!p2 $0x0  }
0x16: {  	s3 =	sld [smem:$0x3FDB];
	s0 =	simm.s32 @p2 $0x1  }
0x17: {  	s4 =	simm.s32 $0x1BF5;
	[smem:$0x3FBB] =	sst s0  }
0x18: {  	s0 =	sld [smem:$0x3F9E];
	_ =	swait.ge [sflag:s4], $0x0  }
0x19: {  	s7 =	sld [smem:$0x3F9F]  }
0x1a: {  	s8 =	sadd.s32 $0xFFFFE003, lr  }
0x1b: {  	s9 =	sadd.s32 $0xFFFFFEF7, lr;
	s5 =	simm.s32 $0xFFFFFFFF;
	p2 =	slt.u32 s8, $0xFFFFF086  }
0x1c: {  	p1 =	slt.u32 s9, $0xF7A;
	s5 =	simm.s32 @!p2 $0x0  }
0x1d: {  	s5 =	simm.s32 @p1 $0x1;
	p0 =	seq.s32 s7, s2  }
0x1e: {  	s7 =	smul.u32 @!p0 $0xF7A, s2;
	p2 =	seq.s32 @!p0 s5, $0x0  }
0x1f: {  	s9 =	smul.u32 $0xF7A, s1;
	s8 =	simm.s32 @!p0 $0x1BF5;
	p2 =	por !p2, p0  }
0x20: {  	[sflag:s8] =	ssyncset.s32 @!p0 $0xFFFFF086;
	s6 =	sadd.s32 @!p0 s3, s7;
	s7 =	simm.s32 @!p0 $0x108  }
0x21: {  	s3 =	sadd.s32 s3, s9;
	s6 =	sadd.s32 @!p0 $0x88, s6;
	s7 =	simm.s32 @p2 $0x1082  }
0x22: {  	[simem:s7], [sflag:s8] =	dma.local @!p0 [hbm:s6], $0xF7A  }
0x23: {  	s9 =	sor.u32 $0xD0000000, s2;
	s6 =	simm.s32 $0x108;
	_ =	swait.ge @!p0 [sflag:s8], $0x0  }
0x24: {  	s3 =	sadd.s32 $0x88, s3;
	s6 =	simm.s32 @!p1 $0x1082;
	[sflag:s4] =	ssyncset.s32 $0xFFFFF086  }
0x25: {  	[simem:s6], [sflag:s4] =	dma.local [hbm:s3], $0xF7A  }
0x26: {  	[smem:$0x3F9F] =	sst s1;
	(tag) =	ssettag s2;
	_ =	strace s9  }
0x27: {  	s1 =	sld [smem:$0x3FAF]  }
0x28: {  	s2 =	sld [smem:$0x3FB0]  }
0x29: {  	s4 =	sld [smem:$0x3FB2]  }
0x2a: {  	p0 =	seq.s32 s5, $0x0;
	s5 =	sld [smem:$0x3FB3]  }
0x2b: {  	s6 =	sld [smem:$0x3FB4]  }
0x2c: {  	s7 =	sld [smem:$0x3FB5]  }
0x2d: {  	s3 =	simm.s32 $0x108;
	s8 =	sld [smem:$0x3FB6]  }
0x2e: {  	s3 =	simm.s32 @!p0 $0x1082;
	s9 =	sld [smem:$0x3FB7]  }
0x2f: {  	lr =	sadd.s32 s0, s3;
	s0 =	sld [smem:$0x3FAE]  }
0x30: {  	s3 =	sld [smem:$0x3FB1]  }
0x31: {  	[smem:$0x3FBA] =	sst s10  }
0x32: {  	s10 =	sld [smem:$0x3FB8];
	_ =	sdelay $0x3  }
0x33: {  	p0 =	seq.s32 s10, $0x1;
	s10 =	sld [smem:$0x3FBA];
	_ =	sdelay $0x3  }
0x34: {  	[smem:$0x3FBA] =	sst s10  }
0x35: {  	s10 =	sld [smem:$0x3FB9];
	_ =	sdelay $0x3  }
0x36: {  	p1 =	seq.s32 s10, $0x1;
	s10 =	sld [smem:$0x3FBA];
	_ =	sdelay $0x3  }
0x37: {  	[smem:$0x3FBA] =	sst s10  }
0x38: {  	s10 =	sld [smem:$0x3FBB]  }
0x39: {  	_ = 	snop;
	(pc) =	sbr.ind lr, $3  }
0x3a: {  	_ = 	snop  }
0x3b: {  	_ = 	snop  }
0x3c: {  	p2 =	seq.s32 s10, $0x1;
	s10 =	sld [smem:$0x3FBA]  }
0x3d: {  	_ =	shalt  }
0x3e: {  	_ =	shalt  }
0x3f: {  	_ =	shalt  }
0x40: {  	_ =	shalt  }
0x41: {  	_ =	shalt  }
0x42: {  	_ =	shalt  }
0x43: {  	_ =	shalt  }
0x44: {  	_ =	shalt  }
0x45: {  	_ =	shalt  }
0x46: {  	_ =	shalt  }
0x47: {  	_ =	shalt  }
0x48: {  	_ =	shalt  }
0x49: {  	_ =	shalt  }
0x4a: {  	_ =	shalt  }
0x4b: {  	_ =	shalt  }
0x4c: {  	_ =	shalt  }
0x4d: {  	_ =	shalt  }
0x4e: {  	_ =	shalt  }
0x4f: {  	_ =	shalt  }
0x50: {  	_ =	shalt  }
0x51: {  	_ =	shalt  }
0x52: {  	_ =	shalt  }
0x53: {  	_ =	shalt  }
0x54: {  	_ =	shalt  }
0x55: {  	_ =	shalt  }
0x56: {  	_ =	shalt  }
0x57: {  	_ =	shalt  }
0x58: {  	_ =	shalt  }
0x59: {  	_ =	shalt  }
0x5a: {  	_ =	shalt  }
0x5b: {  	_ =	shalt  }
0x5c: {  	_ =	shalt  }
0x5d: {  	_ =	shalt  }
0x5e: {  	_ =	shalt  }
0x5f: {  	_ =	shalt  }
0x60: {  	_ =	shalt  }
0x61: {  	_ =	shalt  }
0x62: {  	_ =	shalt  }
0x63: {  	_ =	shalt  }
0x64: {  	_ =	shalt  }
0x65: {  	_ =	shalt  }
0x66: {  	_ =	shalt  }
0x67: {  	_ =	shalt  }
0x68: {  	_ =	shalt  }
0x69: {  	_ =	shalt  }
0x6a: {  	_ =	shalt  }
0x6b: {  	_ =	shalt  }
0x6c: {  	_ =	shalt  }
0x6d: {  	_ =	shalt  }
0x6e: {  	_ =	shalt  }
0x6f: {  	_ =	shalt  }
0x70: {  	_ =	shalt  }
0x71: {  	_ =	shalt  }
0x72: {  	_ =	shalt  }
0x73: {  	_ =	shalt  }
0x74: {  	_ =	shalt  }
0x75: {  	_ =	shalt  }
0x76: {  	_ =	shalt  }
0x77: {  	_ =	shalt  }
0x78: {  	_ =	shalt  }
0x79: {  	_ =	shalt  }
0x7a: {  	_ =	shalt  }
0x7b: {  	_ =	shalt  }
0x7c: {  	_ =	shalt  }
0x7d: {  	_ =	shalt  }
0x7e: {  	_ =	shalt  }
0x7f: {  	_ =	shalt  }
0x80: {  	_ =	shalt  }
0x81: {  	_ =	shalt  }
0x82: {  	_ =	shalt  }
0x83: {  	_ =	shalt  }
0x84: {  	_ =	shalt  }
0x85: {  	_ =	shalt  }
0x86: {  	_ =	shalt  }
0x87: {  	_ =	shalt  }
.Lfunc_end0:
.L_simem_size_0:
called_computation_lowered:
.L_overlay_start_0:
0x88: {  	s2 =	sld [smem:$0x3FD9]  }
0x89: {  	s3 =	sld [smem:$0x3FFE];
	_ =	sdelay $0x1  }
0x8a: {  	s1 =	srdreg.scid  }
0x8b: {  	s0 =	sand.u32 $0x1, s1  }
0x8c: {  	s16 =	sshll.u32 s0, $0xA;
	s2 =	sadd.s32 s3, s2  }
0x8d: {  	s2 =	sadd.s32 s2, s16  }
0x8e: {  	[smem:$0x3FC6] =	sst s2  }
0x8f: {  	_ = 	snop  }
0x90: {  	(tm) =	ssettm $0x1  }
0x91: {  	s17 =	sld [smem:$0x3FFB];
	_ =	sdelay $0x3  }
0x92: {  	_ =	strace s17  }
0x93: {  	s2 =	sld [smem:$0x3FFC];
	_ =	sdelay $0x3  }
0x94: {  	_ =	strace s2  }
0x95: {  	s2 =	sld [smem:$0x3FFD];
	_ =	sdelay $0x3  }
0x96: {  	_ =	strace s2  }
0x97: {  	_ =	strace $0x8FFFFFFF  }
0x98: {  	s18 =	sld [smem:$0x3FDB];
	_ =	sdelay $0x1  }
0x99: {  	s19 =	simm.s32 $_scs_section_size  }
0x9a: {  	s4 =	simm.s32 $_size__tile_overlayer_lowered;
	s5 =	simm.s32 $_tile_overlayer_lowered  }
0x9b: {  	s22 =	simm.s32 $0x1BFF;
	s21 =	sshll.u32 s5, $0x1;
	s2 =	sadd.s32 s19, s18  }
0x9c: {  	s6 =	simm.s32 $0x0;
	s20 =	sshll.u32 s4, $0x1;
	s4 =	sadd.s32 s21, s2  }
0x9d: {  	[timem:s6], [sflag:s22] =	dma.local [hbm:s4], s20  }
0x9e: {  	_ =	swait.ge [sflag:s22], s20  }
0x9f: {  	s3 =	ssub.s32 $0x0, s20;
	[sflag:s22] =	ssyncset.done $0x0  }
0xa0: {  	[sflag:s22] =	ssyncadd.s32 s3;
	_ =	sdelay $0x1  }
0xa1: {  	s23 =	simm.s32 $0x1B8B  }
0xa2: {  	_ =	swait.ge [sflag:s23], $0x1  }
0xa3: {  	[sflag:s23] =	ssyncset.done $0x0  }
0xa4: {  	s25 =	simm.s32 $0x1B8E;
	s24 =	sld [smem:$0x3FFE];
	[sflag:s23] =	ssyncadd.s32 $0xFFFFFFFF  }
0xa5: {  	s26 =	simm.s32 $execute0_lowered;
	[smem:$0x3FD2] =	sst s25  }
0xa6: {  	s4 =	sshll.u32 s26, $0x1;
	_ =	strace $0x80000046;
	[dreg:$0x1] =	wrdreg $0xFFFFFFFF  }
0xa7: {  	s28 =	simm.s32 $_size_execute0_lowered;
	s2 =	sadd.s32 s2, s4;
	[dreg:$0x0] =	wrdreg $0x0  }
0xa8: {  	s4 =	sshll.u32 s28, $0x1;
	[dreg:$0x2] =	wrdreg s2  }
0xa9: {  	[dreg:$0x3] =	wrdreg s4  }
0xaa: {  	[dreg:$0x4] =	wrdreg $0xC0  }
0xab: {  	_ =	task [dreg:s6], $0x5FFFF  }
0xac: {  	[dreg:$0x1] =	wrdreg $0xFFFFFFFF  }
0xad: {  	[dreg:$0x0] =	wrdreg $0x60  }
0xae: {  	[dreg:$0x2] =	wrdreg s24  }
0xaf: {  	[dreg:$0x3] =	wrdreg $0x8B000  }
0xb0: {  	[dreg:$0x4] =	wrdreg $0x9  }
0xb1: {  	_ =	task.clear_ibuf [dreg:s6], $0x5FFFF;
	_ =	strace $0x90000046  }
0xb2: {  	s29 =	simm.s32 $0x9;
	_ =	strace $0x80000048  }
0xb3: {  	_ =	swait.ge [sflag:s29], $0x1  }
0xb4: {  	[sflag:s29] =	ssyncadd.s32 $0xFFFFFFFF  }
0xb5: {  	_ =	strace $0x90000048  }
0xb6: {  	_ =	sfence  }
0xb7: {  	s30 =	sld [smem:$0x0];
	_ =	sdelay $0x2  }
0xb8: {  	s31 =	sshll.u32 s1, $0xD;
	s1 =	sshrl.u32 s1, $0x2  }
0xb9: {  	s3 =	sand.u32 $0x4000, s31;
	s1 =	sadd.s32 s1, s30  }
0xba: {  	s0 =	sor.u32 s3, s0;
	s1 =	sshll.u32 s1, $0x11  }
0xbb: {  	s0 =	sor.u32 s1, s0  }
0xbc: {  	s0 =	sadd.s32 $0x8F2B, s0  }
0xbd: {  	[sflag:s0] =	ssyncadd.remote.s32 $0x1  }
0xbe: {  	_ =	sfence.sel $0xFFFF  }
0xbf: {  	[dreg:$0x0] =	wrdreg $0xFFFFFFFF;
	(pc) =	sbr.abs _section_cstart, $3  }
0xc0: {  	[dreg:$0x1] =	wrdreg $0xFFFFFFFF  }
0xc1: {  	_ =	task.clear_ibuf [dreg:s6], $0x2FFFF;
	_ =	strace $0x9FFFFFFF  }
0xc2: {  	(tm) =	ssettm $0x7FFFFFFF  }
0xc3: {  	_ =	shalt  }
tec
execute0_lowered:
.L_overlay_start_1:
0x0: {  	(tag) =	ssettag $0x1  }
0x1: {  	s7 =	stileid.u32;
	v31 =	vlaneseq.u32  }
0x2: {  	s0 =	srdreg.scid;
	s8 =	rddreg [dreg:$0x0];
	s17 =	sshrl.u32 s7, $0x2;
	v30 =	vmul.u32 $0x8000, v31  }
0x3: {  	s2 =	simm.s32 $0x0;
	s13 =	simm.s32 $0x100;
	s5 =	sshll.u32 s17, $0x8  }
0x4: {  	v32 =	vimm.f32 $0.0e+00;
	s16 =	simm.s32 $0x0;
	s4 =	sand.u32 $0x1, s0;
	s0 =	rddreg [dreg:$0x2];
	v1 =	vor.u32 s5, v31;
	v2 =	vor.u32 $0x80000, v30  }
0x5: {  	[smem:$0x7FF] =	sst s2;
	s10 =	sshll.u32 s7, $0x7;
	p0 =	sne.s32 s7, $0x0;
	v4 =	vor.u32 $0x100000, v30;
	v6 =	vor.u32 $0x180000, v30;
	v8 =	vor.u32 $0x200000, v30  }
0x6: {  	s7 =	simm.s32 $0x8700;
	s1 =	sshll.u32 s4, $0x2;
	s10 =	sand.u32 $0x180, s10;
	v10 =	vor.u32 $0x280000, v30;
	v12 =	vor.u32 $0x300000, v30;
	v14 =	vor.u32 $0x380000, v30  }
0x7: {  	s11 =	sshll.u32 s4, $0x7;
	s4 =	ssub.s32 $0x2, s4;
	s6 =	sor.u32 s17, s1;
	v16 =	vor.u32 $0x400000, v30;
	v18 =	vor.u32 $0x480000, v30;
	v20 =	vor.u32 $0x500000, v30  }
0x8: {  	s1 =	rddreg [dreg:$0x1];
	s3 =	sor.u32 $0x10, s5;
	s18 =	sor.u32 $0x20, s5;
	v22 =	vor.u32 $0x580000, v30;
	v24 =	vor.u32 $0x600000, v30;
	v26 =	vor.u32 $0x680000, v30  }
0x9: {  	s19 =	sor.u32 $0x30, s5;
	s9 =	sor.u32 $0x40, s5;
	s20 =	sor.u32 $0x50, s5;
	v28 =	vor.u32 $0x700000, v30;
	v3 =	vor.u32 s3, v31;
	v5 =	vor.u32 s18, v31  }
0xa: {  	s21 =	sor.u32 $0x60, s5;
	s22 =	sor.u32 $0x70, s5;
	s23 =	sor.u32 $0x80, s5;
	v7 =	vor.u32 s19, v31;
	v9 =	vor.u32 s9, v31;
	v11 =	vor.u32 s20, v31  }
0xb: {  	s25 =	sor.u32 $0x90, s5;
	s28 =	sor.u32 $0xA0, s5;
	s29 =	sor.u32 $0xB0, s5;
	v13 =	vor.u32 s21, v31;
	v15 =	vor.u32 s22, v31;
	v17 =	vor.u32 s23, v31  }
0xc: {  	s30 =	sor.u32 $0xC0, s5;
	s31 =	sor.u32 $0xD0, s5;
	s12 =	sor.u32 $0xE0, s5;
	v19 =	vor.u32 s25, v31;
	v21 =	vor.u32 s28, v31;
	v23 =	vor.u32 s29, v31  }
0xd: {  	_ =	strace $0x80000047;
	s15 =	sor.u32 $0xF0, s5;
	s14 =	sshll.u32 s6, $0x17;
	v25 =	vor.u32 s30, v31;
	v27 =	vor.u32 s31, v31;
	v29 =	vor.u32 s12, v31  }
0xe: {  	s10 =	sadd.s32 s10, s8;
	s24 =	sshrl.u32 s4, $0x1;
	s3 =	sadd.s32 $0x2000400, s8;
	v31 =	vor.u32 s15, v31;
	v0 =	vor.u32 s14, v30;
	v2 =	vor.u32 s14, v2  }
.Ltmp0:
0xf: {  	s8 =	sadd.s32 s11, s8;
	s6 =	sshll.u32 s6, $0x9;
	v4 =	vor.u32 s14, v4;
	v6 =	vor.u32 s14, v6;
	v8 =	vor.u32 s14, v8;
	(pc) =	sbr.rel .LBB2_1-.Ltmp0, $4  }
0x10: {  	s26 =	ssub.s32 s4, s24;
	s9 =	simm.s32 $0x4000;
	s11 =	simm.s32 $0x4500;
	v10 =	vor.u32 s14, v10;
	v12 =	vor.u32 s14, v12;
	v14 =	vor.u32 s14, v14  }
0x11: {  	s12 =	simm.s32 $0x1;
	s15 =	simm.s32 $0x8500;
	s6 =	sadd.s32 s6, s10;
	v16 =	vor.u32 s14, v16;
	v18 =	vor.u32 s14, v18;
	v20 =	vor.u32 s14, v20  }
0x12: {  	v22 =	vor.u32 s14, v22;
	s5 =	sadd.s32 $0x1400, s8;
	v24 =	vor.u32 s14, v24;
	s8 =	simm.s32 $0x2;
	s10 =	simm.s32 $0x500;
	v30 =	vor.u32 $0x780000, v30  }
0x13: {  	v26 =	vor.u32 s14, v26;
	v28 =	vor.u32 s14, v28;
	s4 =	sadd.s32 $0x400, s6;
	s6 =	smax.u32 s26, $0x1;
	v30 =	vor.u32 s14, v30;
	s14 =	simm.s32 $0x8600  }
.LBB2_12:
0x14: {  	v33 =	vld [tilespmem:s17+$0x8700];
	_ =	sdelay $0x4  }
0x15: {  	v33 =	vmul.f32 $3.906250000e-03, v33;
	_ =	sdelay $0x1  }
0x16: {  	[tilespmem:s17+$0x8700] =	vst v33  }
0x17: {  	[hbm4b:s5+s2] =	stream.linear.scatter [tilespmem:s7], [sflag:$0x2], $0x400, $0x38;
	[tilespmem:$0x8B40] =	vst v63  }
0x18: {  	_ =	swait.ge [sflag:s8], $0x400  }
0x19: {  	[sflag:s8] =	ssyncset.done $0x0  }
0x1a: {  	[sflag:s8] =	ssyncadd.s32 $0xFFFFFC00  }
.LBB2_13:
0x1b: {  	s16 =	sadd.s32 $0x1, s16  }
0x1c: {  	p1 =	sne.s32 s16, s6  }
.Ltmp1:
0x1d: {  	_ = 	snop;
	(pc) =	sbr.rel @!p1 .LBB2_14-.Ltmp1, $1  }
0x1e: {  	_ =	sdelay $0x3  }
.LBB2_1:
.Ltmp2:
0x1f: {  	(pc) =	sbr.rel @p0 .LBB2_5-.Ltmp2, $1  }
0x20: {  	_ =	sdelay $0x3  }
0x21: {  	s17 =	simm.s32 $0x40;
	s18 =	simm.s32 $0x0  }
.LBB2_3:
0x22: {  	p1 =	sne.s32 s17, $0xFC0;
	[tilespmem:s18+$0x8700] =	vst v32;
	s18 =	smov.u32 s17;
	s17 =	sadd.s32 $0x40, s17  }
.Ltmp3:
0x23: {  	(pc) =	sbr.rel @p1 .LBB2_3-.Ltmp3, $2  }
0x24: {  	_ =	sdelay $0x2  }
0x25: {  	s18 =	sshra.s32 s18, $0x2  }
0x26: {  	[tilespmem:s18+$0x8700] =	vst v32  }
0x27: {  	[spmem:s1] =	stream.linear.scatter [tilespmem:s7], [sflag:$0x2], $0x400, $0x38;
	[tilespmem:$0x8B40] =	vst v63  }
0x28: {  	_ =	swait.ge [sflag:s8], $0x400  }
0x29: {  	[sflag:s8] =	ssyncset.done $0x0  }
0x2a: {  	[sflag:s8] =	ssyncadd.s32 $0xFFFFFC00  }
.LBB2_5:
0x2b: {  	[bflag:$0x0] =	sbarrier.arrive $0xFFFF;
	s17 =	simm.s32 $0x0  }
0x2c: {  	[tilespmem:s17], [sflag:$0x2] =	stream.linear.gather [hbm4b:s4+s17], $0x400, $0x38;
	[tilespmem:$0x8B40] =	vst v63  }
0x2d: {  	_ =	swait.ge [sflag:s8], $0x400  }
0x2e: {  	[sflag:s8] =	ssyncset.done $0x0  }
0x2f: {  	[sflag:s8] =	ssyncadd.s32 $0xFFFFFC00  }
0x30: {  	[tilespmem:$0x400] =	vst v0  }
0x31: {  	[tilespmem:$0x8600] =	vst v1  }
0x32: {  	[tilespmem:$0x8500] =	vst v32  }
0x33: {  	[tilespmem:$0x410] =	vst v2  }
0x34: {  	[tilespmem:$0x8610] =	vst v3  }
0x35: {  	[tilespmem:$0x8510] =	vst v32  }
0x36: {  	[tilespmem:$0x420] =	vst v4  }
0x37: {  	[tilespmem:$0x8620] =	vst v5  }
0x38: {  	[tilespmem:$0x8520] =	vst v32  }
0x39: {  	[tilespmem:$0x430] =	vst v6  }
0x3a: {  	[tilespmem:$0x8630] =	vst v7  }
0x3b: {  	[tilespmem:$0x8530] =	vst v32  }
0x3c: {  	[tilespmem:$0x440] =	vst v8  }
0x3d: {  	[tilespmem:$0x8640] =	vst v9  }
0x3e: {  	[tilespmem:$0x8540] =	vst v32  }
0x3f: {  	[tilespmem:$0x450] =	vst v10  }
0x40: {  	[tilespmem:$0x8650] =	vst v11  }
0x41: {  	[tilespmem:$0x8550] =	vst v32  }
0x42: {  	[tilespmem:$0x460] =	vst v12  }
0x43: {  	[tilespmem:$0x8660] =	vst v13  }
0x44: {  	[tilespmem:$0x8560] =	vst v32  }
0x45: {  	[tilespmem:$0x470] =	vst v14  }
0x46: {  	[tilespmem:$0x8670] =	vst v15  }
0x47: {  	[tilespmem:$0x8570] =	vst v32  }
0x48: {  	[tilespmem:$0x480] =	vst v16  }
0x49: {  	[tilespmem:$0x8680] =	vst v17  }
0x4a: {  	[tilespmem:$0x8580] =	vst v32  }
0x4b: {  	[tilespmem:$0x490] =	vst v18  }
0x4c: {  	[tilespmem:$0x8690] =	vst v19  }
0x4d: {  	[tilespmem:$0x8590] =	vst v32  }
0x4e: {  	[tilespmem:$0x4A0] =	vst v20  }
0x4f: {  	[tilespmem:$0x86A0] =	vst v21  }
0x50: {  	[tilespmem:$0x85A0] =	vst v32  }
0x51: {  	[tilespmem:$0x4B0] =	vst v22  }
0x52: {  	[tilespmem:$0x86B0] =	vst v23  }
0x53: {  	[tilespmem:$0x85B0] =	vst v32  }
0x54: {  	[tilespmem:$0x4C0] =	vst v24  }
0x55: {  	[tilespmem:$0x86C0] =	vst v25  }
0x56: {  	[tilespmem:$0x85C0] =	vst v32  }
0x57: {  	[tilespmem:$0x4D0] =	vst v26  }
0x58: {  	[tilespmem:$0x86D0] =	vst v27  }
0x59: {  	[tilespmem:$0x85D0] =	vst v32  }
0x5a: {  	[tilespmem:$0x4E0] =	vst v28  }
0x5b: {  	[tilespmem:$0x86E0] =	vst v29  }
0x5c: {  	[tilespmem:$0x85E0] =	vst v32  }
0x5d: {  	[tilespmem:$0x4F0] =	vst v30  }
0x5e: {  	[tilespmem:$0x86F0] =	vst v31  }
0x5f: {  	s31 =	simm.s32 $0x0;
	[tilespmem:$0x85F0] =	vst v32  }
0x60: {  	v33 =	vld [tilespmem:s31+$0x0]  }
0x61: {  	v34 =	vld [tilespmem:$0x400];
	_ =	sdelay $0x4  }
0x62: {  	s17 =	simm.s32 $0x580;
	v34 =	vadd.s32 v33, v34  }
0x63: {  	[tilespmem:s17+$0xFFFFFF80] =	vst v34  }
0x64: {  	v34 =	vld [tilespmem:$0x410];
	_ =	sdelay $0x4  }
0x65: {  	v34 =	vadd.s32 v33, v34  }
0x66: {  	[tilespmem:s17+$0xFFFFFF90] =	vst v34  }
0x67: {  	v34 =	vld [tilespmem:$0x420];
	_ =	sdelay $0x4  }
0x68: {  	v34 =	vadd.s32 v33, v34  }
0x69: {  	[tilespmem:s17+$0xFFFFFFA0] =	vst v34  }
0x6a: {  	v34 =	vld [tilespmem:$0x430];
	_ =	sdelay $0x4  }
0x6b: {  	v34 =	vadd.s32 v33, v34  }
0x6c: {  	[tilespmem:s17+$0xFFFFFFB0] =	vst v34  }
0x6d: {  	v34 =	vld [tilespmem:$0x440];
	_ =	sdelay $0x4  }
0x6e: {  	v34 =	vadd.s32 v33, v34  }
0x6f: {  	[tilespmem:s17+$0xFFFFFFC0] =	vst v34  }
0x70: {  	v34 =	vld [tilespmem:$0x450];
	_ =	sdelay $0x4  }
0x71: {  	v34 =	vadd.s32 v33, v34  }
0x72: {  	[tilespmem:s17+$0xFFFFFFD0] =	vst v34  }
0x73: {  	v34 =	vld [tilespmem:$0x460];
	_ =	sdelay $0x4  }
0x74: {  	v34 =	vadd.s32 v33, v34  }
0x75: {  	[tilespmem:s17+$0xFFFFFFE0] =	vst v34  }
0x76: {  	v34 =	vld [tilespmem:$0x470];
	_ =	sdelay $0x4  }
0x77: {  	v34 =	vadd.s32 v33, v34  }
0x78: {  	[tilespmem:s17+$0xFFFFFFF0] =	vst v34  }
0x79: {  	v34 =	vld [tilespmem:$0x480];
	_ =	sdelay $0x4  }
0x7a: {  	v34 =	vadd.s32 v33, v34  }
0x7b: {  	[tilespmem:s17+$0x0] =	vst v34  }
0x7c: {  	v34 =	vld [tilespmem:$0x490];
	_ =	sdelay $0x4  }
0x7d: {  	v34 =	vadd.s32 v33, v34  }
0x7e: {  	[tilespmem:s17+$0x10] =	vst v34  }
0x7f: {  	v34 =	vld [tilespmem:$0x4A0];
	_ =	sdelay $0x4  }
0x80: {  	v34 =	vadd.s32 v33, v34  }
0x81: {  	[tilespmem:s17+$0x20] =	vst v34  }
0x82: {  	v34 =	vld [tilespmem:$0x4B0];
	_ =	sdelay $0x4  }
0x83: {  	v34 =	vadd.s32 v33, v34  }
0x84: {  	[tilespmem:s17+$0x30] =	vst v34  }
0x85: {  	v34 =	vld [tilespmem:$0x4C0];
	_ =	sdelay $0x4  }
0x86: {  	v34 =	vadd.s32 v33, v34  }
0x87: {  	[tilespmem:s17+$0x40] =	vst v34  }
0x88: {  	v34 =	vld [tilespmem:$0x4D0];
	_ =	sdelay $0x4  }
0x89: {  	v34 =	vadd.s32 v33, v34  }
0x8a: {  	[tilespmem:s17+$0x50] =	vst v34  }
0x8b: {  	v34 =	vld [tilespmem:$0x4E0];
	_ =	sdelay $0x4  }
0x8c: {  	v34 =	vadd.s32 v33, v34  }
0x8d: {  	[tilespmem:s17+$0x60] =	vst v34  }
0x8e: {  	v34 =	vld [tilespmem:$0x4F0];
	_ =	sdelay $0x4  }
0x8f: {  	v33 =	vadd.s32 v33, v34  }
0x90: {  	s18 =	simm.s32 $0x10;
	[tilespmem:s17+$0x70] =	vst v33  }
0x91: {  	v33 =	vld [tilespmem:s18+$0x0];
	s18 =	simm.s32 $0x80  }
.LBB2_6:
0x92: {  	p1 =	sne.s32 s18, $0xFC0;
	v34 =	vld [tilespmem:$0x400];
	_ =	sdelay $0x4  }
0x93: {  	s17 =	sadd.s32 $0x100, s17;
	v34 =	vadd.s32 v33, v34  }
0x94: {  	[tilespmem:s17+$0xFFFFFF80] =	vst v34  }
0x95: {  	v34 =	vld [tilespmem:$0x410];
	_ =	sdelay $0x4  }
0x96: {  	v34 =	vadd.s32 v33, v34  }
0x97: {  	[tilespmem:s17+$0xFFFFFF90] =	vst v34  }
0x98: {  	v34 =	vld [tilespmem:$0x420];
	_ =	sdelay $0x4  }
0x99: {  	v34 =	vadd.s32 v33, v34  }
0x9a: {  	[tilespmem:s17+$0xFFFFFFA0] =	vst v34  }
0x9b: {  	v34 =	vld [tilespmem:$0x430];
	_ =	sdelay $0x4  }
0x9c: {  	v34 =	vadd.s32 v33, v34  }
0x9d: {  	[tilespmem:s17+$0xFFFFFFB0] =	vst v34  }
0x9e: {  	v34 =	vld [tilespmem:$0x440];
	_ =	sdelay $0x4  }
0x9f: {  	v34 =	vadd.s32 v33, v34  }
0xa0: {  	[tilespmem:s17+$0xFFFFFFC0] =	vst v34  }
0xa1: {  	v34 =	vld [tilespmem:$0x450];
	_ =	sdelay $0x4  }
0xa2: {  	v34 =	vadd.s32 v33, v34  }
0xa3: {  	[tilespmem:s17+$0xFFFFFFD0] =	vst v34  }
0xa4: {  	v34 =	vld [tilespmem:$0x460];
	_ =	sdelay $0x4  }
0xa5: {  	v34 =	vadd.s32 v33, v34  }
0xa6: {  	[tilespmem:s17+$0xFFFFFFE0] =	vst v34  }
0xa7: {  	v34 =	vld [tilespmem:$0x470];
	_ =	sdelay $0x4  }
0xa8: {  	v34 =	vadd.s32 v33, v34  }
0xa9: {  	[tilespmem:s17+$0xFFFFFFF0] =	vst v34  }
0xaa: {  	v34 =	vld [tilespmem:$0x480];
	_ =	sdelay $0x4  }
0xab: {  	v34 =	vadd.s32 v33, v34  }
0xac: {  	[tilespmem:s17+$0x0] =	vst v34  }
0xad: {  	v34 =	vld [tilespmem:$0x490];
	_ =	sdelay $0x4  }
0xae: {  	v34 =	vadd.s32 v33, v34  }
0xaf: {  	[tilespmem:s17+$0x10] =	vst v34  }
0xb0: {  	v34 =	vld [tilespmem:$0x4A0];
	_ =	sdelay $0x4  }
0xb1: {  	v34 =	vadd.s32 v33, v34  }
0xb2: {  	[tilespmem:s17+$0x20] =	vst v34  }
0xb3: {  	v34 =	vld [tilespmem:$0x4B0];
	_ =	sdelay $0x4  }
0xb4: {  	v34 =	vadd.s32 v33, v34  }
0xb5: {  	[tilespmem:s17+$0x30] =	vst v34  }
0xb6: {  	v34 =	vld [tilespmem:$0x4C0];
	_ =	sdelay $0x4  }
0xb7: {  	v34 =	vadd.s32 v33, v34  }
0xb8: {  	[tilespmem:s17+$0x40] =	vst v34  }
0xb9: {  	v34 =	vld [tilespmem:$0x4D0];
	_ =	sdelay $0x4  }
0xba: {  	v34 =	vadd.s32 v33, v34  }
0xbb: {  	[tilespmem:s17+$0x50] =	vst v34  }
0xbc: {  	v34 =	vld [tilespmem:$0x4E0];
	_ =	sdelay $0x4  }
0xbd: {  	v34 =	vadd.s32 v33, v34  }
0xbe: {  	[tilespmem:s17+$0x60] =	vst v34  }
0xbf: {  	v34 =	vld [tilespmem:$0x4F0];
	_ =	sdelay $0x2  }
.Ltmp4:
0xc0: {  	(pc) =	sbr.rel @p1 .LBB2_6-.Ltmp4, $4  }
0xc1: {  	_ = 	snop  }
0xc2: {  	v33 =	vadd.s32 v33, v34  }
0xc3: {  	s19 =	sshra.s32 s18, $0x2;
	[tilespmem:s17+$0x70] =	vst v33  }
0xc4: {  	s18 =	sadd.s32 $0x40, s18;
	v33 =	vld [tilespmem:s19+$0x0]  }
0xc5: {  	v34 =	vld [tilespmem:$0x400];
	_ =	sdelay $0x4  }
0xc6: {  	s17 =	sadd.s32 $0x100, s17;
	v34 =	vadd.s32 v33, v34  }
0xc7: {  	[tilespmem:s17+$0xFFFFFF80] =	vst v34  }
0xc8: {  	v34 =	vld [tilespmem:$0x410];
	_ =	sdelay $0x4  }
0xc9: {  	v34 =	vadd.s32 v33, v34  }
0xca: {  	[tilespmem:s17+$0xFFFFFF90] =	vst v34  }
0xcb: {  	v34 =	vld [tilespmem:$0x420];
	_ =	sdelay $0x4  }
0xcc: {  	v34 =	vadd.s32 v33, v34  }
0xcd: {  	[tilespmem:s17+$0xFFFFFFA0] =	vst v34  }
0xce: {  	v34 =	vld [tilespmem:$0x430];
	_ =	sdelay $0x4  }
0xcf: {  	v34 =	vadd.s32 v33, v34  }
0xd0: {  	[tilespmem:s17+$0xFFFFFFB0] =	vst v34  }
0xd1: {  	v34 =	vld [tilespmem:$0x440];
	_ =	sdelay $0x4  }
0xd2: {  	v34 =	vadd.s32 v33, v34  }
0xd3: {  	[tilespmem:s17+$0xFFFFFFC0] =	vst v34  }
0xd4: {  	v34 =	vld [tilespmem:$0x450];
	_ =	sdelay $0x4  }
0xd5: {  	v34 =	vadd.s32 v33, v34  }
0xd6: {  	[tilespmem:s17+$0xFFFFFFD0] =	vst v34  }
0xd7: {  	v34 =	vld [tilespmem:$0x460];
	_ =	sdelay $0x4  }
0xd8: {  	v34 =	vadd.s32 v33, v34  }
0xd9: {  	[tilespmem:s17+$0xFFFFFFE0] =	vst v34  }
0xda: {  	v34 =	vld [tilespmem:$0x470];
	_ =	sdelay $0x4  }
0xdb: {  	v34 =	vadd.s32 v33, v34  }
0xdc: {  	[tilespmem:s17+$0xFFFFFFF0] =	vst v34  }
0xdd: {  	v34 =	vld [tilespmem:$0x480];
	_ =	sdelay $0x4  }
0xde: {  	v34 =	vadd.s32 v33, v34  }
0xdf: {  	[tilespmem:s17+$0x0] =	vst v34  }
0xe0: {  	v34 =	vld [tilespmem:$0x490];
	_ =	sdelay $0x4  }
0xe1: {  	v34 =	vadd.s32 v33, v34  }
0xe2: {  	[tilespmem:s17+$0x10] =	vst v34  }
0xe3: {  	v34 =	vld [tilespmem:$0x4A0];
	_ =	sdelay $0x4  }
0xe4: {  	v34 =	vadd.s32 v33, v34  }
0xe5: {  	[tilespmem:s17+$0x20] =	vst v34  }
0xe6: {  	v34 =	vld [tilespmem:$0x4B0];
	_ =	sdelay $0x4  }
0xe7: {  	v34 =	vadd.s32 v33, v34  }
0xe8: {  	[tilespmem:s17+$0x30] =	vst v34  }
0xe9: {  	v34 =	vld [tilespmem:$0x4C0];
	_ =	sdelay $0x4  }
0xea: {  	v34 =	vadd.s32 v33, v34  }
0xeb: {  	[tilespmem:s17+$0x40] =	vst v34  }
0xec: {  	v34 =	vld [tilespmem:$0x4D0];
	_ =	sdelay $0x4  }
0xed: {  	v34 =	vadd.s32 v33, v34  }
0xee: {  	[tilespmem:s17+$0x50] =	vst v34  }
0xef: {  	v34 =	vld [tilespmem:$0x4E0];
	_ =	sdelay $0x4  }
0xf0: {  	v34 =	vadd.s32 v33, v34  }
0xf1: {  	[tilespmem:s17+$0x60] =	vst v34  }
0xf2: {  	v34 =	vld [tilespmem:$0x4F0];
	_ =	sdelay $0x4  }
0xf3: {  	v63 =	vadd.s32 v33, v34  }
0xf4: {  	[tilespmem:s17+$0x70] =	vst v63  }
0xf5: {  	[tilespmem:s11], [sflag:$0x1] =	stream.indirect.gather [hbm4b:s3+s9], $0x1, s10, s9, $0xb8;
	[tilespmem:$0x8B40] =	vst v63  }
0xf6: {  	_ =	swait.ge [sflag:s12], $0x4000  }
0xf7: {  	[sflag:s12] =	ssyncset.done $0x0  }
0xf8: {  	[sflag:s12] =	ssyncadd.s32 $0xFFFFC000  }
0xf9: {  	v48 =	vld [tilespmem:$0x8500]  }
0xfa: {  	v47 =	vld [tilespmem:$0x8510]  }
0xfb: {  	v46 =	vld [tilespmem:$0x8520]  }
0xfc: {  	v45 =	vld [tilespmem:$0x8530]  }
0xfd: {  	v44 =	vld [tilespmem:$0x8540]  }
0xfe: {  	v43 =	vld [tilespmem:$0x8550]  }
0xff: {  	v42 =	vld [tilespmem:$0x8560]  }
0x100: {  	v41 =	vld [tilespmem:$0x8570]  }
0x101: {  	v40 =	vld [tilespmem:$0x8580]  }
0x102: {  	v39 =	vld [tilespmem:$0x8590]  }
0x103: {  	v38 =	vld [tilespmem:$0x85A0]  }
0x104: {  	v37 =	vld [tilespmem:$0x85B0]  }
0x105: {  	v36 =	vld [tilespmem:$0x85C0]  }
0x106: {  	v35 =	vld [tilespmem:$0x85D0]  }
0x107: {  	v34 =	vld [tilespmem:$0x85E0]  }
0x108: {  	s18 =	simm.s32 $0x400;
	s17 =	simm.s32 $0x0;
	v33 =	vld [tilespmem:$0x85F0]  }
.LBB2_8:
0x109: {  	p1 =	sne.s32 s18, $0xFC00;
	v49 =	vld [tilespmem:s17+$0x4500];
	_ =	sdelay $0x4  }
0x10a: {  	v48 =	vadd.f32 v49, v48;
	_ =	sdelay $0x1  }
0x10b: {  	[tilespmem:$0x8500] =	vst v48  }
0x10c: {  	v49 =	vld [tilespmem:s17+$0x4510];
	_ =	sdelay $0x4  }
0x10d: {  	v47 =	vadd.f32 v49, v47;
	_ =	sdelay $0x1  }
0x10e: {  	[tilespmem:$0x8510] =	vst v47  }
0x10f: {  	v49 =	vld [tilespmem:s17+$0x4520];
	_ =	sdelay $0x4  }
0x110: {  	v46 =	vadd.f32 v49, v46;
	_ =	sdelay $0x1  }
0x111: {  	[tilespmem:$0x8520] =	vst v46  }
0x112: {  	v49 =	vld [tilespmem:s17+$0x4530];
	_ =	sdelay $0x4  }
0x113: {  	v45 =	vadd.f32 v49, v45;
	_ =	sdelay $0x1  }
0x114: {  	[tilespmem:$0x8530] =	vst v45  }
0x115: {  	v49 =	vld [tilespmem:s17+$0x4540];
	_ =	sdelay $0x4  }
0x116: {  	v44 =	vadd.f32 v49, v44;
	_ =	sdelay $0x1  }
0x117: {  	[tilespmem:$0x8540] =	vst v44  }
0x118: {  	v49 =	vld [tilespmem:s17+$0x4550];
	_ =	sdelay $0x4  }
0x119: {  	v43 =	vadd.f32 v49, v43;
	_ =	sdelay $0x1  }
0x11a: {  	[tilespmem:$0x8550] =	vst v43  }
0x11b: {  	v49 =	vld [tilespmem:s17+$0x4560];
	_ =	sdelay $0x4  }
0x11c: {  	v42 =	vadd.f32 v49, v42;
	_ =	sdelay $0x1  }
0x11d: {  	[tilespmem:$0x8560] =	vst v42  }
0x11e: {  	v49 =	vld [tilespmem:s17+$0x4570];
	_ =	sdelay $0x4  }
0x11f: {  	v41 =	vadd.f32 v49, v41;
	_ =	sdelay $0x1  }
0x120: {  	[tilespmem:$0x8570] =	vst v41  }
0x121: {  	v49 =	vld [tilespmem:s17+$0x4580];
	_ =	sdelay $0x4  }
0x122: {  	v40 =	vadd.f32 v49, v40;
	_ =	sdelay $0x1  }
0x123: {  	[tilespmem:$0x8580] =	vst v40  }
0x124: {  	v49 =	vld [tilespmem:s17+$0x4590];
	_ =	sdelay $0x4  }
0x125: {  	v39 =	vadd.f32 v49, v39;
	_ =	sdelay $0x1  }
0x126: {  	[tilespmem:$0x8590] =	vst v39  }
0x127: {  	v49 =	vld [tilespmem:s17+$0x45A0];
	_ =	sdelay $0x4  }
0x128: {  	v38 =	vadd.f32 v49, v38;
	_ =	sdelay $0x1  }
0x129: {  	[tilespmem:$0x85A0] =	vst v38  }
0x12a: {  	v49 =	vld [tilespmem:s17+$0x45B0];
	_ =	sdelay $0x4  }
0x12b: {  	v37 =	vadd.f32 v49, v37;
	_ =	sdelay $0x1  }
0x12c: {  	[tilespmem:$0x85B0] =	vst v37  }
0x12d: {  	v49 =	vld [tilespmem:s17+$0x45C0];
	_ =	sdelay $0x4  }
0x12e: {  	v36 =	vadd.f32 v49, v36;
	_ =	sdelay $0x1  }
0x12f: {  	[tilespmem:$0x85C0] =	vst v36  }
0x130: {  	v49 =	vld [tilespmem:s17+$0x45D0];
	_ =	sdelay $0x4  }
0x131: {  	v35 =	vadd.f32 v49, v35;
	_ =	sdelay $0x1  }
0x132: {  	[tilespmem:$0x85D0] =	vst v35  }
0x133: {  	v49 =	vld [tilespmem:s17+$0x45E0];
	_ =	sdelay $0x4  }
0x134: {  	v34 =	vadd.f32 v49, v34;
	_ =	sdelay $0x1  }
0x135: {  	[tilespmem:$0x85E0] =	vst v34  }
0x136: {  	v49 =	vld [tilespmem:s17+$0x45F0];
	_ =	sdelay $0x2  }
.Ltmp5:
0x137: {  	(pc) =	sbr.rel @p1 .LBB2_8-.Ltmp5, $3  }
0x138: {  	_ = 	snop  }
0x139: {  	v33 =	vadd.f32 v49, v33;
	_ =	sdelay $0x1  }
0x13a: {  	s17 =	sshra.s32 s18, $0x2;
	s18 =	sadd.s32 $0x400, s18;
	[tilespmem:$0x85F0] =	vst v33  }
0x13b: {  	v49 =	vld [tilespmem:s17+$0x4500];
	_ =	sdelay $0x4  }
0x13c: {  	v48 =	vadd.f32 v49, v48;
	_ =	sdelay $0x1  }
0x13d: {  	[tilespmem:$0x8500] =	vst v48  }
0x13e: {  	v48 =	vld [tilespmem:s17+$0x4510];
	_ =	sdelay $0x4  }
0x13f: {  	v47 =	vadd.f32 v48, v47;
	_ =	sdelay $0x1  }
0x140: {  	[tilespmem:$0x8510] =	vst v47  }
0x141: {  	v47 =	vld [tilespmem:s17+$0x4520];
	_ =	sdelay $0x4  }
0x142: {  	v46 =	vadd.f32 v47, v46;
	_ =	sdelay $0x1  }
0x143: {  	[tilespmem:$0x8520] =	vst v46  }
0x144: {  	v46 =	vld [tilespmem:s17+$0x4530];
	_ =	sdelay $0x4  }
0x145: {  	v45 =	vadd.f32 v46, v45;
	_ =	sdelay $0x1  }
0x146: {  	[tilespmem:$0x8530] =	vst v45  }
0x147: {  	v45 =	vld [tilespmem:s17+$0x4540];
	_ =	sdelay $0x4  }
0x148: {  	v44 =	vadd.f32 v45, v44;
	_ =	sdelay $0x1  }
0x149: {  	[tilespmem:$0x8540] =	vst v44  }
0x14a: {  	v44 =	vld [tilespmem:s17+$0x4550];
	_ =	sdelay $0x4  }
0x14b: {  	v43 =	vadd.f32 v44, v43;
	_ =	sdelay $0x1  }
0x14c: {  	[tilespmem:$0x8550] =	vst v43  }
0x14d: {  	v43 =	vld [tilespmem:s17+$0x4560];
	_ =	sdelay $0x4  }
0x14e: {  	v42 =	vadd.f32 v43, v42;
	_ =	sdelay $0x1  }
0x14f: {  	[tilespmem:$0x8560] =	vst v42  }
0x150: {  	v42 =	vld [tilespmem:s17+$0x4570];
	_ =	sdelay $0x4  }
0x151: {  	v41 =	vadd.f32 v42, v41;
	_ =	sdelay $0x1  }
0x152: {  	[tilespmem:$0x8570] =	vst v41  }
0x153: {  	v41 =	vld [tilespmem:s17+$0x4580];
	_ =	sdelay $0x4  }
0x154: {  	v40 =	vadd.f32 v41, v40;
	_ =	sdelay $0x1  }
0x155: {  	[tilespmem:$0x8580] =	vst v40  }
0x156: {  	v40 =	vld [tilespmem:s17+$0x4590];
	_ =	sdelay $0x4  }
0x157: {  	v39 =	vadd.f32 v40, v39;
	_ =	sdelay $0x1  }
0x158: {  	[tilespmem:$0x8590] =	vst v39  }
0x159: {  	v39 =	vld [tilespmem:s17+$0x45A0];
	_ =	sdelay $0x4  }
0x15a: {  	v38 =	vadd.f32 v39, v38;
	_ =	sdelay $0x1  }
0x15b: {  	[tilespmem:$0x85A0] =	vst v38  }
0x15c: {  	v38 =	vld [tilespmem:s17+$0x45B0];
	_ =	sdelay $0x4  }
0x15d: {  	v37 =	vadd.f32 v38, v37;
	_ =	sdelay $0x1  }
0x15e: {  	[tilespmem:$0x85B0] =	vst v37  }
0x15f: {  	v37 =	vld [tilespmem:s17+$0x45C0];
	_ =	sdelay $0x4  }
0x160: {  	v36 =	vadd.f32 v37, v36;
	_ =	sdelay $0x1  }
0x161: {  	[tilespmem:$0x85C0] =	vst v36  }
0x162: {  	v36 =	vld [tilespmem:s17+$0x45D0];
	_ =	sdelay $0x4  }
0x163: {  	v35 =	vadd.f32 v36, v35;
	_ =	sdelay $0x1  }
0x164: {  	[tilespmem:$0x85D0] =	vst v35  }
0x165: {  	v35 =	vld [tilespmem:s17+$0x45E0];
	_ =	sdelay $0x4  }
0x166: {  	v34 =	vadd.f32 v35, v34;
	_ =	sdelay $0x1  }
0x167: {  	[tilespmem:$0x85E0] =	vst v34  }
0x168: {  	v34 =	vld [tilespmem:s17+$0x45F0];
	_ =	sdelay $0x4  }
0x169: {  	v33 =	vadd.f32 v34, v33;
	_ =	sdelay $0x1  }
0x16a: {  	[tilespmem:$0x85F0] =	vst v33  }
0x16b: {  	[spmem:s1] =	stream.indirect.scatter.add.f32 [tilespmem:s15], [sflag:$0x2], $0x1, s14, s13, $0xb8;
	[tilespmem:$0x8B40] =	vst v63  }
.Ltmp6:
0x16c: {  	_ =	swait.ge [sflag:s8], $0x100;
	(pc) =	sbr.rel @p0 .LBB2_13-.Ltmp6, $3  }
0x16d: {  	[sflag:s8] =	ssyncset.done $0x0  }
0x16e: {  	[sflag:s8] =	ssyncadd.s32 $0xFFFFFF00  }
0x16f: {  	[bflag:$0x0] =	sbarrier.arrive $0xFFFF;
	_ =	sdelay $0x1  }
0x170: {  	[tilespmem:s7], [sflag:$0x2] =	stream.linear.gather [spmem:s1], $0x400, $0x38;
	[tilespmem:$0x8B40] =	vst v63  }
0x171: {  	_ =	swait.ge [sflag:s8], $0x400  }
0x172: {  	[sflag:s8] =	ssyncset.done $0x0  }
0x173: {  	s17 =	simm.s32 $0x0;
	s18 =	simm.s32 $0x40;
	[sflag:s8] =	ssyncadd.s32 $0xFFFFFC00  }
.LBB2_11:
0x174: {  	p1 =	sne.s32 s18, $0xFC0;
	v33 =	vld [tilespmem:s17+$0x8700];
	_ =	sdelay $0x2  }
.Ltmp7:
0x175: {  	(pc) =	sbr.rel @p1 .LBB2_11-.Ltmp7, $3  }
0x176: {  	_ = 	snop  }
0x177: {  	v33 =	vmul.f32 $3.906250000e-03, v33;
	_ =	sdelay $0x1  }
0x178: {  	[tilespmem:s17+$0x8700] =	vst v33;
	s17 =	sshra.s32 s18, $0x2;
	s18 =	sadd.s32 $0x40, s18  }
.Ltmp8:
0x179: {  	_ = 	snop;
	(pc) =	sbr.rel .LBB2_12-.Ltmp8, $1  }
0x17a: {  	_ =	sdelay $0x3  }
.LBB2_14:
0x17b: {  	_ =	sfence.sel $0x180000  }
0x17c: {  	[bflag:$0x0] =	sbarrier.arrive $0xFFFF  }
0x17d: {  	_ =	strace $0x90000047  }
0x17e: {  	s0 =	sadd.s32 @!p0 $0x100000, s0;
	[bflag:$0x2] =	sbarrier.arrive $0xFFFF  }
0x17f: {  	[sflag:s0] =	ssyncadd.tile.s32 @!p0 $0x1;
	_ =	shalt  }
.Lfunc_end2:
_tile_overlayer_lowered:
.L_overlay_start_2:
0x180: {  	(tag) =	ssettag $0x2  }
0x181: {  	s0 =	rddreg [dreg:$0x0];
	s2 =	stileid.u32  }
0x182: {  	s1 =	rddreg [dreg:$0x1];
	p0 =	sne.s32 s2, $0x0  }
0x183: {  	s3 =	rddreg [dreg:$0x2];
	[bflag:$0x3] =	sbarrier.arrive $0xFFFF;
	s2 =	simm.s32 @!p0 $0x1C02  }
0x184: {  	[timem:s3], [sflag:s2] =	dma.local @!p0 [hbm:s0], s1  }
0x185: {  	s0 =	simm.s32 @!p0 $0x2  }
0x186: {  	_ =	swait.ge @!p0 [sflag:s0], s1  }
0x187: {  	s1 =	ssub.s32 @!p0 $0x0, s1;
	[sflag:s0] =	ssyncset.done @!p0 $0x0  }
0x188: {  	[sflag:s0] =	ssyncadd.s32 @!p0 s1  }
0x189: {  	[bflag:$0x3] =	sbarrier.arrive $0xFFFF  }
0x18a: {  	_ =	shalt  }

</sc_bundles>
